<compile_context>
chip_gen: v7x
topology: tpu7x:2x2x1
jax: 0.10.2.dev20260603
libtpu: 0.0.44.dev20260713+nightly
codegen_flags: <defaults>
</compile_context>

<pallas_src>
import functools

import numpy as np
import jax
import jax.numpy as jnp
from jax import lax
from jax.experimental import pallas as pl
from jax.experimental.pallas import tpu as pltpu
from jax.experimental.pallas import tpu_sc as plsc

_BATCH = 16384
_ROWS = 256
_COLS = 128

_ROTS0 = (13, 15, 26, 6)
_ROTS1 = (17, 29, 16, 24)


def _tf_block(k1, k2, x1, x2):
    ks2 = k1 ^ k2 ^ np.uint32(0x1BD11BDA)

    def rotl(x, r):
        return (x << np.uint32(r)) | lax.shift_right_logical(x, np.uint32(32 - r))

    def rounds(a, b, rots):
        for r in rots:
            a = a + b
            b = rotl(b, r)
            b = a ^ b
        return a, b

    a, b = x1 + k1, x2 + k2
    a, b = rounds(a, b, _ROTS0)
    a, b = a + k2, b + ks2 + np.uint32(1)
    a, b = rounds(a, b, _ROTS1)
    a, b = a + ks2, b + k1 + np.uint32(2)
    a, b = rounds(a, b, _ROTS0)
    a, b = a + k1, b + k2 + np.uint32(3)
    a, b = rounds(a, b, _ROTS1)
    a, b = a + k2, b + ks2 + np.uint32(4)
    a, b = rounds(a, b, _ROTS0)
    a, b = a + ks2, b + k1 + np.uint32(5)
    return a, b


def _np_tf_block(k1, k2, x1, x2):
    old = np.seterr(over="ignore")
    try:
        k1, k2, x1, x2 = (np.uint32(v) for v in (k1, k2, x1, x2))
        ks2 = np.uint32(k1 ^ k2 ^ np.uint32(0x1BD11BDA))

        def rotl(x, r):
            return np.uint32(np.uint32(x << np.uint32(r))
                             | np.uint32(x >> np.uint32(32 - r)))

        def rounds(a, b, rots):
            for r in rots:
                a = np.uint32(a + b)
                b = rotl(b, r)
                b = np.uint32(a ^ b)
            return a, b

        a, b = np.uint32(x1 + k1), np.uint32(x2 + k2)
        a, b = rounds(a, b, _ROTS0)
        a, b = np.uint32(a + k2), np.uint32(b + ks2 + np.uint32(1))
        a, b = rounds(a, b, _ROTS1)
        a, b = np.uint32(a + ks2), np.uint32(b + k1 + np.uint32(2))
        a, b = rounds(a, b, _ROTS0)
        a, b = np.uint32(a + k1), np.uint32(b + k2 + np.uint32(3))
        a, b = rounds(a, b, _ROTS1)
        a, b = np.uint32(a + k2), np.uint32(b + ks2 + np.uint32(4))
        a, b = rounds(a, b, _ROTS0)
        a, b = np.uint32(a + ks2), np.uint32(b + k1 + np.uint32(5))
        return a, b
    finally:
        np.seterr(**old)


_KA = _np_tf_block(0, 42, 0, 0)
_KB = _np_tf_block(0, 42, 0, 1)


def _subkey(k1, k2, j):
    z = jnp.zeros_like(k1)
    return _tf_block(k1, k2, z, z + np.uint32(j))


def _bits(k1, k2):
    z = jnp.zeros_like(k1)
    b1, b2 = _tf_block(k1, k2, z, z)
    return b1 ^ b2


def _uniform01(bits):
    fb = lax.shift_right_logical(bits, np.uint32(9)) | np.uint32(0x3F800000)
    return lax.bitcast_convert_type(fb, jnp.float32) - np.float32(1.0)


_NORMAL_LO = np.nextafter(np.float32(-1.0), np.float32(0.0), dtype=np.float32)
_NORMAL_SCALE = np.float32(np.float32(1.0) - _NORMAL_LO)


def _erfinv(x):
    w = -jnp.log1p(-x * x)
    lt = w < np.float32(5.0)
    w1 = w - np.float32(2.5)
    p1 = jnp.full_like(x, np.float32(2.81022636e-08))
    for cc in (3.43273939e-07, -3.5233877e-06, -4.39150654e-06, 0.00021858087,
               -0.00125372503, -0.00417768164, 0.246640727, 1.50140941):
        p1 = np.float32(cc) + p1 * w1
    w2 = jnp.sqrt(w) - np.float32(3.0)
    p2 = jnp.full_like(x, np.float32(-0.000200214257))
    for cc in (0.000100950558, 0.00134934322, -0.00367342844, 0.00573950773,
               -0.0076224613, 0.00943887047, 1.00167406, 2.83297682):
        p2 = np.float32(cc) + p2 * w2
    return jnp.where(lt, p1, p2) * x


def _normal(k1, k2):
    u = _uniform01(_bits(k1, k2)) * _NORMAL_SCALE + _NORMAL_LO
    u = jnp.maximum(_NORMAL_LO, u)
    return np.float32(np.sqrt(2.0)) * _erfinv(u)


def _prologue(idx):
    row = lax.broadcasted_iota(jnp.int32, (_ROWS, _COLS), 0)
    in_a = row < (_ROWS // 2)
    k1 = jnp.where(in_a, np.uint32(_KA[0]), np.uint32(_KB[0])).astype(jnp.uint32)
    k2 = jnp.where(in_a, np.uint32(_KA[1]), np.uint32(_KB[1])).astype(jnp.uint32)
    e1, e2 = _tf_block(k1, k2, jnp.zeros_like(idx), idx)

    lk1, lk2 = _subkey(e1, e2, 0)
    sk1, sk2 = _subkey(e1, e2, 1)
    nk1, nk2 = _subkey(lk1, lk2, 0)
    xk1, xk2 = _subkey(lk1, lk2, 1)
    uk1, uk2 = _subkey(lk1, lk2, 2)
    xn1 = _normal(*_subkey(xk1, xk2, 1))
    un1 = _uniform01(_bits(uk1, uk2))
    return xn1, un1, xk1, xk2, nk1, nk2, sk1, sk2


def _sample_body(ab_ref, xn1_ref, un1_ref, xk1_ref, xk2_ref,
                 nk1_ref, nk2_ref, sk1_ref, sk2_ref, out_ref,
                 lk1_ref, lk2_ref, V_ref, act_ref,
                 ik1_ref, ik2_ref, x_ref, v_ref, iact_ref):
    one = np.float32(1.0)
    m = jnp.maximum(ab_ref[...], np.float32(0.0))
    alpha = jnp.clip(m, np.float32(0.1), np.float32(5.0))
    sk1 = sk1_ref[...]
    sk2 = sk2_ref[...]

    boost_mask = alpha >= one
    alpha_b = jnp.where(boost_mask, alpha, alpha + one)
    d = alpha_b - np.float32(1.0 / 3.0)
    c = np.float32(1.0 / 3.0) / lax.sqrt(d)

    def one_iteration(active, xn, Un, xk1, xk2, nk1, nk2, lk1, lk2):
        vn = one + xn * c
        ik1_ref[...] = xk1
        ik2_ref[...] = xk2
        x_ref[...] = xn
        v_ref[...] = vn
        iact = active & (vn <= np.float32(0.0))
        iact_ref[...] = iact.astype(jnp.int32)

        def cont_body(_):
            ik1 = ik1_ref[...]
            ik2 = ik2_ref[...]
            iact = iact_ref[...] != 0
            xn = _normal(*_subkey(*_subkey(ik1, ik2, 0), 1))
            n1, n2 = _subkey(ik1, ik2, 0)
            vn = one + xn * c
            ik1_ref[...] = jnp.where(iact, n1, ik1)
            ik2_ref[...] = jnp.where(iact, n2, ik2)
            x_ref[...] = jnp.where(iact, xn, x_ref[...])
            v_ref[...] = jnp.where(iact, vn, v_ref[...])
            iact = iact & (vn <= np.float32(0.0))
            iact_ref[...] = iact.astype(jnp.int32)
            return jnp.sum(iact.astype(jnp.int32))

        lax.while_loop(lambda nn: nn > 0, cont_body,
                       jnp.sum(iact.astype(jnp.int32)))

        x = x_ref[...]
        v = v_ref[...]
        Xn = x * x
        Vn = (v * v) * v

        lk1_ref[...] = jnp.where(active, nk1, lk1)
        lk2_ref[...] = jnp.where(active, nk2, lk2)
        V_ref[...] = jnp.where(active, Vn, V_ref[...])
        cond = (Un >= one - np.float32(0.0331) * (Xn * Xn)) & (
            lax.log(Un) >= Xn * np.float32(0.5)
            + d * ((one - Vn) + lax.log(Vn)))
        active = active & cond
        act_ref[...] = active.astype(jnp.int32)
        return jnp.sum(active.astype(jnp.int32))

    V_ref[...] = jnp.ones_like(alpha)
    all_active = jnp.ones((_ROWS, _COLS), dtype=jnp.bool_)
    n_active = one_iteration(
        all_active, xn1_ref[...], un1_ref[...],
        xk1_ref[...], xk2_ref[...], nk1_ref[...], nk2_ref[...],
        nk1_ref[...], nk2_ref[...])

    def outer_body(_):
        lk1 = lk1_ref[...]
        lk2 = lk2_ref[...]
        active = act_ref[...] != 0
        nk1, nk2 = _subkey(lk1, lk2, 0)
        xk1, xk2 = _subkey(lk1, lk2, 1)
        uk1, uk2 = _subkey(lk1, lk2, 2)
        xn = _normal(*_subkey(xk1, xk2, 1))
        Un = _uniform01(_bits(uk1, uk2))
        return one_iteration(active, xn, Un, xk1, xk2, nk1, nk2, lk1, lk2)

    lax.while_loop(lambda n: n > 0, outer_body, n_active)

    u = _uniform01(_bits(sk1, sk2))
    log_samples = lax.log1p(-u)
    log_boost = jnp.where(boost_mask | (log_samples == np.float32(0.0)),
                          np.float32(0.0),
                          log_samples * (one / alpha))
    lg = (lax.log(d) + lax.log(V_ref[...])) + log_boost

    lga = lg[: _ROWS // 2]
    lgb = lg[_ROWS // 2:]
    log_max = jnp.maximum(lga, lgb)
    ga = jnp.exp(lga - log_max)
    gb = jnp.exp(lgb - log_max)
    out_ref[...] = ga / (ga + gb)


def _tc_sample(ab, pro):
    u32s = functools.partial(pltpu.VMEM, (_ROWS, _COLS))
    return pl.pallas_call(
        _sample_body,
        out_shape=jax.ShapeDtypeStruct((_ROWS // 2, _COLS), jnp.float32),
        scratch_shapes=[
            u32s(jnp.uint32), u32s(jnp.uint32),
            u32s(jnp.float32), u32s(jnp.int32),
            u32s(jnp.uint32), u32s(jnp.uint32),
            u32s(jnp.float32), u32s(jnp.float32),
            u32s(jnp.int32),
        ],
    )(ab, *pro)


_NC, _NS = 2, 16
_NW = _NC * _NS
_BPW = _BATCH // _NW
_CH = 128


def _sc_gather(acol, bcol, idx):
    mesh = plsc.VectorSubcoreMesh(core_axis_name="c", subcore_axis_name="s")

    @functools.partial(
        pl.kernel, mesh=mesh,
        compiler_params=pltpu.CompilerParams(use_tc_tiling_on_sc=False),
        out_type=jax.ShapeDtypeStruct((2 * _BATCH,), jnp.float32),
        scratch_types=[
            pltpu.VMEM((_BPW,), jnp.int32),
            pltpu.VMEM((_BPW,), jnp.float32),
            pltpu.VMEM((_BPW,), jnp.float32),
            pltpu.SemaphoreType.DMA,
        ],
    )
    def gather_k(a_hbm, b_hbm, idx_hbm, out_hbm, idx_v, a_v, b_v, sem):
        wid = lax.axis_index("s") * _NC + lax.axis_index("c")
        base = wid * _BPW
        pltpu.sync_copy(idx_hbm.at[pl.ds(base, _BPW)], idx_v)
        copies = []
        for ci in range(_BPW // _CH):
            isl = idx_v.at[pl.ds(ci * _CH, _CH)]
            copies.append(pltpu.async_copy(
                a_hbm.at[isl], a_v.at[pl.ds(ci * _CH, _CH)], sem))
            copies.append(pltpu.async_copy(
                b_hbm.at[isl], b_v.at[pl.ds(ci * _CH, _CH)], sem))
        for cp in copies:
            cp.wait()
        pltpu.sync_copy(a_v, out_hbm.at[pl.ds(base, _BPW)])
        pltpu.sync_copy(b_v, out_hbm.at[pl.ds(_BATCH + base, _BPW)])

    return gather_k(acol, bcol, idx)


def _extract_body(mT_ref, idx_ref, a_ref, b_ref, xn1_ref, un1_ref,
                  xk1_ref, xk2_ref, nk1_ref, nk2_ref, sk1_ref, sk2_ref):
    a_ref[...] = mT_ref[0, :]
    b_ref[...] = mT_ref[1, :]
    xn1, un1, xk1, xk2, nk1, nk2, sk1, sk2 = _prologue(
        idx_ref[...].astype(jnp.uint32))
    xn1_ref[...] = xn1
    un1_ref[...] = un1
    xk1_ref[...] = xk1
    xk2_ref[...] = xk2
    nk1_ref[...] = nk1
    nk2_ref[...] = nk2
    sk1_ref[...] = sk1
    sk2_ref[...] = sk2


def _tc_extract(mT, idx2):
    n = mT.shape[1]
    f32s = jax.ShapeDtypeStruct((_ROWS, _COLS), jnp.float32)
    u32s = jax.ShapeDtypeStruct((_ROWS, _COLS), jnp.uint32)
    outs = pl.pallas_call(
        _extract_body,
        out_shape=(jax.ShapeDtypeStruct((n,), jnp.float32),
                   jax.ShapeDtypeStruct((n,), jnp.float32),
                   f32s, f32s, u32s, u32s, u32s, u32s, u32s, u32s),
    )(mT, idx2)
    return outs[0], outs[1], outs[2:]


def kernel(matrix, branch_index, sample_shape):
    idx2 = jnp.concatenate([branch_index, branch_index]).reshape(_ROWS, _COLS)
    acol, bcol, pro = _tc_extract(matrix.T, idx2.astype(jnp.int32))
    ab_flat = _sc_gather(acol, bcol, branch_index.astype(jnp.int32))
    ab = ab_flat.reshape(_ROWS, _COLS)
    beta = _tc_sample(ab, pro).reshape(_BATCH)
    return beta / jnp.asarray(sample_shape).astype(jnp.float32)

# --- scband reference (transcript-rebuilt; emitter-appended) ---
"""Pipeline reference for scband-matrix-embedding-22084721836202 (READ-ONLY COPY).

The authoritative reference and input builder live on the scoring server;
editing this copy changes nothing except your own understanding.
"""

import jax, jax.numpy as jnp
import numpy as np

SIZE = 1000000
BATCH = 16384

def setup_inputs(seed: int = 0) -> dict:
    key = jax.random.key(seed)
    k1, k2 = jax.random.split(key)
    matrix = jax.random.uniform(k1, (SIZE, 2), dtype=jnp.float32)
    branch_index = jax.random.randint(k2, (BATCH,), 0, SIZE, dtype=jnp.int64 if jax.config.jax_enable_x64 else jnp.int32)
    return {"matrix": matrix, "branch_index": branch_index, "sample_shape": 1}

def reference(matrix, branch_index, sample_shape):
    # torch: a, b = chunk(relu(matrix), 2, dim=1); clamp(0.1, 5); Beta(a.view(-1), b.view(-1))
    m = jax.nn.relu(matrix)
    a = jnp.clip(m[:, 0], 0.1, 5.0)
    b = jnp.clip(m[:, 1], 0.1, 5.0)
    # rsample([sample_shape]) -> [S, N]; mean over sample dim; gather by branch_index
    skey = jax.random.key(42)
    NUM_SAMPLES = 1
    samples = jax.random.beta(skey, a, b, shape=(NUM_SAMPLES,) + a.shape)
    sampled = samples.sum(axis=0) / jnp.asarray(sample_shape).astype(samples.dtype)
    return jnp.take(sampled, branch_index, axis=0)

if __name__ == "__main__":
    import jax
    _d = setup_inputs()
    print(jax.jit(kernel)(*tuple(_d.values())))

</pallas_src>

<mosaic_0001>
#map = affine_map<(d0, d1) -> (0)>
module attributes {stable_mosaic.version = 14 : i64} {
  func.func @gather_k(%arg0: i32, %arg1: i32, %arg2: memref<1000000xf32, #tpu.memory_space<hbm>>, %arg3: memref<1000000xf32, #tpu.memory_space<hbm>>, %arg4: memref<16384xi32, #tpu.memory_space<hbm>>, %arg5: memref<32768xf32, #tpu.memory_space<hbm>>, %arg6: memref<512xi32, #tpu.memory_space<vmem>>, %arg7: memref<512xf32, #tpu.memory_space<vmem>>, %arg8: memref<512xf32, #tpu.memory_space<vmem>>, %arg9: memref<!tpu.dma_semaphore, #tpu.memory_space<semaphore_mem>>) attributes {dimension_semantics = [#tpu.dimension_semantics<core_parallel>, #tpu.dimension_semantics<subcore_parallel>], iteration_bounds = array<i64: 2, 16>, scalar_prefetch = 0 : i64, scratch_operands = 4 : i64, tpu.core_type = #tpu.core_type<sc_vector_subcore>, window_params = [{transform_indices = #map}, {transform_indices = #map}, {transform_indices = #map}, {transform_indices = #map}]} {
    %mul3A = arith.constant 2 : i32
    %mul3A_0 = arith.muli %arg1, %mul3A : i32
    %add3A = arith.addi %mul3A_0, %arg0 : i32
    %mul3A_1 = arith.constant 512 : i32
    %mul3A_2 = arith.muli %add3A, %mul3A_1 : i32
    "tpu.region"() ({
      %run_scoped3A = tpu.sem_alloc : memref<!tpu.dma_semaphore, #tpu.memory_space<semaphore_mem>>
      %dma_start3A_99 = tpu.memref_slice %arg4[%mul3A_2] : memref<16384xi32, #tpu.memory_space<hbm>> -> memref<512xi32, #tpu.memory_space<hbm>>
      %dma_start3A_100 = tpu.memref_slice %arg4[%mul3A_2] : memref<16384xi32, #tpu.memory_space<hbm>> -> memref<512xi32, #tpu.memory_space<hbm>>
      tpu.enqueue_dma source(%dma_start3A_100 : memref<512xi32, #tpu.memory_space<hbm>>) target(%arg6 : memref<512xi32, #tpu.memory_space<vmem>>) target_semaphore(%run_scoped3A : memref<!tpu.dma_semaphore, #tpu.memory_space<semaphore_mem>>)
      %dma_wait3A_101 = tpu.memref_slice %arg4[%mul3A_2] : memref<16384xi32, #tpu.memory_space<hbm>> -> memref<512xi32, #tpu.memory_space<hbm>>
      %dma_wait3A_102 = tpu.memref_slice %arg4[%mul3A_2] : memref<16384xi32, #tpu.memory_space<hbm>> -> memref<512xi32, #tpu.memory_space<hbm>>
      tpu.wait_dma2 semaphore(%run_scoped3A : memref<!tpu.dma_semaphore, #tpu.memory_space<semaphore_mem>>) src(%dma_wait3A_102 : memref<512xi32, #tpu.memory_space<hbm>>) dst(%arg6 : memref<512xi32, #tpu.memory_space<vmem>>)
      tpu.yield
    }) : () -> ()
    %dma_start3A = arith.constant 0 : i32
    %dma_start3A_3 = tpu.memref_slice %arg7[%dma_start3A] : memref<512xf32, #tpu.memory_space<vmem>> -> memref<128xf32, #tpu.memory_space<vmem>>
    %dma_start3A_4 = arith.constant 0 : i32
    %dma_start3A_5 = tpu.memref_slice %arg6[%dma_start3A_4] : memref<512xi32, #tpu.memory_space<vmem>> -> memref<128xi32, #tpu.memory_space<vmem>>
    %dma_start3A_6 = arith.constant 0 : i32
    %dma_start3A_7 = tpu.memref_slice %arg2[%dma_start3A_6] : memref<1000000xf32, #tpu.memory_space<hbm>> -> memref<1000000xf32, #tpu.memory_space<hbm>>
    tpu.enqueue_indirect_dma source(%dma_start3A_7 : memref<1000000xf32, #tpu.memory_space<hbm>>) target(%dma_start3A_3 : memref<128xf32, #tpu.memory_space<vmem>>) offsets(%dma_start3A_5 : memref<128xi32, #tpu.memory_space<vmem>>) semaphore(%arg9 : memref<!tpu.dma_semaphore, #tpu.memory_space<semaphore_mem>>)
    %dma_start3A_8 = arith.constant 0 : i32
    %dma_start3A_9 = tpu.memref_slice %arg8[%dma_start3A_8] : memref<512xf32, #tpu.memory_space<vmem>> -> memref<128xf32, #tpu.memory_space<vmem>>
    %dma_start3A_10 = arith.constant 0 : i32
    %dma_start3A_11 = tpu.memref_slice %arg6[%dma_start3A_10] : memref<512xi32, #tpu.memory_space<vmem>> -> memref<128xi32, #tpu.memory_space<vmem>>
    %dma_start3A_12 = arith.constant 0 : i32
    %dma_start3A_13 = tpu.memref_slice %arg3[%dma_start3A_12] : memref<1000000xf32, #tpu.memory_space<hbm>> -> memref<1000000xf32, #tpu.memory_space<hbm>>
    tpu.enqueue_indirect_dma source(%dma_start3A_13 : memref<1000000xf32, #tpu.memory_space<hbm>>) target(%dma_start3A_9 : memref<128xf32, #tpu.memory_space<vmem>>) offsets(%dma_start3A_11 : memref<128xi32, #tpu.memory_space<vmem>>) semaphore(%arg9 : memref<!tpu.dma_semaphore, #tpu.memory_space<semaphore_mem>>)
    %dma_start3A_14 = arith.constant 128 : i32
    %dma_start3A_15 = tpu.memref_slice %arg7[%dma_start3A_14] : memref<512xf32, #tpu.memory_space<vmem>> -> memref<128xf32, #tpu.memory_space<vmem>>
    %dma_start3A_16 = arith.constant 128 : i32
    %dma_start3A_17 = tpu.memref_slice %arg6[%dma_start3A_16] : memref<512xi32, #tpu.memory_space<vmem>> -> memref<128xi32, #tpu.memory_space<vmem>>
    %dma_start3A_18 = arith.constant 0 : i32
    %dma_start3A_19 = tpu.memref_slice %arg2[%dma_start3A_18] : memref<1000000xf32, #tpu.memory_space<hbm>> -> memref<1000000xf32, #tpu.memory_space<hbm>>
    tpu.enqueue_indirect_dma source(%dma_start3A_19 : memref<1000000xf32, #tpu.memory_space<hbm>>) target(%dma_start3A_15 : memref<128xf32, #tpu.memory_space<vmem>>) offsets(%dma_start3A_17 : memref<128xi32, #tpu.memory_space<vmem>>) semaphore(%arg9 : memref<!tpu.dma_semaphore, #tpu.memory_space<semaphore_mem>>)
    %dma_start3A_20 = arith.constant 128 : i32
    %dma_start3A_21 = tpu.memref_slice %arg8[%dma_start3A_20] : memref<512xf32, #tpu.memory_space<vmem>> -> memref<128xf32, #tpu.memory_space<vmem>>
    %dma_start3A_22 = arith.constant 128 : i32
    %dma_start3A_23 = tpu.memref_slice %arg6[%dma_start3A_22] : memref<512xi32, #tpu.memory_space<vmem>> -> memref<128xi32, #tpu.memory_space<vmem>>
    %dma_start3A_24 = arith.constant 0 : i32
    %dma_start3A_25 = tpu.memref_slice %arg3[%dma_start3A_24] : memref<1000000xf32, #tpu.memory_space<hbm>> -> memref<1000000xf32, #tpu.memory_space<hbm>>
    tpu.enqueue_indirect_dma source(%dma_start3A_25 : memref<1000000xf32, #tpu.memory_space<hbm>>) target(%dma_start3A_21 : memref<128xf32, #tpu.memory_space<vmem>>) offsets(%dma_start3A_23 : memref<128xi32, #tpu.memory_space<vmem>>) semaphore(%arg9 : memref<!tpu.dma_semaphore, #tpu.memory_space<semaphore_mem>>)
    %dma_start3A_26 = arith.constant 256 : i32
    %dma_start3A_27 = tpu.memref_slice %arg7[%dma_start3A_26] : memref<512xf32, #tpu.memory_space<vmem>> -> memref<128xf32, #tpu.memory_space<vmem>>
    %dma_start3A_28 = arith.constant 256 : i32
    %dma_start3A_29 = tpu.memref_slice %arg6[%dma_start3A_28] : memref<512xi32, #tpu.memory_space<vmem>> -> memref<128xi32, #tpu.memory_space<vmem>>
    %dma_start3A_30 = arith.constant 0 : i32
    %dma_start3A_31 = tpu.memref_slice %arg2[%dma_start3A_30] : memref<1000000xf32, #tpu.memory_space<hbm>> -> memref<1000000xf32, #tpu.memory_space<hbm>>
    tpu.enqueue_indirect_dma source(%dma_start3A_31 : memref<1000000xf32, #tpu.memory_space<hbm>>) target(%dma_start3A_27 : memref<128xf32, #tpu.memory_space<vmem>>) offsets(%dma_start3A_29 : memref<128xi32, #tpu.memory_space<vmem>>) semaphore(%arg9 : memref<!tpu.dma_semaphore, #tpu.memory_space<semaphore_mem>>)
    %dma_start3A_32 = arith.constant 256 : i32
    %dma_start3A_33 = tpu.memref_slice %arg8[%dma_start3A_32] : memref<512xf32, #tpu.memory_space<vmem>> -> memref<128xf32, #tpu.memory_space<vmem>>
    %dma_start3A_34 = arith.constant 256 : i32
    %dma_start3A_35 = tpu.memref_slice %arg6[%dma_start3A_34] : memref<512xi32, #tpu.memory_space<vmem>> -> memref<128xi32, #tpu.memory_space<vmem>>
    %dma_start3A_36 = arith.constant 0 : i32
    %dma_start3A_37 = tpu.memref_slice %arg3[%dma_start3A_36] : memref<1000000xf32, #tpu.memory_space<hbm>> -> memref<1000000xf32, #tpu.memory_space<hbm>>
    tpu.enqueue_indirect_dma source(%dma_start3A_37 : memref<1000000xf32, #tpu.memory_space<hbm>>) target(%dma_start3A_33 : memref<128xf32, #tpu.memory_space<vmem>>) offsets(%dma_start3A_35 : memref<128xi32, #tpu.memory_space<vmem>>) semaphore(%arg9 : memref<!tpu.dma_semaphore, #tpu.memory_space<semaphore_mem>>)
    %dma_start3A_38 = arith.constant 384 : i32
    %dma_start3A_39 = tpu.memref_slice %arg7[%dma_start3A_38] : memref<512xf32, #tpu.memory_space<vmem>> -> memref<128xf32, #tpu.memory_space<vmem>>
    %dma_start3A_40 = arith.constant 384 : i32
    %dma_start3A_41 = tpu.memref_slice %arg6[%dma_start3A_40] : memref<512xi32, #tpu.memory_space<vmem>> -> memref<128xi32, #tpu.memory_space<vmem>>
    %dma_start3A_42 = arith.constant 0 : i32
    %dma_start3A_43 = tpu.memref_slice %arg2[%dma_start3A_42] : memref<1000000xf32, #tpu.memory_space<hbm>> -> memref<1000000xf32, #tpu.memory_space<hbm>>
    tpu.enqueue_indirect_dma source(%dma_start3A_43 : memref<1000000xf32, #tpu.memory_space<hbm>>) target(%dma_start3A_39 : memref<128xf32, #tpu.memory_space<vmem>>) offsets(%dma_start3A_41 : memref<128xi32, #tpu.memory_space<vmem>>) semaphore(%arg9 : memref<!tpu.dma_semaphore, #tpu.memory_space<semaphore_mem>>)
    %dma_start3A_44 = arith.constant 384 : i32
    %dma_start3A_45 = tpu.memref_slice %arg8[%dma_start3A_44] : memref<512xf32, #tpu.memory_space<vmem>> -> memref<128xf32, #tpu.memory_space<vmem>>
    %dma_start3A_46 = arith.constant 384 : i32
    %dma_start3A_47 = tpu.memref_slice %arg6[%dma_start3A_46] : memref<512xi32, #tpu.memory_space<vmem>> -> memref<128xi32, #tpu.memory_space<vmem>>
    %dma_start3A_48 = arith.constant 0 : i32
    %dma_start3A_49 = tpu.memref_slice %arg3[%dma_start3A_48] : memref<1000000xf32, #tpu.memory_space<hbm>> -> memref<1000000xf32, #tpu.memory_space<hbm>>
    tpu.enqueue_indirect_dma source(%dma_start3A_49 : memref<1000000xf32, #tpu.memory_space<hbm>>) target(%dma_start3A_45 : memref<128xf32, #tpu.memory_space<vmem>>) offsets(%dma_start3A_47 : memref<128xi32, #tpu.memory_space<vmem>>) semaphore(%arg9 : memref<!tpu.dma_semaphore, #tpu.memory_space<semaphore_mem>>)
    %dma_wait3A = arith.constant 0 : i32
    %dma_wait3A_50 = tpu.memref_slice %arg7[%dma_wait3A] : memref<512xf32, #tpu.memory_space<vmem>> -> memref<128xf32, #tpu.memory_space<vmem>>
    %dma_wait3A_51 = arith.constant 0 : i32
    %dma_wait3A_52 = tpu.memref_slice %arg6[%dma_wait3A_51] : memref<512xi32, #tpu.memory_space<vmem>> -> memref<128xi32, #tpu.memory_space<vmem>>
    %dma_wait3A_53 = arith.constant 0 : i32
    %dma_wait3A_54 = tpu.memref_slice %arg2[%dma_wait3A_53] : memref<1000000xf32, #tpu.memory_space<hbm>> -> memref<1000000xf32, #tpu.memory_space<hbm>>
    tpu.wait_indirect_dma semaphore(%arg9 : memref<!tpu.dma_semaphore, #tpu.memory_space<semaphore_mem>>) src(%dma_wait3A_54 : memref<1000000xf32, #tpu.memory_space<hbm>>) dst(%dma_wait3A_50 : memref<128xf32, #tpu.memory_space<vmem>>)
    %dma_wait3A_55 = arith.constant 0 : i32
    %dma_wait3A_56 = tpu.memref_slice %arg8[%dma_wait3A_55] : memref<512xf32, #tpu.memory_space<vmem>> -> memref<128xf32, #tpu.memory_space<vmem>>
    %dma_wait3A_57 = arith.constant 0 : i32
    %dma_wait3A_58 = tpu.memref_slice %arg6[%dma_wait3A_57] : memref<512xi32, #tpu.memory_space<vmem>> -> memref<128xi32, #tpu.memory_space<vmem>>
    %dma_wait3A_59 = arith.constant 0 : i32
    %dma_wait3A_60 = tpu.memref_slice %arg3[%dma_wait3A_59] : memref<1000000xf32, #tpu.memory_space<hbm>> -> memref<1000000xf32, #tpu.memory_space<hbm>>
    tpu.wait_indirect_dma semaphore(%arg9 : memref<!tpu.dma_semaphore, #tpu.memory_space<semaphore_mem>>) src(%dma_wait3A_60 : memref<1000000xf32, #tpu.memory_space<hbm>>) dst(%dma_wait3A_56 : memref<128xf32, #tpu.memory_space<vmem>>)
    %dma_wait3A_61 = arith.constant 128 : i32
    %dma_wait3A_62 = tpu.memref_slice %arg7[%dma_wait3A_61] : memref<512xf32, #tpu.memory_space<vmem>> -> memref<128xf32, #tpu.memory_space<vmem>>
    %dma_wait3A_63 = arith.constant 128 : i32
    %dma_wait3A_64 = tpu.memref_slice %arg6[%dma_wait3A_63] : memref<512xi32, #tpu.memory_space<vmem>> -> memref<128xi32, #tpu.memory_space<vmem>>
    %dma_wait3A_65 = arith.constant 0 : i32
    %dma_wait3A_66 = tpu.memref_slice %arg2[%dma_wait3A_65] : memref<1000000xf32, #tpu.memory_space<hbm>> -> memref<1000000xf32, #tpu.memory_space<hbm>>
    tpu.wait_indirect_dma semaphore(%arg9 : memref<!tpu.dma_semaphore, #tpu.memory_space<semaphore_mem>>) src(%dma_wait3A_66 : memref<1000000xf32, #tpu.memory_space<hbm>>) dst(%dma_wait3A_62 : memref<128xf32, #tpu.memory_space<vmem>>)
    %dma_wait3A_67 = arith.constant 128 : i32
    %dma_wait3A_68 = tpu.memref_slice %arg8[%dma_wait3A_67] : memref<512xf32, #tpu.memory_space<vmem>> -> memref<128xf32, #tpu.memory_space<vmem>>
    %dma_wait3A_69 = arith.constant 128 : i32
    %dma_wait3A_70 = tpu.memref_slice %arg6[%dma_wait3A_69] : memref<512xi32, #tpu.memory_space<vmem>> -> memref<128xi32, #tpu.memory_space<vmem>>
    %dma_wait3A_71 = arith.constant 0 : i32
    %dma_wait3A_72 = tpu.memref_slice %arg3[%dma_wait3A_71] : memref<1000000xf32, #tpu.memory_space<hbm>> -> memref<1000000xf32, #tpu.memory_space<hbm>>
    tpu.wait_indirect_dma semaphore(%arg9 : memref<!tpu.dma_semaphore, #tpu.memory_space<semaphore_mem>>) src(%dma_wait3A_72 : memref<1000000xf32, #tpu.memory_space<hbm>>) dst(%dma_wait3A_68 : memref<128xf32, #tpu.memory_space<vmem>>)
    %dma_wait3A_73 = arith.constant 256 : i32
    %dma_wait3A_74 = tpu.memref_slice %arg7[%dma_wait3A_73] : memref<512xf32, #tpu.memory_space<vmem>> -> memref<128xf32, #tpu.memory_space<vmem>>
    %dma_wait3A_75 = arith.constant 256 : i32
    %dma_wait3A_76 = tpu.memref_slice %arg6[%dma_wait3A_75] : memref<512xi32, #tpu.memory_space<vmem>> -> memref<128xi32, #tpu.memory_space<vmem>>
    %dma_wait3A_77 = arith.constant 0 : i32
    %dma_wait3A_78 = tpu.memref_slice %arg2[%dma_wait3A_77] : memref<1000000xf32, #tpu.memory_space<hbm>> -> memref<1000000xf32, #tpu.memory_space<hbm>>
    tpu.wait_indirect_dma semaphore(%arg9 : memref<!tpu.dma_semaphore, #tpu.memory_space<semaphore_mem>>) src(%dma_wait3A_78 : memref<1000000xf32, #tpu.memory_space<hbm>>) dst(%dma_wait3A_74 : memref<128xf32, #tpu.memory_space<vmem>>)
    %dma_wait3A_79 = arith.constant 256 : i32
    %dma_wait3A_80 = tpu.memref_slice %arg8[%dma_wait3A_79] : memref<512xf32, #tpu.memory_space<vmem>> -> memref<128xf32, #tpu.memory_space<vmem>>
    %dma_wait3A_81 = arith.constant 256 : i32
    %dma_wait3A_82 = tpu.memref_slice %arg6[%dma_wait3A_81] : memref<512xi32, #tpu.memory_space<vmem>> -> memref<128xi32, #tpu.memory_space<vmem>>
    %dma_wait3A_83 = arith.constant 0 : i32
    %dma_wait3A_84 = tpu.memref_slice %arg3[%dma_wait3A_83] : memref<1000000xf32, #tpu.memory_space<hbm>> -> memref<1000000xf32, #tpu.memory_space<hbm>>
    tpu.wait_indirect_dma semaphore(%arg9 : memref<!tpu.dma_semaphore, #tpu.memory_space<semaphore_mem>>) src(%dma_wait3A_84 : memref<1000000xf32, #tpu.memory_space<hbm>>) dst(%dma_wait3A_80 : memref<128xf32, #tpu.memory_space<vmem>>)
    %dma_wait3A_85 = arith.constant 384 : i32
    %dma_wait3A_86 = tpu.memref_slice %arg7[%dma_wait3A_85] : memref<512xf32, #tpu.memory_space<vmem>> -> memref<128xf32, #tpu.memory_space<vmem>>
    %dma_wait3A_87 = arith.constant 384 : i32
    %dma_wait3A_88 = tpu.memref_slice %arg6[%dma_wait3A_87] : memref<512xi32, #tpu.memory_space<vmem>> -> memref<128xi32, #tpu.memory_space<vmem>>
    %dma_wait3A_89 = arith.constant 0 : i32
    %dma_wait3A_90 = tpu.memref_slice %arg2[%dma_wait3A_89] : memref<1000000xf32, #tpu.memory_space<hbm>> -> memref<1000000xf32, #tpu.memory_space<hbm>>
    tpu.wait_indirect_dma semaphore(%arg9 : memref<!tpu.dma_semaphore, #tpu.memory_space<semaphore_mem>>) src(%dma_wait3A_90 : memref<1000000xf32, #tpu.memory_space<hbm>>) dst(%dma_wait3A_86 : memref<128xf32, #tpu.memory_space<vmem>>)
    %dma_wait3A_91 = arith.constant 384 : i32
    %dma_wait3A_92 = tpu.memref_slice %arg8[%dma_wait3A_91] : memref<512xf32, #tpu.memory_space<vmem>> -> memref<128xf32, #tpu.memory_space<vmem>>
    %dma_wait3A_93 = arith.constant 384 : i32
    %dma_wait3A_94 = tpu.memref_slice %arg6[%dma_wait3A_93] : memref<512xi32, #tpu.memory_space<vmem>> -> memref<128xi32, #tpu.memory_space<vmem>>
    %dma_wait3A_95 = arith.constant 0 : i32
    %dma_wait3A_96 = tpu.memref_slice %arg3[%dma_wait3A_95] : memref<1000000xf32, #tpu.memory_space<hbm>> -> memref<1000000xf32, #tpu.memory_space<hbm>>
    tpu.wait_indirect_dma semaphore(%arg9 : memref<!tpu.dma_semaphore, #tpu.memory_space<semaphore_mem>>) src(%dma_wait3A_96 : memref<1000000xf32, #tpu.memory_space<hbm>>) dst(%dma_wait3A_92 : memref<128xf32, #tpu.memory_space<vmem>>)
    "tpu.region"() ({
      %run_scoped3A = tpu.sem_alloc : memref<!tpu.dma_semaphore, #tpu.memory_space<semaphore_mem>>
      %dma_start3A_99 = tpu.memref_slice %arg5[%mul3A_2] : memref<32768xf32, #tpu.memory_space<hbm>> -> memref<512xf32, #tpu.memory_space<hbm>>
      %dma_start3A_100 = tpu.memref_slice %arg5[%mul3A_2] : memref<32768xf32, #tpu.memory_space<hbm>> -> memref<512xf32, #tpu.memory_space<hbm>>
      tpu.enqueue_dma source(%arg7 : memref<512xf32, #tpu.memory_space<vmem>>) target(%dma_start3A_100 : memref<512xf32, #tpu.memory_space<hbm>>) target_semaphore(%run_scoped3A : memref<!tpu.dma_semaphore, #tpu.memory_space<semaphore_mem>>)
      %dma_wait3A_101 = tpu.memref_slice %arg5[%mul3A_2] : memref<32768xf32, #tpu.memory_space<hbm>> -> memref<512xf32, #tpu.memory_space<hbm>>
      %dma_wait3A_102 = tpu.memref_slice %arg5[%mul3A_2] : memref<32768xf32, #tpu.memory_space<hbm>> -> memref<512xf32, #tpu.memory_space<hbm>>
      tpu.wait_dma2 semaphore(%run_scoped3A : memref<!tpu.dma_semaphore, #tpu.memory_space<semaphore_mem>>) src(%arg7 : memref<512xf32, #tpu.memory_space<vmem>>) dst(%dma_wait3A_102 : memref<512xf32, #tpu.memory_space<hbm>>)
      tpu.yield
    }) : () -> ()
    %add3A_97 = arith.constant 16384 : i32
    %add3A_98 = arith.addi %add3A_97, %mul3A_2 : i32
    "tpu.region"() ({
      %run_scoped3A = tpu.sem_alloc : memref<!tpu.dma_semaphore, #tpu.memory_space<semaphore_mem>>
      %dma_start3A_99 = tpu.memref_slice %arg5[%add3A_98] : memref<32768xf32, #tpu.memory_space<hbm>> -> memref<512xf32, #tpu.memory_space<hbm>>
      %dma_start3A_100 = tpu.memref_slice %arg5[%add3A_98] : memref<32768xf32, #tpu.memory_space<hbm>> -> memref<512xf32, #tpu.memory_space<hbm>>
      tpu.enqueue_dma source(%arg8 : memref<512xf32, #tpu.memory_space<vmem>>) target(%dma_start3A_100 : memref<512xf32, #tpu.memory_space<hbm>>) target_semaphore(%run_scoped3A : memref<!tpu.dma_semaphore, #tpu.memory_space<semaphore_mem>>)
      %dma_wait3A_101 = tpu.memref_slice %arg5[%add3A_98] : memref<32768xf32, #tpu.memory_space<hbm>> -> memref<512xf32, #tpu.memory_space<hbm>>
      %dma_wait3A_102 = tpu.memref_slice %arg5[%add3A_98] : memref<32768xf32, #tpu.memory_space<hbm>> -> memref<512xf32, #tpu.memory_space<hbm>>
      tpu.wait_dma2 semaphore(%run_scoped3A : memref<!tpu.dma_semaphore, #tpu.memory_space<semaphore_mem>>) src(%arg8 : memref<512xf32, #tpu.memory_space<vmem>>) dst(%dma_wait3A_102 : memref<512xf32, #tpu.memory_space<hbm>>)
      tpu.yield
    }) : () -> ()
    return
  }
}

module attributes {stable_mosaic.version = 14 : i64} {
  func.func @_extract_body(%arg0: memref<2x1000000xf32, #tpu.memory_space<vmem>>, %arg1: memref<256x128xi32, #tpu.memory_space<vmem>>, %arg2: memref<1000000xf32, #tpu.memory_space<vmem>>, %arg3: memref<1000000xf32, #tpu.memory_space<vmem>>, %arg4: memref<256x128xf32, #tpu.memory_space<vmem>>, %arg5: memref<256x128xf32, #tpu.memory_space<vmem>>, %arg6: memref<256x128xi32, #tpu.memory_space<vmem>>, %arg7: memref<256x128xi32, #tpu.memory_space<vmem>>, %arg8: memref<256x128xi32, #tpu.memory_space<vmem>>, %arg9: memref<256x128xi32, #tpu.memory_space<vmem>>, %arg10: memref<256x128xi32, #tpu.memory_space<vmem>>, %arg11: memref<256x128xi32, #tpu.memory_space<vmem>>) attributes {dimension_semantics = [], scalar_prefetch = 0 : i64, scratch_operands = 0 : i64, tpu.core_type = #tpu.core_type<tc>} {
    %get3A = arith.constant 0 : index
    %get3A_0 = arith.constant 0 : index
    %get3A_1 = vector.load %arg0[%get3A, %get3A_0] : memref<2x1000000xf32, #tpu.memory_space<vmem>>, vector<1x1000000xf32>
    %get3A_2 = vector.shape_cast %get3A_1 : vector<1x1000000xf32> to vector<1000000xf32>
    %swap3A = arith.constant 0 : index
    %swap3A_3 = vector.load %arg2[%swap3A] : memref<1000000xf32, #tpu.memory_space<vmem>>, vector<1000000xf32>
    tpu.vector_store %arg2[%swap3A], %get3A_2 {strides = array<i32>} : memref<1000000xf32, #tpu.memory_space<vmem>>, vector<1000000xf32>,
    %get3A_4 = arith.constant 1 : index
    %get3A_5 = arith.constant 0 : index
    %get3A_6 = vector.load %arg0[%get3A_4, %get3A_5] : memref<2x1000000xf32, #tpu.memory_space<vmem>>, vector<1x1000000xf32>
    %get3A_7 = vector.shape_cast %get3A_6 : vector<1x1000000xf32> to vector<1000000xf32>
    %swap3A_8 = arith.constant 0 : index
    %swap3A_9 = vector.load %arg3[%swap3A_8] : memref<1000000xf32, #tpu.memory_space<vmem>>, vector<1000000xf32>
    tpu.vector_store %arg3[%swap3A_8], %get3A_7 {strides = array<i32>} : memref<1000000xf32, #tpu.memory_space<vmem>>, vector<1000000xf32>,
    %get3A_10 = arith.constant 0 : index
    %get3A_11 = arith.constant 0 : index
    %get3A_12 = vector.load %arg1[%get3A_10, %get3A_11] : memref<256x128xi32, #tpu.memory_space<vmem>>, vector<256x128xi32>
    %iota3A = tpu.iota {dimensions = array<i32: 0>} : vector<256x128xi32>
    %lt3A = arith.constant 128 : i32
    %lt3A_13 = vector.broadcast %lt3A : i32 to vector<256x128xi32>
    %lt3A_14 = arith.cmpi slt, %iota3A, %lt3A_13 : vector<256x128xi32>
    %jit3A = arith.constant 1832780943 : i32
    %jit3A_15 = arith.constant 64467757 : i32
    %broadcast_in_dim3A = vector.broadcast %jit3A : i32 to vector<256x128xi32>
    %broadcast_in_dim3A_16 = vector.broadcast %jit3A_15 : i32 to vector<256x128xi32>
    %select_n3A = arith.select %lt3A_14, %broadcast_in_dim3A, %broadcast_in_dim3A_16 : vector<256x128xi1>, vector<256x128xi32>
    %jit3A_17 = arith.constant 270669613 : i32
    %jit3A_18 = arith.constant -1378843660 : i32
    %broadcast_in_dim3A_19 = vector.broadcast %jit3A_17 : i32 to vector<256x128xi32>
    %broadcast_in_dim3A_20 = vector.broadcast %jit3A_18 : i32 to vector<256x128xi32>
    %select_n3A_21 = arith.select %lt3A_14, %broadcast_in_dim3A_19, %broadcast_in_dim3A_20 : vector<256x128xi1>, vector<256x128xi32>
    %broadcast_in_dim3A_22 = arith.constant 0 : i32
    %broadcast_in_dim3A_23 = vector.broadcast %broadcast_in_dim3A_22 : i32 to vector<256x128xi32>
    %xor3A = arith.xori %select_n3A, %select_n3A_21 : vector<256x128xi32>
    %xor3A_24 = arith.constant 466688986 : i32
    %xor3A_25 = vector.broadcast %xor3A_24 : i32 to vector<256x128xi32>
    %xor3A_26 = arith.xori %xor3A, %xor3A_25 : vector<256x128xi32>
    %add3A = arith.addi %broadcast_in_dim3A_23, %select_n3A : vector<256x128xi32>
    %add3A_27 = arith.addi %get3A_12, %select_n3A_21 : vector<256x128xi32>
    %add3A_28 = arith.addi %add3A, %add3A_27 : vector<256x128xi32>
    %shift_left3A = arith.constant 13 : i32
    %shift_left3A_29 = vector.broadcast %shift_left3A : i32 to vector<256x128xi32>
    %shift_left3A_30 = arith.shli %add3A_27, %shift_left3A_29 : vector<256x128xi32>
    %shift_right_logical3A = arith.constant 19 : i32
    %shift_right_logical3A_31 = vector.broadcast %shift_right_logical3A : i32 to vector<256x128xi32>
    %shift_right_logical3A_32 = arith.shrui %add3A_27, %shift_right_logical3A_31 : vector<256x128xi32>
    %or3A = arith.ori %shift_left3A_30, %shift_right_logical3A_32 : vector<256x128xi32>
    %xor3A_33 = arith.xori %add3A_28, %or3A : vector<256x128xi32>
    %add3A_34 = arith.addi %add3A_28, %xor3A_33 : vector<256x128xi32>
    %shift_left3A_35 = arith.constant 15 : i32
    %shift_left3A_36 = vector.broadcast %shift_left3A_35 : i32 to vector<256x128xi32>
    %shift_left3A_37 = arith.shli %xor3A_33, %shift_left3A_36 : vector<256x128xi32>
    %shift_right_logical3A_38 = arith.constant 17 : i32
    %shift_right_logical3A_39 = vector.broadcast %shift_right_logical3A_38 : i32 to vector<256x128xi32>
    %shift_right_logical3A_40 = arith.shrui %xor3A_33, %shift_right_logical3A_39 : vector<256x128xi32>
    %or3A_41 = arith.ori %shift_left3A_37, %shift_right_logical3A_40 : vector<256x128xi32>
    %xor3A_42 = arith.xori %add3A_34, %or3A_41 : vector<256x128xi32>
    %add3A_43 = arith.addi %add3A_34, %xor3A_42 : vector<256x128xi32>
    %shift_left3A_44 = arith.constant 26 : i32
    %shift_left3A_45 = vector.broadcast %shift_left3A_44 : i32 to vector<256x128xi32>
    %shift_left3A_46 = arith.shli %xor3A_42, %shift_left3A_45 : vector<256x128xi32>
    %shift_right_logical3A_47 = arith.constant 6 : i32
    %shift_right_logical3A_48 = vector.broadcast %shift_right_logical3A_47 : i32 to vector<256x128xi32>
    %shift_right_logical3A_49 = arith.shrui %xor3A_42, %shift_right_logical3A_48 : vector<256x128xi32>
    %or3A_50 = arith.ori %shift_left3A_46, %shift_right_logical3A_49 : vector<256x128xi32>
    %xor3A_51 = arith.xori %add3A_43, %or3A_50 : vector<256x128xi32>
    %add3A_52 = arith.addi %add3A_43, %xor3A_51 : vector<256x128xi32>
    %shift_left3A_53 = arith.constant 6 : i32
    %shift_left3A_54 = vector.broadcast %shift_left3A_53 : i32 to vector<256x128xi32>
    %shift_left3A_55 = arith.shli %xor3A_51, %shift_left3A_54 : vector<256x128xi32>
    %shift_right_logical3A_56 = arith.constant 26 : i32
    %shift_right_logical3A_57 = vector.broadcast %shift_right_logical3A_56 : i32 to vector<256x128xi32>
    %shift_right_logical3A_58 = arith.shrui %xor3A_51, %shift_right_logical3A_57 : vector<256x128xi32>
    %or3A_59 = arith.ori %shift_left3A_55, %shift_right_logical3A_58 : vector<256x128xi32>
    %xor3A_60 = arith.xori %add3A_52, %or3A_59 : vector<256x128xi32>
    %add3A_61 = arith.addi %add3A_52, %select_n3A_21 : vector<256x128xi32>
    %add3A_62 = arith.addi %xor3A_60, %xor3A_26 : vector<256x128xi32>
    %add3A_63 = arith.constant 1 : i32
    %add3A_64 = vector.broadcast %add3A_63 : i32 to vector<256x128xi32>
    %add3A_65 = arith.addi %add3A_62, %add3A_64 : vector<256x128xi32>
    %add3A_66 = arith.addi %add3A_61, %add3A_65 : vector<256x128xi32>
    %shift_left3A_67 = arith.constant 17 : i32
    %shift_left3A_68 = vector.broadcast %shift_left3A_67 : i32 to vector<256x128xi32>
    %shift_left3A_69 = arith.shli %add3A_65, %shift_left3A_68 : vector<256x128xi32>
    %shift_right_logical3A_70 = arith.constant 15 : i32
    %shift_right_logical3A_71 = vector.broadcast %shift_right_logical3A_70 : i32 to vector<256x128xi32>
    %shift_right_logical3A_72 = arith.shrui %add3A_65, %shift_right_logical3A_71 : vector<256x128xi32>
    %or3A_73 = arith.ori %shift_left3A_69, %shift_right_logical3A_72 : vector<256x128xi32>
    %xor3A_74 = arith.xori %add3A_66, %or3A_73 : vector<256x128xi32>
    %add3A_75 = arith.addi %add3A_66, %xor3A_74 : vector<256x128xi32>
    %shift_left3A_76 = arith.constant 29 : i32
    %shift_left3A_77 = vector.broadcast %shift_left3A_76 : i32 to vector<256x128xi32>
    %shift_left3A_78 = arith.shli %xor3A_74, %shift_left3A_77 : vector<256x128xi32>
    %shift_right_logical3A_79 = arith.constant 3 : i32
    %shift_right_logical3A_80 = vector.broadcast %shift_right_logical3A_79 : i32 to vector<256x128xi32>
    %shift_right_logical3A_81 = arith.shrui %xor3A_74, %shift_right_logical3A_80 : vector<256x128xi32>
    %or3A_82 = arith.ori %shift_left3A_78, %shift_right_logical3A_81 : vector<256x128xi32>
    %xor3A_83 = arith.xori %add3A_75, %or3A_82 : vector<256x128xi32>
    %add3A_84 = arith.addi %add3A_75, %xor3A_83 : vector<256x128xi32>
    %shift_left3A_85 = arith.constant 16 : i32
    %shift_left3A_86 = vector.broadcast %shift_left3A_85 : i32 to vector<256x128xi32>
    %shift_left3A_87 = arith.shli %xor3A_83, %shift_left3A_86 : vector<256x128xi32>
    %shift_right_logical3A_88 = arith.constant 16 : i32
    %shift_right_logical3A_89 = vector.broadcast %shift_right_logical3A_88 : i32 to vector<256x128xi32>
    %shift_right_logical3A_90 = arith.shrui %xor3A_83, %shift_right_logical3A_89 : vector<256x128xi32>
    %or3A_91 = arith.ori %shift_left3A_87, %shift_right_logical3A_90 : vector<256x128xi32>
    %xor3A_92 = arith.xori %add3A_84, %or3A_91 : vector<256x128xi32>
    %add3A_93 = arith.addi %add3A_84, %xor3A_92 : vector<256x128xi32>
    %shift_left3A_94 = arith.constant 24 : i32
    %shift_left3A_95 = vector.broadcast %shift_left3A_94 : i32 to vector<256x128xi32>
    %shift_left3A_96 = arith.shli %xor3A_92, %shift_left3A_95 : vector<256x128xi32>
    %shift_right_logical3A_97 = arith.constant 8 : i32
    %shift_right_logical3A_98 = vector.broadcast %shift_right_logical3A_97 : i32 to vector<256x128xi32>
    %shift_right_logical3A_99 = arith.shrui %xor3A_92, %shift_right_logical3A_98 : vector<256x128xi32>
    %or3A_100 = arith.ori %shift_left3A_96, %shift_right_logical3A_99 : vector<256x128xi32>
    %xor3A_101 = arith.xori %add3A_93, %or3A_100 : vector<256x128xi32>
    %add3A_102 = arith.addi %add3A_93, %xor3A_26 : vector<256x128xi32>
    %add3A_103 = arith.addi %xor3A_101, %select_n3A : vector<256x128xi32>
    %add3A_104 = arith.constant 2 : i32
    %add3A_105 = vector.broadcast %add3A_104 : i32 to vector<256x128xi32>
    %add3A_106 = arith.addi %add3A_103, %add3A_105 : vector<256x128xi32>
    %add3A_107 = arith.addi %add3A_102, %add3A_106 : vector<256x128xi32>
    %shift_left3A_108 = arith.constant 13 : i32
    %shift_left3A_109 = vector.broadcast %shift_left3A_108 : i32 to vector<256x128xi32>
    %shift_left3A_110 = arith.shli %add3A_106, %shift_left3A_109 : vector<256x128xi32>
    %shift_right_logical3A_111 = arith.constant 19 : i32
    %shift_right_logical3A_112 = vector.broadcast %shift_right_logical3A_111 : i32 to vector<256x128xi32>
    %shift_right_logical3A_113 = arith.shrui %add3A_106, %shift_right_logical3A_112 : vector<256x128xi32>
    %or3A_114 = arith.ori %shift_left3A_110, %shift_right_logical3A_113 : vector<256x128xi32>
    %xor3A_115 = arith.xori %add3A_107, %or3A_114 : vector<256x128xi32>
    %add3A_116 = arith.addi %add3A_107, %xor3A_115 : vector<256x128xi32>
    %shift_left3A_117 = arith.constant 15 : i32
    %shift_left3A_118 = vector.broadcast %shift_left3A_117 : i32 to vector<256x128xi32>
    %shift_left3A_119 = arith.shli %xor3A_115, %shift_left3A_118 : vector<256x128xi32>
    %shift_right_logical3A_120 = arith.constant 17 : i32
    %shift_right_logical3A_121 = vector.broadcast %shift_right_logical3A_120 : i32 to vector<256x128xi32>
    %shift_right_logical3A_122 = arith.shrui %xor3A_115, %shift_right_logical3A_121 : vector<256x128xi32>
    %or3A_123 = arith.ori %shift_left3A_119, %shift_right_logical3A_122 : vector<256x128xi32>
    %xor3A_124 = arith.xori %add3A_116, %or3A_123 : vector<256x128xi32>
    %add3A_125 = arith.addi %add3A_116, %xor3A_124 : vector<256x128xi32>
    %shift_left3A_126 = arith.constant 26 : i32
    %shift_left3A_127 = vector.broadcast %shift_left3A_126 : i32 to vector<256x128xi32>
    %shift_left3A_128 = arith.shli %xor3A_124, %shift_left3A_127 : vector<256x128xi32>
    %shift_right_logical3A_129 = arith.constant 6 : i32
    %shift_right_logical3A_130 = vector.broadcast %shift_right_logical3A_129 : i32 to vector<256x128xi32>
    %shift_right_logical3A_131 = arith.shrui %xor3A_124, %shift_right_logical3A_130 : vector<256x128xi32>
    %or3A_132 = arith.ori %shift_left3A_128, %shift_right_logical3A_131 : vector<256x128xi32>
    %xor3A_133 = arith.xori %add3A_125, %or3A_132 : vector<256x128xi32>
    %add3A_134 = arith.addi %add3A_125, %xor3A_133 : vector<256x128xi32>
    %shift_left3A_135 = arith.constant 6 : i32
    %shift_left3A_136 = vector.broadcast %shift_left3A_135 : i32 to vector<256x128xi32>
    %shift_left3A_137 = arith.shli %xor3A_133, %shift_left3A_136 : vector<256x128xi32>
    %shift_right_logical3A_138 = arith.constant 26 : i32
    %shift_right_logical3A_139 = vector.broadcast %shift_right_logical3A_138 : i32 to vector<256x128xi32>
    %shift_right_logical3A_140 = arith.shrui %xor3A_133, %shift_right_logical3A_139 : vector<256x128xi32>
    %or3A_141 = arith.ori %shift_left3A_137, %shift_right_logical3A_140 : vector<256x128xi32>
    %xor3A_142 = arith.xori %add3A_134, %or3A_141 : vector<256x128xi32>
    %add3A_143 = arith.addi %add3A_134, %select_n3A : vector<256x128xi32>
    %add3A_144 = arith.addi %xor3A_142, %select_n3A_21 : vector<256x128xi32>
    %add3A_145 = arith.constant 3 : i32
    %add3A_146 = vector.broadcast %add3A_145 : i32 to vector<256x128xi32>
    %add3A_147 = arith.addi %add3A_144, %add3A_146 : vector<256x128xi32>
    %add3A_148 = arith.addi %add3A_143, %add3A_147 : vector<256x128xi32>
    %shift_left3A_149 = arith.constant 17 : i32
    %shift_left3A_150 = vector.broadcast %shift_left3A_149 : i32 to vector<256x128xi32>
    %shift_left3A_151 = arith.shli %add3A_147, %shift_left3A_150 : vector<256x128xi32>
    %shift_right_logical3A_152 = arith.constant 15 : i32
    %shift_right_logical3A_153 = vector.broadcast %shift_right_logical3A_152 : i32 to vector<256x128xi32>
    %shift_right_logical3A_154 = arith.shrui %add3A_147, %shift_right_logical3A_153 : vector<256x128xi32>
    %or3A_155 = arith.ori %shift_left3A_151, %shift_right_logical3A_154 : vector<256x128xi32>
    %xor3A_156 = arith.xori %add3A_148, %or3A_155 : vector<256x128xi32>
    %add3A_157 = arith.addi %add3A_148, %xor3A_156 : vector<256x128xi32>
    %shift_left3A_158 = arith.constant 29 : i32
    %shift_left3A_159 = vector.broadcast %shift_left3A_158 : i32 to vector<256x128xi32>
    %shift_left3A_160 = arith.shli %xor3A_156, %shift_left3A_159 : vector<256x128xi32>
    %shift_right_logical3A_161 = arith.constant 3 : i32
    %shift_right_logical3A_162 = vector.broadcast %shift_right_logical3A_161 : i32 to vector<256x128xi32>
    %shift_right_logical3A_163 = arith.shrui %xor3A_156, %shift_right_logical3A_162 : vector<256x128xi32>
    %or3A_164 = arith.ori %shift_left3A_160, %shift_right_logical3A_163 : vector<256x128xi32>
    %xor3A_165 = arith.xori %add3A_157, %or3A_164 : vector<256x128xi32>
    %add3A_166 = arith.addi %add3A_157, %xor3A_165 : vector<256x128xi32>
    %shift_left3A_167 = arith.constant 16 : i32
    %shift_left3A_168 = vector.broadcast %shift_left3A_167 : i32 to vector<256x128xi32>
    %shift_left3A_169 = arith.shli %xor3A_165, %shift_left3A_168 : vector<256x128xi32>
    %shift_right_logical3A_170 = arith.constant 16 : i32
    %shift_right_logical3A_171 = vector.broadcast %shift_right_logical3A_170 : i32 to vector<256x128xi32>
    %shift_right_logical3A_172 = arith.shrui %xor3A_165, %shift_right_logical3A_171 : vector<256x128xi32>
    %or3A_173 = arith.ori %shift_left3A_169, %shift_right_logical3A_172 : vector<256x128xi32>
    %xor3A_174 = arith.xori %add3A_166, %or3A_173 : vector<256x128xi32>
    %add3A_175 = arith.addi %add3A_166, %xor3A_174 : vector<256x128xi32>
    %shift_left3A_176 = arith.constant 24 : i32
    %shift_left3A_177 = vector.broadcast %shift_left3A_176 : i32 to vector<256x128xi32>
    %shift_left3A_178 = arith.shli %xor3A_174, %shift_left3A_177 : vector<256x128xi32>
    %shift_right_logical3A_179 = arith.constant 8 : i32
    %shift_right_logical3A_180 = vector.broadcast %shift_right_logical3A_179 : i32 to vector<256x128xi32>
    %shift_right_logical3A_181 = arith.shrui %xor3A_174, %shift_right_logical3A_180 : vector<256x128xi32>
    %or3A_182 = arith.ori %shift_left3A_178, %shift_right_logical3A_181 : vector<256x128xi32>
    %xor3A_183 = arith.xori %add3A_175, %or3A_182 : vector<256x128xi32>
    %add3A_184 = arith.addi %add3A_175, %select_n3A_21 : vector<256x128xi32>
    %add3A_185 = arith.addi %xor3A_183, %xor3A_26 : vector<256x128xi32>
    %add3A_186 = arith.constant 4 : i32
    %add3A_187 = vector.broadcast %add3A_186 : i32 to vector<256x128xi32>
    %add3A_188 = arith.addi %add3A_185, %add3A_187 : vector<256x128xi32>
    %add3A_189 = arith.addi %add3A_184, %add3A_188 : vector<256x128xi32>
    %shift_left3A_190 = arith.constant 13 : i32
    %shift_left3A_191 = vector.broadcast %shift_left3A_190 : i32 to vector<256x128xi32>
    %shift_left3A_192 = arith.shli %add3A_188, %shift_left3A_191 : vector<256x128xi32>
    %shift_right_logical3A_193 = arith.constant 19 : i32
    %shift_right_logical3A_194 = vector.broadcast %shift_right_logical3A_193 : i32 to vector<256x128xi32>
    %shift_right_logical3A_195 = arith.shrui %add3A_188, %shift_right_logical3A_194 : vector<256x128xi32>
    %or3A_196 = arith.ori %shift_left3A_192, %shift_right_logical3A_195 : vector<256x128xi32>
    %xor3A_197 = arith.xori %add3A_189, %or3A_196 : vector<256x128xi32>
    %add3A_198 = arith.addi %add3A_189, %xor3A_197 : vector<256x128xi32>
    %shift_left3A_199 = arith.constant 15 : i32
    %shift_left3A_200 = vector.broadcast %shift_left3A_199 : i32 to vector<256x128xi32>
    %shift_left3A_201 = arith.shli %xor3A_197, %shift_left3A_200 : vector<256x128xi32>
    %shift_right_logical3A_202 = arith.constant 17 : i32
    %shift_right_logical3A_203 = vector.broadcast %shift_right_logical3A_202 : i32 to vector<256x128xi32>
    %shift_right_logical3A_204 = arith.shrui %xor3A_197, %shift_right_logical3A_203 : vector<256x128xi32>
    %or3A_205 = arith.ori %shift_left3A_201, %shift_right_logical3A_204 : vector<256x128xi32>
    %xor3A_206 = arith.xori %add3A_198, %or3A_205 : vector<256x128xi32>
    %add3A_207 = arith.addi %add3A_198, %xor3A_206 : vector<256x128xi32>
    %shift_left3A_208 = arith.constant 26 : i32
    %shift_left3A_209 = vector.broadcast %shift_left3A_208 : i32 to vector<256x128xi32>
    %shift_left3A_210 = arith.shli %xor3A_206, %shift_left3A_209 : vector<256x128xi32>
    %shift_right_logical3A_211 = arith.constant 6 : i32
    %shift_right_logical3A_212 = vector.broadcast %shift_right_logical3A_211 : i32 to vector<256x128xi32>
    %shift_right_logical3A_213 = arith.shrui %xor3A_206, %shift_right_logical3A_212 : vector<256x128xi32>
    %or3A_214 = arith.ori %shift_left3A_210, %shift_right_logical3A_213 : vector<256x128xi32>
    %xor3A_215 = arith.xori %add3A_207, %or3A_214 : vector<256x128xi32>
    %add3A_216 = arith.addi %add3A_207, %xor3A_215 : vector<256x128xi32>
    %shift_left3A_217 = arith.constant 6 : i32
    %shift_left3A_218 = vector.broadcast %shift_left3A_217 : i32 to vector<256x128xi32>
    %shift_left3A_219 = arith.shli %xor3A_215, %shift_left3A_218 : vector<256x128xi32>
    %shift_right_logical3A_220 = arith.constant 26 : i32
    %shift_right_logical3A_221 = vector.broadcast %shift_right_logical3A_220 : i32 to vector<256x128xi32>
    %shift_right_logical3A_222 = arith.shrui %xor3A_215, %shift_right_logical3A_221 : vector<256x128xi32>
    %or3A_223 = arith.ori %shift_left3A_219, %shift_right_logical3A_222 : vector<256x128xi32>
    %xor3A_224 = arith.xori %add3A_216, %or3A_223 : vector<256x128xi32>
    %add3A_225 = arith.addi %add3A_216, %xor3A_26 : vector<256x128xi32>
    %add3A_226 = arith.addi %xor3A_224, %select_n3A : vector<256x128xi32>
    %add3A_227 = arith.constant 5 : i32
    %add3A_228 = vector.broadcast %add3A_227 : i32 to vector<256x128xi32>
    %add3A_229 = arith.addi %add3A_226, %add3A_228 : vector<256x128xi32>
    %broadcast_in_dim3A_230 = arith.constant 0 : i32
    %broadcast_in_dim3A_231 = vector.broadcast %broadcast_in_dim3A_230 : i32 to vector<256x128xi32>
    %add3A_232 = arith.constant 0 : i32
    %add3A_233 = vector.broadcast %add3A_232 : i32 to vector<256x128xi32>
    %add3A_234 = arith.addi %broadcast_in_dim3A_231, %add3A_233 : vector<256x128xi32>
    %xor3A_235 = arith.xori %add3A_225, %add3A_229 : vector<256x128xi32>
    %xor3A_236 = arith.constant 466688986 : i32
    %xor3A_237 = vector.broadcast %xor3A_236 : i32 to vector<256x128xi32>
    %xor3A_238 = arith.xori %xor3A_235, %xor3A_237 : vector<256x128xi32>
    %add3A_239 = arith.addi %broadcast_in_dim3A_231, %add3A_225 : vector<256x128xi32>
    %add3A_240 = arith.addi %add3A_234, %add3A_229 : vector<256x128xi32>
    %add3A_241 = arith.addi %add3A_239, %add3A_240 : vector<256x128xi32>
    %shift_left3A_242 = arith.constant 13 : i32
    %shift_left3A_243 = vector.broadcast %shift_left3A_242 : i32 to vector<256x128xi32>
    %shift_left3A_244 = arith.shli %add3A_240, %shift_left3A_243 : vector<256x128xi32>
    %shift_right_logical3A_245 = arith.constant 19 : i32
    %shift_right_logical3A_246 = vector.broadcast %shift_right_logical3A_245 : i32 to vector<256x128xi32>
    %shift_right_logical3A_247 = arith.shrui %add3A_240, %shift_right_logical3A_246 : vector<256x128xi32>
    %or3A_248 = arith.ori %shift_left3A_244, %shift_right_logical3A_247 : vector<256x128xi32>
    %xor3A_249 = arith.xori %add3A_241, %or3A_248 : vector<256x128xi32>
    %add3A_250 = arith.addi %add3A_241, %xor3A_249 : vector<256x128xi32>
    %shift_left3A_251 = arith.constant 15 : i32
    %shift_left3A_252 = vector.broadcast %shift_left3A_251 : i32 to vector<256x128xi32>
    %shift_left3A_253 = arith.shli %xor3A_249, %shift_left3A_252 : vector<256x128xi32>
    %shift_right_logical3A_254 = arith.constant 17 : i32
    %shift_right_logical3A_255 = vector.broadcast %shift_right_logical3A_254 : i32 to vector<256x128xi32>
    %shift_right_logical3A_256 = arith.shrui %xor3A_249, %shift_right_logical3A_255 : vector<256x128xi32>
    %or3A_257 = arith.ori %shift_left3A_253, %shift_right_logical3A_256 : vector<256x128xi32>
    %xor3A_258 = arith.xori %add3A_250, %or3A_257 : vector<256x128xi32>
    %add3A_259 = arith.addi %add3A_250, %xor3A_258 : vector<256x128xi32>
    %shift_left3A_260 = arith.constant 26 : i32
    %shift_left3A_261 = vector.broadcast %shift_left3A_260 : i32 to vector<256x128xi32>
    %shift_left3A_262 = arith.shli %xor3A_258, %shift_left3A_261 : vector<256x128xi32>
    %shift_right_logical3A_263 = arith.constant 6 : i32
    %shift_right_logical3A_264 = vector.broadcast %shift_right_logical3A_263 : i32 to vector<256x128xi32>
    %shift_right_logical3A_265 = arith.shrui %xor3A_258, %shift_right_logical3A_264 : vector<256x128xi32>
    %or3A_266 = arith.ori %shift_left3A_262, %shift_right_logical3A_265 : vector<256x128xi32>
    %xor3A_267 = arith.xori %add3A_259, %or3A_266 : vector<256x128xi32>
    %add3A_268 = arith.addi %add3A_259, %xor3A_267 : vector<256x128xi32>
    %shift_left3A_269 = arith.constant 6 : i32
    %shift_left3A_270 = vector.broadcast %shift_left3A_269 : i32 to vector<256x128xi32>
    %shift_left3A_271 = arith.shli %xor3A_267, %shift_left3A_270 : vector<256x128xi32>
    %shift_right_logical3A_272 = arith.constant 26 : i32
    %shift_right_logical3A_273 = vector.broadcast %shift_right_logical3A_272 : i32 to vector<256x128xi32>
    %shift_right_logical3A_274 = arith.shrui %xor3A_267, %shift_right_logical3A_273 : vector<256x128xi32>
    %or3A_275 = arith.ori %shift_left3A_271, %shift_right_logical3A_274 : vector<256x128xi32>
    %xor3A_276 = arith.xori %add3A_268, %or3A_275 : vector<256x128xi32>
    %add3A_277 = arith.addi %add3A_268, %add3A_229 : vector<256x128xi32>
    %add3A_278 = arith.addi %xor3A_276, %xor3A_238 : vector<256x128xi32>
    %add3A_279 = arith.constant 1 : i32
    %add3A_280 = vector.broadcast %add3A_279 : i32 to vector<256x128xi32>
    %add3A_281 = arith.addi %add3A_278, %add3A_280 : vector<256x128xi32>
    %add3A_282 = arith.addi %add3A_277, %add3A_281 : vector<256x128xi32>
    %shift_left3A_283 = arith.constant 17 : i32
    %shift_left3A_284 = vector.broadcast %shift_left3A_283 : i32 to vector<256x128xi32>
    %shift_left3A_285 = arith.shli %add3A_281, %shift_left3A_284 : vector<256x128xi32>
    %shift_right_logical3A_286 = arith.constant 15 : i32
    %shift_right_logical3A_287 = vector.broadcast %shift_right_logical3A_286 : i32 to vector<256x128xi32>
    %shift_right_logical3A_288 = arith.shrui %add3A_281, %shift_right_logical3A_287 : vector<256x128xi32>
    %or3A_289 = arith.ori %shift_left3A_285, %shift_right_logical3A_288 : vector<256x128xi32>
    %xor3A_290 = arith.xori %add3A_282, %or3A_289 : vector<256x128xi32>
    %add3A_291 = arith.addi %add3A_282, %xor3A_290 : vector<256x128xi32>
    %shift_left3A_292 = arith.constant 29 : i32
    %shift_left3A_293 = vector.broadcast %shift_left3A_292 : i32 to vector<256x128xi32>
    %shift_left3A_294 = arith.shli %xor3A_290, %shift_left3A_293 : vector<256x128xi32>
    %shift_right_logical3A_295 = arith.constant 3 : i32
    %shift_right_logical3A_296 = vector.broadcast %shift_right_logical3A_295 : i32 to vector<256x128xi32>
    %shift_right_logical3A_297 = arith.shrui %xor3A_290, %shift_right_logical3A_296 : vector<256x128xi32>
    %or3A_298 = arith.ori %shift_left3A_294, %shift_right_logical3A_297 : vector<256x128xi32>
    %xor3A_299 = arith.xori %add3A_291, %or3A_298 : vector<256x128xi32>
    %add3A_300 = arith.addi %add3A_291, %xor3A_299 : vector<256x128xi32>
    %shift_left3A_301 = arith.constant 16 : i32
    %shift_left3A_302 = vector.broadcast %shift_left3A_301 : i32 to vector<256x128xi32>
    %shift_left3A_303 = arith.shli %xor3A_299, %shift_left3A_302 : vector<256x128xi32>
    %shift_right_logical3A_304 = arith.constant 16 : i32
    %shift_right_logical3A_305 = vector.broadcast %shift_right_logical3A_304 : i32 to vector<256x128xi32>
    %shift_right_logical3A_306 = arith.shrui %xor3A_299, %shift_right_logical3A_305 : vector<256x128xi32>
    %or3A_307 = arith.ori %shift_left3A_303, %shift_right_logical3A_306 : vector<256x128xi32>
    %xor3A_308 = arith.xori %add3A_300, %or3A_307 : vector<256x128xi32>
    %add3A_309 = arith.addi %add3A_300, %xor3A_308 : vector<256x128xi32>
    %shift_left3A_310 = arith.constant 24 : i32
    %shift_left3A_311 = vector.broadcast %shift_left3A_310 : i32 to vector<256x128xi32>
    %shift_left3A_312 = arith.shli %xor3A_308, %shift_left3A_311 : vector<256x128xi32>
    %shift_right_logical3A_313 = arith.constant 8 : i32
    %shift_right_logical3A_314 = vector.broadcast %shift_right_logical3A_313 : i32 to vector<256x128xi32>
    %shift_right_logical3A_315 = arith.shrui %xor3A_308, %shift_right_logical3A_314 : vector<256x128xi32>
    %or3A_316 = arith.ori %shift_left3A_312, %shift_right_logical3A_315 : vector<256x128xi32>
    %xor3A_317 = arith.xori %add3A_309, %or3A_316 : vector<256x128xi32>
    %add3A_318 = arith.addi %add3A_309, %xor3A_238 : vector<256x128xi32>
    %add3A_319 = arith.addi %xor3A_317, %add3A_225 : vector<256x128xi32>
    %add3A_320 = arith.constant 2 : i32
    %add3A_321 = vector.broadcast %add3A_320 : i32 to vector<256x128xi32>
    %add3A_322 = arith.addi %add3A_319, %add3A_321 : vector<256x128xi32>
    %add3A_323 = arith.addi %add3A_318, %add3A_322 : vector<256x128xi32>
    %shift_left3A_324 = arith.constant 13 : i32
    %shift_left3A_325 = vector.broadcast %shift_left3A_324 : i32 to vector<256x128xi32>
    %shift_left3A_326 = arith.shli %add3A_322, %shift_left3A_325 : vector<256x128xi32>
    %shift_right_logical3A_327 = arith.constant 19 : i32
    %shift_right_logical3A_328 = vector.broadcast %shift_right_logical3A_327 : i32 to vector<256x128xi32>
    %shift_right_logical3A_329 = arith.shrui %add3A_322, %shift_right_logical3A_328 : vector<256x128xi32>
    %or3A_330 = arith.ori %shift_left3A_326, %shift_right_logical3A_329 : vector<256x128xi32>
    %xor3A_331 = arith.xori %add3A_323, %or3A_330 : vector<256x128xi32>
    %add3A_332 = arith.addi %add3A_323, %xor3A_331 : vector<256x128xi32>
    %shift_left3A_333 = arith.constant 15 : i32
    %shift_left3A_334 = vector.broadcast %shift_left3A_333 : i32 to vector<256x128xi32>
    %shift_left3A_335 = arith.shli %xor3A_331, %shift_left3A_334 : vector<256x128xi32>
    %shift_right_logical3A_336 = arith.constant 17 : i32
    %shift_right_logical3A_337 = vector.broadcast %shift_right_logical3A_336 : i32 to vector<256x128xi32>
    %shift_right_logical3A_338 = arith.shrui %xor3A_331, %shift_right_logical3A_337 : vector<256x128xi32>
    %or3A_339 = arith.ori %shift_left3A_335, %shift_right_logical3A_338 : vector<256x128xi32>
    %xor3A_340 = arith.xori %add3A_332, %or3A_339 : vector<256x128xi32>
    %add3A_341 = arith.addi %add3A_332, %xor3A_340 : vector<256x128xi32>
    %shift_left3A_342 = arith.constant 26 : i32
    %shift_left3A_343 = vector.broadcast %shift_left3A_342 : i32 to vector<256x128xi32>
    %shift_left3A_344 = arith.shli %xor3A_340, %shift_left3A_343 : vector<256x128xi32>
    %shift_right_logical3A_345 = arith.constant 6 : i32
    %shift_right_logical3A_346 = vector.broadcast %shift_right_logical3A_345 : i32 to vector<256x128xi32>
    %shift_right_logical3A_347 = arith.shrui %xor3A_340, %shift_right_logical3A_346 : vector<256x128xi32>
    %or3A_348 = arith.ori %shift_left3A_344, %shift_right_logical3A_347 : vector<256x128xi32>
    %xor3A_349 = arith.xori %add3A_341, %or3A_348 : vector<256x128xi32>
    %add3A_350 = arith.addi %add3A_341, %xor3A_349 : vector<256x128xi32>
    %shift_left3A_351 = arith.constant 6 : i32
    %shift_left3A_352 = vector.broadcast %shift_left3A_351 : i32 to vector<256x128xi32>
    %shift_left3A_353 = arith.shli %xor3A_349, %shift_left3A_352 : vector<256x128xi32>
    %shift_right_logical3A_354 = arith.constant 26 : i32
    %shift_right_logical3A_355 = vector.broadcast %shift_right_logical3A_354 : i32 to vector<256x128xi32>
    %shift_right_logical3A_356 = arith.shrui %xor3A_349, %shift_right_logical3A_355 : vector<256x128xi32>
    %or3A_357 = arith.ori %shift_left3A_353, %shift_right_logical3A_356 : vector<256x128xi32>
    %xor3A_358 = arith.xori %add3A_350, %or3A_357 : vector<256x128xi32>
    %add3A_359 = arith.addi %add3A_350, %add3A_225 : vector<256x128xi32>
    %add3A_360 = arith.addi %xor3A_358, %add3A_229 : vector<256x128xi32>
    %add3A_361 = arith.constant 3 : i32
    %add3A_362 = vector.broadcast %add3A_361 : i32 to vector<256x128xi32>
    %add3A_363 = arith.addi %add3A_360, %add3A_362 : vector<256x128xi32>
    %add3A_364 = arith.addi %add3A_359, %add3A_363 : vector<256x128xi32>
    %shift_left3A_365 = arith.constant 17 : i32
    %shift_left3A_366 = vector.broadcast %shift_left3A_365 : i32 to vector<256x128xi32>
    %shift_left3A_367 = arith.shli %add3A_363, %shift_left3A_366 : vector<256x128xi32>
    %shift_right_logical3A_368 = arith.constant 15 : i32
    %shift_right_logical3A_369 = vector.broadcast %shift_right_logical3A_368 : i32 to vector<256x128xi32>
    %shift_right_logical3A_370 = arith.shrui %add3A_363, %shift_right_logical3A_369 : vector<256x128xi32>
    %or3A_371 = arith.ori %shift_left3A_367, %shift_right_logical3A_370 : vector<256x128xi32>
    %xor3A_372 = arith.xori %add3A_364, %or3A_371 : vector<256x128xi32>
    %add3A_373 = arith.addi %add3A_364, %xor3A_372 : vector<256x128xi32>
    %shift_left3A_374 = arith.constant 29 : i32
    %shift_left3A_375 = vector.broadcast %shift_left3A_374 : i32 to vector<256x128xi32>
    %shift_left3A_376 = arith.shli %xor3A_372, %shift_left3A_375 : vector<256x128xi32>
    %shift_right_logical3A_377 = arith.constant 3 : i32
    %shift_right_logical3A_378 = vector.broadcast %shift_right_logical3A_377 : i32 to vector<256x128xi32>
    %shift_right_logical3A_379 = arith.shrui %xor3A_372, %shift_right_logical3A_378 : vector<256x128xi32>
    %or3A_380 = arith.ori %shift_left3A_376, %shift_right_logical3A_379 : vector<256x128xi32>
    %xor3A_381 = arith.xori %add3A_373, %or3A_380 : vector<256x128xi32>
    %add3A_382 = arith.addi %add3A_373, %xor3A_381 : vector<256x128xi32>
    %shift_left3A_383 = arith.constant 16 : i32
    %shift_left3A_384 = vector.broadcast %shift_left3A_383 : i32 to vector<256x128xi32>
    %shift_left3A_385 = arith.shli %xor3A_381, %shift_left3A_384 : vector<256x128xi32>
    %shift_right_logical3A_386 = arith.constant 16 : i32
    %shift_right_logical3A_387 = vector.broadcast %shift_right_logical3A_386 : i32 to vector<256x128xi32>
    %shift_right_logical3A_388 = arith.shrui %xor3A_381, %shift_right_logical3A_387 : vector<256x128xi32>
    %or3A_389 = arith.ori %shift_left3A_385, %shift_right_logical3A_388 : vector<256x128xi32>
    %xor3A_390 = arith.xori %add3A_382, %or3A_389 : vector<256x128xi32>
    %add3A_391 = arith.addi %add3A_382, %xor3A_390 : vector<256x128xi32>
    %shift_left3A_392 = arith.constant 24 : i32
    %shift_left3A_393 = vector.broadcast %shift_left3A_392 : i32 to vector<256x128xi32>
    %shift_left3A_394 = arith.shli %xor3A_390, %shift_left3A_393 : vector<256x128xi32>
    %shift_right_logical3A_395 = arith.constant 8 : i32
    %shift_right_logical3A_396 = vector.broadcast %shift_right_logical3A_395 : i32 to vector<256x128xi32>
    %shift_right_logical3A_397 = arith.shrui %xor3A_390, %shift_right_logical3A_396 : vector<256x128xi32>
    %or3A_398 = arith.ori %shift_left3A_394, %shift_right_logical3A_397 : vector<256x128xi32>
    %xor3A_399 = arith.xori %add3A_391, %or3A_398 : vector<256x128xi32>
    %add3A_400 = arith.addi %add3A_391, %add3A_229 : vector<256x128xi32>
    %add3A_401 = arith.addi %xor3A_399, %xor3A_238 : vector<256x128xi32>
    %add3A_402 = arith.constant 4 : i32
    %add3A_403 = vector.broadcast %add3A_402 : i32 to vector<256x128xi32>
    %add3A_404 = arith.addi %add3A_401, %add3A_403 : vector<256x128xi32>
    %add3A_405 = arith.addi %add3A_400, %add3A_404 : vector<256x128xi32>
    %shift_left3A_406 = arith.constant 13 : i32
    %shift_left3A_407 = vector.broadcast %shift_left3A_406 : i32 to vector<256x128xi32>
    %shift_left3A_408 = arith.shli %add3A_404, %shift_left3A_407 : vector<256x128xi32>
    %shift_right_logical3A_409 = arith.constant 19 : i32
    %shift_right_logical3A_410 = vector.broadcast %shift_right_logical3A_409 : i32 to vector<256x128xi32>
    %shift_right_logical3A_411 = arith.shrui %add3A_404, %shift_right_logical3A_410 : vector<256x128xi32>
    %or3A_412 = arith.ori %shift_left3A_408, %shift_right_logical3A_411 : vector<256x128xi32>
    %xor3A_413 = arith.xori %add3A_405, %or3A_412 : vector<256x128xi32>
    %add3A_414 = arith.addi %add3A_405, %xor3A_413 : vector<256x128xi32>
    %shift_left3A_415 = arith.constant 15 : i32
    %shift_left3A_416 = vector.broadcast %shift_left3A_415 : i32 to vector<256x128xi32>
    %shift_left3A_417 = arith.shli %xor3A_413, %shift_left3A_416 : vector<256x128xi32>
    %shift_right_logical3A_418 = arith.constant 17 : i32
    %shift_right_logical3A_419 = vector.broadcast %shift_right_logical3A_418 : i32 to vector<256x128xi32>
    %shift_right_logical3A_420 = arith.shrui %xor3A_413, %shift_right_logical3A_419 : vector<256x128xi32>
    %or3A_421 = arith.ori %shift_left3A_417, %shift_right_logical3A_420 : vector<256x128xi32>
    %xor3A_422 = arith.xori %add3A_414, %or3A_421 : vector<256x128xi32>
    %add3A_423 = arith.addi %add3A_414, %xor3A_422 : vector<256x128xi32>
    %shift_left3A_424 = arith.constant 26 : i32
    %shift_left3A_425 = vector.broadcast %shift_left3A_424 : i32 to vector<256x128xi32>
    %shift_left3A_426 = arith.shli %xor3A_422, %shift_left3A_425 : vector<256x128xi32>
    %shift_right_logical3A_427 = arith.constant 6 : i32
    %shift_right_logical3A_428 = vector.broadcast %shift_right_logical3A_427 : i32 to vector<256x128xi32>
    %shift_right_logical3A_429 = arith.shrui %xor3A_422, %shift_right_logical3A_428 : vector<256x128xi32>
    %or3A_430 = arith.ori %shift_left3A_426, %shift_right_logical3A_429 : vector<256x128xi32>
    %xor3A_431 = arith.xori %add3A_423, %or3A_430 : vector<256x128xi32>
    %add3A_432 = arith.addi %add3A_423, %xor3A_431 : vector<256x128xi32>
    %shift_left3A_433 = arith.constant 6 : i32
    %shift_left3A_434 = vector.broadcast %shift_left3A_433 : i32 to vector<256x128xi32>
    %shift_left3A_435 = arith.shli %xor3A_431, %shift_left3A_434 : vector<256x128xi32>
    %shift_right_logical3A_436 = arith.constant 26 : i32
    %shift_right_logical3A_437 = vector.broadcast %shift_right_logical3A_436 : i32 to vector<256x128xi32>
    %shift_right_logical3A_438 = arith.shrui %xor3A_431, %shift_right_logical3A_437 : vector<256x128xi32>
    %or3A_439 = arith.ori %shift_left3A_435, %shift_right_logical3A_438 : vector<256x128xi32>
    %xor3A_440 = arith.xori %add3A_432, %or3A_439 : vector<256x128xi32>
    %add3A_441 = arith.addi %add3A_432, %xor3A_238 : vector<256x128xi32>
    %add3A_442 = arith.addi %xor3A_440, %add3A_225 : vector<256x128xi32>
    %add3A_443 = arith.constant 5 : i32
    %add3A_444 = vector.broadcast %add3A_443 : i32 to vector<256x128xi32>
    %add3A_445 = arith.addi %add3A_442, %add3A_444 : vector<256x128xi32>
    %broadcast_in_dim3A_446 = arith.constant 0 : i32
    %broadcast_in_dim3A_447 = vector.broadcast %broadcast_in_dim3A_446 : i32 to vector<256x128xi32>
    %add3A_448 = arith.constant 1 : i32
    %add3A_449 = vector.broadcast %add3A_448 : i32 to vector<256x128xi32>
    %add3A_450 = arith.addi %broadcast_in_dim3A_447, %add3A_449 : vector<256x128xi32>
    %xor3A_451 = arith.xori %add3A_225, %add3A_229 : vector<256x128xi32>
    %xor3A_452 = arith.constant 466688986 : i32
    %xor3A_453 = vector.broadcast %xor3A_452 : i32 to vector<256x128xi32>
    %xor3A_454 = arith.xori %xor3A_451, %xor3A_453 : vector<256x128xi32>
    %add3A_455 = arith.addi %broadcast_in_dim3A_447, %add3A_225 : vector<256x128xi32>
    %add3A_456 = arith.addi %add3A_450, %add3A_229 : vector<256x128xi32>
    %add3A_457 = arith.addi %add3A_455, %add3A_456 : vector<256x128xi32>
    %shift_left3A_458 = arith.constant 13 : i32
    %shift_left3A_459 = vector.broadcast %shift_left3A_458 : i32 to vector<256x128xi32>
    %shift_left3A_460 = arith.shli %add3A_456, %shift_left3A_459 : vector<256x128xi32>
    %shift_right_logical3A_461 = arith.constant 19 : i32
    %shift_right_logical3A_462 = vector.broadcast %shift_right_logical3A_461 : i32 to vector<256x128xi32>
    %shift_right_logical3A_463 = arith.shrui %add3A_456, %shift_right_logical3A_462 : vector<256x128xi32>
    %or3A_464 = arith.ori %shift_left3A_460, %shift_right_logical3A_463 : vector<256x128xi32>
    %xor3A_465 = arith.xori %add3A_457, %or3A_464 : vector<256x128xi32>
    %add3A_466 = arith.addi %add3A_457, %xor3A_465 : vector<256x128xi32>
    %shift_left3A_467 = arith.constant 15 : i32
    %shift_left3A_468 = vector.broadcast %shift_left3A_467 : i32 to vector<256x128xi32>
    %shift_left3A_469 = arith.shli %xor3A_465, %shift_left3A_468 : vector<256x128xi32>
    %shift_right_logical3A_470 = arith.constant 17 : i32
    %shift_right_logical3A_471 = vector.broadcast %shift_right_logical3A_470 : i32 to vector<256x128xi32>
    %shift_right_logical3A_472 = arith.shrui %xor3A_465, %shift_right_logical3A_471 : vector<256x128xi32>
    %or3A_473 = arith.ori %shift_left3A_469, %shift_right_logical3A_472 : vector<256x128xi32>
    %xor3A_474 = arith.xori %add3A_466, %or3A_473 : vector<256x128xi32>
    %add3A_475 = arith.addi %add3A_466, %xor3A_474 : vector<256x128xi32>
    %shift_left3A_476 = arith.constant 26 : i32
    %shift_left3A_477 = vector.broadcast %shift_left3A_476 : i32 to vector<256x128xi32>
    %shift_left3A_478 = arith.shli %xor3A_474, %shift_left3A_477 : vector<256x128xi32>
    %shift_right_logical3A_479 = arith.constant 6 : i32
    %shift_right_logical3A_480 = vector.broadcast %shift_right_logical3A_479 : i32 to vector<256x128xi32>
    %shift_right_logical3A_481 = arith.shrui %xor3A_474, %shift_right_logical3A_480 : vector<256x128xi32>
    %or3A_482 = arith.ori %shift_left3A_478, %shift_right_logical3A_481 : vector<256x128xi32>
    %xor3A_483 = arith.xori %add3A_475, %or3A_482 : vector<256x128xi32>
    %add3A_484 = arith.addi %add3A_475, %xor3A_483 : vector<256x128xi32>
    %shift_left3A_485 = arith.constant 6 : i32
    %shift_left3A_486 = vector.broadcast %shift_left3A_485 : i32 to vector<256x128xi32>
    %shift_left3A_487 = arith.shli %xor3A_483, %shift_left3A_486 : vector<256x128xi32>
    %shift_right_logical3A_488 = arith.constant 26 : i32
    %shift_right_logical3A_489 = vector.broadcast %shift_right_logical3A_488 : i32 to vector<256x128xi32>
    %shift_right_logical3A_490 = arith.shrui %xor3A_483, %shift_right_logical3A_489 : vector<256x128xi32>
    %or3A_491 = arith.ori %shift_left3A_487, %shift_right_logical3A_490 : vector<256x128xi32>
    %xor3A_492 = arith.xori %add3A_484, %or3A_491 : vector<256x128xi32>
    %add3A_493 = arith.addi %add3A_484, %add3A_229 : vector<256x128xi32>
    %add3A_494 = arith.addi %xor3A_492, %xor3A_454 : vector<256x128xi32>
    %add3A_495 = arith.constant 1 : i32
    %add3A_496 = vector.broadcast %add3A_495 : i32 to vector<256x128xi32>
    %add3A_497 = arith.addi %add3A_494, %add3A_496 : vector<256x128xi32>
    %add3A_498 = arith.addi %add3A_493, %add3A_497 : vector<256x128xi32>
    %shift_left3A_499 = arith.constant 17 : i32
    %shift_left3A_500 = vector.broadcast %shift_left3A_499 : i32 to vector<256x128xi32>
    %shift_left3A_501 = arith.shli %add3A_497, %shift_left3A_500 : vector<256x128xi32>
    %shift_right_logical3A_502 = arith.constant 15 : i32
    %shift_right_logical3A_503 = vector.broadcast %shift_right_logical3A_502 : i32 to vector<256x128xi32>
    %shift_right_logical3A_504 = arith.shrui %add3A_497, %shift_right_logical3A_503 : vector<256x128xi32>
    %or3A_505 = arith.ori %shift_left3A_501, %shift_right_logical3A_504 : vector<256x128xi32>
    %xor3A_506 = arith.xori %add3A_498, %or3A_505 : vector<256x128xi32>
    %add3A_507 = arith.addi %add3A_498, %xor3A_506 : vector<256x128xi32>
    %shift_left3A_508 = arith.constant 29 : i32
    %shift_left3A_509 = vector.broadcast %shift_left3A_508 : i32 to vector<256x128xi32>
    %shift_left3A_510 = arith.shli %xor3A_506, %shift_left3A_509 : vector<256x128xi32>
    %shift_right_logical3A_511 = arith.constant 3 : i32
    %shift_right_logical3A_512 = vector.broadcast %shift_right_logical3A_511 : i32 to vector<256x128xi32>
    %shift_right_logical3A_513 = arith.shrui %xor3A_506, %shift_right_logical3A_512 : vector<256x128xi32>
    %or3A_514 = arith.ori %shift_left3A_510, %shift_right_logical3A_513 : vector<256x128xi32>
    %xor3A_515 = arith.xori %add3A_507, %or3A_514 : vector<256x128xi32>
    %add3A_516 = arith.addi %add3A_507, %xor3A_515 : vector<256x128xi32>
    %shift_left3A_517 = arith.constant 16 : i32
    %shift_left3A_518 = vector.broadcast %shift_left3A_517 : i32 to vector<256x128xi32>
    %shift_left3A_519 = arith.shli %xor3A_515, %shift_left3A_518 : vector<256x128xi32>
    %shift_right_logical3A_520 = arith.constant 16 : i32
    %shift_right_logical3A_521 = vector.broadcast %shift_right_logical3A_520 : i32 to vector<256x128xi32>
    %shift_right_logical3A_522 = arith.shrui %xor3A_515, %shift_right_logical3A_521 : vector<256x128xi32>
    %or3A_523 = arith.ori %shift_left3A_519, %shift_right_logical3A_522 : vector<256x128xi32>
    %xor3A_524 = arith.xori %add3A_516, %or3A_523 : vector<256x128xi32>
    %add3A_525 = arith.addi %add3A_516, %xor3A_524 : vector<256x128xi32>
    %shift_left3A_526 = arith.constant 24 : i32
    %shift_left3A_527 = vector.broadcast %shift_left3A_526 : i32 to vector<256x128xi32>
    %shift_left3A_528 = arith.shli %xor3A_524, %shift_left3A_527 : vector<256x128xi32>
    %shift_right_logical3A_529 = arith.constant 8 : i32
    %shift_right_logical3A_530 = vector.broadcast %shift_right_logical3A_529 : i32 to vector<256x128xi32>
    %shift_right_logical3A_531 = arith.shrui %xor3A_524, %shift_right_logical3A_530 : vector<256x128xi32>
    %or3A_532 = arith.ori %shift_left3A_528, %shift_right_logical3A_531 : vector<256x128xi32>
    %xor3A_533 = arith.xori %add3A_525, %or3A_532 : vector<256x128xi32>
    %add3A_534 = arith.addi %add3A_525, %xor3A_454 : vector<256x128xi32>
    %add3A_535 = arith.addi %xor3A_533, %add3A_225 : vector<256x128xi32>
    %add3A_536 = arith.constant 2 : i32
    %add3A_537 = vector.broadcast %add3A_536 : i32 to vector<256x128xi32>
    %add3A_538 = arith.addi %add3A_535, %add3A_537 : vector<256x128xi32>
    %add3A_539 = arith.addi %add3A_534, %add3A_538 : vector<256x128xi32>
    %shift_left3A_540 = arith.constant 13 : i32
    %shift_left3A_541 = vector.broadcast %shift_left3A_540 : i32 to vector<256x128xi32>
    %shift_left3A_542 = arith.shli %add3A_538, %shift_left3A_541 : vector<256x128xi32>
    %shift_right_logical3A_543 = arith.constant 19 : i32
    %shift_right_logical3A_544 = vector.broadcast %shift_right_logical3A_543 : i32 to vector<256x128xi32>
    %shift_right_logical3A_545 = arith.shrui %add3A_538, %shift_right_logical3A_544 : vector<256x128xi32>
    %or3A_546 = arith.ori %shift_left3A_542, %shift_right_logical3A_545 : vector<256x128xi32>
    %xor3A_547 = arith.xori %add3A_539, %or3A_546 : vector<256x128xi32>
    %add3A_548 = arith.addi %add3A_539, %xor3A_547 : vector<256x128xi32>
    %shift_left3A_549 = arith.constant 15 : i32
    %shift_left3A_550 = vector.broadcast %shift_left3A_549 : i32 to vector<256x128xi32>
    %shift_left3A_551 = arith.shli %xor3A_547, %shift_left3A_550 : vector<256x128xi32>
    %shift_right_logical3A_552 = arith.constant 17 : i32
    %shift_right_logical3A_553 = vector.broadcast %shift_right_logical3A_552 : i32 to vector<256x128xi32>
    %shift_right_logical3A_554 = arith.shrui %xor3A_547, %shift_right_logical3A_553 : vector<256x128xi32>
    %or3A_555 = arith.ori %shift_left3A_551, %shift_right_logical3A_554 : vector<256x128xi32>
    %xor3A_556 = arith.xori %add3A_548, %or3A_555 : vector<256x128xi32>
    %add3A_557 = arith.addi %add3A_548, %xor3A_556 : vector<256x128xi32>
    %shift_left3A_558 = arith.constant 26 : i32
    %shift_left3A_559 = vector.broadcast %shift_left3A_558 : i32 to vector<256x128xi32>
    %shift_left3A_560 = arith.shli %xor3A_556, %shift_left3A_559 : vector<256x128xi32>
    %shift_right_logical3A_561 = arith.constant 6 : i32
    %shift_right_logical3A_562 = vector.broadcast %shift_right_logical3A_561 : i32 to vector<256x128xi32>
    %shift_right_logical3A_563 = arith.shrui %xor3A_556, %shift_right_logical3A_562 : vector<256x128xi32>
    %or3A_564 = arith.ori %shift_left3A_560, %shift_right_logical3A_563 : vector<256x128xi32>
    %xor3A_565 = arith.xori %add3A_557, %or3A_564 : vector<256x128xi32>
    %add3A_566 = arith.addi %add3A_557, %xor3A_565 : vector<256x128xi32>
    %shift_left3A_567 = arith.constant 6 : i32
    %shift_left3A_568 = vector.broadcast %shift_left3A_567 : i32 to vector<256x128xi32>
    %shift_left3A_569 = arith.shli %xor3A_565, %shift_left3A_568 : vector<256x128xi32>
    %shift_right_logical3A_570 = arith.constant 26 : i32
    %shift_right_logical3A_571 = vector.broadcast %shift_right_logical3A_570 : i32 to vector<256x128xi32>
    %shift_right_logical3A_572 = arith.shrui %xor3A_565, %shift_right_logical3A_571 : vector<256x128xi32>
    %or3A_573 = arith.ori %shift_left3A_569, %shift_right_logical3A_572 : vector<256x128xi32>
    %xor3A_574 = arith.xori %add3A_566, %or3A_573 : vector<256x128xi32>
    %add3A_575 = arith.addi %add3A_566, %add3A_225 : vector<256x128xi32>
    %add3A_576 = arith.addi %xor3A_574, %add3A_229 : vector<256x128xi32>
    %add3A_577 = arith.constant 3 : i32
    %add3A_578 = vector.broadcast %add3A_577 : i32 to vector<256x128xi32>
    %add3A_579 = arith.addi %add3A_576, %add3A_578 : vector<256x128xi32>
    %add3A_580 = arith.addi %add3A_575, %add3A_579 : vector<256x128xi32>
    %shift_left3A_581 = arith.constant 17 : i32
    %shift_left3A_582 = vector.broadcast %shift_left3A_581 : i32 to vector<256x128xi32>
    %shift_left3A_583 = arith.shli %add3A_579, %shift_left3A_582 : vector<256x128xi32>
    %shift_right_logical3A_584 = arith.constant 15 : i32
    %shift_right_logical3A_585 = vector.broadcast %shift_right_logical3A_584 : i32 to vector<256x128xi32>
    %shift_right_logical3A_586 = arith.shrui %add3A_579, %shift_right_logical3A_585 : vector<256x128xi32>
    %or3A_587 = arith.ori %shift_left3A_583, %shift_right_logical3A_586 : vector<256x128xi32>
    %xor3A_588 = arith.xori %add3A_580, %or3A_587 : vector<256x128xi32>
    %add3A_589 = arith.addi %add3A_580, %xor3A_588 : vector<256x128xi32>
    %shift_left3A_590 = arith.constant 29 : i32
    %shift_left3A_591 = vector.broadcast %shift_left3A_590 : i32 to vector<256x128xi32>
    %shift_left3A_592 = arith.shli %xor3A_588, %shift_left3A_591 : vector<256x128xi32>
    %shift_right_logical3A_593 = arith.constant 3 : i32
    %shift_right_logical3A_594 = vector.broadcast %shift_right_logical3A_593 : i32 to vector<256x128xi32>
    %shift_right_logical3A_595 = arith.shrui %xor3A_588, %shift_right_logical3A_594 : vector<256x128xi32>
    %or3A_596 = arith.ori %shift_left3A_592, %shift_right_logical3A_595 : vector<256x128xi32>
    %xor3A_597 = arith.xori %add3A_589, %or3A_596 : vector<256x128xi32>
    %add3A_598 = arith.addi %add3A_589, %xor3A_597 : vector<256x128xi32>
    %shift_left3A_599 = arith.constant 16 : i32
    %shift_left3A_600 = vector.broadcast %shift_left3A_599 : i32 to vector<256x128xi32>
    %shift_left3A_601 = arith.shli %xor3A_597, %shift_left3A_600 : vector<256x128xi32>
    %shift_right_logical3A_602 = arith.constant 16 : i32
    %shift_right_logical3A_603 = vector.broadcast %shift_right_logical3A_602 : i32 to vector<256x128xi32>
    %shift_right_logical3A_604 = arith.shrui %xor3A_597, %shift_right_logical3A_603 : vector<256x128xi32>
    %or3A_605 = arith.ori %shift_left3A_601, %shift_right_logical3A_604 : vector<256x128xi32>
    %xor3A_606 = arith.xori %add3A_598, %or3A_605 : vector<256x128xi32>
    %add3A_607 = arith.addi %add3A_598, %xor3A_606 : vector<256x128xi32>
    %shift_left3A_608 = arith.constant 24 : i32
    %shift_left3A_609 = vector.broadcast %shift_left3A_608 : i32 to vector<256x128xi32>
    %shift_left3A_610 = arith.shli %xor3A_606, %shift_left3A_609 : vector<256x128xi32>
    %shift_right_logical3A_611 = arith.constant 8 : i32
    %shift_right_logical3A_612 = vector.broadcast %shift_right_logical3A_611 : i32 to vector<256x128xi32>
    %shift_right_logical3A_613 = arith.shrui %xor3A_606, %shift_right_logical3A_612 : vector<256x128xi32>
    %or3A_614 = arith.ori %shift_left3A_610, %shift_right_logical3A_613 : vector<256x128xi32>
    %xor3A_615 = arith.xori %add3A_607, %or3A_614 : vector<256x128xi32>
    %add3A_616 = arith.addi %add3A_607, %add3A_229 : vector<256x128xi32>
    %add3A_617 = arith.addi %xor3A_615, %xor3A_454 : vector<256x128xi32>
    %add3A_618 = arith.constant 4 : i32
    %add3A_619 = vector.broadcast %add3A_618 : i32 to vector<256x128xi32>
    %add3A_620 = arith.addi %add3A_617, %add3A_619 : vector<256x128xi32>
    %add3A_621 = arith.addi %add3A_616, %add3A_620 : vector<256x128xi32>
    %shift_left3A_622 = arith.constant 13 : i32
    %shift_left3A_623 = vector.broadcast %shift_left3A_622 : i32 to vector<256x128xi32>
    %shift_left3A_624 = arith.shli %add3A_620, %shift_left3A_623 : vector<256x128xi32>
    %shift_right_logical3A_625 = arith.constant 19 : i32
    %shift_right_logical3A_626 = vector.broadcast %shift_right_logical3A_625 : i32 to vector<256x128xi32>
    %shift_right_logical3A_627 = arith.shrui %add3A_620, %shift_right_logical3A_626 : vector<256x128xi32>
    %or3A_628 = arith.ori %shift_left3A_624, %shift_right_logical3A_627 : vector<256x128xi32>
    %xor3A_629 = arith.xori %add3A_621, %or3A_628 : vector<256x128xi32>
    %add3A_630 = arith.addi %add3A_621, %xor3A_629 : vector<256x128xi32>
    %shift_left3A_631 = arith.constant 15 : i32
    %shift_left3A_632 = vector.broadcast %shift_left3A_631 : i32 to vector<256x128xi32>
    %shift_left3A_633 = arith.shli %xor3A_629, %shift_left3A_632 : vector<256x128xi32>
    %shift_right_logical3A_634 = arith.constant 17 : i32
    %shift_right_logical3A_635 = vector.broadcast %shift_right_logical3A_634 : i32 to vector<256x128xi32>
    %shift_right_logical3A_636 = arith.shrui %xor3A_629, %shift_right_logical3A_635 : vector<256x128xi32>
    %or3A_637 = arith.ori %shift_left3A_633, %shift_right_logical3A_636 : vector<256x128xi32>
    %xor3A_638 = arith.xori %add3A_630, %or3A_637 : vector<256x128xi32>
    %add3A_639 = arith.addi %add3A_630, %xor3A_638 : vector<256x128xi32>
    %shift_left3A_640 = arith.constant 26 : i32
    %shift_left3A_641 = vector.broadcast %shift_left3A_640 : i32 to vector<256x128xi32>
    %shift_left3A_642 = arith.shli %xor3A_638, %shift_left3A_641 : vector<256x128xi32>
    %shift_right_logical3A_643 = arith.constant 6 : i32
    %shift_right_logical3A_644 = vector.broadcast %shift_right_logical3A_643 : i32 to vector<256x128xi32>
    %shift_right_logical3A_645 = arith.shrui %xor3A_638, %shift_right_logical3A_644 : vector<256x128xi32>
    %or3A_646 = arith.ori %shift_left3A_642, %shift_right_logical3A_645 : vector<256x128xi32>
    %xor3A_647 = arith.xori %add3A_639, %or3A_646 : vector<256x128xi32>
    %add3A_648 = arith.addi %add3A_639, %xor3A_647 : vector<256x128xi32>
    %shift_left3A_649 = arith.constant 6 : i32
    %shift_left3A_650 = vector.broadcast %shift_left3A_649 : i32 to vector<256x128xi32>
    %shift_left3A_651 = arith.shli %xor3A_647, %shift_left3A_650 : vector<256x128xi32>
    %shift_right_logical3A_652 = arith.constant 26 : i32
    %shift_right_logical3A_653 = vector.broadcast %shift_right_logical3A_652 : i32 to vector<256x128xi32>
    %shift_right_logical3A_654 = arith.shrui %xor3A_647, %shift_right_logical3A_653 : vector<256x128xi32>
    %or3A_655 = arith.ori %shift_left3A_651, %shift_right_logical3A_654 : vector<256x128xi32>
    %xor3A_656 = arith.xori %add3A_648, %or3A_655 : vector<256x128xi32>
    %add3A_657 = arith.addi %add3A_648, %xor3A_454 : vector<256x128xi32>
    %add3A_658 = arith.addi %xor3A_656, %add3A_225 : vector<256x128xi32>
    %add3A_659 = arith.constant 5 : i32
    %add3A_660 = vector.broadcast %add3A_659 : i32 to vector<256x128xi32>
    %add3A_661 = arith.addi %add3A_658, %add3A_660 : vector<256x128xi32>
    %broadcast_in_dim3A_662 = arith.constant 0 : i32
    %broadcast_in_dim3A_663 = vector.broadcast %broadcast_in_dim3A_662 : i32 to vector<256x128xi32>
    %add3A_664 = arith.constant 0 : i32
    %add3A_665 = vector.broadcast %add3A_664 : i32 to vector<256x128xi32>
    %add3A_666 = arith.addi %broadcast_in_dim3A_663, %add3A_665 : vector<256x128xi32>
    %xor3A_667 = arith.xori %add3A_441, %add3A_445 : vector<256x128xi32>
    %xor3A_668 = arith.constant 466688986 : i32
    %xor3A_669 = vector.broadcast %xor3A_668 : i32 to vector<256x128xi32>
    %xor3A_670 = arith.xori %xor3A_667, %xor3A_669 : vector<256x128xi32>
    %add3A_671 = arith.addi %broadcast_in_dim3A_663, %add3A_441 : vector<256x128xi32>
    %add3A_672 = arith.addi %add3A_666, %add3A_445 : vector<256x128xi32>
    %add3A_673 = arith.addi %add3A_671, %add3A_672 : vector<256x128xi32>
    %shift_left3A_674 = arith.constant 13 : i32
    %shift_left3A_675 = vector.broadcast %shift_left3A_674 : i32 to vector<256x128xi32>
    %shift_left3A_676 = arith.shli %add3A_672, %shift_left3A_675 : vector<256x128xi32>
    %shift_right_logical3A_677 = arith.constant 19 : i32
    %shift_right_logical3A_678 = vector.broadcast %shift_right_logical3A_677 : i32 to vector<256x128xi32>
    %shift_right_logical3A_679 = arith.shrui %add3A_672, %shift_right_logical3A_678 : vector<256x128xi32>
    %or3A_680 = arith.ori %shift_left3A_676, %shift_right_logical3A_679 : vector<256x128xi32>
    %xor3A_681 = arith.xori %add3A_673, %or3A_680 : vector<256x128xi32>
    %add3A_682 = arith.addi %add3A_673, %xor3A_681 : vector<256x128xi32>
    %shift_left3A_683 = arith.constant 15 : i32
    %shift_left3A_684 = vector.broadcast %shift_left3A_683 : i32 to vector<256x128xi32>
    %shift_left3A_685 = arith.shli %xor3A_681, %shift_left3A_684 : vector<256x128xi32>
    %shift_right_logical3A_686 = arith.constant 17 : i32
    %shift_right_logical3A_687 = vector.broadcast %shift_right_logical3A_686 : i32 to vector<256x128xi32>
    %shift_right_logical3A_688 = arith.shrui %xor3A_681, %shift_right_logical3A_687 : vector<256x128xi32>
    %or3A_689 = arith.ori %shift_left3A_685, %shift_right_logical3A_688 : vector<256x128xi32>
    %xor3A_690 = arith.xori %add3A_682, %or3A_689 : vector<256x128xi32>
    %add3A_691 = arith.addi %add3A_682, %xor3A_690 : vector<256x128xi32>
    %shift_left3A_692 = arith.constant 26 : i32
    %shift_left3A_693 = vector.broadcast %shift_left3A_692 : i32 to vector<256x128xi32>
    %shift_left3A_694 = arith.shli %xor3A_690, %shift_left3A_693 : vector<256x128xi32>
    %shift_right_logical3A_695 = arith.constant 6 : i32
    %shift_right_logical3A_696 = vector.broadcast %shift_right_logical3A_695 : i32 to vector<256x128xi32>
    %shift_right_logical3A_697 = arith.shrui %xor3A_690, %shift_right_logical3A_696 : vector<256x128xi32>
    %or3A_698 = arith.ori %shift_left3A_694, %shift_right_logical3A_697 : vector<256x128xi32>
    %xor3A_699 = arith.xori %add3A_691, %or3A_698 : vector<256x128xi32>
    %add3A_700 = arith.addi %add3A_691, %xor3A_699 : vector<256x128xi32>
    %shift_left3A_701 = arith.constant 6 : i32
    %shift_left3A_702 = vector.broadcast %shift_left3A_701 : i32 to vector<256x128xi32>
    %shift_left3A_703 = arith.shli %xor3A_699, %shift_left3A_702 : vector<256x128xi32>
    %shift_right_logical3A_704 = arith.constant 26 : i32
    %shift_right_logical3A_705 = vector.broadcast %shift_right_logical3A_704 : i32 to vector<256x128xi32>
    %shift_right_logical3A_706 = arith.shrui %xor3A_699, %shift_right_logical3A_705 : vector<256x128xi32>
    %or3A_707 = arith.ori %shift_left3A_703, %shift_right_logical3A_706 : vector<256x128xi32>
    %xor3A_708 = arith.xori %add3A_700, %or3A_707 : vector<256x128xi32>
    %add3A_709 = arith.addi %add3A_700, %add3A_445 : vector<256x128xi32>
    %add3A_710 = arith.addi %xor3A_708, %xor3A_670 : vector<256x128xi32>
    %add3A_711 = arith.constant 1 : i32
    %add3A_712 = vector.broadcast %add3A_711 : i32 to vector<256x128xi32>
    %add3A_713 = arith.addi %add3A_710, %add3A_712 : vector<256x128xi32>
    %add3A_714 = arith.addi %add3A_709, %add3A_713 : vector<256x128xi32>
    %shift_left3A_715 = arith.constant 17 : i32
    %shift_left3A_716 = vector.broadcast %shift_left3A_715 : i32 to vector<256x128xi32>
    %shift_left3A_717 = arith.shli %add3A_713, %shift_left3A_716 : vector<256x128xi32>
    %shift_right_logical3A_718 = arith.constant 15 : i32
    %shift_right_logical3A_719 = vector.broadcast %shift_right_logical3A_718 : i32 to vector<256x128xi32>
    %shift_right_logical3A_720 = arith.shrui %add3A_713, %shift_right_logical3A_719 : vector<256x128xi32>
    %or3A_721 = arith.ori %shift_left3A_717, %shift_right_logical3A_720 : vector<256x128xi32>
    %xor3A_722 = arith.xori %add3A_714, %or3A_721 : vector<256x128xi32>
    %add3A_723 = arith.addi %add3A_714, %xor3A_722 : vector<256x128xi32>
    %shift_left3A_724 = arith.constant 29 : i32
    %shift_left3A_725 = vector.broadcast %shift_left3A_724 : i32 to vector<256x128xi32>
    %shift_left3A_726 = arith.shli %xor3A_722, %shift_left3A_725 : vector<256x128xi32>
    %shift_right_logical3A_727 = arith.constant 3 : i32
    %shift_right_logical3A_728 = vector.broadcast %shift_right_logical3A_727 : i32 to vector<256x128xi32>
    %shift_right_logical3A_729 = arith.shrui %xor3A_722, %shift_right_logical3A_728 : vector<256x128xi32>
    %or3A_730 = arith.ori %shift_left3A_726, %shift_right_logical3A_729 : vector<256x128xi32>
    %xor3A_731 = arith.xori %add3A_723, %or3A_730 : vector<256x128xi32>
    %add3A_732 = arith.addi %add3A_723, %xor3A_731 : vector<256x128xi32>
    %shift_left3A_733 = arith.constant 16 : i32
    %shift_left3A_734 = vector.broadcast %shift_left3A_733 : i32 to vector<256x128xi32>
    %shift_left3A_735 = arith.shli %xor3A_731, %shift_left3A_734 : vector<256x128xi32>
    %shift_right_logical3A_736 = arith.constant 16 : i32
    %shift_right_logical3A_737 = vector.broadcast %shift_right_logical3A_736 : i32 to vector<256x128xi32>
    %shift_right_logical3A_738 = arith.shrui %xor3A_731, %shift_right_logical3A_737 : vector<256x128xi32>
    %or3A_739 = arith.ori %shift_left3A_735, %shift_right_logical3A_738 : vector<256x128xi32>
    %xor3A_740 = arith.xori %add3A_732, %or3A_739 : vector<256x128xi32>
    %add3A_741 = arith.addi %add3A_732, %xor3A_740 : vector<256x128xi32>
    %shift_left3A_742 = arith.constant 24 : i32
    %shift_left3A_743 = vector.broadcast %shift_left3A_742 : i32 to vector<256x128xi32>
    %shift_left3A_744 = arith.shli %xor3A_740, %shift_left3A_743 : vector<256x128xi32>
    %shift_right_logical3A_745 = arith.constant 8 : i32
    %shift_right_logical3A_746 = vector.broadcast %shift_right_logical3A_745 : i32 to vector<256x128xi32>
    %shift_right_logical3A_747 = arith.shrui %xor3A_740, %shift_right_logical3A_746 : vector<256x128xi32>
    %or3A_748 = arith.ori %shift_left3A_744, %shift_right_logical3A_747 : vector<256x128xi32>
    %xor3A_749 = arith.xori %add3A_741, %or3A_748 : vector<256x128xi32>
    %add3A_750 = arith.addi %add3A_741, %xor3A_670 : vector<256x128xi32>
    %add3A_751 = arith.addi %xor3A_749, %add3A_441 : vector<256x128xi32>
    %add3A_752 = arith.constant 2 : i32
    %add3A_753 = vector.broadcast %add3A_752 : i32 to vector<256x128xi32>
    %add3A_754 = arith.addi %add3A_751, %add3A_753 : vector<256x128xi32>
    %add3A_755 = arith.addi %add3A_750, %add3A_754 : vector<256x128xi32>
    %shift_left3A_756 = arith.constant 13 : i32
    %shift_left3A_757 = vector.broadcast %shift_left3A_756 : i32 to vector<256x128xi32>
    %shift_left3A_758 = arith.shli %add3A_754, %shift_left3A_757 : vector<256x128xi32>
    %shift_right_logical3A_759 = arith.constant 19 : i32
    %shift_right_logical3A_760 = vector.broadcast %shift_right_logical3A_759 : i32 to vector<256x128xi32>
    %shift_right_logical3A_761 = arith.shrui %add3A_754, %shift_right_logical3A_760 : vector<256x128xi32>
    %or3A_762 = arith.ori %shift_left3A_758, %shift_right_logical3A_761 : vector<256x128xi32>
    %xor3A_763 = arith.xori %add3A_755, %or3A_762 : vector<256x128xi32>
    %add3A_764 = arith.addi %add3A_755, %xor3A_763 : vector<256x128xi32>
    %shift_left3A_765 = arith.constant 15 : i32
    %shift_left3A_766 = vector.broadcast %shift_left3A_765 : i32 to vector<256x128xi32>
    %shift_left3A_767 = arith.shli %xor3A_763, %shift_left3A_766 : vector<256x128xi32>
    %shift_right_logical3A_768 = arith.constant 17 : i32
    %shift_right_logical3A_769 = vector.broadcast %shift_right_logical3A_768 : i32 to vector<256x128xi32>
    %shift_right_logical3A_770 = arith.shrui %xor3A_763, %shift_right_logical3A_769 : vector<256x128xi32>
    %or3A_771 = arith.ori %shift_left3A_767, %shift_right_logical3A_770 : vector<256x128xi32>
    %xor3A_772 = arith.xori %add3A_764, %or3A_771 : vector<256x128xi32>
    %add3A_773 = arith.addi %add3A_764, %xor3A_772 : vector<256x128xi32>
    %shift_left3A_774 = arith.constant 26 : i32
    %shift_left3A_775 = vector.broadcast %shift_left3A_774 : i32 to vector<256x128xi32>
    %shift_left3A_776 = arith.shli %xor3A_772, %shift_left3A_775 : vector<256x128xi32>
    %shift_right_logical3A_777 = arith.constant 6 : i32
    %shift_right_logical3A_778 = vector.broadcast %shift_right_logical3A_777 : i32 to vector<256x128xi32>
    %shift_right_logical3A_779 = arith.shrui %xor3A_772, %shift_right_logical3A_778 : vector<256x128xi32>
    %or3A_780 = arith.ori %shift_left3A_776, %shift_right_logical3A_779 : vector<256x128xi32>
    %xor3A_781 = arith.xori %add3A_773, %or3A_780 : vector<256x128xi32>
    %add3A_782 = arith.addi %add3A_773, %xor3A_781 : vector<256x128xi32>
    %shift_left3A_783 = arith.constant 6 : i32
    %shift_left3A_784 = vector.broadcast %shift_left3A_783 : i32 to vector<256x128xi32>
    %shift_left3A_785 = arith.shli %xor3A_781, %shift_left3A_784 : vector<256x128xi32>
    %shift_right_logical3A_786 = arith.constant 26 : i32
    %shift_right_logical3A_787 = vector.broadcast %shift_right_logical3A_786 : i32 to vector<256x128xi32>
    %shift_right_logical3A_788 = arith.shrui %xor3A_781, %shift_right_logical3A_787 : vector<256x128xi32>
    %or3A_789 = arith.ori %shift_left3A_785, %shift_right_logical3A_788 : vector<256x128xi32>
    %xor3A_790 = arith.xori %add3A_782, %or3A_789 : vector<256x128xi32>
    %add3A_791 = arith.addi %add3A_782, %add3A_441 : vector<256x128xi32>
    %add3A_792 = arith.addi %xor3A_790, %add3A_445 : vector<256x128xi32>
    %add3A_793 = arith.constant 3 : i32
    %add3A_794 = vector.broadcast %add3A_793 : i32 to vector<256x128xi32>
    %add3A_795 = arith.addi %add3A_792, %add3A_794 : vector<256x128xi32>
    %add3A_796 = arith.addi %add3A_791, %add3A_795 : vector<256x128xi32>
    %shift_left3A_797 = arith.constant 17 : i32
    %shift_left3A_798 = vector.broadcast %shift_left3A_797 : i32 to vector<256x128xi32>
    %shift_left3A_799 = arith.shli %add3A_795, %shift_left3A_798 : vector<256x128xi32>
    %shift_right_logical3A_800 = arith.constant 15 : i32
    %shift_right_logical3A_801 = vector.broadcast %shift_right_logical3A_800 : i32 to vector<256x128xi32>
    %shift_right_logical3A_802 = arith.shrui %add3A_795, %shift_right_logical3A_801 : vector<256x128xi32>
    %or3A_803 = arith.ori %shift_left3A_799, %shift_right_logical3A_802 : vector<256x128xi32>
    %xor3A_804 = arith.xori %add3A_796, %or3A_803 : vector<256x128xi32>
    %add3A_805 = arith.addi %add3A_796, %xor3A_804 : vector<256x128xi32>
    %shift_left3A_806 = arith.constant 29 : i32
    %shift_left3A_807 = vector.broadcast %shift_left3A_806 : i32 to vector<256x128xi32>
    %shift_left3A_808 = arith.shli %xor3A_804, %shift_left3A_807 : vector<256x128xi32>
    %shift_right_logical3A_809 = arith.constant 3 : i32
    %shift_right_logical3A_810 = vector.broadcast %shift_right_logical3A_809 : i32 to vector<256x128xi32>
    %shift_right_logical3A_811 = arith.shrui %xor3A_804, %shift_right_logical3A_810 : vector<256x128xi32>
    %or3A_812 = arith.ori %shift_left3A_808, %shift_right_logical3A_811 : vector<256x128xi32>
    %xor3A_813 = arith.xori %add3A_805, %or3A_812 : vector<256x128xi32>
    %add3A_814 = arith.addi %add3A_805, %xor3A_813 : vector<256x128xi32>
    %shift_left3A_815 = arith.constant 16 : i32
    %shift_left3A_816 = vector.broadcast %shift_left3A_815 : i32 to vector<256x128xi32>
    %shift_left3A_817 = arith.shli %xor3A_813, %shift_left3A_816 : vector<256x128xi32>
    %shift_right_logical3A_818 = arith.constant 16 : i32
    %shift_right_logical3A_819 = vector.broadcast %shift_right_logical3A_818 : i32 to vector<256x128xi32>
    %shift_right_logical3A_820 = arith.shrui %xor3A_813, %shift_right_logical3A_819 : vector<256x128xi32>
    %or3A_821 = arith.ori %shift_left3A_817, %shift_right_logical3A_820 : vector<256x128xi32>
    %xor3A_822 = arith.xori %add3A_814, %or3A_821 : vector<256x128xi32>
    %add3A_823 = arith.addi %add3A_814, %xor3A_822 : vector<256x128xi32>
    %shift_left3A_824 = arith.constant 24 : i32
    %shift_left3A_825 = vector.broadcast %shift_left3A_824 : i32 to vector<256x128xi32>
    %shift_left3A_826 = arith.shli %xor3A_822, %shift_left3A_825 : vector<256x128xi32>
    %shift_right_logical3A_827 = arith.constant 8 : i32
    %shift_right_logical3A_828 = vector.broadcast %shift_right_logical3A_827 : i32 to vector<256x128xi32>
    %shift_right_logical3A_829 = arith.shrui %xor3A_822, %shift_right_logical3A_828 : vector<256x128xi32>
    %or3A_830 = arith.ori %shift_left3A_826, %shift_right_logical3A_829 : vector<256x128xi32>
    %xor3A_831 = arith.xori %add3A_823, %or3A_830 : vector<256x128xi32>
    %add3A_832 = arith.addi %add3A_823, %add3A_445 : vector<256x128xi32>
    %add3A_833 = arith.addi %xor3A_831, %xor3A_670 : vector<256x128xi32>
    %add3A_834 = arith.constant 4 : i32
    %add3A_835 = vector.broadcast %add3A_834 : i32 to vector<256x128xi32>
    %add3A_836 = arith.addi %add3A_833, %add3A_835 : vector<256x128xi32>
    %add3A_837 = arith.addi %add3A_832, %add3A_836 : vector<256x128xi32>
    %shift_left3A_838 = arith.constant 13 : i32
    %shift_left3A_839 = vector.broadcast %shift_left3A_838 : i32 to vector<256x128xi32>
    %shift_left3A_840 = arith.shli %add3A_836, %shift_left3A_839 : vector<256x128xi32>
    %shift_right_logical3A_841 = arith.constant 19 : i32
    %shift_right_logical3A_842 = vector.broadcast %shift_right_logical3A_841 : i32 to vector<256x128xi32>
    %shift_right_logical3A_843 = arith.shrui %add3A_836, %shift_right_logical3A_842 : vector<256x128xi32>
    %or3A_844 = arith.ori %shift_left3A_840, %shift_right_logical3A_843 : vector<256x128xi32>
    %xor3A_845 = arith.xori %add3A_837, %or3A_844 : vector<256x128xi32>
    %add3A_846 = arith.addi %add3A_837, %xor3A_845 : vector<256x128xi32>
    %shift_left3A_847 = arith.constant 15 : i32
    %shift_left3A_848 = vector.broadcast %shift_left3A_847 : i32 to vector<256x128xi32>
    %shift_left3A_849 = arith.shli %xor3A_845, %shift_left3A_848 : vector<256x128xi32>
    %shift_right_logical3A_850 = arith.constant 17 : i32
    %shift_right_logical3A_851 = vector.broadcast %shift_right_logical3A_850 : i32 to vector<256x128xi32>
    %shift_right_logical3A_852 = arith.shrui %xor3A_845, %shift_right_logical3A_851 : vector<256x128xi32>
    %or3A_853 = arith.ori %shift_left3A_849, %shift_right_logical3A_852 : vector<256x128xi32>
    %xor3A_854 = arith.xori %add3A_846, %or3A_853 : vector<256x128xi32>
    %add3A_855 = arith.addi %add3A_846, %xor3A_854 : vector<256x128xi32>
    %shift_left3A_856 = arith.constant 26 : i32
    %shift_left3A_857 = vector.broadcast %shift_left3A_856 : i32 to vector<256x128xi32>
    %shift_left3A_858 = arith.shli %xor3A_854, %shift_left3A_857 : vector<256x128xi32>
    %shift_right_logical3A_859 = arith.constant 6 : i32
    %shift_right_logical3A_860 = vector.broadcast %shift_right_logical3A_859 : i32 to vector<256x128xi32>
    %shift_right_logical3A_861 = arith.shrui %xor3A_854, %shift_right_logical3A_860 : vector<256x128xi32>
    %or3A_862 = arith.ori %shift_left3A_858, %shift_right_logical3A_861 : vector<256x128xi32>
    %xor3A_863 = arith.xori %add3A_855, %or3A_862 : vector<256x128xi32>
    %add3A_864 = arith.addi %add3A_855, %xor3A_863 : vector<256x128xi32>
    %shift_left3A_865 = arith.constant 6 : i32
    %shift_left3A_866 = vector.broadcast %shift_left3A_865 : i32 to vector<256x128xi32>
    %shift_left3A_867 = arith.shli %xor3A_863, %shift_left3A_866 : vector<256x128xi32>
    %shift_right_logical3A_868 = arith.constant 26 : i32
    %shift_right_logical3A_869 = vector.broadcast %shift_right_logical3A_868 : i32 to vector<256x128xi32>
    %shift_right_logical3A_870 = arith.shrui %xor3A_863, %shift_right_logical3A_869 : vector<256x128xi32>
    %or3A_871 = arith.ori %shift_left3A_867, %shift_right_logical3A_870 : vector<256x128xi32>
    %xor3A_872 = arith.xori %add3A_864, %or3A_871 : vector<256x128xi32>
    %add3A_873 = arith.addi %add3A_864, %xor3A_670 : vector<256x128xi32>
    %add3A_874 = arith.addi %xor3A_872, %add3A_441 : vector<256x128xi32>
    %add3A_875 = arith.constant 5 : i32
    %add3A_876 = vector.broadcast %add3A_875 : i32 to vector<256x128xi32>
    %add3A_877 = arith.addi %add3A_874, %add3A_876 : vector<256x128xi32>
    %broadcast_in_dim3A_878 = arith.constant 0 : i32
    %broadcast_in_dim3A_879 = vector.broadcast %broadcast_in_dim3A_878 : i32 to vector<256x128xi32>
    %add3A_880 = arith.constant 1 : i32
    %add3A_881 = vector.broadcast %add3A_880 : i32 to vector<256x128xi32>
    %add3A_882 = arith.addi %broadcast_in_dim3A_879, %add3A_881 : vector<256x128xi32>
    %xor3A_883 = arith.xori %add3A_441, %add3A_445 : vector<256x128xi32>
    %xor3A_884 = arith.constant 466688986 : i32
    %xor3A_885 = vector.broadcast %xor3A_884 : i32 to vector<256x128xi32>
    %xor3A_886 = arith.xori %xor3A_883, %xor3A_885 : vector<256x128xi32>
    %add3A_887 = arith.addi %broadcast_in_dim3A_879, %add3A_441 : vector<256x128xi32>
    %add3A_888 = arith.addi %add3A_882, %add3A_445 : vector<256x128xi32>
    %add3A_889 = arith.addi %add3A_887, %add3A_888 : vector<256x128xi32>
    %shift_left3A_890 = arith.constant 13 : i32
    %shift_left3A_891 = vector.broadcast %shift_left3A_890 : i32 to vector<256x128xi32>
    %shift_left3A_892 = arith.shli %add3A_888, %shift_left3A_891 : vector<256x128xi32>
    %shift_right_logical3A_893 = arith.constant 19 : i32
    %shift_right_logical3A_894 = vector.broadcast %shift_right_logical3A_893 : i32 to vector<256x128xi32>
    %shift_right_logical3A_895 = arith.shrui %add3A_888, %shift_right_logical3A_894 : vector<256x128xi32>
    %or3A_896 = arith.ori %shift_left3A_892, %shift_right_logical3A_895 : vector<256x128xi32>
    %xor3A_897 = arith.xori %add3A_889, %or3A_896 : vector<256x128xi32>
    %add3A_898 = arith.addi %add3A_889, %xor3A_897 : vector<256x128xi32>
    %shift_left3A_899 = arith.constant 15 : i32
    %shift_left3A_900 = vector.broadcast %shift_left3A_899 : i32 to vector<256x128xi32>
    %shift_left3A_901 = arith.shli %xor3A_897, %shift_left3A_900 : vector<256x128xi32>
    %shift_right_logical3A_902 = arith.constant 17 : i32
    %shift_right_logical3A_903 = vector.broadcast %shift_right_logical3A_902 : i32 to vector<256x128xi32>
    %shift_right_logical3A_904 = arith.shrui %xor3A_897, %shift_right_logical3A_903 : vector<256x128xi32>
    %or3A_905 = arith.ori %shift_left3A_901, %shift_right_logical3A_904 : vector<256x128xi32>
    %xor3A_906 = arith.xori %add3A_898, %or3A_905 : vector<256x128xi32>
    %add3A_907 = arith.addi %add3A_898, %xor3A_906 : vector<256x128xi32>
    %shift_left3A_908 = arith.constant 26 : i32
    %shift_left3A_909 = vector.broadcast %shift_left3A_908 : i32 to vector<256x128xi32>
    %shift_left3A_910 = arith.shli %xor3A_906, %shift_left3A_909 : vector<256x128xi32>
    %shift_right_logical3A_911 = arith.constant 6 : i32
    %shift_right_logical3A_912 = vector.broadcast %shift_right_logical3A_911 : i32 to vector<256x128xi32>
    %shift_right_logical3A_913 = arith.shrui %xor3A_906, %shift_right_logical3A_912 : vector<256x128xi32>
    %or3A_914 = arith.ori %shift_left3A_910, %shift_right_logical3A_913 : vector<256x128xi32>
    %xor3A_915 = arith.xori %add3A_907, %or3A_914 : vector<256x128xi32>
    %add3A_916 = arith.addi %add3A_907, %xor3A_915 : vector<256x128xi32>
    %shift_left3A_917 = arith.constant 6 : i32
    %shift_left3A_918 = vector.broadcast %shift_left3A_917 : i32 to vector<256x128xi32>
    %shift_left3A_919 = arith.shli %xor3A_915, %shift_left3A_918 : vector<256x128xi32>
    %shift_right_logical3A_920 = arith.constant 26 : i32
    %shift_right_logical3A_921 = vector.broadcast %shift_right_logical3A_920 : i32 to vector<256x128xi32>
    %shift_right_logical3A_922 = arith.shrui %xor3A_915, %shift_right_logical3A_921 : vector<256x128xi32>
    %or3A_923 = arith.ori %shift_left3A_919, %shift_right_logical3A_922 : vector<256x128xi32>
    %xor3A_924 = arith.xori %add3A_916, %or3A_923 : vector<256x128xi32>
    %add3A_925 = arith.addi %add3A_916, %add3A_445 : vector<256x128xi32>
    %add3A_926 = arith.addi %xor3A_924, %xor3A_886 : vector<256x128xi32>
    %add3A_927 = arith.constant 1 : i32
    %add3A_928 = vector.broadcast %add3A_927 : i32 to vector<256x128xi32>
    %add3A_929 = arith.addi %add3A_926, %add3A_928 : vector<256x128xi32>
    %add3A_930 = arith.addi %add3A_925, %add3A_929 : vector<256x128xi32>
    %shift_left3A_931 = arith.constant 17 : i32
    %shift_left3A_932 = vector.broadcast %shift_left3A_931 : i32 to vector<256x128xi32>
    %shift_left3A_933 = arith.shli %add3A_929, %shift_left3A_932 : vector<256x128xi32>
    %shift_right_logical3A_934 = arith.constant 15 : i32
    %shift_right_logical3A_935 = vector.broadcast %shift_right_logical3A_934 : i32 to vector<256x128xi32>
    %shift_right_logical3A_936 = arith.shrui %add3A_929, %shift_right_logical3A_935 : vector<256x128xi32>
    %or3A_937 = arith.ori %shift_left3A_933, %shift_right_logical3A_936 : vector<256x128xi32>
    %xor3A_938 = arith.xori %add3A_930, %or3A_937 : vector<256x128xi32>
    %add3A_939 = arith.addi %add3A_930, %xor3A_938 : vector<256x128xi32>
    %shift_left3A_940 = arith.constant 29 : i32
    %shift_left3A_941 = vector.broadcast %shift_left3A_940 : i32 to vector<256x128xi32>
    %shift_left3A_942 = arith.shli %xor3A_938, %shift_left3A_941 : vector<256x128xi32>
    %shift_right_logical3A_943 = arith.constant 3 : i32
    %shift_right_logical3A_944 = vector.broadcast %shift_right_logical3A_943 : i32 to vector<256x128xi32>
    %shift_right_logical3A_945 = arith.shrui %xor3A_938, %shift_right_logical3A_944 : vector<256x128xi32>
    %or3A_946 = arith.ori %shift_left3A_942, %shift_right_logical3A_945 : vector<256x128xi32>
    %xor3A_947 = arith.xori %add3A_939, %or3A_946 : vector<256x128xi32>
    %add3A_948 = arith.addi %add3A_939, %xor3A_947 : vector<256x128xi32>
    %shift_left3A_949 = arith.constant 16 : i32
    %shift_left3A_950 = vector.broadcast %shift_left3A_949 : i32 to vector<256x128xi32>
    %shift_left3A_951 = arith.shli %xor3A_947, %shift_left3A_950 : vector<256x128xi32>
    %shift_right_logical3A_952 = arith.constant 16 : i32
    %shift_right_logical3A_953 = vector.broadcast %shift_right_logical3A_952 : i32 to vector<256x128xi32>
    %shift_right_logical3A_954 = arith.shrui %xor3A_947, %shift_right_logical3A_953 : vector<256x128xi32>
    %or3A_955 = arith.ori %shift_left3A_951, %shift_right_logical3A_954 : vector<256x128xi32>
    %xor3A_956 = arith.xori %add3A_948, %or3A_955 : vector<256x128xi32>
    %add3A_957 = arith.addi %add3A_948, %xor3A_956 : vector<256x128xi32>
    %shift_left3A_958 = arith.constant 24 : i32
    %shift_left3A_959 = vector.broadcast %shift_left3A_958 : i32 to vector<256x128xi32>
    %shift_left3A_960 = arith.shli %xor3A_956, %shift_left3A_959 : vector<256x128xi32>
    %shift_right_logical3A_961 = arith.constant 8 : i32
    %shift_right_logical3A_962 = vector.broadcast %shift_right_logical3A_961 : i32 to vector<256x128xi32>
    %shift_right_logical3A_963 = arith.shrui %xor3A_956, %shift_right_logical3A_962 : vector<256x128xi32>
    %or3A_964 = arith.ori %shift_left3A_960, %shift_right_logical3A_963 : vector<256x128xi32>
    %xor3A_965 = arith.xori %add3A_957, %or3A_964 : vector<256x128xi32>
    %add3A_966 = arith.addi %add3A_957, %xor3A_886 : vector<256x128xi32>
    %add3A_967 = arith.addi %xor3A_965, %add3A_441 : vector<256x128xi32>
    %add3A_968 = arith.constant 2 : i32
    %add3A_969 = vector.broadcast %add3A_968 : i32 to vector<256x128xi32>
    %add3A_970 = arith.addi %add3A_967, %add3A_969 : vector<256x128xi32>
    %add3A_971 = arith.addi %add3A_966, %add3A_970 : vector<256x128xi32>
    %shift_left3A_972 = arith.constant 13 : i32
    %shift_left3A_973 = vector.broadcast %shift_left3A_972 : i32 to vector<256x128xi32>
    %shift_left3A_974 = arith.shli %add3A_970, %shift_left3A_973 : vector<256x128xi32>
    %shift_right_logical3A_975 = arith.constant 19 : i32
    %shift_right_logical3A_976 = vector.broadcast %shift_right_logical3A_975 : i32 to vector<256x128xi32>
    %shift_right_logical3A_977 = arith.shrui %add3A_970, %shift_right_logical3A_976 : vector<256x128xi32>
    %or3A_978 = arith.ori %shift_left3A_974, %shift_right_logical3A_977 : vector<256x128xi32>
    %xor3A_979 = arith.xori %add3A_971, %or3A_978 : vector<256x128xi32>
    %add3A_980 = arith.addi %add3A_971, %xor3A_979 : vector<256x128xi32>
    %shift_left3A_981 = arith.constant 15 : i32
    %shift_left3A_982 = vector.broadcast %shift_left3A_981 : i32 to vector<256x128xi32>
    %shift_left3A_983 = arith.shli %xor3A_979, %shift_left3A_982 : vector<256x128xi32>
    %shift_right_logical3A_984 = arith.constant 17 : i32
    %shift_right_logical3A_985 = vector.broadcast %shift_right_logical3A_984 : i32 to vector<256x128xi32>
    %shift_right_logical3A_986 = arith.shrui %xor3A_979, %shift_right_logical3A_985 : vector<256x128xi32>
    %or3A_987 = arith.ori %shift_left3A_983, %shift_right_logical3A_986 : vector<256x128xi32>
    %xor3A_988 = arith.xori %add3A_980, %or3A_987 : vector<256x128xi32>
    %add3A_989 = arith.addi %add3A_980, %xor3A_988 : vector<256x128xi32>
    %shift_left3A_990 = arith.constant 26 : i32
    %shift_left3A_991 = vector.broadcast %shift_left3A_990 : i32 to vector<256x128xi32>
    %shift_left3A_992 = arith.shli %xor3A_988, %shift_left3A_991 : vector<256x128xi32>
    %shift_right_logical3A_993 = arith.constant 6 : i32
    %shift_right_logical3A_994 = vector.broadcast %shift_right_logical3A_993 : i32 to vector<256x128xi32>
    %shift_right_logical3A_995 = arith.shrui %xor3A_988, %shift_right_logical3A_994 : vector<256x128xi32>
    %or3A_996 = arith.ori %shift_left3A_992, %shift_right_logical3A_995 : vector<256x128xi32>
    %xor3A_997 = arith.xori %add3A_989, %or3A_996 : vector<256x128xi32>
    %add3A_998 = arith.addi %add3A_989, %xor3A_997 : vector<256x128xi32>
    %shift_left3A_999 = arith.constant 6 : i32
    %shift_left3A_1000 = vector.broadcast %shift_left3A_999 : i32 to vector<256x128xi32>
    %shift_left3A_1001 = arith.shli %xor3A_997, %shift_left3A_1000 : vector<256x128xi32>
    %shift_right_logical3A_1002 = arith.constant 26 : i32
    %shift_right_logical3A_1003 = vector.broadcast %shift_right_logical3A_1002 : i32 to vector<256x128xi32>
    %shift_right_logical3A_1004 = arith.shrui %xor3A_997, %shift_right_logical3A_1003 : vector<256x128xi32>
    %or3A_1005 = arith.ori %shift_left3A_1001, %shift_right_logical3A_1004 : vector<256x128xi32>
    %xor3A_1006 = arith.xori %add3A_998, %or3A_1005 : vector<256x128xi32>
    %add3A_1007 = arith.addi %add3A_998, %add3A_441 : vector<256x128xi32>
    %add3A_1008 = arith.addi %xor3A_1006, %add3A_445 : vector<256x128xi32>
    %add3A_1009 = arith.constant 3 : i32
    %add3A_1010 = vector.broadcast %add3A_1009 : i32 to vector<256x128xi32>
    %add3A_1011 = arith.addi %add3A_1008, %add3A_1010 : vector<256x128xi32>
    %add3A_1012 = arith.addi %add3A_1007, %add3A_1011 : vector<256x128xi32>
    %shift_left3A_1013 = arith.constant 17 : i32
    %shift_left3A_1014 = vector.broadcast %shift_left3A_1013 : i32 to vector<256x128xi32>
    %shift_left3A_1015 = arith.shli %add3A_1011, %shift_left3A_1014 : vector<256x128xi32>
    %shift_right_logical3A_1016 = arith.constant 15 : i32
    %shift_right_logical3A_1017 = vector.broadcast %shift_right_logical3A_1016 : i32 to vector<256x128xi32>
    %shift_right_logical3A_1018 = arith.shrui %add3A_1011, %shift_right_logical3A_1017 : vector<256x128xi32>
    %or3A_1019 = arith.ori %shift_left3A_1015, %shift_right_logical3A_1018 : vector<256x128xi32>
    %xor3A_1020 = arith.xori %add3A_1012, %or3A_1019 : vector<256x128xi32>
    %add3A_1021 = arith.addi %add3A_1012, %xor3A_1020 : vector<256x128xi32>
    %shift_left3A_1022 = arith.constant 29 : i32
    %shift_left3A_1023 = vector.broadcast %shift_left3A_1022 : i32 to vector<256x128xi32>
    %shift_left3A_1024 = arith.shli %xor3A_1020, %shift_left3A_1023 : vector<256x128xi32>
    %shift_right_logical3A_1025 = arith.constant 3 : i32
    %shift_right_logical3A_1026 = vector.broadcast %shift_right_logical3A_1025 : i32 to vector<256x128xi32>
    %shift_right_logical3A_1027 = arith.shrui %xor3A_1020, %shift_right_logical3A_1026 : vector<256x128xi32>
    %or3A_1028 = arith.ori %shift_left3A_1024, %shift_right_logical3A_1027 : vector<256x128xi32>
    %xor3A_1029 = arith.xori %add3A_1021, %or3A_1028 : vector<256x128xi32>
    %add3A_1030 = arith.addi %add3A_1021, %xor3A_1029 : vector<256x128xi32>
    %shift_left3A_1031 = arith.constant 16 : i32
    %shift_left3A_1032 = vector.broadcast %shift_left3A_1031 : i32 to vector<256x128xi32>
    %shift_left3A_1033 = arith.shli %xor3A_1029, %shift_left3A_1032 : vector<256x128xi32>
    %shift_right_logical3A_1034 = arith.constant 16 : i32
    %shift_right_logical3A_1035 = vector.broadcast %shift_right_logical3A_1034 : i32 to vector<256x128xi32>
    %shift_right_logical3A_1036 = arith.shrui %xor3A_1029, %shift_right_logical3A_1035 : vector<256x128xi32>
    %or3A_1037 = arith.ori %shift_left3A_1033, %shift_right_logical3A_1036 : vector<256x128xi32>
    %xor3A_1038 = arith.xori %add3A_1030, %or3A_1037 : vector<256x128xi32>
    %add3A_1039 = arith.addi %add3A_1030, %xor3A_1038 : vector<256x128xi32>
    %shift_left3A_1040 = arith.constant 24 : i32
    %shift_left3A_1041 = vector.broadcast %shift_left3A_1040 : i32 to vector<256x128xi32>
    %shift_left3A_1042 = arith.shli %xor3A_1038, %shift_left3A_1041 : vector<256x128xi32>
    %shift_right_logical3A_1043 = arith.constant 8 : i32
    %shift_right_logical3A_1044 = vector.broadcast %shift_right_logical3A_1043 : i32 to vector<256x128xi32>
    %shift_right_logical3A_1045 = arith.shrui %xor3A_1038, %shift_right_logical3A_1044 : vector<256x128xi32>
    %or3A_1046 = arith.ori %shift_left3A_1042, %shift_right_logical3A_1045 : vector<256x128xi32>
    %xor3A_1047 = arith.xori %add3A_1039, %or3A_1046 : vector<256x128xi32>
    %add3A_1048 = arith.addi %add3A_1039, %add3A_445 : vector<256x128xi32>
    %add3A_1049 = arith.addi %xor3A_1047, %xor3A_886 : vector<256x128xi32>
    %add3A_1050 = arith.constant 4 : i32
    %add3A_1051 = vector.broadcast %add3A_1050 : i32 to vector<256x128xi32>
    %add3A_1052 = arith.addi %add3A_1049, %add3A_1051 : vector<256x128xi32>
    %add3A_1053 = arith.addi %add3A_1048, %add3A_1052 : vector<256x128xi32>
    %shift_left3A_1054 = arith.constant 13 : i32
    %shift_left3A_1055 = vector.broadcast %shift_left3A_1054 : i32 to vector<256x128xi32>
    %shift_left3A_1056 = arith.shli %add3A_1052, %shift_left3A_1055 : vector<256x128xi32>
    %shift_right_logical3A_1057 = arith.constant 19 : i32
    %shift_right_logical3A_1058 = vector.broadcast %shift_right_logical3A_1057 : i32 to vector<256x128xi32>
    %shift_right_logical3A_1059 = arith.shrui %add3A_1052, %shift_right_logical3A_1058 : vector<256x128xi32>
    %or3A_1060 = arith.ori %shift_left3A_1056, %shift_right_logical3A_1059 : vector<256x128xi32>
    %xor3A_1061 = arith.xori %add3A_1053, %or3A_1060 : vector<256x128xi32>
    %add3A_1062 = arith.addi %add3A_1053, %xor3A_1061 : vector<256x128xi32>
    %shift_left3A_1063 = arith.constant 15 : i32
    %shift_left3A_1064 = vector.broadcast %shift_left3A_1063 : i32 to vector<256x128xi32>
    %shift_left3A_1065 = arith.shli %xor3A_1061, %shift_left3A_1064 : vector<256x128xi32>
    %shift_right_logical3A_1066 = arith.constant 17 : i32
    %shift_right_logical3A_1067 = vector.broadcast %shift_right_logical3A_1066 : i32 to vector<256x128xi32>
    %shift_right_logical3A_1068 = arith.shrui %xor3A_1061, %shift_right_logical3A_1067 : vector<256x128xi32>
    %or3A_1069 = arith.ori %shift_left3A_1065, %shift_right_logical3A_1068 : vector<256x128xi32>
    %xor3A_1070 = arith.xori %add3A_1062, %or3A_1069 : vector<256x128xi32>
    %add3A_1071 = arith.addi %add3A_1062, %xor3A_1070 : vector<256x128xi32>
    %shift_left3A_1072 = arith.constant 26 : i32
    %shift_left3A_1073 = vector.broadcast %shift_left3A_1072 : i32 to vector<256x128xi32>
    %shift_left3A_1074 = arith.shli %xor3A_1070, %shift_left3A_1073 : vector<256x128xi32>
    %shift_right_logical3A_1075 = arith.constant 6 : i32
    %shift_right_logical3A_1076 = vector.broadcast %shift_right_logical3A_1075 : i32 to vector<256x128xi32>
    %shift_right_logical3A_1077 = arith.shrui %xor3A_1070, %shift_right_logical3A_1076 : vector<256x128xi32>
    %or3A_1078 = arith.ori %shift_left3A_1074, %shift_right_logical3A_1077 : vector<256x128xi32>
    %xor3A_1079 = arith.xori %add3A_1071, %or3A_1078 : vector<256x128xi32>
    %add3A_1080 = arith.addi %add3A_1071, %xor3A_1079 : vector<256x128xi32>
    %shift_left3A_1081 = arith.constant 6 : i32
    %shift_left3A_1082 = vector.broadcast %shift_left3A_1081 : i32 to vector<256x128xi32>
    %shift_left3A_1083 = arith.shli %xor3A_1079, %shift_left3A_1082 : vector<256x128xi32>
    %shift_right_logical3A_1084 = arith.constant 26 : i32
    %shift_right_logical3A_1085 = vector.broadcast %shift_right_logical3A_1084 : i32 to vector<256x128xi32>
    %shift_right_logical3A_1086 = arith.shrui %xor3A_1079, %shift_right_logical3A_1085 : vector<256x128xi32>
    %or3A_1087 = arith.ori %shift_left3A_1083, %shift_right_logical3A_1086 : vector<256x128xi32>
    %xor3A_1088 = arith.xori %add3A_1080, %or3A_1087 : vector<256x128xi32>
    %add3A_1089 = arith.addi %add3A_1080, %xor3A_886 : vector<256x128xi32>
    %add3A_1090 = arith.addi %xor3A_1088, %add3A_441 : vector<256x128xi32>
    %add3A_1091 = arith.constant 5 : i32
    %add3A_1092 = vector.broadcast %add3A_1091 : i32 to vector<256x128xi32>
    %add3A_1093 = arith.addi %add3A_1090, %add3A_1092 : vector<256x128xi32>
    %broadcast_in_dim3A_1094 = arith.constant 0 : i32
    %broadcast_in_dim3A_1095 = vector.broadcast %broadcast_in_dim3A_1094 : i32 to vector<256x128xi32>
    %add3A_1096 = arith.constant 2 : i32
    %add3A_1097 = vector.broadcast %add3A_1096 : i32 to vector<256x128xi32>
    %add3A_1098 = arith.addi %broadcast_in_dim3A_1095, %add3A_1097 : vector<256x128xi32>
    %xor3A_1099 = arith.xori %add3A_441, %add3A_445 : vector<256x128xi32>
    %xor3A_1100 = arith.constant 466688986 : i32
    %xor3A_1101 = vector.broadcast %xor3A_1100 : i32 to vector<256x128xi32>
    %xor3A_1102 = arith.xori %xor3A_1099, %xor3A_1101 : vector<256x128xi32>
    %add3A_1103 = arith.addi %broadcast_in_dim3A_1095, %add3A_441 : vector<256x128xi32>
    %add3A_1104 = arith.addi %add3A_1098, %add3A_445 : vector<256x128xi32>
    %add3A_1105 = arith.addi %add3A_1103, %add3A_1104 : vector<256x128xi32>
    %shift_left3A_1106 = arith.constant 13 : i32
    %shift_left3A_1107 = vector.broadcast %shift_left3A_1106 : i32 to vector<256x128xi32>
    %shift_left3A_1108 = arith.shli %add3A_1104, %shift_left3A_1107 : vector<256x128xi32>
    %shift_right_logical3A_1109 = arith.constant 19 : i32
    %shift_right_logical3A_1110 = vector.broadcast %shift_right_logical3A_1109 : i32 to vector<256x128xi32>
    %shift_right_logical3A_1111 = arith.shrui %add3A_1104, %shift_right_logical3A_1110 : vector<256x128xi32>
    %or3A_1112 = arith.ori %shift_left3A_1108, %shift_right_logical3A_1111 : vector<256x128xi32>
    %xor3A_1113 = arith.xori %add3A_1105, %or3A_1112 : vector<256x128xi32>
    %add3A_1114 = arith.addi %add3A_1105, %xor3A_1113 : vector<256x128xi32>
    %shift_left3A_1115 = arith.constant 15 : i32
    %shift_left3A_1116 = vector.broadcast %shift_left3A_1115 : i32 to vector<256x128xi32>
    %shift_left3A_1117 = arith.shli %xor3A_1113, %shift_left3A_1116 : vector<256x128xi32>
    %shift_right_logical3A_1118 = arith.constant 17 : i32
    %shift_right_logical3A_1119 = vector.broadcast %shift_right_logical3A_1118 : i32 to vector<256x128xi32>
    %shift_right_logical3A_1120 = arith.shrui %xor3A_1113, %shift_right_logical3A_1119 : vector<256x128xi32>
    %or3A_1121 = arith.ori %shift_left3A_1117, %shift_right_logical3A_1120 : vector<256x128xi32>
    %xor3A_1122 = arith.xori %add3A_1114, %or3A_1121 : vector<256x128xi32>
    %add3A_1123 = arith.addi %add3A_1114, %xor3A_1122 : vector<256x128xi32>
    %shift_left3A_1124 = arith.constant 26 : i32
    %shift_left3A_1125 = vector.broadcast %shift_left3A_1124 : i32 to vector<256x128xi32>
    %shift_left3A_1126 = arith.shli %xor3A_1122, %shift_left3A_1125 : vector<256x128xi32>
    %shift_right_logical3A_1127 = arith.constant 6 : i32
    %shift_right_logical3A_1128 = vector.broadcast %shift_right_logical3A_1127 : i32 to vector<256x128xi32>
    %shift_right_logical3A_1129 = arith.shrui %xor3A_1122, %shift_right_logical3A_1128 : vector<256x128xi32>
    %or3A_1130 = arith.ori %shift_left3A_1126, %shift_right_logical3A_1129 : vector<256x128xi32>
    %xor3A_1131 = arith.xori %add3A_1123, %or3A_1130 : vector<256x128xi32>
    %add3A_1132 = arith.addi %add3A_1123, %xor3A_1131 : vector<256x128xi32>
    %shift_left3A_1133 = arith.constant 6 : i32
    %shift_left3A_1134 = vector.broadcast %shift_left3A_1133 : i32 to vector<256x128xi32>
    %shift_left3A_1135 = arith.shli %xor3A_1131, %shift_left3A_1134 : vector<256x128xi32>
    %shift_right_logical3A_1136 = arith.constant 26 : i32
    %shift_right_logical3A_1137 = vector.broadcast %shift_right_logical3A_1136 : i32 to vector<256x128xi32>
    %shift_right_logical3A_1138 = arith.shrui %xor3A_1131, %shift_right_logical3A_1137 : vector<256x128xi32>
    %or3A_1139 = arith.ori %shift_left3A_1135, %shift_right_logical3A_1138 : vector<256x128xi32>
    %xor3A_1140 = arith.xori %add3A_1132, %or3A_1139 : vector<256x128xi32>
    %add3A_1141 = arith.addi %add3A_1132, %add3A_445 : vector<256x128xi32>
    %add3A_1142 = arith.addi %xor3A_1140, %xor3A_1102 : vector<256x128xi32>
    %add3A_1143 = arith.constant 1 : i32
    %add3A_1144 = vector.broadcast %add3A_1143 : i32 to vector<256x128xi32>
    %add3A_1145 = arith.addi %add3A_1142, %add3A_1144 : vector<256x128xi32>
    %add3A_1146 = arith.addi %add3A_1141, %add3A_1145 : vector<256x128xi32>
    %shift_left3A_1147 = arith.constant 17 : i32
    %shift_left3A_1148 = vector.broadcast %shift_left3A_1147 : i32 to vector<256x128xi32>
    %shift_left3A_1149 = arith.shli %add3A_1145, %shift_left3A_1148 : vector<256x128xi32>
    %shift_right_logical3A_1150 = arith.constant 15 : i32
    %shift_right_logical3A_1151 = vector.broadcast %shift_right_logical3A_1150 : i32 to vector<256x128xi32>
    %shift_right_logical3A_1152 = arith.shrui %add3A_1145, %shift_right_logical3A_1151 : vector<256x128xi32>
    %or3A_1153 = arith.ori %shift_left3A_1149, %shift_right_logical3A_1152 : vector<256x128xi32>
    %xor3A_1154 = arith.xori %add3A_1146, %or3A_1153 : vector<256x128xi32>
    %add3A_1155 = arith.addi %add3A_1146, %xor3A_1154 : vector<256x128xi32>
    %shift_left3A_1156 = arith.constant 29 : i32
    %shift_left3A_1157 = vector.broadcast %shift_left3A_1156 : i32 to vector<256x128xi32>
    %shift_left3A_1158 = arith.shli %xor3A_1154, %shift_left3A_1157 : vector<256x128xi32>
    %shift_right_logical3A_1159 = arith.constant 3 : i32
    %shift_right_logical3A_1160 = vector.broadcast %shift_right_logical3A_1159 : i32 to vector<256x128xi32>
    %shift_right_logical3A_1161 = arith.shrui %xor3A_1154, %shift_right_logical3A_1160 : vector<256x128xi32>
    %or3A_1162 = arith.ori %shift_left3A_1158, %shift_right_logical3A_1161 : vector<256x128xi32>
    %xor3A_1163 = arith.xori %add3A_1155, %or3A_1162 : vector<256x128xi32>
    %add3A_1164 = arith.addi %add3A_1155, %xor3A_1163 : vector<256x128xi32>
    %shift_left3A_1165 = arith.constant 16 : i32
    %shift_left3A_1166 = vector.broadcast %shift_left3A_1165 : i32 to vector<256x128xi32>
    %shift_left3A_1167 = arith.shli %xor3A_1163, %shift_left3A_1166 : vector<256x128xi32>
    %shift_right_logical3A_1168 = arith.constant 16 : i32
    %shift_right_logical3A_1169 = vector.broadcast %shift_right_logical3A_1168 : i32 to vector<256x128xi32>
    %shift_right_logical3A_1170 = arith.shrui %xor3A_1163, %shift_right_logical3A_1169 : vector<256x128xi32>
    %or3A_1171 = arith.ori %shift_left3A_1167, %shift_right_logical3A_1170 : vector<256x128xi32>
    %xor3A_1172 = arith.xori %add3A_1164, %or3A_1171 : vector<256x128xi32>
    %add3A_1173 = arith.addi %add3A_1164, %xor3A_1172 : vector<256x128xi32>
    %shift_left3A_1174 = arith.constant 24 : i32
    %shift_left3A_1175 = vector.broadcast %shift_left3A_1174 : i32 to vector<256x128xi32>
    %shift_left3A_1176 = arith.shli %xor3A_1172, %shift_left3A_1175 : vector<256x128xi32>
    %shift_right_logical3A_1177 = arith.constant 8 : i32
    %shift_right_logical3A_1178 = vector.broadcast %shift_right_logical3A_1177 : i32 to vector<256x128xi32>
    %shift_right_logical3A_1179 = arith.shrui %xor3A_1172, %shift_right_logical3A_1178 : vector<256x128xi32>
    %or3A_1180 = arith.ori %shift_left3A_1176, %shift_right_logical3A_1179 : vector<256x128xi32>
    %xor3A_1181 = arith.xori %add3A_1173, %or3A_1180 : vector<256x128xi32>
    %add3A_1182 = arith.addi %add3A_1173, %xor3A_1102 : vector<256x128xi32>
    %add3A_1183 = arith.addi %xor3A_1181, %add3A_441 : vector<256x128xi32>
    %add3A_1184 = arith.constant 2 : i32
    %add3A_1185 = vector.broadcast %add3A_1184 : i32 to vector<256x128xi32>
    %add3A_1186 = arith.addi %add3A_1183, %add3A_1185 : vector<256x128xi32>
    %add3A_1187 = arith.addi %add3A_1182, %add3A_1186 : vector<256x128xi32>
    %shift_left3A_1188 = arith.constant 13 : i32
    %shift_left3A_1189 = vector.broadcast %shift_left3A_1188 : i32 to vector<256x128xi32>
    %shift_left3A_1190 = arith.shli %add3A_1186, %shift_left3A_1189 : vector<256x128xi32>
    %shift_right_logical3A_1191 = arith.constant 19 : i32
    %shift_right_logical3A_1192 = vector.broadcast %shift_right_logical3A_1191 : i32 to vector<256x128xi32>
    %shift_right_logical3A_1193 = arith.shrui %add3A_1186, %shift_right_logical3A_1192 : vector<256x128xi32>
    %or3A_1194 = arith.ori %shift_left3A_1190, %shift_right_logical3A_1193 : vector<256x128xi32>
    %xor3A_1195 = arith.xori %add3A_1187, %or3A_1194 : vector<256x128xi32>
    %add3A_1196 = arith.addi %add3A_1187, %xor3A_1195 : vector<256x128xi32>
    %shift_left3A_1197 = arith.constant 15 : i32
    %shift_left3A_1198 = vector.broadcast %shift_left3A_1197 : i32 to vector<256x128xi32>
    %shift_left3A_1199 = arith.shli %xor3A_1195, %shift_left3A_1198 : vector<256x128xi32>
    %shift_right_logical3A_1200 = arith.constant 17 : i32
    %shift_right_logical3A_1201 = vector.broadcast %shift_right_logical3A_1200 : i32 to vector<256x128xi32>
    %shift_right_logical3A_1202 = arith.shrui %xor3A_1195, %shift_right_logical3A_1201 : vector<256x128xi32>
    %or3A_1203 = arith.ori %shift_left3A_1199, %shift_right_logical3A_1202 : vector<256x128xi32>
    %xor3A_1204 = arith.xori %add3A_1196, %or3A_1203 : vector<256x128xi32>
    %add3A_1205 = arith.addi %add3A_1196, %xor3A_1204 : vector<256x128xi32>
    %shift_left3A_1206 = arith.constant 26 : i32
    %shift_left3A_1207 = vector.broadcast %shift_left3A_1206 : i32 to vector<256x128xi32>
    %shift_left3A_1208 = arith.shli %xor3A_1204, %shift_left3A_1207 : vector<256x128xi32>
    %shift_right_logical3A_1209 = arith.constant 6 : i32
    %shift_right_logical3A_1210 = vector.broadcast %shift_right_logical3A_1209 : i32 to vector<256x128xi32>
    %shift_right_logical3A_1211 = arith.shrui %xor3A_1204, %shift_right_logical3A_1210 : vector<256x128xi32>
    %or3A_1212 = arith.ori %shift_left3A_1208, %shift_right_logical3A_1211 : vector<256x128xi32>
    %xor3A_1213 = arith.xori %add3A_1205, %or3A_1212 : vector<256x128xi32>
    %add3A_1214 = arith.addi %add3A_1205, %xor3A_1213 : vector<256x128xi32>
    %shift_left3A_1215 = arith.constant 6 : i32
    %shift_left3A_1216 = vector.broadcast %shift_left3A_1215 : i32 to vector<256x128xi32>
    %shift_left3A_1217 = arith.shli %xor3A_1213, %shift_left3A_1216 : vector<256x128xi32>
    %shift_right_logical3A_1218 = arith.constant 26 : i32
    %shift_right_logical3A_1219 = vector.broadcast %shift_right_logical3A_1218 : i32 to vector<256x128xi32>
    %shift_right_logical3A_1220 = arith.shrui %xor3A_1213, %shift_right_logical3A_1219 : vector<256x128xi32>
    %or3A_1221 = arith.ori %shift_left3A_1217, %shift_right_logical3A_1220 : vector<256x128xi32>
    %xor3A_1222 = arith.xori %add3A_1214, %or3A_1221 : vector<256x128xi32>
    %add3A_1223 = arith.addi %add3A_1214, %add3A_441 : vector<256x128xi32>
    %add3A_1224 = arith.addi %xor3A_1222, %add3A_445 : vector<256x128xi32>
    %add3A_1225 = arith.constant 3 : i32
    %add3A_1226 = vector.broadcast %add3A_1225 : i32 to vector<256x128xi32>
    %add3A_1227 = arith.addi %add3A_1224, %add3A_1226 : vector<256x128xi32>
    %add3A_1228 = arith.addi %add3A_1223, %add3A_1227 : vector<256x128xi32>
    %shift_left3A_1229 = arith.constant 17 : i32
    %shift_left3A_1230 = vector.broadcast %shift_left3A_1229 : i32 to vector<256x128xi32>
    %shift_left3A_1231 = arith.shli %add3A_1227, %shift_left3A_1230 : vector<256x128xi32>
    %shift_right_logical3A_1232 = arith.constant 15 : i32
    %shift_right_logical3A_1233 = vector.broadcast %shift_right_logical3A_1232 : i32 to vector<256x128xi32>
    %shift_right_logical3A_1234 = arith.shrui %add3A_1227, %shift_right_logical3A_1233 : vector<256x128xi32>
    %or3A_1235 = arith.ori %shift_left3A_1231, %shift_right_logical3A_1234 : vector<256x128xi32>
    %xor3A_1236 = arith.xori %add3A_1228, %or3A_1235 : vector<256x128xi32>
    %add3A_1237 = arith.addi %add3A_1228, %xor3A_1236 : vector<256x128xi32>
    %shift_left3A_1238 = arith.constant 29 : i32
    %shift_left3A_1239 = vector.broadcast %shift_left3A_1238 : i32 to vector<256x128xi32>
    %shift_left3A_1240 = arith.shli %xor3A_1236, %shift_left3A_1239 : vector<256x128xi32>
    %shift_right_logical3A_1241 = arith.constant 3 : i32
    %shift_right_logical3A_1242 = vector.broadcast %shift_right_logical3A_1241 : i32 to vector<256x128xi32>
    %shift_right_logical3A_1243 = arith.shrui %xor3A_1236, %shift_right_logical3A_1242 : vector<256x128xi32>
    %or3A_1244 = arith.ori %shift_left3A_1240, %shift_right_logical3A_1243 : vector<256x128xi32>
    %xor3A_1245 = arith.xori %add3A_1237, %or3A_1244 : vector<256x128xi32>
    %add3A_1246 = arith.addi %add3A_1237, %xor3A_1245 : vector<256x128xi32>
    %shift_left3A_1247 = arith.constant 16 : i32
    %shift_left3A_1248 = vector.broadcast %shift_left3A_1247 : i32 to vector<256x128xi32>
    %shift_left3A_1249 = arith.shli %xor3A_1245, %shift_left3A_1248 : vector<256x128xi32>
    %shift_right_logical3A_1250 = arith.constant 16 : i32
    %shift_right_logical3A_1251 = vector.broadcast %shift_right_logical3A_1250 : i32 to vector<256x128xi32>
    %shift_right_logical3A_1252 = arith.shrui %xor3A_1245, %shift_right_logical3A_1251 : vector<256x128xi32>
    %or3A_1253 = arith.ori %shift_left3A_1249, %shift_right_logical3A_1252 : vector<256x128xi32>
    %xor3A_1254 = arith.xori %add3A_1246, %or3A_1253 : vector<256x128xi32>
    %add3A_1255 = arith.addi %add3A_1246, %xor3A_1254 : vector<256x128xi32>
    %shift_left3A_1256 = arith.constant 24 : i32
    %shift_left3A_1257 = vector.broadcast %shift_left3A_1256 : i32 to vector<256x128xi32>
    %shift_left3A_1258 = arith.shli %xor3A_1254, %shift_left3A_1257 : vector<256x128xi32>
    %shift_right_logical3A_1259 = arith.constant 8 : i32
    %shift_right_logical3A_1260 = vector.broadcast %shift_right_logical3A_1259 : i32 to vector<256x128xi32>
    %shift_right_logical3A_1261 = arith.shrui %xor3A_1254, %shift_right_logical3A_1260 : vector<256x128xi32>
    %or3A_1262 = arith.ori %shift_left3A_1258, %shift_right_logical3A_1261 : vector<256x128xi32>
    %xor3A_1263 = arith.xori %add3A_1255, %or3A_1262 : vector<256x128xi32>
    %add3A_1264 = arith.addi %add3A_1255, %add3A_445 : vector<256x128xi32>
    %add3A_1265 = arith.addi %xor3A_1263, %xor3A_1102 : vector<256x128xi32>
    %add3A_1266 = arith.constant 4 : i32
    %add3A_1267 = vector.broadcast %add3A_1266 : i32 to vector<256x128xi32>
    %add3A_1268 = arith.addi %add3A_1265, %add3A_1267 : vector<256x128xi32>
    %add3A_1269 = arith.addi %add3A_1264, %add3A_1268 : vector<256x128xi32>
    %shift_left3A_1270 = arith.constant 13 : i32
    %shift_left3A_1271 = vector.broadcast %shift_left3A_1270 : i32 to vector<256x128xi32>
    %shift_left3A_1272 = arith.shli %add3A_1268, %shift_left3A_1271 : vector<256x128xi32>
    %shift_right_logical3A_1273 = arith.constant 19 : i32
    %shift_right_logical3A_1274 = vector.broadcast %shift_right_logical3A_1273 : i32 to vector<256x128xi32>
    %shift_right_logical3A_1275 = arith.shrui %add3A_1268, %shift_right_logical3A_1274 : vector<256x128xi32>
    %or3A_1276 = arith.ori %shift_left3A_1272, %shift_right_logical3A_1275 : vector<256x128xi32>
    %xor3A_1277 = arith.xori %add3A_1269, %or3A_1276 : vector<256x128xi32>
    %add3A_1278 = arith.addi %add3A_1269, %xor3A_1277 : vector<256x128xi32>
    %shift_left3A_1279 = arith.constant 15 : i32
    %shift_left3A_1280 = vector.broadcast %shift_left3A_1279 : i32 to vector<256x128xi32>
    %shift_left3A_1281 = arith.shli %xor3A_1277, %shift_left3A_1280 : vector<256x128xi32>
    %shift_right_logical3A_1282 = arith.constant 17 : i32
    %shift_right_logical3A_1283 = vector.broadcast %shift_right_logical3A_1282 : i32 to vector<256x128xi32>
    %shift_right_logical3A_1284 = arith.shrui %xor3A_1277, %shift_right_logical3A_1283 : vector<256x128xi32>
    %or3A_1285 = arith.ori %shift_left3A_1281, %shift_right_logical3A_1284 : vector<256x128xi32>
    %xor3A_1286 = arith.xori %add3A_1278, %or3A_1285 : vector<256x128xi32>
    %add3A_1287 = arith.addi %add3A_1278, %xor3A_1286 : vector<256x128xi32>
    %shift_left3A_1288 = arith.constant 26 : i32
    %shift_left3A_1289 = vector.broadcast %shift_left3A_1288 : i32 to vector<256x128xi32>
    %shift_left3A_1290 = arith.shli %xor3A_1286, %shift_left3A_1289 : vector<256x128xi32>
    %shift_right_logical3A_1291 = arith.constant 6 : i32
    %shift_right_logical3A_1292 = vector.broadcast %shift_right_logical3A_1291 : i32 to vector<256x128xi32>
    %shift_right_logical3A_1293 = arith.shrui %xor3A_1286, %shift_right_logical3A_1292 : vector<256x128xi32>
    %or3A_1294 = arith.ori %shift_left3A_1290, %shift_right_logical3A_1293 : vector<256x128xi32>
    %xor3A_1295 = arith.xori %add3A_1287, %or3A_1294 : vector<256x128xi32>
    %add3A_1296 = arith.addi %add3A_1287, %xor3A_1295 : vector<256x128xi32>
    %shift_left3A_1297 = arith.constant 6 : i32
    %shift_left3A_1298 = vector.broadcast %shift_left3A_1297 : i32 to vector<256x128xi32>
    %shift_left3A_1299 = arith.shli %xor3A_1295, %shift_left3A_1298 : vector<256x128xi32>
    %shift_right_logical3A_1300 = arith.constant 26 : i32
    %shift_right_logical3A_1301 = vector.broadcast %shift_right_logical3A_1300 : i32 to vector<256x128xi32>
    %shift_right_logical3A_1302 = arith.shrui %xor3A_1295, %shift_right_logical3A_1301 : vector<256x128xi32>
    %or3A_1303 = arith.ori %shift_left3A_1299, %shift_right_logical3A_1302 : vector<256x128xi32>
    %xor3A_1304 = arith.xori %add3A_1296, %or3A_1303 : vector<256x128xi32>
    %add3A_1305 = arith.addi %add3A_1296, %xor3A_1102 : vector<256x128xi32>
    %add3A_1306 = arith.addi %xor3A_1304, %add3A_441 : vector<256x128xi32>
    %add3A_1307 = arith.constant 5 : i32
    %add3A_1308 = vector.broadcast %add3A_1307 : i32 to vector<256x128xi32>
    %add3A_1309 = arith.addi %add3A_1306, %add3A_1308 : vector<256x128xi32>
    %broadcast_in_dim3A_1310 = arith.constant 0 : i32
    %broadcast_in_dim3A_1311 = vector.broadcast %broadcast_in_dim3A_1310 : i32 to vector<256x128xi32>
    %add3A_1312 = arith.constant 1 : i32
    %add3A_1313 = vector.broadcast %add3A_1312 : i32 to vector<256x128xi32>
    %add3A_1314 = arith.addi %broadcast_in_dim3A_1311, %add3A_1313 : vector<256x128xi32>
    %xor3A_1315 = arith.xori %add3A_1089, %add3A_1093 : vector<256x128xi32>
    %xor3A_1316 = arith.constant 466688986 : i32
    %xor3A_1317 = vector.broadcast %xor3A_1316 : i32 to vector<256x128xi32>
    %xor3A_1318 = arith.xori %xor3A_1315, %xor3A_1317 : vector<256x128xi32>
    %add3A_1319 = arith.addi %broadcast_in_dim3A_1311, %add3A_1089 : vector<256x128xi32>
    %add3A_1320 = arith.addi %add3A_1314, %add3A_1093 : vector<256x128xi32>
    %add3A_1321 = arith.addi %add3A_1319, %add3A_1320 : vector<256x128xi32>
    %shift_left3A_1322 = arith.constant 13 : i32
    %shift_left3A_1323 = vector.broadcast %shift_left3A_1322 : i32 to vector<256x128xi32>
    %shift_left3A_1324 = arith.shli %add3A_1320, %shift_left3A_1323 : vector<256x128xi32>
    %shift_right_logical3A_1325 = arith.constant 19 : i32
    %shift_right_logical3A_1326 = vector.broadcast %shift_right_logical3A_1325 : i32 to vector<256x128xi32>
    %shift_right_logical3A_1327 = arith.shrui %add3A_1320, %shift_right_logical3A_1326 : vector<256x128xi32>
    %or3A_1328 = arith.ori %shift_left3A_1324, %shift_right_logical3A_1327 : vector<256x128xi32>
    %xor3A_1329 = arith.xori %add3A_1321, %or3A_1328 : vector<256x128xi32>
    %add3A_1330 = arith.addi %add3A_1321, %xor3A_1329 : vector<256x128xi32>
    %shift_left3A_1331 = arith.constant 15 : i32
    %shift_left3A_1332 = vector.broadcast %shift_left3A_1331 : i32 to vector<256x128xi32>
    %shift_left3A_1333 = arith.shli %xor3A_1329, %shift_left3A_1332 : vector<256x128xi32>
    %shift_right_logical3A_1334 = arith.constant 17 : i32
    %shift_right_logical3A_1335 = vector.broadcast %shift_right_logical3A_1334 : i32 to vector<256x128xi32>
    %shift_right_logical3A_1336 = arith.shrui %xor3A_1329, %shift_right_logical3A_1335 : vector<256x128xi32>
    %or3A_1337 = arith.ori %shift_left3A_1333, %shift_right_logical3A_1336 : vector<256x128xi32>
    %xor3A_1338 = arith.xori %add3A_1330, %or3A_1337 : vector<256x128xi32>
    %add3A_1339 = arith.addi %add3A_1330, %xor3A_1338 : vector<256x128xi32>
    %shift_left3A_1340 = arith.constant 26 : i32
    %shift_left3A_1341 = vector.broadcast %shift_left3A_1340 : i32 to vector<256x128xi32>
    %shift_left3A_1342 = arith.shli %xor3A_1338, %shift_left3A_1341 : vector<256x128xi32>
    %shift_right_logical3A_1343 = arith.constant 6 : i32
    %shift_right_logical3A_1344 = vector.broadcast %shift_right_logical3A_1343 : i32 to vector<256x128xi32>
    %shift_right_logical3A_1345 = arith.shrui %xor3A_1338, %shift_right_logical3A_1344 : vector<256x128xi32>
    %or3A_1346 = arith.ori %shift_left3A_1342, %shift_right_logical3A_1345 : vector<256x128xi32>
    %xor3A_1347 = arith.xori %add3A_1339, %or3A_1346 : vector<256x128xi32>
    %add3A_1348 = arith.addi %add3A_1339, %xor3A_1347 : vector<256x128xi32>
    %shift_left3A_1349 = arith.constant 6 : i32
    %shift_left3A_1350 = vector.broadcast %shift_left3A_1349 : i32 to vector<256x128xi32>
    %shift_left3A_1351 = arith.shli %xor3A_1347, %shift_left3A_1350 : vector<256x128xi32>
    %shift_right_logical3A_1352 = arith.constant 26 : i32
    %shift_right_logical3A_1353 = vector.broadcast %shift_right_logical3A_1352 : i32 to vector<256x128xi32>
    %shift_right_logical3A_1354 = arith.shrui %xor3A_1347, %shift_right_logical3A_1353 : vector<256x128xi32>
    %or3A_1355 = arith.ori %shift_left3A_1351, %shift_right_logical3A_1354 : vector<256x128xi32>
    %xor3A_1356 = arith.xori %add3A_1348, %or3A_1355 : vector<256x128xi32>
    %add3A_1357 = arith.addi %add3A_1348, %add3A_1093 : vector<256x128xi32>
    %add3A_1358 = arith.addi %xor3A_1356, %xor3A_1318 : vector<256x128xi32>
    %add3A_1359 = arith.constant 1 : i32
    %add3A_1360 = vector.broadcast %add3A_1359 : i32 to vector<256x128xi32>
    %add3A_1361 = arith.addi %add3A_1358, %add3A_1360 : vector<256x128xi32>
    %add3A_1362 = arith.addi %add3A_1357, %add3A_1361 : vector<256x128xi32>
    %shift_left3A_1363 = arith.constant 17 : i32
    %shift_left3A_1364 = vector.broadcast %shift_left3A_1363 : i32 to vector<256x128xi32>
    %shift_left3A_1365 = arith.shli %add3A_1361, %shift_left3A_1364 : vector<256x128xi32>
    %shift_right_logical3A_1366 = arith.constant 15 : i32
    %shift_right_logical3A_1367 = vector.broadcast %shift_right_logical3A_1366 : i32 to vector<256x128xi32>
    %shift_right_logical3A_1368 = arith.shrui %add3A_1361, %shift_right_logical3A_1367 : vector<256x128xi32>
    %or3A_1369 = arith.ori %shift_left3A_1365, %shift_right_logical3A_1368 : vector<256x128xi32>
    %xor3A_1370 = arith.xori %add3A_1362, %or3A_1369 : vector<256x128xi32>
    %add3A_1371 = arith.addi %add3A_1362, %xor3A_1370 : vector<256x128xi32>
    %shift_left3A_1372 = arith.constant 29 : i32
    %shift_left3A_1373 = vector.broadcast %shift_left3A_1372 : i32 to vector<256x128xi32>
    %shift_left3A_1374 = arith.shli %xor3A_1370, %shift_left3A_1373 : vector<256x128xi32>
    %shift_right_logical3A_1375 = arith.constant 3 : i32
    %shift_right_logical3A_1376 = vector.broadcast %shift_right_logical3A_1375 : i32 to vector<256x128xi32>
    %shift_right_logical3A_1377 = arith.shrui %xor3A_1370, %shift_right_logical3A_1376 : vector<256x128xi32>
    %or3A_1378 = arith.ori %shift_left3A_1374, %shift_right_logical3A_1377 : vector<256x128xi32>
    %xor3A_1379 = arith.xori %add3A_1371, %or3A_1378 : vector<256x128xi32>
    %add3A_1380 = arith.addi %add3A_1371, %xor3A_1379 : vector<256x128xi32>
    %shift_left3A_1381 = arith.constant 16 : i32
    %shift_left3A_1382 = vector.broadcast %shift_left3A_1381 : i32 to vector<256x128xi32>
    %shift_left3A_1383 = arith.shli %xor3A_1379, %shift_left3A_1382 : vector<256x128xi32>
    %shift_right_logical3A_1384 = arith.constant 16 : i32
    %shift_right_logical3A_1385 = vector.broadcast %shift_right_logical3A_1384 : i32 to vector<256x128xi32>
    %shift_right_logical3A_1386 = arith.shrui %xor3A_1379, %shift_right_logical3A_1385 : vector<256x128xi32>
    %or3A_1387 = arith.ori %shift_left3A_1383, %shift_right_logical3A_1386 : vector<256x128xi32>
    %xor3A_1388 = arith.xori %add3A_1380, %or3A_1387 : vector<256x128xi32>
    %add3A_1389 = arith.addi %add3A_1380, %xor3A_1388 : vector<256x128xi32>
    %shift_left3A_1390 = arith.constant 24 : i32
    %shift_left3A_1391 = vector.broadcast %shift_left3A_1390 : i32 to vector<256x128xi32>
    %shift_left3A_1392 = arith.shli %xor3A_1388, %shift_left3A_1391 : vector<256x128xi32>
    %shift_right_logical3A_1393 = arith.constant 8 : i32
    %shift_right_logical3A_1394 = vector.broadcast %shift_right_logical3A_1393 : i32 to vector<256x128xi32>
    %shift_right_logical3A_1395 = arith.shrui %xor3A_1388, %shift_right_logical3A_1394 : vector<256x128xi32>
    %or3A_1396 = arith.ori %shift_left3A_1392, %shift_right_logical3A_1395 : vector<256x128xi32>
    %xor3A_1397 = arith.xori %add3A_1389, %or3A_1396 : vector<256x128xi32>
    %add3A_1398 = arith.addi %add3A_1389, %xor3A_1318 : vector<256x128xi32>
    %add3A_1399 = arith.addi %xor3A_1397, %add3A_1089 : vector<256x128xi32>
    %add3A_1400 = arith.constant 2 : i32
    %add3A_1401 = vector.broadcast %add3A_1400 : i32 to vector<256x128xi32>
    %add3A_1402 = arith.addi %add3A_1399, %add3A_1401 : vector<256x128xi32>
    %add3A_1403 = arith.addi %add3A_1398, %add3A_1402 : vector<256x128xi32>
    %shift_left3A_1404 = arith.constant 13 : i32
    %shift_left3A_1405 = vector.broadcast %shift_left3A_1404 : i32 to vector<256x128xi32>
    %shift_left3A_1406 = arith.shli %add3A_1402, %shift_left3A_1405 : vector<256x128xi32>
    %shift_right_logical3A_1407 = arith.constant 19 : i32
    %shift_right_logical3A_1408 = vector.broadcast %shift_right_logical3A_1407 : i32 to vector<256x128xi32>
    %shift_right_logical3A_1409 = arith.shrui %add3A_1402, %shift_right_logical3A_1408 : vector<256x128xi32>
    %or3A_1410 = arith.ori %shift_left3A_1406, %shift_right_logical3A_1409 : vector<256x128xi32>
    %xor3A_1411 = arith.xori %add3A_1403, %or3A_1410 : vector<256x128xi32>
    %add3A_1412 = arith.addi %add3A_1403, %xor3A_1411 : vector<256x128xi32>
    %shift_left3A_1413 = arith.constant 15 : i32
    %shift_left3A_1414 = vector.broadcast %shift_left3A_1413 : i32 to vector<256x128xi32>
    %shift_left3A_1415 = arith.shli %xor3A_1411, %shift_left3A_1414 : vector<256x128xi32>
    %shift_right_logical3A_1416 = arith.constant 17 : i32
    %shift_right_logical3A_1417 = vector.broadcast %shift_right_logical3A_1416 : i32 to vector<256x128xi32>
    %shift_right_logical3A_1418 = arith.shrui %xor3A_1411, %shift_right_logical3A_1417 : vector<256x128xi32>
    %or3A_1419 = arith.ori %shift_left3A_1415, %shift_right_logical3A_1418 : vector<256x128xi32>
    %xor3A_1420 = arith.xori %add3A_1412, %or3A_1419 : vector<256x128xi32>
    %add3A_1421 = arith.addi %add3A_1412, %xor3A_1420 : vector<256x128xi32>
    %shift_left3A_1422 = arith.constant 26 : i32
    %shift_left3A_1423 = vector.broadcast %shift_left3A_1422 : i32 to vector<256x128xi32>
    %shift_left3A_1424 = arith.shli %xor3A_1420, %shift_left3A_1423 : vector<256x128xi32>
    %shift_right_logical3A_1425 = arith.constant 6 : i32
    %shift_right_logical3A_1426 = vector.broadcast %shift_right_logical3A_1425 : i32 to vector<256x128xi32>
    %shift_right_logical3A_1427 = arith.shrui %xor3A_1420, %shift_right_logical3A_1426 : vector<256x128xi32>
    %or3A_1428 = arith.ori %shift_left3A_1424, %shift_right_logical3A_1427 : vector<256x128xi32>
    %xor3A_1429 = arith.xori %add3A_1421, %or3A_1428 : vector<256x128xi32>
    %add3A_1430 = arith.addi %add3A_1421, %xor3A_1429 : vector<256x128xi32>
    %shift_left3A_1431 = arith.constant 6 : i32
    %shift_left3A_1432 = vector.broadcast %shift_left3A_1431 : i32 to vector<256x128xi32>
    %shift_left3A_1433 = arith.shli %xor3A_1429, %shift_left3A_1432 : vector<256x128xi32>
    %shift_right_logical3A_1434 = arith.constant 26 : i32
    %shift_right_logical3A_1435 = vector.broadcast %shift_right_logical3A_1434 : i32 to vector<256x128xi32>
    %shift_right_logical3A_1436 = arith.shrui %xor3A_1429, %shift_right_logical3A_1435 : vector<256x128xi32>
    %or3A_1437 = arith.ori %shift_left3A_1433, %shift_right_logical3A_1436 : vector<256x128xi32>
    %xor3A_1438 = arith.xori %add3A_1430, %or3A_1437 : vector<256x128xi32>
    %add3A_1439 = arith.addi %add3A_1430, %add3A_1089 : vector<256x128xi32>
    %add3A_1440 = arith.addi %xor3A_1438, %add3A_1093 : vector<256x128xi32>
    %add3A_1441 = arith.constant 3 : i32
    %add3A_1442 = vector.broadcast %add3A_1441 : i32 to vector<256x128xi32>
    %add3A_1443 = arith.addi %add3A_1440, %add3A_1442 : vector<256x128xi32>
    %add3A_1444 = arith.addi %add3A_1439, %add3A_1443 : vector<256x128xi32>
    %shift_left3A_1445 = arith.constant 17 : i32
    %shift_left3A_1446 = vector.broadcast %shift_left3A_1445 : i32 to vector<256x128xi32>
    %shift_left3A_1447 = arith.shli %add3A_1443, %shift_left3A_1446 : vector<256x128xi32>
    %shift_right_logical3A_1448 = arith.constant 15 : i32
    %shift_right_logical3A_1449 = vector.broadcast %shift_right_logical3A_1448 : i32 to vector<256x128xi32>
    %shift_right_logical3A_1450 = arith.shrui %add3A_1443, %shift_right_logical3A_1449 : vector<256x128xi32>
    %or3A_1451 = arith.ori %shift_left3A_1447, %shift_right_logical3A_1450 : vector<256x128xi32>
    %xor3A_1452 = arith.xori %add3A_1444, %or3A_1451 : vector<256x128xi32>
    %add3A_1453 = arith.addi %add3A_1444, %xor3A_1452 : vector<256x128xi32>
    %shift_left3A_1454 = arith.constant 29 : i32
    %shift_left3A_1455 = vector.broadcast %shift_left3A_1454 : i32 to vector<256x128xi32>
    %shift_left3A_1456 = arith.shli %xor3A_1452, %shift_left3A_1455 : vector<256x128xi32>
    %shift_right_logical3A_1457 = arith.constant 3 : i32
    %shift_right_logical3A_1458 = vector.broadcast %shift_right_logical3A_1457 : i32 to vector<256x128xi32>
    %shift_right_logical3A_1459 = arith.shrui %xor3A_1452, %shift_right_logical3A_1458 : vector<256x128xi32>
    %or3A_1460 = arith.ori %shift_left3A_1456, %shift_right_logical3A_1459 : vector<256x128xi32>
    %xor3A_1461 = arith.xori %add3A_1453, %or3A_1460 : vector<256x128xi32>
    %add3A_1462 = arith.addi %add3A_1453, %xor3A_1461 : vector<256x128xi32>
    %shift_left3A_1463 = arith.constant 16 : i32
    %shift_left3A_1464 = vector.broadcast %shift_left3A_1463 : i32 to vector<256x128xi32>
    %shift_left3A_1465 = arith.shli %xor3A_1461, %shift_left3A_1464 : vector<256x128xi32>
    %shift_right_logical3A_1466 = arith.constant 16 : i32
    %shift_right_logical3A_1467 = vector.broadcast %shift_right_logical3A_1466 : i32 to vector<256x128xi32>
    %shift_right_logical3A_1468 = arith.shrui %xor3A_1461, %shift_right_logical3A_1467 : vector<256x128xi32>
    %or3A_1469 = arith.ori %shift_left3A_1465, %shift_right_logical3A_1468 : vector<256x128xi32>
    %xor3A_1470 = arith.xori %add3A_1462, %or3A_1469 : vector<256x128xi32>
    %add3A_1471 = arith.addi %add3A_1462, %xor3A_1470 : vector<256x128xi32>
    %shift_left3A_1472 = arith.constant 24 : i32
    %shift_left3A_1473 = vector.broadcast %shift_left3A_1472 : i32 to vector<256x128xi32>
    %shift_left3A_1474 = arith.shli %xor3A_1470, %shift_left3A_1473 : vector<256x128xi32>
    %shift_right_logical3A_1475 = arith.constant 8 : i32
    %shift_right_logical3A_1476 = vector.broadcast %shift_right_logical3A_1475 : i32 to vector<256x128xi32>
    %shift_right_logical3A_1477 = arith.shrui %xor3A_1470, %shift_right_logical3A_1476 : vector<256x128xi32>
    %or3A_1478 = arith.ori %shift_left3A_1474, %shift_right_logical3A_1477 : vector<256x128xi32>
    %xor3A_1479 = arith.xori %add3A_1471, %or3A_1478 : vector<256x128xi32>
    %add3A_1480 = arith.addi %add3A_1471, %add3A_1093 : vector<256x128xi32>
    %add3A_1481 = arith.addi %xor3A_1479, %xor3A_1318 : vector<256x128xi32>
    %add3A_1482 = arith.constant 4 : i32
    %add3A_1483 = vector.broadcast %add3A_1482 : i32 to vector<256x128xi32>
    %add3A_1484 = arith.addi %add3A_1481, %add3A_1483 : vector<256x128xi32>
    %add3A_1485 = arith.addi %add3A_1480, %add3A_1484 : vector<256x128xi32>
    %shift_left3A_1486 = arith.constant 13 : i32
    %shift_left3A_1487 = vector.broadcast %shift_left3A_1486 : i32 to vector<256x128xi32>
    %shift_left3A_1488 = arith.shli %add3A_1484, %shift_left3A_1487 : vector<256x128xi32>
    %shift_right_logical3A_1489 = arith.constant 19 : i32
    %shift_right_logical3A_1490 = vector.broadcast %shift_right_logical3A_1489 : i32 to vector<256x128xi32>
    %shift_right_logical3A_1491 = arith.shrui %add3A_1484, %shift_right_logical3A_1490 : vector<256x128xi32>
    %or3A_1492 = arith.ori %shift_left3A_1488, %shift_right_logical3A_1491 : vector<256x128xi32>
    %xor3A_1493 = arith.xori %add3A_1485, %or3A_1492 : vector<256x128xi32>
    %add3A_1494 = arith.addi %add3A_1485, %xor3A_1493 : vector<256x128xi32>
    %shift_left3A_1495 = arith.constant 15 : i32
    %shift_left3A_1496 = vector.broadcast %shift_left3A_1495 : i32 to vector<256x128xi32>
    %shift_left3A_1497 = arith.shli %xor3A_1493, %shift_left3A_1496 : vector<256x128xi32>
    %shift_right_logical3A_1498 = arith.constant 17 : i32
    %shift_right_logical3A_1499 = vector.broadcast %shift_right_logical3A_1498 : i32 to vector<256x128xi32>
    %shift_right_logical3A_1500 = arith.shrui %xor3A_1493, %shift_right_logical3A_1499 : vector<256x128xi32>
    %or3A_1501 = arith.ori %shift_left3A_1497, %shift_right_logical3A_1500 : vector<256x128xi32>
    %xor3A_1502 = arith.xori %add3A_1494, %or3A_1501 : vector<256x128xi32>
    %add3A_1503 = arith.addi %add3A_1494, %xor3A_1502 : vector<256x128xi32>
    %shift_left3A_1504 = arith.constant 26 : i32
    %shift_left3A_1505 = vector.broadcast %shift_left3A_1504 : i32 to vector<256x128xi32>
    %shift_left3A_1506 = arith.shli %xor3A_1502, %shift_left3A_1505 : vector<256x128xi32>
    %shift_right_logical3A_1507 = arith.constant 6 : i32
    %shift_right_logical3A_1508 = vector.broadcast %shift_right_logical3A_1507 : i32 to vector<256x128xi32>
    %shift_right_logical3A_1509 = arith.shrui %xor3A_1502, %shift_right_logical3A_1508 : vector<256x128xi32>
    %or3A_1510 = arith.ori %shift_left3A_1506, %shift_right_logical3A_1509 : vector<256x128xi32>
    %xor3A_1511 = arith.xori %add3A_1503, %or3A_1510 : vector<256x128xi32>
    %add3A_1512 = arith.addi %add3A_1503, %xor3A_1511 : vector<256x128xi32>
    %shift_left3A_1513 = arith.constant 6 : i32
    %shift_left3A_1514 = vector.broadcast %shift_left3A_1513 : i32 to vector<256x128xi32>
    %shift_left3A_1515 = arith.shli %xor3A_1511, %shift_left3A_1514 : vector<256x128xi32>
    %shift_right_logical3A_1516 = arith.constant 26 : i32
    %shift_right_logical3A_1517 = vector.broadcast %shift_right_logical3A_1516 : i32 to vector<256x128xi32>
    %shift_right_logical3A_1518 = arith.shrui %xor3A_1511, %shift_right_logical3A_1517 : vector<256x128xi32>
    %or3A_1519 = arith.ori %shift_left3A_1515, %shift_right_logical3A_1518 : vector<256x128xi32>
    %xor3A_1520 = arith.xori %add3A_1512, %or3A_1519 : vector<256x128xi32>
    %add3A_1521 = arith.addi %add3A_1512, %xor3A_1318 : vector<256x128xi32>
    %add3A_1522 = arith.addi %xor3A_1520, %add3A_1089 : vector<256x128xi32>
    %add3A_1523 = arith.constant 5 : i32
    %add3A_1524 = vector.broadcast %add3A_1523 : i32 to vector<256x128xi32>
    %add3A_1525 = arith.addi %add3A_1522, %add3A_1524 : vector<256x128xi32>
    %broadcast_in_dim3A_1526 = arith.constant 0 : i32
    %broadcast_in_dim3A_1527 = vector.broadcast %broadcast_in_dim3A_1526 : i32 to vector<256x128xi32>
    %xor3A_1528 = arith.xori %add3A_1521, %add3A_1525 : vector<256x128xi32>
    %xor3A_1529 = arith.constant 466688986 : i32
    %xor3A_1530 = vector.broadcast %xor3A_1529 : i32 to vector<256x128xi32>
    %xor3A_1531 = arith.xori %xor3A_1528, %xor3A_1530 : vector<256x128xi32>
    %add3A_1532 = arith.addi %broadcast_in_dim3A_1527, %add3A_1521 : vector<256x128xi32>
    %add3A_1533 = arith.addi %broadcast_in_dim3A_1527, %add3A_1525 : vector<256x128xi32>
    %add3A_1534 = arith.addi %add3A_1532, %add3A_1533 : vector<256x128xi32>
    %shift_left3A_1535 = arith.constant 13 : i32
    %shift_left3A_1536 = vector.broadcast %shift_left3A_1535 : i32 to vector<256x128xi32>
    %shift_left3A_1537 = arith.shli %add3A_1533, %shift_left3A_1536 : vector<256x128xi32>
    %shift_right_logical3A_1538 = arith.constant 19 : i32
    %shift_right_logical3A_1539 = vector.broadcast %shift_right_logical3A_1538 : i32 to vector<256x128xi32>
    %shift_right_logical3A_1540 = arith.shrui %add3A_1533, %shift_right_logical3A_1539 : vector<256x128xi32>
    %or3A_1541 = arith.ori %shift_left3A_1537, %shift_right_logical3A_1540 : vector<256x128xi32>
    %xor3A_1542 = arith.xori %add3A_1534, %or3A_1541 : vector<256x128xi32>
    %add3A_1543 = arith.addi %add3A_1534, %xor3A_1542 : vector<256x128xi32>
    %shift_left3A_1544 = arith.constant 15 : i32
    %shift_left3A_1545 = vector.broadcast %shift_left3A_1544 : i32 to vector<256x128xi32>
    %shift_left3A_1546 = arith.shli %xor3A_1542, %shift_left3A_1545 : vector<256x128xi32>
    %shift_right_logical3A_1547 = arith.constant 17 : i32
    %shift_right_logical3A_1548 = vector.broadcast %shift_right_logical3A_1547 : i32 to vector<256x128xi32>
    %shift_right_logical3A_1549 = arith.shrui %xor3A_1542, %shift_right_logical3A_1548 : vector<256x128xi32>
    %or3A_1550 = arith.ori %shift_left3A_1546, %shift_right_logical3A_1549 : vector<256x128xi32>
    %xor3A_1551 = arith.xori %add3A_1543, %or3A_1550 : vector<256x128xi32>
    %add3A_1552 = arith.addi %add3A_1543, %xor3A_1551 : vector<256x128xi32>
    %shift_left3A_1553 = arith.constant 26 : i32
    %shift_left3A_1554 = vector.broadcast %shift_left3A_1553 : i32 to vector<256x128xi32>
    %shift_left3A_1555 = arith.shli %xor3A_1551, %shift_left3A_1554 : vector<256x128xi32>
    %shift_right_logical3A_1556 = arith.constant 6 : i32
    %shift_right_logical3A_1557 = vector.broadcast %shift_right_logical3A_1556 : i32 to vector<256x128xi32>
    %shift_right_logical3A_1558 = arith.shrui %xor3A_1551, %shift_right_logical3A_1557 : vector<256x128xi32>
    %or3A_1559 = arith.ori %shift_left3A_1555, %shift_right_logical3A_1558 : vector<256x128xi32>
    %xor3A_1560 = arith.xori %add3A_1552, %or3A_1559 : vector<256x128xi32>
    %add3A_1561 = arith.addi %add3A_1552, %xor3A_1560 : vector<256x128xi32>
    %shift_left3A_1562 = arith.constant 6 : i32
    %shift_left3A_1563 = vector.broadcast %shift_left3A_1562 : i32 to vector<256x128xi32>
    %shift_left3A_1564 = arith.shli %xor3A_1560, %shift_left3A_1563 : vector<256x128xi32>
    %shift_right_logical3A_1565 = arith.constant 26 : i32
    %shift_right_logical3A_1566 = vector.broadcast %shift_right_logical3A_1565 : i32 to vector<256x128xi32>
    %shift_right_logical3A_1567 = arith.shrui %xor3A_1560, %shift_right_logical3A_1566 : vector<256x128xi32>
    %or3A_1568 = arith.ori %shift_left3A_1564, %shift_right_logical3A_1567 : vector<256x128xi32>
    %xor3A_1569 = arith.xori %add3A_1561, %or3A_1568 : vector<256x128xi32>
    %add3A_1570 = arith.addi %add3A_1561, %add3A_1525 : vector<256x128xi32>
    %add3A_1571 = arith.addi %xor3A_1569, %xor3A_1531 : vector<256x128xi32>
    %add3A_1572 = arith.constant 1 : i32
    %add3A_1573 = vector.broadcast %add3A_1572 : i32 to vector<256x128xi32>
    %add3A_1574 = arith.addi %add3A_1571, %add3A_1573 : vector<256x128xi32>
    %add3A_1575 = arith.addi %add3A_1570, %add3A_1574 : vector<256x128xi32>
    %shift_left3A_1576 = arith.constant 17 : i32
    %shift_left3A_1577 = vector.broadcast %shift_left3A_1576 : i32 to vector<256x128xi32>
    %shift_left3A_1578 = arith.shli %add3A_1574, %shift_left3A_1577 : vector<256x128xi32>
    %shift_right_logical3A_1579 = arith.constant 15 : i32
    %shift_right_logical3A_1580 = vector.broadcast %shift_right_logical3A_1579 : i32 to vector<256x128xi32>
    %shift_right_logical3A_1581 = arith.shrui %add3A_1574, %shift_right_logical3A_1580 : vector<256x128xi32>
    %or3A_1582 = arith.ori %shift_left3A_1578, %shift_right_logical3A_1581 : vector<256x128xi32>
    %xor3A_1583 = arith.xori %add3A_1575, %or3A_1582 : vector<256x128xi32>
    %add3A_1584 = arith.addi %add3A_1575, %xor3A_1583 : vector<256x128xi32>
    %shift_left3A_1585 = arith.constant 29 : i32
    %shift_left3A_1586 = vector.broadcast %shift_left3A_1585 : i32 to vector<256x128xi32>
    %shift_left3A_1587 = arith.shli %xor3A_1583, %shift_left3A_1586 : vector<256x128xi32>
    %shift_right_logical3A_1588 = arith.constant 3 : i32
    %shift_right_logical3A_1589 = vector.broadcast %shift_right_logical3A_1588 : i32 to vector<256x128xi32>
    %shift_right_logical3A_1590 = arith.shrui %xor3A_1583, %shift_right_logical3A_1589 : vector<256x128xi32>
    %or3A_1591 = arith.ori %shift_left3A_1587, %shift_right_logical3A_1590 : vector<256x128xi32>
    %xor3A_1592 = arith.xori %add3A_1584, %or3A_1591 : vector<256x128xi32>
    %add3A_1593 = arith.addi %add3A_1584, %xor3A_1592 : vector<256x128xi32>
    %shift_left3A_1594 = arith.constant 16 : i32
    %shift_left3A_1595 = vector.broadcast %shift_left3A_1594 : i32 to vector<256x128xi32>
    %shift_left3A_1596 = arith.shli %xor3A_1592, %shift_left3A_1595 : vector<256x128xi32>
    %shift_right_logical3A_1597 = arith.constant 16 : i32
    %shift_right_logical3A_1598 = vector.broadcast %shift_right_logical3A_1597 : i32 to vector<256x128xi32>
    %shift_right_logical3A_1599 = arith.shrui %xor3A_1592, %shift_right_logical3A_1598 : vector<256x128xi32>
    %or3A_1600 = arith.ori %shift_left3A_1596, %shift_right_logical3A_1599 : vector<256x128xi32>
    %xor3A_1601 = arith.xori %add3A_1593, %or3A_1600 : vector<256x128xi32>
    %add3A_1602 = arith.addi %add3A_1593, %xor3A_1601 : vector<256x128xi32>
    %shift_left3A_1603 = arith.constant 24 : i32
    %shift_left3A_1604 = vector.broadcast %shift_left3A_1603 : i32 to vector<256x128xi32>
    %shift_left3A_1605 = arith.shli %xor3A_1601, %shift_left3A_1604 : vector<256x128xi32>
    %shift_right_logical3A_1606 = arith.constant 8 : i32
    %shift_right_logical3A_1607 = vector.broadcast %shift_right_logical3A_1606 : i32 to vector<256x128xi32>
    %shift_right_logical3A_1608 = arith.shrui %xor3A_1601, %shift_right_logical3A_1607 : vector<256x128xi32>
    %or3A_1609 = arith.ori %shift_left3A_1605, %shift_right_logical3A_1608 : vector<256x128xi32>
    %xor3A_1610 = arith.xori %add3A_1602, %or3A_1609 : vector<256x128xi32>
    %add3A_1611 = arith.addi %add3A_1602, %xor3A_1531 : vector<256x128xi32>
    %add3A_1612 = arith.addi %xor3A_1610, %add3A_1521 : vector<256x128xi32>
    %add3A_1613 = arith.constant 2 : i32
    %add3A_1614 = vector.broadcast %add3A_1613 : i32 to vector<256x128xi32>
    %add3A_1615 = arith.addi %add3A_1612, %add3A_1614 : vector<256x128xi32>
    %add3A_1616 = arith.addi %add3A_1611, %add3A_1615 : vector<256x128xi32>
    %shift_left3A_1617 = arith.constant 13 : i32
    %shift_left3A_1618 = vector.broadcast %shift_left3A_1617 : i32 to vector<256x128xi32>
    %shift_left3A_1619 = arith.shli %add3A_1615, %shift_left3A_1618 : vector<256x128xi32>
    %shift_right_logical3A_1620 = arith.constant 19 : i32
    %shift_right_logical3A_1621 = vector.broadcast %shift_right_logical3A_1620 : i32 to vector<256x128xi32>
    %shift_right_logical3A_1622 = arith.shrui %add3A_1615, %shift_right_logical3A_1621 : vector<256x128xi32>
    %or3A_1623 = arith.ori %shift_left3A_1619, %shift_right_logical3A_1622 : vector<256x128xi32>
    %xor3A_1624 = arith.xori %add3A_1616, %or3A_1623 : vector<256x128xi32>
    %add3A_1625 = arith.addi %add3A_1616, %xor3A_1624 : vector<256x128xi32>
    %shift_left3A_1626 = arith.constant 15 : i32
    %shift_left3A_1627 = vector.broadcast %shift_left3A_1626 : i32 to vector<256x128xi32>
    %shift_left3A_1628 = arith.shli %xor3A_1624, %shift_left3A_1627 : vector<256x128xi32>
    %shift_right_logical3A_1629 = arith.constant 17 : i32
    %shift_right_logical3A_1630 = vector.broadcast %shift_right_logical3A_1629 : i32 to vector<256x128xi32>
    %shift_right_logical3A_1631 = arith.shrui %xor3A_1624, %shift_right_logical3A_1630 : vector<256x128xi32>
    %or3A_1632 = arith.ori %shift_left3A_1628, %shift_right_logical3A_1631 : vector<256x128xi32>
    %xor3A_1633 = arith.xori %add3A_1625, %or3A_1632 : vector<256x128xi32>
    %add3A_1634 = arith.addi %add3A_1625, %xor3A_1633 : vector<256x128xi32>
    %shift_left3A_1635 = arith.constant 26 : i32
    %shift_left3A_1636 = vector.broadcast %shift_left3A_1635 : i32 to vector<256x128xi32>
    %shift_left3A_1637 = arith.shli %xor3A_1633, %shift_left3A_1636 : vector<256x128xi32>
    %shift_right_logical3A_1638 = arith.constant 6 : i32
    %shift_right_logical3A_1639 = vector.broadcast %shift_right_logical3A_1638 : i32 to vector<256x128xi32>
    %shift_right_logical3A_1640 = arith.shrui %xor3A_1633, %shift_right_logical3A_1639 : vector<256x128xi32>
    %or3A_1641 = arith.ori %shift_left3A_1637, %shift_right_logical3A_1640 : vector<256x128xi32>
    %xor3A_1642 = arith.xori %add3A_1634, %or3A_1641 : vector<256x128xi32>
    %add3A_1643 = arith.addi %add3A_1634, %xor3A_1642 : vector<256x128xi32>
    %shift_left3A_1644 = arith.constant 6 : i32
    %shift_left3A_1645 = vector.broadcast %shift_left3A_1644 : i32 to vector<256x128xi32>
    %shift_left3A_1646 = arith.shli %xor3A_1642, %shift_left3A_1645 : vector<256x128xi32>
    %shift_right_logical3A_1647 = arith.constant 26 : i32
    %shift_right_logical3A_1648 = vector.broadcast %shift_right_logical3A_1647 : i32 to vector<256x128xi32>
    %shift_right_logical3A_1649 = arith.shrui %xor3A_1642, %shift_right_logical3A_1648 : vector<256x128xi32>
    %or3A_1650 = arith.ori %shift_left3A_1646, %shift_right_logical3A_1649 : vector<256x128xi32>
    %xor3A_1651 = arith.xori %add3A_1643, %or3A_1650 : vector<256x128xi32>
    %add3A_1652 = arith.addi %add3A_1643, %add3A_1521 : vector<256x128xi32>
    %add3A_1653 = arith.addi %xor3A_1651, %add3A_1525 : vector<256x128xi32>
    %add3A_1654 = arith.constant 3 : i32
    %add3A_1655 = vector.broadcast %add3A_1654 : i32 to vector<256x128xi32>
    %add3A_1656 = arith.addi %add3A_1653, %add3A_1655 : vector<256x128xi32>
    %add3A_1657 = arith.addi %add3A_1652, %add3A_1656 : vector<256x128xi32>
    %shift_left3A_1658 = arith.constant 17 : i32
    %shift_left3A_1659 = vector.broadcast %shift_left3A_1658 : i32 to vector<256x128xi32>
    %shift_left3A_1660 = arith.shli %add3A_1656, %shift_left3A_1659 : vector<256x128xi32>
    %shift_right_logical3A_1661 = arith.constant 15 : i32
    %shift_right_logical3A_1662 = vector.broadcast %shift_right_logical3A_1661 : i32 to vector<256x128xi32>
    %shift_right_logical3A_1663 = arith.shrui %add3A_1656, %shift_right_logical3A_1662 : vector<256x128xi32>
    %or3A_1664 = arith.ori %shift_left3A_1660, %shift_right_logical3A_1663 : vector<256x128xi32>
    %xor3A_1665 = arith.xori %add3A_1657, %or3A_1664 : vector<256x128xi32>
    %add3A_1666 = arith.addi %add3A_1657, %xor3A_1665 : vector<256x128xi32>
    %shift_left3A_1667 = arith.constant 29 : i32
    %shift_left3A_1668 = vector.broadcast %shift_left3A_1667 : i32 to vector<256x128xi32>
    %shift_left3A_1669 = arith.shli %xor3A_1665, %shift_left3A_1668 : vector<256x128xi32>
    %shift_right_logical3A_1670 = arith.constant 3 : i32
    %shift_right_logical3A_1671 = vector.broadcast %shift_right_logical3A_1670 : i32 to vector<256x128xi32>
    %shift_right_logical3A_1672 = arith.shrui %xor3A_1665, %shift_right_logical3A_1671 : vector<256x128xi32>
    %or3A_1673 = arith.ori %shift_left3A_1669, %shift_right_logical3A_1672 : vector<256x128xi32>
    %xor3A_1674 = arith.xori %add3A_1666, %or3A_1673 : vector<256x128xi32>
    %add3A_1675 = arith.addi %add3A_1666, %xor3A_1674 : vector<256x128xi32>
    %shift_left3A_1676 = arith.constant 16 : i32
    %shift_left3A_1677 = vector.broadcast %shift_left3A_1676 : i32 to vector<256x128xi32>
    %shift_left3A_1678 = arith.shli %xor3A_1674, %shift_left3A_1677 : vector<256x128xi32>
    %shift_right_logical3A_1679 = arith.constant 16 : i32
    %shift_right_logical3A_1680 = vector.broadcast %shift_right_logical3A_1679 : i32 to vector<256x128xi32>
    %shift_right_logical3A_1681 = arith.shrui %xor3A_1674, %shift_right_logical3A_1680 : vector<256x128xi32>
    %or3A_1682 = arith.ori %shift_left3A_1678, %shift_right_logical3A_1681 : vector<256x128xi32>
    %xor3A_1683 = arith.xori %add3A_1675, %or3A_1682 : vector<256x128xi32>
    %add3A_1684 = arith.addi %add3A_1675, %xor3A_1683 : vector<256x128xi32>
    %shift_left3A_1685 = arith.constant 24 : i32
    %shift_left3A_1686 = vector.broadcast %shift_left3A_1685 : i32 to vector<256x128xi32>
    %shift_left3A_1687 = arith.shli %xor3A_1683, %shift_left3A_1686 : vector<256x128xi32>
    %shift_right_logical3A_1688 = arith.constant 8 : i32
    %shift_right_logical3A_1689 = vector.broadcast %shift_right_logical3A_1688 : i32 to vector<256x128xi32>
    %shift_right_logical3A_1690 = arith.shrui %xor3A_1683, %shift_right_logical3A_1689 : vector<256x128xi32>
    %or3A_1691 = arith.ori %shift_left3A_1687, %shift_right_logical3A_1690 : vector<256x128xi32>
    %xor3A_1692 = arith.xori %add3A_1684, %or3A_1691 : vector<256x128xi32>
    %add3A_1693 = arith.addi %add3A_1684, %add3A_1525 : vector<256x128xi32>
    %add3A_1694 = arith.addi %xor3A_1692, %xor3A_1531 : vector<256x128xi32>
    %add3A_1695 = arith.constant 4 : i32
    %add3A_1696 = vector.broadcast %add3A_1695 : i32 to vector<256x128xi32>
    %add3A_1697 = arith.addi %add3A_1694, %add3A_1696 : vector<256x128xi32>
    %add3A_1698 = arith.addi %add3A_1693, %add3A_1697 : vector<256x128xi32>
    %shift_left3A_1699 = arith.constant 13 : i32
    %shift_left3A_1700 = vector.broadcast %shift_left3A_1699 : i32 to vector<256x128xi32>
    %shift_left3A_1701 = arith.shli %add3A_1697, %shift_left3A_1700 : vector<256x128xi32>
    %shift_right_logical3A_1702 = arith.constant 19 : i32
    %shift_right_logical3A_1703 = vector.broadcast %shift_right_logical3A_1702 : i32 to vector<256x128xi32>
    %shift_right_logical3A_1704 = arith.shrui %add3A_1697, %shift_right_logical3A_1703 : vector<256x128xi32>
    %or3A_1705 = arith.ori %shift_left3A_1701, %shift_right_logical3A_1704 : vector<256x128xi32>
    %xor3A_1706 = arith.xori %add3A_1698, %or3A_1705 : vector<256x128xi32>
    %add3A_1707 = arith.addi %add3A_1698, %xor3A_1706 : vector<256x128xi32>
    %shift_left3A_1708 = arith.constant 15 : i32
    %shift_left3A_1709 = vector.broadcast %shift_left3A_1708 : i32 to vector<256x128xi32>
    %shift_left3A_1710 = arith.shli %xor3A_1706, %shift_left3A_1709 : vector<256x128xi32>
    %shift_right_logical3A_1711 = arith.constant 17 : i32
    %shift_right_logical3A_1712 = vector.broadcast %shift_right_logical3A_1711 : i32 to vector<256x128xi32>
    %shift_right_logical3A_1713 = arith.shrui %xor3A_1706, %shift_right_logical3A_1712 : vector<256x128xi32>
    %or3A_1714 = arith.ori %shift_left3A_1710, %shift_right_logical3A_1713 : vector<256x128xi32>
    %xor3A_1715 = arith.xori %add3A_1707, %or3A_1714 : vector<256x128xi32>
    %add3A_1716 = arith.addi %add3A_1707, %xor3A_1715 : vector<256x128xi32>
    %shift_left3A_1717 = arith.constant 26 : i32
    %shift_left3A_1718 = vector.broadcast %shift_left3A_1717 : i32 to vector<256x128xi32>
    %shift_left3A_1719 = arith.shli %xor3A_1715, %shift_left3A_1718 : vector<256x128xi32>
    %shift_right_logical3A_1720 = arith.constant 6 : i32
    %shift_right_logical3A_1721 = vector.broadcast %shift_right_logical3A_1720 : i32 to vector<256x128xi32>
    %shift_right_logical3A_1722 = arith.shrui %xor3A_1715, %shift_right_logical3A_1721 : vector<256x128xi32>
    %or3A_1723 = arith.ori %shift_left3A_1719, %shift_right_logical3A_1722 : vector<256x128xi32>
    %xor3A_1724 = arith.xori %add3A_1716, %or3A_1723 : vector<256x128xi32>
    %add3A_1725 = arith.addi %add3A_1716, %xor3A_1724 : vector<256x128xi32>
    %shift_left3A_1726 = arith.constant 6 : i32
    %shift_left3A_1727 = vector.broadcast %shift_left3A_1726 : i32 to vector<256x128xi32>
    %shift_left3A_1728 = arith.shli %xor3A_1724, %shift_left3A_1727 : vector<256x128xi32>
    %shift_right_logical3A_1729 = arith.constant 26 : i32
    %shift_right_logical3A_1730 = vector.broadcast %shift_right_logical3A_1729 : i32 to vector<256x128xi32>
    %shift_right_logical3A_1731 = arith.shrui %xor3A_1724, %shift_right_logical3A_1730 : vector<256x128xi32>
    %or3A_1732 = arith.ori %shift_left3A_1728, %shift_right_logical3A_1731 : vector<256x128xi32>
    %xor3A_1733 = arith.xori %add3A_1725, %or3A_1732 : vector<256x128xi32>
    %add3A_1734 = arith.addi %add3A_1725, %xor3A_1531 : vector<256x128xi32>
    %add3A_1735 = arith.addi %xor3A_1733, %add3A_1521 : vector<256x128xi32>
    %add3A_1736 = arith.constant 5 : i32
    %add3A_1737 = vector.broadcast %add3A_1736 : i32 to vector<256x128xi32>
    %add3A_1738 = arith.addi %add3A_1735, %add3A_1737 : vector<256x128xi32>
    %xor3A_1739 = arith.xori %add3A_1734, %add3A_1738 : vector<256x128xi32>
    %shift_right_logical3A_1740 = arith.constant 9 : i32
    %shift_right_logical3A_1741 = vector.broadcast %shift_right_logical3A_1740 : i32 to vector<256x128xi32>
    %shift_right_logical3A_1742 = arith.shrui %xor3A_1739, %shift_right_logical3A_1741 : vector<256x128xi32>
    %or3A_1743 = arith.constant 1065353216 : i32
    %or3A_1744 = vector.broadcast %or3A_1743 : i32 to vector<256x128xi32>
    %or3A_1745 = arith.ori %shift_right_logical3A_1742, %or3A_1744 : vector<256x128xi32>
    %bitcast_convert_type3A = tpu.bitcast %or3A_1745 : vector<256x128xi32> -> vector<256x128xf32>
    %sub3A = arith.constant 1.000000e+00 : f32
    %sub3A_1746 = vector.broadcast %sub3A : f32 to vector<256x128xf32>
    %sub3A_1747 = arith.subf %bitcast_convert_type3A, %sub3A_1746 : vector<256x128xf32>
    %mul3A = arith.constant 2.000000e+00 : f32
    %mul3A_1748 = vector.broadcast %mul3A : f32 to vector<256x128xf32>
    %mul3A_1749 = arith.mulf %sub3A_1747, %mul3A_1748 : vector<256x128xf32>
    %add3A_1750 = arith.constant -0.99999994 : f32
    %add3A_1751 = vector.broadcast %add3A_1750 : f32 to vector<256x128xf32>
    %add3A_1752 = arith.addf %mul3A_1749, %add3A_1751 : vector<256x128xf32>
    %max3A = arith.constant -0.99999994 : f32
    %max3A_1753 = vector.broadcast %max3A : f32 to vector<256x128xf32>
    %max3A_1754 = arith.maximumf %max3A_1753, %add3A_1752 : vector<256x128xf32>
    %neg3A = arith.constant 0.000000e+00 : f32
    %neg3A_1755 = vector.broadcast %neg3A : f32 to vector<256x128xf32>
    %neg3A_1756 = arith.subf %neg3A_1755, %max3A_1754 : vector<256x128xf32>
    %mul3A_1757 = arith.mulf %neg3A_1756, %max3A_1754 : vector<256x128xf32>
    %log1p3A = math.log1p %mul3A_1757 : vector<256x128xf32>
    %neg3A_1758 = arith.constant 0.000000e+00 : f32
    %neg3A_1759 = vector.broadcast %neg3A_1758 : f32 to vector<256x128xf32>
    %neg3A_1760 = arith.subf %neg3A_1759, %log1p3A : vector<256x128xf32>
    %lt3A_1761 = arith.constant 5.000000e+00 : f32
    %lt3A_1762 = vector.broadcast %lt3A_1761 : f32 to vector<256x128xf32>
    %lt3A_1763 = arith.cmpf olt, %neg3A_1760, %lt3A_1762 : vector<256x128xf32>
    %sub3A_1764 = arith.constant 2.500000e+00 : f32
    %sub3A_1765 = vector.broadcast %sub3A_1764 : f32 to vector<256x128xf32>
    %sub3A_1766 = arith.subf %neg3A_1760, %sub3A_1765 : vector<256x128xf32>
    %broadcast_in_dim3A_1767 = arith.constant 2.81022636E-8 : f32
    %broadcast_in_dim3A_1768 = vector.broadcast %broadcast_in_dim3A_1767 : f32 to vector<256x128xf32>
    %mul3A_1769 = arith.mulf %broadcast_in_dim3A_1768, %sub3A_1766 : vector<256x128xf32>
    %add3A_1770 = arith.constant 3.43273939E-7 : f32
    %add3A_1771 = vector.broadcast %add3A_1770 : f32 to vector<256x128xf32>
    %add3A_1772 = arith.addf %add3A_1771, %mul3A_1769 : vector<256x128xf32>
    %mul3A_1773 = arith.mulf %add3A_1772, %sub3A_1766 : vector<256x128xf32>
    %add3A_1774 = arith.constant -3.5233877E-6 : f32
    %add3A_1775 = vector.broadcast %add3A_1774 : f32 to vector<256x128xf32>
    %add3A_1776 = arith.addf %add3A_1775, %mul3A_1773 : vector<256x128xf32>
    %mul3A_1777 = arith.mulf %add3A_1776, %sub3A_1766 : vector<256x128xf32>
    %add3A_1778 = arith.constant -4.39150654E-6 : f32
    %add3A_1779 = vector.broadcast %add3A_1778 : f32 to vector<256x128xf32>
    %add3A_1780 = arith.addf %add3A_1779, %mul3A_1777 : vector<256x128xf32>
    %mul3A_1781 = arith.mulf %add3A_1780, %sub3A_1766 : vector<256x128xf32>
    %add3A_1782 = arith.constant 2.1858087E-4 : f32
    %add3A_1783 = vector.broadcast %add3A_1782 : f32 to vector<256x128xf32>
    %add3A_1784 = arith.addf %add3A_1783, %mul3A_1781 : vector<256x128xf32>
    %mul3A_1785 = arith.mulf %add3A_1784, %sub3A_1766 : vector<256x128xf32>
    %add3A_1786 = arith.constant -0.00125372503 : f32
    %add3A_1787 = vector.broadcast %add3A_1786 : f32 to vector<256x128xf32>
    %add3A_1788 = arith.addf %add3A_1787, %mul3A_1785 : vector<256x128xf32>
    %mul3A_1789 = arith.mulf %add3A_1788, %sub3A_1766 : vector<256x128xf32>
    %add3A_1790 = arith.constant -0.00417768164 : f32
    %add3A_1791 = vector.broadcast %add3A_1790 : f32 to vector<256x128xf32>
    %add3A_1792 = arith.addf %add3A_1791, %mul3A_1789 : vector<256x128xf32>
    %mul3A_1793 = arith.mulf %add3A_1792, %sub3A_1766 : vector<256x128xf32>
    %add3A_1794 = arith.constant 0.246640727 : f32
    %add3A_1795 = vector.broadcast %add3A_1794 : f32 to vector<256x128xf32>
    %add3A_1796 = arith.addf %add3A_1795, %mul3A_1793 : vector<256x128xf32>
    %mul3A_1797 = arith.mulf %add3A_1796, %sub3A_1766 : vector<256x128xf32>
    %add3A_1798 = arith.constant 1.50140941 : f32
    %add3A_1799 = vector.broadcast %add3A_1798 : f32 to vector<256x128xf32>
    %add3A_1800 = arith.addf %add3A_1799, %mul3A_1797 : vector<256x128xf32>
    %sqrt3A = math.sqrt %neg3A_1760 : vector<256x128xf32>
    %sub3A_1801 = arith.constant 3.000000e+00 : f32
    %sub3A_1802 = vector.broadcast %sub3A_1801 : f32 to vector<256x128xf32>
    %sub3A_1803 = arith.subf %sqrt3A, %sub3A_1802 : vector<256x128xf32>
    %broadcast_in_dim3A_1804 = arith.constant -2.00214257E-4 : f32
    %broadcast_in_dim3A_1805 = vector.broadcast %broadcast_in_dim3A_1804 : f32 to vector<256x128xf32>
    %mul3A_1806 = arith.mulf %broadcast_in_dim3A_1805, %sub3A_1803 : vector<256x128xf32>
    %add3A_1807 = arith.constant 1.00950558E-4 : f32
    %add3A_1808 = vector.broadcast %add3A_1807 : f32 to vector<256x128xf32>
    %add3A_1809 = arith.addf %add3A_1808, %mul3A_1806 : vector<256x128xf32>
    %mul3A_1810 = arith.mulf %add3A_1809, %sub3A_1803 : vector<256x128xf32>
    %add3A_1811 = arith.constant 0.00134934322 : f32
    %add3A_1812 = vector.broadcast %add3A_1811 : f32 to vector<256x128xf32>
    %add3A_1813 = arith.addf %add3A_1812, %mul3A_1810 : vector<256x128xf32>
    %mul3A_1814 = arith.mulf %add3A_1813, %sub3A_1803 : vector<256x128xf32>
    %add3A_1815 = arith.constant -0.00367342844 : f32
    %add3A_1816 = vector.broadcast %add3A_1815 : f32 to vector<256x128xf32>
    %add3A_1817 = arith.addf %add3A_1816, %mul3A_1814 : vector<256x128xf32>
    %mul3A_1818 = arith.mulf %add3A_1817, %sub3A_1803 : vector<256x128xf32>
    %add3A_1819 = arith.constant 0.00573950773 : f32
    %add3A_1820 = vector.broadcast %add3A_1819 : f32 to vector<256x128xf32>
    %add3A_1821 = arith.addf %add3A_1820, %mul3A_1818 : vector<256x128xf32>
    %mul3A_1822 = arith.mulf %add3A_1821, %sub3A_1803 : vector<256x128xf32>
    %add3A_1823 = arith.constant -0.0076224613 : f32
    %add3A_1824 = vector.broadcast %add3A_1823 : f32 to vector<256x128xf32>
    %add3A_1825 = arith.addf %add3A_1824, %mul3A_1822 : vector<256x128xf32>
    %mul3A_1826 = arith.mulf %add3A_1825, %sub3A_1803 : vector<256x128xf32>
    %add3A_1827 = arith.constant 0.00943887047 : f32
    %add3A_1828 = vector.broadcast %add3A_1827 : f32 to vector<256x128xf32>
    %add3A_1829 = arith.addf %add3A_1828, %mul3A_1826 : vector<256x128xf32>
    %mul3A_1830 = arith.mulf %add3A_1829, %sub3A_1803 : vector<256x128xf32>
    %add3A_1831 = arith.constant 1.00167406 : f32
    %add3A_1832 = vector.broadcast %add3A_1831 : f32 to vector<256x128xf32>
    %add3A_1833 = arith.addf %add3A_1832, %mul3A_1830 : vector<256x128xf32>
    %mul3A_1834 = arith.mulf %add3A_1833, %sub3A_1803 : vector<256x128xf32>
    %add3A_1835 = arith.constant 2.83297682 : f32
    %add3A_1836 = vector.broadcast %add3A_1835 : f32 to vector<256x128xf32>
    %add3A_1837 = arith.addf %add3A_1836, %mul3A_1834 : vector<256x128xf32>
    %select_n3A_1838 = arith.select %lt3A_1763, %add3A_1800, %add3A_1837 : vector<256x128xi1>, vector<256x128xf32>
    %mul3A_1839 = arith.mulf %select_n3A_1838, %max3A_1754 : vector<256x128xf32>
    %mul3A_1840 = arith.constant 1.41421354 : f32
    %mul3A_1841 = vector.broadcast %mul3A_1840 : f32 to vector<256x128xf32>
    %mul3A_1842 = arith.mulf %mul3A_1841, %mul3A_1839 : vector<256x128xf32>
    %broadcast_in_dim3A_1843 = arith.constant 0 : i32
    %broadcast_in_dim3A_1844 = vector.broadcast %broadcast_in_dim3A_1843 : i32 to vector<256x128xi32>
    %xor3A_1845 = arith.xori %add3A_1305, %add3A_1309 : vector<256x128xi32>
    %xor3A_1846 = arith.constant 466688986 : i32
    %xor3A_1847 = vector.broadcast %xor3A_1846 : i32 to vector<256x128xi32>
    %xor3A_1848 = arith.xori %xor3A_1845, %xor3A_1847 : vector<256x128xi32>
    %add3A_1849 = arith.addi %broadcast_in_dim3A_1844, %add3A_1305 : vector<256x128xi32>
    %add3A_1850 = arith.addi %broadcast_in_dim3A_1844, %add3A_1309 : vector<256x128xi32>
    %add3A_1851 = arith.addi %add3A_1849, %add3A_1850 : vector<256x128xi32>
    %shift_left3A_1852 = arith.constant 13 : i32
    %shift_left3A_1853 = vector.broadcast %shift_left3A_1852 : i32 to vector<256x128xi32>
    %shift_left3A_1854 = arith.shli %add3A_1850, %shift_left3A_1853 : vector<256x128xi32>
    %shift_right_logical3A_1855 = arith.constant 19 : i32
    %shift_right_logical3A_1856 = vector.broadcast %shift_right_logical3A_1855 : i32 to vector<256x128xi32>
    %shift_right_logical3A_1857 = arith.shrui %add3A_1850, %shift_right_logical3A_1856 : vector<256x128xi32>
    %or3A_1858 = arith.ori %shift_left3A_1854, %shift_right_logical3A_1857 : vector<256x128xi32>
    %xor3A_1859 = arith.xori %add3A_1851, %or3A_1858 : vector<256x128xi32>
    %add3A_1860 = arith.addi %add3A_1851, %xor3A_1859 : vector<256x128xi32>
    %shift_left3A_1861 = arith.constant 15 : i32
    %shift_left3A_1862 = vector.broadcast %shift_left3A_1861 : i32 to vector<256x128xi32>
    %shift_left3A_1863 = arith.shli %xor3A_1859, %shift_left3A_1862 : vector<256x128xi32>
    %shift_right_logical3A_1864 = arith.constant 17 : i32
    %shift_right_logical3A_1865 = vector.broadcast %shift_right_logical3A_1864 : i32 to vector<256x128xi32>
    %shift_right_logical3A_1866 = arith.shrui %xor3A_1859, %shift_right_logical3A_1865 : vector<256x128xi32>
    %or3A_1867 = arith.ori %shift_left3A_1863, %shift_right_logical3A_1866 : vector<256x128xi32>
    %xor3A_1868 = arith.xori %add3A_1860, %or3A_1867 : vector<256x128xi32>
    %add3A_1869 = arith.addi %add3A_1860, %xor3A_1868 : vector<256x128xi32>
    %shift_left3A_1870 = arith.constant 26 : i32
    %shift_left3A_1871 = vector.broadcast %shift_left3A_1870 : i32 to vector<256x128xi32>
    %shift_left3A_1872 = arith.shli %xor3A_1868, %shift_left3A_1871 : vector<256x128xi32>
    %shift_right_logical3A_1873 = arith.constant 6 : i32
    %shift_right_logical3A_1874 = vector.broadcast %shift_right_logical3A_1873 : i32 to vector<256x128xi32>
    %shift_right_logical3A_1875 = arith.shrui %xor3A_1868, %shift_right_logical3A_1874 : vector<256x128xi32>
    %or3A_1876 = arith.ori %shift_left3A_1872, %shift_right_logical3A_1875 : vector<256x128xi32>
    %xor3A_1877 = arith.xori %add3A_1869, %or3A_1876 : vector<256x128xi32>
    %add3A_1878 = arith.addi %add3A_1869, %xor3A_1877 : vector<256x128xi32>
    %shift_left3A_1879 = arith.constant 6 : i32
    %shift_left3A_1880 = vector.broadcast %shift_left3A_1879 : i32 to vector<256x128xi32>
    %shift_left3A_1881 = arith.shli %xor3A_1877, %shift_left3A_1880 : vector<256x128xi32>
    %shift_right_logical3A_1882 = arith.constant 26 : i32
    %shift_right_logical3A_1883 = vector.broadcast %shift_right_logical3A_1882 : i32 to vector<256x128xi32>
    %shift_right_logical3A_1884 = arith.shrui %xor3A_1877, %shift_right_logical3A_1883 : vector<256x128xi32>
    %or3A_1885 = arith.ori %shift_left3A_1881, %shift_right_logical3A_1884 : vector<256x128xi32>
    %xor3A_1886 = arith.xori %add3A_1878, %or3A_1885 : vector<256x128xi32>
    %add3A_1887 = arith.addi %add3A_1878, %add3A_1309 : vector<256x128xi32>
    %add3A_1888 = arith.addi %xor3A_1886, %xor3A_1848 : vector<256x128xi32>
    %add3A_1889 = arith.constant 1 : i32
    %add3A_1890 = vector.broadcast %add3A_1889 : i32 to vector<256x128xi32>
    %add3A_1891 = arith.addi %add3A_1888, %add3A_1890 : vector<256x128xi32>
    %add3A_1892 = arith.addi %add3A_1887, %add3A_1891 : vector<256x128xi32>
    %shift_left3A_1893 = arith.constant 17 : i32
    %shift_left3A_1894 = vector.broadcast %shift_left3A_1893 : i32 to vector<256x128xi32>
    %shift_left3A_1895 = arith.shli %add3A_1891, %shift_left3A_1894 : vector<256x128xi32>
    %shift_right_logical3A_1896 = arith.constant 15 : i32
    %shift_right_logical3A_1897 = vector.broadcast %shift_right_logical3A_1896 : i32 to vector<256x128xi32>
    %shift_right_logical3A_1898 = arith.shrui %add3A_1891, %shift_right_logical3A_1897 : vector<256x128xi32>
    %or3A_1899 = arith.ori %shift_left3A_1895, %shift_right_logical3A_1898 : vector<256x128xi32>
    %xor3A_1900 = arith.xori %add3A_1892, %or3A_1899 : vector<256x128xi32>
    %add3A_1901 = arith.addi %add3A_1892, %xor3A_1900 : vector<256x128xi32>
    %shift_left3A_1902 = arith.constant 29 : i32
    %shift_left3A_1903 = vector.broadcast %shift_left3A_1902 : i32 to vector<256x128xi32>
    %shift_left3A_1904 = arith.shli %xor3A_1900, %shift_left3A_1903 : vector<256x128xi32>
    %shift_right_logical3A_1905 = arith.constant 3 : i32
    %shift_right_logical3A_1906 = vector.broadcast %shift_right_logical3A_1905 : i32 to vector<256x128xi32>
    %shift_right_logical3A_1907 = arith.shrui %xor3A_1900, %shift_right_logical3A_1906 : vector<256x128xi32>
    %or3A_1908 = arith.ori %shift_left3A_1904, %shift_right_logical3A_1907 : vector<256x128xi32>
    %xor3A_1909 = arith.xori %add3A_1901, %or3A_1908 : vector<256x128xi32>
    %add3A_1910 = arith.addi %add3A_1901, %xor3A_1909 : vector<256x128xi32>
    %shift_left3A_1911 = arith.constant 16 : i32
    %shift_left3A_1912 = vector.broadcast %shift_left3A_1911 : i32 to vector<256x128xi32>
    %shift_left3A_1913 = arith.shli %xor3A_1909, %shift_left3A_1912 : vector<256x128xi32>
    %shift_right_logical3A_1914 = arith.constant 16 : i32
    %shift_right_logical3A_1915 = vector.broadcast %shift_right_logical3A_1914 : i32 to vector<256x128xi32>
    %shift_right_logical3A_1916 = arith.shrui %xor3A_1909, %shift_right_logical3A_1915 : vector<256x128xi32>
    %or3A_1917 = arith.ori %shift_left3A_1913, %shift_right_logical3A_1916 : vector<256x128xi32>
    %xor3A_1918 = arith.xori %add3A_1910, %or3A_1917 : vector<256x128xi32>
    %add3A_1919 = arith.addi %add3A_1910, %xor3A_1918 : vector<256x128xi32>
    %shift_left3A_1920 = arith.constant 24 : i32
    %shift_left3A_1921 = vector.broadcast %shift_left3A_1920 : i32 to vector<256x128xi32>
    %shift_left3A_1922 = arith.shli %xor3A_1918, %shift_left3A_1921 : vector<256x128xi32>
    %shift_right_logical3A_1923 = arith.constant 8 : i32
    %shift_right_logical3A_1924 = vector.broadcast %shift_right_logical3A_1923 : i32 to vector<256x128xi32>
    %shift_right_logical3A_1925 = arith.shrui %xor3A_1918, %shift_right_logical3A_1924 : vector<256x128xi32>
    %or3A_1926 = arith.ori %shift_left3A_1922, %shift_right_logical3A_1925 : vector<256x128xi32>
    %xor3A_1927 = arith.xori %add3A_1919, %or3A_1926 : vector<256x128xi32>
    %add3A_1928 = arith.addi %add3A_1919, %xor3A_1848 : vector<256x128xi32>
    %add3A_1929 = arith.addi %xor3A_1927, %add3A_1305 : vector<256x128xi32>
    %add3A_1930 = arith.constant 2 : i32
    %add3A_1931 = vector.broadcast %add3A_1930 : i32 to vector<256x128xi32>
    %add3A_1932 = arith.addi %add3A_1929, %add3A_1931 : vector<256x128xi32>
    %add3A_1933 = arith.addi %add3A_1928, %add3A_1932 : vector<256x128xi32>
    %shift_left3A_1934 = arith.constant 13 : i32
    %shift_left3A_1935 = vector.broadcast %shift_left3A_1934 : i32 to vector<256x128xi32>
    %shift_left3A_1936 = arith.shli %add3A_1932, %shift_left3A_1935 : vector<256x128xi32>
    %shift_right_logical3A_1937 = arith.constant 19 : i32
    %shift_right_logical3A_1938 = vector.broadcast %shift_right_logical3A_1937 : i32 to vector<256x128xi32>
    %shift_right_logical3A_1939 = arith.shrui %add3A_1932, %shift_right_logical3A_1938 : vector<256x128xi32>
    %or3A_1940 = arith.ori %shift_left3A_1936, %shift_right_logical3A_1939 : vector<256x128xi32>
    %xor3A_1941 = arith.xori %add3A_1933, %or3A_1940 : vector<256x128xi32>
    %add3A_1942 = arith.addi %add3A_1933, %xor3A_1941 : vector<256x128xi32>
    %shift_left3A_1943 = arith.constant 15 : i32
    %shift_left3A_1944 = vector.broadcast %shift_left3A_1943 : i32 to vector<256x128xi32>
    %shift_left3A_1945 = arith.shli %xor3A_1941, %shift_left3A_1944 : vector<256x128xi32>
    %shift_right_logical3A_1946 = arith.constant 17 : i32
    %shift_right_logical3A_1947 = vector.broadcast %shift_right_logical3A_1946 : i32 to vector<256x128xi32>
    %shift_right_logical3A_1948 = arith.shrui %xor3A_1941, %shift_right_logical3A_1947 : vector<256x128xi32>
    %or3A_1949 = arith.ori %shift_left3A_1945, %shift_right_logical3A_1948 : vector<256x128xi32>
    %xor3A_1950 = arith.xori %add3A_1942, %or3A_1949 : vector<256x128xi32>
    %add3A_1951 = arith.addi %add3A_1942, %xor3A_1950 : vector<256x128xi32>
    %shift_left3A_1952 = arith.constant 26 : i32
    %shift_left3A_1953 = vector.broadcast %shift_left3A_1952 : i32 to vector<256x128xi32>
    %shift_left3A_1954 = arith.shli %xor3A_1950, %shift_left3A_1953 : vector<256x128xi32>
    %shift_right_logical3A_1955 = arith.constant 6 : i32
    %shift_right_logical3A_1956 = vector.broadcast %shift_right_logical3A_1955 : i32 to vector<256x128xi32>
    %shift_right_logical3A_1957 = arith.shrui %xor3A_1950, %shift_right_logical3A_1956 : vector<256x128xi32>
    %or3A_1958 = arith.ori %shift_left3A_1954, %shift_right_logical3A_1957 : vector<256x128xi32>
    %xor3A_1959 = arith.xori %add3A_1951, %or3A_1958 : vector<256x128xi32>
    %add3A_1960 = arith.addi %add3A_1951, %xor3A_1959 : vector<256x128xi32>
    %shift_left3A_1961 = arith.constant 6 : i32
    %shift_left3A_1962 = vector.broadcast %shift_left3A_1961 : i32 to vector<256x128xi32>
    %shift_left3A_1963 = arith.shli %xor3A_1959, %shift_left3A_1962 : vector<256x128xi32>
    %shift_right_logical3A_1964 = arith.constant 26 : i32
    %shift_right_logical3A_1965 = vector.broadcast %shift_right_logical3A_1964 : i32 to vector<256x128xi32>
    %shift_right_logical3A_1966 = arith.shrui %xor3A_1959, %shift_right_logical3A_1965 : vector<256x128xi32>
    %or3A_1967 = arith.ori %shift_left3A_1963, %shift_right_logical3A_1966 : vector<256x128xi32>
    %xor3A_1968 = arith.xori %add3A_1960, %or3A_1967 : vector<256x128xi32>
    %add3A_1969 = arith.addi %add3A_1960, %add3A_1305 : vector<256x128xi32>
    %add3A_1970 = arith.addi %xor3A_1968, %add3A_1309 : vector<256x128xi32>
    %add3A_1971 = arith.constant 3 : i32
    %add3A_1972 = vector.broadcast %add3A_1971 : i32 to vector<256x128xi32>
    %add3A_1973 = arith.addi %add3A_1970, %add3A_1972 : vector<256x128xi32>
    %add3A_1974 = arith.addi %add3A_1969, %add3A_1973 : vector<256x128xi32>
    %shift_left3A_1975 = arith.constant 17 : i32
    %shift_left3A_1976 = vector.broadcast %shift_left3A_1975 : i32 to vector<256x128xi32>
    %shift_left3A_1977 = arith.shli %add3A_1973, %shift_left3A_1976 : vector<256x128xi32>
    %shift_right_logical3A_1978 = arith.constant 15 : i32
    %shift_right_logical3A_1979 = vector.broadcast %shift_right_logical3A_1978 : i32 to vector<256x128xi32>
    %shift_right_logical3A_1980 = arith.shrui %add3A_1973, %shift_right_logical3A_1979 : vector<256x128xi32>
    %or3A_1981 = arith.ori %shift_left3A_1977, %shift_right_logical3A_1980 : vector<256x128xi32>
    %xor3A_1982 = arith.xori %add3A_1974, %or3A_1981 : vector<256x128xi32>
    %add3A_1983 = arith.addi %add3A_1974, %xor3A_1982 : vector<256x128xi32>
    %shift_left3A_1984 = arith.constant 29 : i32
    %shift_left3A_1985 = vector.broadcast %shift_left3A_1984 : i32 to vector<256x128xi32>
    %shift_left3A_1986 = arith.shli %xor3A_1982, %shift_left3A_1985 : vector<256x128xi32>
    %shift_right_logical3A_1987 = arith.constant 3 : i32
    %shift_right_logical3A_1988 = vector.broadcast %shift_right_logical3A_1987 : i32 to vector<256x128xi32>
    %shift_right_logical3A_1989 = arith.shrui %xor3A_1982, %shift_right_logical3A_1988 : vector<256x128xi32>
    %or3A_1990 = arith.ori %shift_left3A_1986, %shift_right_logical3A_1989 : vector<256x128xi32>
    %xor3A_1991 = arith.xori %add3A_1983, %or3A_1990 : vector<256x128xi32>
    %add3A_1992 = arith.addi %add3A_1983, %xor3A_1991 : vector<256x128xi32>
    %shift_left3A_1993 = arith.constant 16 : i32
    %shift_left3A_1994 = vector.broadcast %shift_left3A_1993 : i32 to vector<256x128xi32>
    %shift_left3A_1995 = arith.shli %xor3A_1991, %shift_left3A_1994 : vector<256x128xi32>
    %shift_right_logical3A_1996 = arith.constant 16 : i32
    %shift_right_logical3A_1997 = vector.broadcast %shift_right_logical3A_1996 : i32 to vector<256x128xi32>
    %shift_right_logical3A_1998 = arith.shrui %xor3A_1991, %shift_right_logical3A_1997 : vector<256x128xi32>
    %or3A_1999 = arith.ori %shift_left3A_1995, %shift_right_logical3A_1998 : vector<256x128xi32>
    %xor3A_2000 = arith.xori %add3A_1992, %or3A_1999 : vector<256x128xi32>
    %add3A_2001 = arith.addi %add3A_1992, %xor3A_2000 : vector<256x128xi32>
    %shift_left3A_2002 = arith.constant 24 : i32
    %shift_left3A_2003 = vector.broadcast %shift_left3A_2002 : i32 to vector<256x128xi32>
    %shift_left3A_2004 = arith.shli %xor3A_2000, %shift_left3A_2003 : vector<256x128xi32>
    %shift_right_logical3A_2005 = arith.constant 8 : i32
    %shift_right_logical3A_2006 = vector.broadcast %shift_right_logical3A_2005 : i32 to vector<256x128xi32>
    %shift_right_logical3A_2007 = arith.shrui %xor3A_2000, %shift_right_logical3A_2006 : vector<256x128xi32>
    %or3A_2008 = arith.ori %shift_left3A_2004, %shift_right_logical3A_2007 : vector<256x128xi32>
    %xor3A_2009 = arith.xori %add3A_2001, %or3A_2008 : vector<256x128xi32>
    %add3A_2010 = arith.addi %add3A_2001, %add3A_1309 : vector<256x128xi32>
    %add3A_2011 = arith.addi %xor3A_2009, %xor3A_1848 : vector<256x128xi32>
    %add3A_2012 = arith.constant 4 : i32
    %add3A_2013 = vector.broadcast %add3A_2012 : i32 to vector<256x128xi32>
    %add3A_2014 = arith.addi %add3A_2011, %add3A_2013 : vector<256x128xi32>
    %add3A_2015 = arith.addi %add3A_2010, %add3A_2014 : vector<256x128xi32>
    %shift_left3A_2016 = arith.constant 13 : i32
    %shift_left3A_2017 = vector.broadcast %shift_left3A_2016 : i32 to vector<256x128xi32>
    %shift_left3A_2018 = arith.shli %add3A_2014, %shift_left3A_2017 : vector<256x128xi32>
    %shift_right_logical3A_2019 = arith.constant 19 : i32
    %shift_right_logical3A_2020 = vector.broadcast %shift_right_logical3A_2019 : i32 to vector<256x128xi32>
    %shift_right_logical3A_2021 = arith.shrui %add3A_2014, %shift_right_logical3A_2020 : vector<256x128xi32>
    %or3A_2022 = arith.ori %shift_left3A_2018, %shift_right_logical3A_2021 : vector<256x128xi32>
    %xor3A_2023 = arith.xori %add3A_2015, %or3A_2022 : vector<256x128xi32>
    %add3A_2024 = arith.addi %add3A_2015, %xor3A_2023 : vector<256x128xi32>
    %shift_left3A_2025 = arith.constant 15 : i32
    %shift_left3A_2026 = vector.broadcast %shift_left3A_2025 : i32 to vector<256x128xi32>
    %shift_left3A_2027 = arith.shli %xor3A_2023, %shift_left3A_2026 : vector<256x128xi32>
    %shift_right_logical3A_2028 = arith.constant 17 : i32
    %shift_right_logical3A_2029 = vector.broadcast %shift_right_logical3A_2028 : i32 to vector<256x128xi32>
    %shift_right_logical3A_2030 = arith.shrui %xor3A_2023, %shift_right_logical3A_2029 : vector<256x128xi32>
    %or3A_2031 = arith.ori %shift_left3A_2027, %shift_right_logical3A_2030 : vector<256x128xi32>
    %xor3A_2032 = arith.xori %add3A_2024, %or3A_2031 : vector<256x128xi32>
    %add3A_2033 = arith.addi %add3A_2024, %xor3A_2032 : vector<256x128xi32>
    %shift_left3A_2034 = arith.constant 26 : i32
    %shift_left3A_2035 = vector.broadcast %shift_left3A_2034 : i32 to vector<256x128xi32>
    %shift_left3A_2036 = arith.shli %xor3A_2032, %shift_left3A_2035 : vector<256x128xi32>
    %shift_right_logical3A_2037 = arith.constant 6 : i32
    %shift_right_logical3A_2038 = vector.broadcast %shift_right_logical3A_2037 : i32 to vector<256x128xi32>
    %shift_right_logical3A_2039 = arith.shrui %xor3A_2032, %shift_right_logical3A_2038 : vector<256x128xi32>
    %or3A_2040 = arith.ori %shift_left3A_2036, %shift_right_logical3A_2039 : vector<256x128xi32>
    %xor3A_2041 = arith.xori %add3A_2033, %or3A_2040 : vector<256x128xi32>
    %add3A_2042 = arith.addi %add3A_2033, %xor3A_2041 : vector<256x128xi32>
    %shift_left3A_2043 = arith.constant 6 : i32
    %shift_left3A_2044 = vector.broadcast %shift_left3A_2043 : i32 to vector<256x128xi32>
    %shift_left3A_2045 = arith.shli %xor3A_2041, %shift_left3A_2044 : vector<256x128xi32>
    %shift_right_logical3A_2046 = arith.constant 26 : i32
    %shift_right_logical3A_2047 = vector.broadcast %shift_right_logical3A_2046 : i32 to vector<256x128xi32>
    %shift_right_logical3A_2048 = arith.shrui %xor3A_2041, %shift_right_logical3A_2047 : vector<256x128xi32>
    %or3A_2049 = arith.ori %shift_left3A_2045, %shift_right_logical3A_2048 : vector<256x128xi32>
    %xor3A_2050 = arith.xori %add3A_2042, %or3A_2049 : vector<256x128xi32>
    %add3A_2051 = arith.addi %add3A_2042, %xor3A_1848 : vector<256x128xi32>
    %add3A_2052 = arith.addi %xor3A_2050, %add3A_1305 : vector<256x128xi32>
    %add3A_2053 = arith.constant 5 : i32
    %add3A_2054 = vector.broadcast %add3A_2053 : i32 to vector<256x128xi32>
    %add3A_2055 = arith.addi %add3A_2052, %add3A_2054 : vector<256x128xi32>
    %xor3A_2056 = arith.xori %add3A_2051, %add3A_2055 : vector<256x128xi32>
    %shift_right_logical3A_2057 = arith.constant 9 : i32
    %shift_right_logical3A_2058 = vector.broadcast %shift_right_logical3A_2057 : i32 to vector<256x128xi32>
    %shift_right_logical3A_2059 = arith.shrui %xor3A_2056, %shift_right_logical3A_2058 : vector<256x128xi32>
    %or3A_2060 = arith.constant 1065353216 : i32
    %or3A_2061 = vector.broadcast %or3A_2060 : i32 to vector<256x128xi32>
    %or3A_2062 = arith.ori %shift_right_logical3A_2059, %or3A_2061 : vector<256x128xi32>
    %bitcast_convert_type3A_2063 = tpu.bitcast %or3A_2062 : vector<256x128xi32> -> vector<256x128xf32>
    %sub3A_2064 = arith.constant 1.000000e+00 : f32
    %sub3A_2065 = vector.broadcast %sub3A_2064 : f32 to vector<256x128xf32>
    %sub3A_2066 = arith.subf %bitcast_convert_type3A_2063, %sub3A_2065 : vector<256x128xf32>
    %swap3A_2067 = arith.constant 0 : index
    %swap3A_2068 = arith.constant 0 : index
    %swap3A_2069 = vector.load %arg4[%swap3A_2067, %swap3A_2068] : memref<256x128xf32, #tpu.memory_space<vmem>>, vector<256x128xf32>
    tpu.vector_store %arg4[%swap3A_2067, %swap3A_2068], %mul3A_1842 {strides = array<i32>} : memref<256x128xf32, #tpu.memory_space<vmem>>, vector<256x128xf32>,
    %swap3A_2070 = arith.constant 0 : index
    %swap3A_2071 = arith.constant 0 : index
    %swap3A_2072 = vector.load %arg5[%swap3A_2070, %swap3A_2071] : memref<256x128xf32, #tpu.memory_space<vmem>>, vector<256x128xf32>
    tpu.vector_store %arg5[%swap3A_2070, %swap3A_2071], %sub3A_2066 {strides = array<i32>} : memref<256x128xf32, #tpu.memory_space<vmem>>, vector<256x128xf32>,
    %swap3A_2073 = arith.constant 0 : index
    %swap3A_2074 = arith.constant 0 : index
    %swap3A_2075 = vector.load %arg6[%swap3A_2073, %swap3A_2074] : memref<256x128xi32, #tpu.memory_space<vmem>>, vector<256x128xi32>
    tpu.vector_store %arg6[%swap3A_2073, %swap3A_2074], %add3A_1089 {strides = array<i32>} : memref<256x128xi32, #tpu.memory_space<vmem>>, vector<256x128xi32>,
    %swap3A_2076 = arith.constant 0 : index
    %swap3A_2077 = arith.constant 0 : index
    %swap3A_2078 = vector.load %arg7[%swap3A_2076, %swap3A_2077] : memref<256x128xi32, #tpu.memory_space<vmem>>, vector<256x128xi32>
    tpu.vector_store %arg7[%swap3A_2076, %swap3A_2077], %add3A_1093 {strides = array<i32>} : memref<256x128xi32, #tpu.memory_space<vmem>>, vector<256x128xi32>,
    %swap3A_2079 = arith.constant 0 : index
    %swap3A_2080 = arith.constant 0 : index
    %swap3A_2081 = vector.load %arg8[%swap3A_2079, %swap3A_2080] : memref<256x128xi32, #tpu.memory_space<vmem>>, vector<256x128xi32>
    tpu.vector_store %arg8[%swap3A_2079, %swap3A_2080], %add3A_873 {strides = array<i32>} : memref<256x128xi32, #tpu.memory_space<vmem>>, vector<256x128xi32>,
    %swap3A_2082 = arith.constant 0 : index
    %swap3A_2083 = arith.constant 0 : index
    %swap3A_2084 = vector.load %arg9[%swap3A_2082, %swap3A_2083] : memref<256x128xi32, #tpu.memory_space<vmem>>, vector<256x128xi32>
    tpu.vector_store %arg9[%swap3A_2082, %swap3A_2083], %add3A_877 {strides = array<i32>} : memref<256x128xi32, #tpu.memory_space<vmem>>, vector<256x128xi32>,
    %swap3A_2085 = arith.constant 0 : index
    %swap3A_2086 = arith.constant 0 : index
    %swap3A_2087 = vector.load %arg10[%swap3A_2085, %swap3A_2086] : memref<256x128xi32, #tpu.memory_space<vmem>>, vector<256x128xi32>
    tpu.vector_store %arg10[%swap3A_2085, %swap3A_2086], %add3A_657 {strides = array<i32>} : memref<256x128xi32, #tpu.memory_space<vmem>>, vector<256x128xi32>,
    %swap3A_2088 = arith.constant 0 : index
    %swap3A_2089 = arith.constant 0 : index
    %swap3A_2090 = vector.load %arg11[%swap3A_2088, %swap3A_2089] : memref<256x128xi32, #tpu.memory_space<vmem>>, vector<256x128xi32>
    tpu.vector_store %arg11[%swap3A_2088, %swap3A_2089], %add3A_661 {strides = array<i32>} : memref<256x128xi32, #tpu.memory_space<vmem>>, vector<256x128xi32>,
    return
  }
}

module attributes {stable_mosaic.version = 14 : i64} {
  func.func @_sample_body(%arg0: memref<256x128xf32, #tpu.memory_space<vmem>>, %arg1: memref<256x128xf32, #tpu.memory_space<vmem>>, %arg2: memref<256x128xf32, #tpu.memory_space<vmem>>, %arg3: memref<256x128xi32, #tpu.memory_space<vmem>>, %arg4: memref<256x128xi32, #tpu.memory_space<vmem>>, %arg5: memref<256x128xi32, #tpu.memory_space<vmem>>, %arg6: memref<256x128xi32, #tpu.memory_space<vmem>>, %arg7: memref<256x128xi32, #tpu.memory_space<vmem>>, %arg8: memref<256x128xi32, #tpu.memory_space<vmem>>, %arg9: memref<128x128xf32, #tpu.memory_space<vmem>>, %arg10: memref<256x128xi32, #tpu.memory_space<vmem>>, %arg11: memref<256x128xi32, #tpu.memory_space<vmem>>, %arg12: memref<256x128xf32, #tpu.memory_space<vmem>>, %arg13: memref<256x128xi32, #tpu.memory_space<vmem>>, %arg14: memref<256x128xi32, #tpu.memory_space<vmem>>, %arg15: memref<256x128xi32, #tpu.memory_space<vmem>>, %arg16: memref<256x128xf32, #tpu.memory_space<vmem>>, %arg17: memref<256x128xf32, #tpu.memory_space<vmem>>, %arg18: memref<256x128xi32, #tpu.memory_space<vmem>>) attributes {dimension_semantics = [], scalar_prefetch = 0 : i64, scratch_operands = 9 : i64, tpu.core_type = #tpu.core_type<tc>} {
    %get3A = arith.constant 0 : index
    %get3A_0 = arith.constant 0 : index
    %get3A_1 = vector.load %arg0[%get3A, %get3A_0] : memref<256x128xf32, #tpu.memory_space<vmem>>, vector<256x128xf32>
    %max3A = arith.constant 0.000000e+00 : f32
    %max3A_2 = vector.broadcast %max3A : f32 to vector<256x128xf32>
    %max3A_3 = arith.maximumf %get3A_1, %max3A_2 : vector<256x128xf32>
    %jit3A = arith.constant 1.000000e-01 : f32
    %jit3A_4 = arith.constant 5.000000e+00 : f32
    %max3A_5 = vector.broadcast %jit3A : f32 to vector<256x128xf32>
    %max3A_6 = arith.maximumf %max3A_5, %max3A_3 : vector<256x128xf32>
    %min3A = vector.broadcast %jit3A_4 : f32 to vector<256x128xf32>
    %min3A_7 = arith.minimumf %min3A, %max3A_6 : vector<256x128xf32>
    %get3A_8 = arith.constant 0 : index
    %get3A_9 = arith.constant 0 : index
    %get3A_10 = vector.load %arg7[%get3A_8, %get3A_9] : memref<256x128xi32, #tpu.memory_space<vmem>>, vector<256x128xi32>
    %get3A_11 = arith.constant 0 : index
    %get3A_12 = arith.constant 0 : index
    %get3A_13 = vector.load %arg8[%get3A_11, %get3A_12] : memref<256x128xi32, #tpu.memory_space<vmem>>, vector<256x128xi32>
    %ge3A = arith.constant 1.000000e+00 : f32
    %ge3A_14 = vector.broadcast %ge3A : f32 to vector<256x128xf32>
    %ge3A_15 = arith.cmpf oge, %min3A_7, %ge3A_14 : vector<256x128xf32>
    %add3A = arith.constant 1.000000e+00 : f32
    %add3A_16 = vector.broadcast %add3A : f32 to vector<256x128xf32>
    %add3A_17 = arith.addf %min3A_7, %add3A_16 : vector<256x128xf32>
    %select_n3A = arith.select %ge3A_15, %min3A_7, %add3A_17 : vector<256x128xi1>, vector<256x128xf32>
    %sub3A = arith.constant 0.333333343 : f32
    %sub3A_18 = vector.broadcast %sub3A : f32 to vector<256x128xf32>
    %sub3A_19 = arith.subf %select_n3A, %sub3A_18 : vector<256x128xf32>
    %sqrt3A = math.sqrt %sub3A_19 : vector<256x128xf32>
    %div3A = arith.constant 0.333333343 : f32
    %div3A_20 = vector.broadcast %div3A : f32 to vector<256x128xf32>
    %div3A_21 = arith.divf %div3A_20, %sqrt3A : vector<256x128xf32>
    %broadcast_in_dim3A = arith.constant 1.000000e+00 : f32
    %broadcast_in_dim3A_22 = vector.broadcast %broadcast_in_dim3A : f32 to vector<256x128xf32>
    %swap3A = arith.constant 0 : index
    %swap3A_23 = arith.constant 0 : index
    %swap3A_24 = vector.load %arg12[%swap3A, %swap3A_23] : memref<256x128xf32, #tpu.memory_space<vmem>>, vector<256x128xf32>
    tpu.vector_store %arg12[%swap3A, %swap3A_23], %broadcast_in_dim3A_22 {strides = array<i32>} : memref<256x128xf32, #tpu.memory_space<vmem>>, vector<256x128xf32>,
    %broadcast_in_dim3A_25 = arith.constant true
    %broadcast_in_dim3A_26 = vector.broadcast %broadcast_in_dim3A_25 : i1 to vector<256x128xi1>
    %get3A_27 = arith.constant 0 : index
    %get3A_28 = arith.constant 0 : index
    %get3A_29 = vector.load %arg1[%get3A_27, %get3A_28] : memref<256x128xf32, #tpu.memory_space<vmem>>, vector<256x128xf32>
    %get3A_30 = arith.constant 0 : index
    %get3A_31 = arith.constant 0 : index
    %get3A_32 = vector.load %arg2[%get3A_30, %get3A_31] : memref<256x128xf32, #tpu.memory_space<vmem>>, vector<256x128xf32>
    %get3A_33 = arith.constant 0 : index
    %get3A_34 = arith.constant 0 : index
    %get3A_35 = vector.load %arg3[%get3A_33, %get3A_34] : memref<256x128xi32, #tpu.memory_space<vmem>>, vector<256x128xi32>
    %get3A_36 = arith.constant 0 : index
    %get3A_37 = arith.constant 0 : index
    %get3A_38 = vector.load %arg4[%get3A_36, %get3A_37] : memref<256x128xi32, #tpu.memory_space<vmem>>, vector<256x128xi32>
    %get3A_39 = arith.constant 0 : index
    %get3A_40 = arith.constant 0 : index
    %get3A_41 = vector.load %arg5[%get3A_39, %get3A_40] : memref<256x128xi32, #tpu.memory_space<vmem>>, vector<256x128xi32>
    %get3A_42 = arith.constant 0 : index
    %get3A_43 = arith.constant 0 : index
    %get3A_44 = vector.load %arg6[%get3A_42, %get3A_43] : memref<256x128xi32, #tpu.memory_space<vmem>>, vector<256x128xi32>
    %get3A_45 = arith.constant 0 : index
    %get3A_46 = arith.constant 0 : index
    %get3A_47 = vector.load %arg5[%get3A_45, %get3A_46] : memref<256x128xi32, #tpu.memory_space<vmem>>, vector<256x128xi32>
    %get3A_48 = arith.constant 0 : index
    %get3A_49 = arith.constant 0 : index
    %get3A_50 = vector.load %arg6[%get3A_48, %get3A_49] : memref<256x128xi32, #tpu.memory_space<vmem>>, vector<256x128xi32>
    %mul3A = arith.mulf %get3A_29, %div3A_21 : vector<256x128xf32>
    %add3A_51 = arith.constant 1.000000e+00 : f32
    %add3A_52 = vector.broadcast %add3A_51 : f32 to vector<256x128xf32>
    %add3A_53 = arith.addf %add3A_52, %mul3A : vector<256x128xf32>
    %swap3A_54 = arith.constant 0 : index
    %swap3A_55 = arith.constant 0 : index
    %swap3A_56 = vector.load %arg14[%swap3A_54, %swap3A_55] : memref<256x128xi32, #tpu.memory_space<vmem>>, vector<256x128xi32>
    tpu.vector_store %arg14[%swap3A_54, %swap3A_55], %get3A_35 {strides = array<i32>} : memref<256x128xi32, #tpu.memory_space<vmem>>, vector<256x128xi32>,
    %swap3A_57 = arith.constant 0 : index
    %swap3A_58 = arith.constant 0 : index
    %swap3A_59 = vector.load %arg15[%swap3A_57, %swap3A_58] : memref<256x128xi32, #tpu.memory_space<vmem>>, vector<256x128xi32>
    tpu.vector_store %arg15[%swap3A_57, %swap3A_58], %get3A_38 {strides = array<i32>} : memref<256x128xi32, #tpu.memory_space<vmem>>, vector<256x128xi32>,
    %swap3A_60 = arith.constant 0 : index
    %swap3A_61 = arith.constant 0 : index
    %swap3A_62 = vector.load %arg16[%swap3A_60, %swap3A_61] : memref<256x128xf32, #tpu.memory_space<vmem>>, vector<256x128xf32>
    tpu.vector_store %arg16[%swap3A_60, %swap3A_61], %get3A_29 {strides = array<i32>} : memref<256x128xf32, #tpu.memory_space<vmem>>, vector<256x128xf32>,
    %swap3A_63 = arith.constant 0 : index
    %swap3A_64 = arith.constant 0 : index
    %swap3A_65 = vector.load %arg17[%swap3A_63, %swap3A_64] : memref<256x128xf32, #tpu.memory_space<vmem>>, vector<256x128xf32>
    tpu.vector_store %arg17[%swap3A_63, %swap3A_64], %add3A_53 {strides = array<i32>} : memref<256x128xf32, #tpu.memory_space<vmem>>, vector<256x128xf32>,
    %le3A = arith.constant 0.000000e+00 : f32
    %le3A_66 = vector.broadcast %le3A : f32 to vector<256x128xf32>
    %le3A_67 = arith.cmpf ole, %add3A_53, %le3A_66 : vector<256x128xf32>
    %and3A = arith.andi %broadcast_in_dim3A_26, %le3A_67 : vector<256x128xi1>
    %convert_element_type3A = arith.extui %and3A : vector<256x128xi1> to vector<256x128xi32>
    %swap3A_68 = arith.constant 0 : index
    %swap3A_69 = arith.constant 0 : index
    %swap3A_70 = vector.load %arg18[%swap3A_68, %swap3A_69] : memref<256x128xi32, #tpu.memory_space<vmem>>, vector<256x128xi32>
    tpu.vector_store %arg18[%swap3A_68, %swap3A_69], %convert_element_type3A {strides = array<i32>} : memref<256x128xi32, #tpu.memory_space<vmem>>, vector<256x128xi32>,
    %convert_element_type3A_71 = arith.extui %and3A : vector<256x128xi1> to vector<256x128xi32>
    %reduce_sum3A = vector.shape_cast %convert_element_type3A_71 : vector<256x128xi32> to vector<1x256x128xi32>
    %reduce_sum3A_72 = arith.constant dense<0> : vector<1xi32>
    %reduce_sum3A_73 = vector.multi_reduction <add>, %reduce_sum3A, %reduce_sum3A_72 [1, 2] : vector<1x256x128xi32> to vector<1xi32>
    %reduce_sum3A_74 = vector.shape_cast %reduce_sum3A_73 : vector<1xi32> to vector<1x1x1xi32>
    %reduce_sum3A_75 = vector.extract %reduce_sum3A_74[0, 0, 0] : i32 from vector<1x1x1xi32>
    %while3A = scf.while (%while3A_380 = %reduce_sum3A_75) : (i32) -> i32 {
      %gt3A = arith.constant 0 : i32
      %gt3A_381 = arith.cmpi sgt, %while3A_380, %gt3A : i32
      scf.condition(%gt3A_381) %while3A_380 : i32
    } do {
    ^bb0(%while3A_380: i32):
      %get3A_381 = arith.constant 0 : index
      %get3A_382 = arith.constant 0 : index
      %get3A_383 = vector.load %arg14[%get3A_381, %get3A_382] : memref<256x128xi32, #tpu.memory_space<vmem>>, vector<256x128xi32>
      %get3A_384 = arith.constant 0 : index
      %get3A_385 = arith.constant 0 : index
      %get3A_386 = vector.load %arg15[%get3A_384, %get3A_385] : memref<256x128xi32, #tpu.memory_space<vmem>>, vector<256x128xi32>
      %get3A_387 = arith.constant 0 : index
      %get3A_388 = arith.constant 0 : index
      %get3A_389 = vector.load %arg18[%get3A_387, %get3A_388] : memref<256x128xi32, #tpu.memory_space<vmem>>, vector<256x128xi32>
      %ne3A = arith.constant 0 : i32
      %ne3A_390 = vector.broadcast %ne3A : i32 to vector<256x128xi32>
      %ne3A_391 = arith.cmpi ne, %get3A_389, %ne3A_390 : vector<256x128xi32>
      %broadcast_in_dim3A_392 = arith.constant 0 : i32
      %broadcast_in_dim3A_393 = vector.broadcast %broadcast_in_dim3A_392 : i32 to vector<256x128xi32>
      %add3A_394 = arith.constant 0 : i32
      %add3A_395 = vector.broadcast %add3A_394 : i32 to vector<256x128xi32>
      %add3A_396 = arith.addi %broadcast_in_dim3A_393, %add3A_395 : vector<256x128xi32>
      %xor3A_397 = arith.xori %get3A_383, %get3A_386 : vector<256x128xi32>
      %xor3A_398 = arith.constant 466688986 : i32
      %xor3A_399 = vector.broadcast %xor3A_398 : i32 to vector<256x128xi32>
      %xor3A_400 = arith.xori %xor3A_397, %xor3A_399 : vector<256x128xi32>
      %add3A_401 = arith.addi %broadcast_in_dim3A_393, %get3A_383 : vector<256x128xi32>
      %add3A_402 = arith.addi %add3A_396, %get3A_386 : vector<256x128xi32>
      %add3A_403 = arith.addi %add3A_401, %add3A_402 : vector<256x128xi32>
      %shift_left3A_404 = arith.constant 13 : i32
      %shift_left3A_405 = vector.broadcast %shift_left3A_404 : i32 to vector<256x128xi32>
      %shift_left3A_406 = arith.shli %add3A_402, %shift_left3A_405 : vector<256x128xi32>
      %shift_right_logical3A_407 = arith.constant 19 : i32
      %shift_right_logical3A_408 = vector.broadcast %shift_right_logical3A_407 : i32 to vector<256x128xi32>
      %shift_right_logical3A_409 = arith.shrui %add3A_402, %shift_right_logical3A_408 : vector<256x128xi32>
      %or3A_410 = arith.ori %shift_left3A_406, %shift_right_logical3A_409 : vector<256x128xi32>
      %xor3A_411 = arith.xori %add3A_403, %or3A_410 : vector<256x128xi32>
      %add3A_412 = arith.addi %add3A_403, %xor3A_411 : vector<256x128xi32>
      %shift_left3A_413 = arith.constant 15 : i32
      %shift_left3A_414 = vector.broadcast %shift_left3A_413 : i32 to vector<256x128xi32>
      %shift_left3A_415 = arith.shli %xor3A_411, %shift_left3A_414 : vector<256x128xi32>
      %shift_right_logical3A_416 = arith.constant 17 : i32
      %shift_right_logical3A_417 = vector.broadcast %shift_right_logical3A_416 : i32 to vector<256x128xi32>
      %shift_right_logical3A_418 = arith.shrui %xor3A_411, %shift_right_logical3A_417 : vector<256x128xi32>
      %or3A_419 = arith.ori %shift_left3A_415, %shift_right_logical3A_418 : vector<256x128xi32>
      %xor3A_420 = arith.xori %add3A_412, %or3A_419 : vector<256x128xi32>
      %add3A_421 = arith.addi %add3A_412, %xor3A_420 : vector<256x128xi32>
      %shift_left3A_422 = arith.constant 26 : i32
      %shift_left3A_423 = vector.broadcast %shift_left3A_422 : i32 to vector<256x128xi32>
      %shift_left3A_424 = arith.shli %xor3A_420, %shift_left3A_423 : vector<256x128xi32>
      %shift_right_logical3A_425 = arith.constant 6 : i32
      %shift_right_logical3A_426 = vector.broadcast %shift_right_logical3A_425 : i32 to vector<256x128xi32>
      %shift_right_logical3A_427 = arith.shrui %xor3A_420, %shift_right_logical3A_426 : vector<256x128xi32>
      %or3A_428 = arith.ori %shift_left3A_424, %shift_right_logical3A_427 : vector<256x128xi32>
      %xor3A_429 = arith.xori %add3A_421, %or3A_428 : vector<256x128xi32>
      %add3A_430 = arith.addi %add3A_421, %xor3A_429 : vector<256x128xi32>
      %shift_left3A_431 = arith.constant 6 : i32
      %shift_left3A_432 = vector.broadcast %shift_left3A_431 : i32 to vector<256x128xi32>
      %shift_left3A_433 = arith.shli %xor3A_429, %shift_left3A_432 : vector<256x128xi32>
      %shift_right_logical3A_434 = arith.constant 26 : i32
      %shift_right_logical3A_435 = vector.broadcast %shift_right_logical3A_434 : i32 to vector<256x128xi32>
      %shift_right_logical3A_436 = arith.shrui %xor3A_429, %shift_right_logical3A_435 : vector<256x128xi32>
      %or3A_437 = arith.ori %shift_left3A_433, %shift_right_logical3A_436 : vector<256x128xi32>
      %xor3A_438 = arith.xori %add3A_430, %or3A_437 : vector<256x128xi32>
      %add3A_439 = arith.addi %add3A_430, %get3A_386 : vector<256x128xi32>
      %add3A_440 = arith.addi %xor3A_438, %xor3A_400 : vector<256x128xi32>
      %add3A_441 = arith.constant 1 : i32
      %add3A_442 = vector.broadcast %add3A_441 : i32 to vector<256x128xi32>
      %add3A_443 = arith.addi %add3A_440, %add3A_442 : vector<256x128xi32>
      %add3A_444 = arith.addi %add3A_439, %add3A_443 : vector<256x128xi32>
      %shift_left3A_445 = arith.constant 17 : i32
      %shift_left3A_446 = vector.broadcast %shift_left3A_445 : i32 to vector<256x128xi32>
      %shift_left3A_447 = arith.shli %add3A_443, %shift_left3A_446 : vector<256x128xi32>
      %shift_right_logical3A_448 = arith.constant 15 : i32
      %shift_right_logical3A_449 = vector.broadcast %shift_right_logical3A_448 : i32 to vector<256x128xi32>
      %shift_right_logical3A_450 = arith.shrui %add3A_443, %shift_right_logical3A_449 : vector<256x128xi32>
      %or3A_451 = arith.ori %shift_left3A_447, %shift_right_logical3A_450 : vector<256x128xi32>
      %xor3A_452 = arith.xori %add3A_444, %or3A_451 : vector<256x128xi32>
      %add3A_453 = arith.addi %add3A_444, %xor3A_452 : vector<256x128xi32>
      %shift_left3A_454 = arith.constant 29 : i32
      %shift_left3A_455 = vector.broadcast %shift_left3A_454 : i32 to vector<256x128xi32>
      %shift_left3A_456 = arith.shli %xor3A_452, %shift_left3A_455 : vector<256x128xi32>
      %shift_right_logical3A_457 = arith.constant 3 : i32
      %shift_right_logical3A_458 = vector.broadcast %shift_right_logical3A_457 : i32 to vector<256x128xi32>
      %shift_right_logical3A_459 = arith.shrui %xor3A_452, %shift_right_logical3A_458 : vector<256x128xi32>
      %or3A_460 = arith.ori %shift_left3A_456, %shift_right_logical3A_459 : vector<256x128xi32>
      %xor3A_461 = arith.xori %add3A_453, %or3A_460 : vector<256x128xi32>
      %add3A_462 = arith.addi %add3A_453, %xor3A_461 : vector<256x128xi32>
      %shift_left3A_463 = arith.constant 16 : i32
      %shift_left3A_464 = vector.broadcast %shift_left3A_463 : i32 to vector<256x128xi32>
      %shift_left3A_465 = arith.shli %xor3A_461, %shift_left3A_464 : vector<256x128xi32>
      %shift_right_logical3A_466 = arith.constant 16 : i32
      %shift_right_logical3A_467 = vector.broadcast %shift_right_logical3A_466 : i32 to vector<256x128xi32>
      %shift_right_logical3A_468 = arith.shrui %xor3A_461, %shift_right_logical3A_467 : vector<256x128xi32>
      %or3A_469 = arith.ori %shift_left3A_465, %shift_right_logical3A_468 : vector<256x128xi32>
      %xor3A_470 = arith.xori %add3A_462, %or3A_469 : vector<256x128xi32>
      %add3A_471 = arith.addi %add3A_462, %xor3A_470 : vector<256x128xi32>
      %shift_left3A_472 = arith.constant 24 : i32
      %shift_left3A_473 = vector.broadcast %shift_left3A_472 : i32 to vector<256x128xi32>
      %shift_left3A_474 = arith.shli %xor3A_470, %shift_left3A_473 : vector<256x128xi32>
      %shift_right_logical3A_475 = arith.constant 8 : i32
      %shift_right_logical3A_476 = vector.broadcast %shift_right_logical3A_475 : i32 to vector<256x128xi32>
      %shift_right_logical3A_477 = arith.shrui %xor3A_470, %shift_right_logical3A_476 : vector<256x128xi32>
      %or3A_478 = arith.ori %shift_left3A_474, %shift_right_logical3A_477 : vector<256x128xi32>
      %xor3A_479 = arith.xori %add3A_471, %or3A_478 : vector<256x128xi32>
      %add3A_480 = arith.addi %add3A_471, %xor3A_400 : vector<256x128xi32>
      %add3A_481 = arith.addi %xor3A_479, %get3A_383 : vector<256x128xi32>
      %add3A_482 = arith.constant 2 : i32
      %add3A_483 = vector.broadcast %add3A_482 : i32 to vector<256x128xi32>
      %add3A_484 = arith.addi %add3A_481, %add3A_483 : vector<256x128xi32>
      %add3A_485 = arith.addi %add3A_480, %add3A_484 : vector<256x128xi32>
      %shift_left3A_486 = arith.constant 13 : i32
      %shift_left3A_487 = vector.broadcast %shift_left3A_486 : i32 to vector<256x128xi32>
      %shift_left3A_488 = arith.shli %add3A_484, %shift_left3A_487 : vector<256x128xi32>
      %shift_right_logical3A_489 = arith.constant 19 : i32
      %shift_right_logical3A_490 = vector.broadcast %shift_right_logical3A_489 : i32 to vector<256x128xi32>
      %shift_right_logical3A_491 = arith.shrui %add3A_484, %shift_right_logical3A_490 : vector<256x128xi32>
      %or3A_492 = arith.ori %shift_left3A_488, %shift_right_logical3A_491 : vector<256x128xi32>
      %xor3A_493 = arith.xori %add3A_485, %or3A_492 : vector<256x128xi32>
      %add3A_494 = arith.addi %add3A_485, %xor3A_493 : vector<256x128xi32>
      %shift_left3A_495 = arith.constant 15 : i32
      %shift_left3A_496 = vector.broadcast %shift_left3A_495 : i32 to vector<256x128xi32>
      %shift_left3A_497 = arith.shli %xor3A_493, %shift_left3A_496 : vector<256x128xi32>
      %shift_right_logical3A_498 = arith.constant 17 : i32
      %shift_right_logical3A_499 = vector.broadcast %shift_right_logical3A_498 : i32 to vector<256x128xi32>
      %shift_right_logical3A_500 = arith.shrui %xor3A_493, %shift_right_logical3A_499 : vector<256x128xi32>
      %or3A_501 = arith.ori %shift_left3A_497, %shift_right_logical3A_500 : vector<256x128xi32>
      %xor3A_502 = arith.xori %add3A_494, %or3A_501 : vector<256x128xi32>
      %add3A_503 = arith.addi %add3A_494, %xor3A_502 : vector<256x128xi32>
      %shift_left3A_504 = arith.constant 26 : i32
      %shift_left3A_505 = vector.broadcast %shift_left3A_504 : i32 to vector<256x128xi32>
      %shift_left3A_506 = arith.shli %xor3A_502, %shift_left3A_505 : vector<256x128xi32>
      %shift_right_logical3A_507 = arith.constant 6 : i32
      %shift_right_logical3A_508 = vector.broadcast %shift_right_logical3A_507 : i32 to vector<256x128xi32>
      %shift_right_logical3A_509 = arith.shrui %xor3A_502, %shift_right_logical3A_508 : vector<256x128xi32>
      %or3A_510 = arith.ori %shift_left3A_506, %shift_right_logical3A_509 : vector<256x128xi32>
      %xor3A_511 = arith.xori %add3A_503, %or3A_510 : vector<256x128xi32>
      %add3A_512 = arith.addi %add3A_503, %xor3A_511 : vector<256x128xi32>
      %shift_left3A_513 = arith.constant 6 : i32
      %shift_left3A_514 = vector.broadcast %shift_left3A_513 : i32 to vector<256x128xi32>
      %shift_left3A_515 = arith.shli %xor3A_511, %shift_left3A_514 : vector<256x128xi32>
      %shift_right_logical3A_516 = arith.constant 26 : i32
      %shift_right_logical3A_517 = vector.broadcast %shift_right_logical3A_516 : i32 to vector<256x128xi32>
      %shift_right_logical3A_518 = arith.shrui %xor3A_511, %shift_right_logical3A_517 : vector<256x128xi32>
      %or3A_519 = arith.ori %shift_left3A_515, %shift_right_logical3A_518 : vector<256x128xi32>
      %xor3A_520 = arith.xori %add3A_512, %or3A_519 : vector<256x128xi32>
      %add3A_521 = arith.addi %add3A_512, %get3A_383 : vector<256x128xi32>
      %add3A_522 = arith.addi %xor3A_520, %get3A_386 : vector<256x128xi32>
      %add3A_523 = arith.constant 3 : i32
      %add3A_524 = vector.broadcast %add3A_523 : i32 to vector<256x128xi32>
      %add3A_525 = arith.addi %add3A_522, %add3A_524 : vector<256x128xi32>
      %add3A_526 = arith.addi %add3A_521, %add3A_525 : vector<256x128xi32>
      %shift_left3A_527 = arith.constant 17 : i32
      %shift_left3A_528 = vector.broadcast %shift_left3A_527 : i32 to vector<256x128xi32>
      %shift_left3A_529 = arith.shli %add3A_525, %shift_left3A_528 : vector<256x128xi32>
      %shift_right_logical3A_530 = arith.constant 15 : i32
      %shift_right_logical3A_531 = vector.broadcast %shift_right_logical3A_530 : i32 to vector<256x128xi32>
      %shift_right_logical3A_532 = arith.shrui %add3A_525, %shift_right_logical3A_531 : vector<256x128xi32>
      %or3A_533 = arith.ori %shift_left3A_529, %shift_right_logical3A_532 : vector<256x128xi32>
      %xor3A_534 = arith.xori %add3A_526, %or3A_533 : vector<256x128xi32>
      %add3A_535 = arith.addi %add3A_526, %xor3A_534 : vector<256x128xi32>
      %shift_left3A_536 = arith.constant 29 : i32
      %shift_left3A_537 = vector.broadcast %shift_left3A_536 : i32 to vector<256x128xi32>
      %shift_left3A_538 = arith.shli %xor3A_534, %shift_left3A_537 : vector<256x128xi32>
      %shift_right_logical3A_539 = arith.constant 3 : i32
      %shift_right_logical3A_540 = vector.broadcast %shift_right_logical3A_539 : i32 to vector<256x128xi32>
      %shift_right_logical3A_541 = arith.shrui %xor3A_534, %shift_right_logical3A_540 : vector<256x128xi32>
      %or3A_542 = arith.ori %shift_left3A_538, %shift_right_logical3A_541 : vector<256x128xi32>
      %xor3A_543 = arith.xori %add3A_535, %or3A_542 : vector<256x128xi32>
      %add3A_544 = arith.addi %add3A_535, %xor3A_543 : vector<256x128xi32>
      %shift_left3A_545 = arith.constant 16 : i32
      %shift_left3A_546 = vector.broadcast %shift_left3A_545 : i32 to vector<256x128xi32>
      %shift_left3A_547 = arith.shli %xor3A_543, %shift_left3A_546 : vector<256x128xi32>
      %shift_right_logical3A_548 = arith.constant 16 : i32
      %shift_right_logical3A_549 = vector.broadcast %shift_right_logical3A_548 : i32 to vector<256x128xi32>
      %shift_right_logical3A_550 = arith.shrui %xor3A_543, %shift_right_logical3A_549 : vector<256x128xi32>
      %or3A_551 = arith.ori %shift_left3A_547, %shift_right_logical3A_550 : vector<256x128xi32>
      %xor3A_552 = arith.xori %add3A_544, %or3A_551 : vector<256x128xi32>
      %add3A_553 = arith.addi %add3A_544, %xor3A_552 : vector<256x128xi32>
      %shift_left3A_554 = arith.constant 24 : i32
      %shift_left3A_555 = vector.broadcast %shift_left3A_554 : i32 to vector<256x128xi32>
      %shift_left3A_556 = arith.shli %xor3A_552, %shift_left3A_555 : vector<256x128xi32>
      %shift_right_logical3A_557 = arith.constant 8 : i32
      %shift_right_logical3A_558 = vector.broadcast %shift_right_logical3A_557 : i32 to vector<256x128xi32>
      %shift_right_logical3A_559 = arith.shrui %xor3A_552, %shift_right_logical3A_558 : vector<256x128xi32>
      %or3A_560 = arith.ori %shift_left3A_556, %shift_right_logical3A_559 : vector<256x128xi32>
      %xor3A_561 = arith.xori %add3A_553, %or3A_560 : vector<256x128xi32>
      %add3A_562 = arith.addi %add3A_553, %get3A_386 : vector<256x128xi32>
      %add3A_563 = arith.addi %xor3A_561, %xor3A_400 : vector<256x128xi32>
      %add3A_564 = arith.constant 4 : i32
      %add3A_565 = vector.broadcast %add3A_564 : i32 to vector<256x128xi32>
      %add3A_566 = arith.addi %add3A_563, %add3A_565 : vector<256x128xi32>
      %add3A_567 = arith.addi %add3A_562, %add3A_566 : vector<256x128xi32>
      %shift_left3A_568 = arith.constant 13 : i32
      %shift_left3A_569 = vector.broadcast %shift_left3A_568 : i32 to vector<256x128xi32>
      %shift_left3A_570 = arith.shli %add3A_566, %shift_left3A_569 : vector<256x128xi32>
      %shift_right_logical3A_571 = arith.constant 19 : i32
      %shift_right_logical3A_572 = vector.broadcast %shift_right_logical3A_571 : i32 to vector<256x128xi32>
      %shift_right_logical3A_573 = arith.shrui %add3A_566, %shift_right_logical3A_572 : vector<256x128xi32>
      %or3A_574 = arith.ori %shift_left3A_570, %shift_right_logical3A_573 : vector<256x128xi32>
      %xor3A_575 = arith.xori %add3A_567, %or3A_574 : vector<256x128xi32>
      %add3A_576 = arith.addi %add3A_567, %xor3A_575 : vector<256x128xi32>
      %shift_left3A_577 = arith.constant 15 : i32
      %shift_left3A_578 = vector.broadcast %shift_left3A_577 : i32 to vector<256x128xi32>
      %shift_left3A_579 = arith.shli %xor3A_575, %shift_left3A_578 : vector<256x128xi32>
      %shift_right_logical3A_580 = arith.constant 17 : i32
      %shift_right_logical3A_581 = vector.broadcast %shift_right_logical3A_580 : i32 to vector<256x128xi32>
      %shift_right_logical3A_582 = arith.shrui %xor3A_575, %shift_right_logical3A_581 : vector<256x128xi32>
      %or3A_583 = arith.ori %shift_left3A_579, %shift_right_logical3A_582 : vector<256x128xi32>
      %xor3A_584 = arith.xori %add3A_576, %or3A_583 : vector<256x128xi32>
      %add3A_585 = arith.addi %add3A_576, %xor3A_584 : vector<256x128xi32>
      %shift_left3A_586 = arith.constant 26 : i32
      %shift_left3A_587 = vector.broadcast %shift_left3A_586 : i32 to vector<256x128xi32>
      %shift_left3A_588 = arith.shli %xor3A_584, %shift_left3A_587 : vector<256x128xi32>
      %shift_right_logical3A_589 = arith.constant 6 : i32
      %shift_right_logical3A_590 = vector.broadcast %shift_right_logical3A_589 : i32 to vector<256x128xi32>
      %shift_right_logical3A_591 = arith.shrui %xor3A_584, %shift_right_logical3A_590 : vector<256x128xi32>
      %or3A_592 = arith.ori %shift_left3A_588, %shift_right_logical3A_591 : vector<256x128xi32>
      %xor3A_593 = arith.xori %add3A_585, %or3A_592 : vector<256x128xi32>
      %add3A_594 = arith.addi %add3A_585, %xor3A_593 : vector<256x128xi32>
      %shift_left3A_595 = arith.constant 6 : i32
      %shift_left3A_596 = vector.broadcast %shift_left3A_595 : i32 to vector<256x128xi32>
      %shift_left3A_597 = arith.shli %xor3A_593, %shift_left3A_596 : vector<256x128xi32>
      %shift_right_logical3A_598 = arith.constant 26 : i32
      %shift_right_logical3A_599 = vector.broadcast %shift_right_logical3A_598 : i32 to vector<256x128xi32>
      %shift_right_logical3A_600 = arith.shrui %xor3A_593, %shift_right_logical3A_599 : vector<256x128xi32>
      %or3A_601 = arith.ori %shift_left3A_597, %shift_right_logical3A_600 : vector<256x128xi32>
      %xor3A_602 = arith.xori %add3A_594, %or3A_601 : vector<256x128xi32>
      %add3A_603 = arith.addi %add3A_594, %xor3A_400 : vector<256x128xi32>
      %add3A_604 = arith.addi %xor3A_602, %get3A_383 : vector<256x128xi32>
      %add3A_605 = arith.constant 5 : i32
      %add3A_606 = vector.broadcast %add3A_605 : i32 to vector<256x128xi32>
      %add3A_607 = arith.addi %add3A_604, %add3A_606 : vector<256x128xi32>
      %broadcast_in_dim3A_608 = arith.constant 0 : i32
      %broadcast_in_dim3A_609 = vector.broadcast %broadcast_in_dim3A_608 : i32 to vector<256x128xi32>
      %add3A_610 = arith.constant 1 : i32
      %add3A_611 = vector.broadcast %add3A_610 : i32 to vector<256x128xi32>
      %add3A_612 = arith.addi %broadcast_in_dim3A_609, %add3A_611 : vector<256x128xi32>
      %xor3A_613 = arith.xori %add3A_603, %add3A_607 : vector<256x128xi32>
      %xor3A_614 = arith.constant 466688986 : i32
      %xor3A_615 = vector.broadcast %xor3A_614 : i32 to vector<256x128xi32>
      %xor3A_616 = arith.xori %xor3A_613, %xor3A_615 : vector<256x128xi32>
      %add3A_617 = arith.addi %broadcast_in_dim3A_609, %add3A_603 : vector<256x128xi32>
      %add3A_618 = arith.addi %add3A_612, %add3A_607 : vector<256x128xi32>
      %add3A_619 = arith.addi %add3A_617, %add3A_618 : vector<256x128xi32>
      %shift_left3A_620 = arith.constant 13 : i32
      %shift_left3A_621 = vector.broadcast %shift_left3A_620 : i32 to vector<256x128xi32>
      %shift_left3A_622 = arith.shli %add3A_618, %shift_left3A_621 : vector<256x128xi32>
      %shift_right_logical3A_623 = arith.constant 19 : i32
      %shift_right_logical3A_624 = vector.broadcast %shift_right_logical3A_623 : i32 to vector<256x128xi32>
      %shift_right_logical3A_625 = arith.shrui %add3A_618, %shift_right_logical3A_624 : vector<256x128xi32>
      %or3A_626 = arith.ori %shift_left3A_622, %shift_right_logical3A_625 : vector<256x128xi32>
      %xor3A_627 = arith.xori %add3A_619, %or3A_626 : vector<256x128xi32>
      %add3A_628 = arith.addi %add3A_619, %xor3A_627 : vector<256x128xi32>
      %shift_left3A_629 = arith.constant 15 : i32
      %shift_left3A_630 = vector.broadcast %shift_left3A_629 : i32 to vector<256x128xi32>
      %shift_left3A_631 = arith.shli %xor3A_627, %shift_left3A_630 : vector<256x128xi32>
      %shift_right_logical3A_632 = arith.constant 17 : i32
      %shift_right_logical3A_633 = vector.broadcast %shift_right_logical3A_632 : i32 to vector<256x128xi32>
      %shift_right_logical3A_634 = arith.shrui %xor3A_627, %shift_right_logical3A_633 : vector<256x128xi32>
      %or3A_635 = arith.ori %shift_left3A_631, %shift_right_logical3A_634 : vector<256x128xi32>
      %xor3A_636 = arith.xori %add3A_628, %or3A_635 : vector<256x128xi32>
      %add3A_637 = arith.addi %add3A_628, %xor3A_636 : vector<256x128xi32>
      %shift_left3A_638 = arith.constant 26 : i32
      %shift_left3A_639 = vector.broadcast %shift_left3A_638 : i32 to vector<256x128xi32>
      %shift_left3A_640 = arith.shli %xor3A_636, %shift_left3A_639 : vector<256x128xi32>
      %shift_right_logical3A_641 = arith.constant 6 : i32
      %shift_right_logical3A_642 = vector.broadcast %shift_right_logical3A_641 : i32 to vector<256x128xi32>
      %shift_right_logical3A_643 = arith.shrui %xor3A_636, %shift_right_logical3A_642 : vector<256x128xi32>
      %or3A_644 = arith.ori %shift_left3A_640, %shift_right_logical3A_643 : vector<256x128xi32>
      %xor3A_645 = arith.xori %add3A_637, %or3A_644 : vector<256x128xi32>
      %add3A_646 = arith.addi %add3A_637, %xor3A_645 : vector<256x128xi32>
      %shift_left3A_647 = arith.constant 6 : i32
      %shift_left3A_648 = vector.broadcast %shift_left3A_647 : i32 to vector<256x128xi32>
      %shift_left3A_649 = arith.shli %xor3A_645, %shift_left3A_648 : vector<256x128xi32>
      %shift_right_logical3A_650 = arith.constant 26 : i32
      %shift_right_logical3A_651 = vector.broadcast %shift_right_logical3A_650 : i32 to vector<256x128xi32>
      %shift_right_logical3A_652 = arith.shrui %xor3A_645, %shift_right_logical3A_651 : vector<256x128xi32>
      %or3A_653 = arith.ori %shift_left3A_649, %shift_right_logical3A_652 : vector<256x128xi32>
      %xor3A_654 = arith.xori %add3A_646, %or3A_653 : vector<256x128xi32>
      %add3A_655 = arith.addi %add3A_646, %add3A_607 : vector<256x128xi32>
      %add3A_656 = arith.addi %xor3A_654, %xor3A_616 : vector<256x128xi32>
      %add3A_657 = arith.constant 1 : i32
      %add3A_658 = vector.broadcast %add3A_657 : i32 to vector<256x128xi32>
      %add3A_659 = arith.addi %add3A_656, %add3A_658 : vector<256x128xi32>
      %add3A_660 = arith.addi %add3A_655, %add3A_659 : vector<256x128xi32>
      %shift_left3A_661 = arith.constant 17 : i32
      %shift_left3A_662 = vector.broadcast %shift_left3A_661 : i32 to vector<256x128xi32>
      %shift_left3A_663 = arith.shli %add3A_659, %shift_left3A_662 : vector<256x128xi32>
      %shift_right_logical3A_664 = arith.constant 15 : i32
      %shift_right_logical3A_665 = vector.broadcast %shift_right_logical3A_664 : i32 to vector<256x128xi32>
      %shift_right_logical3A_666 = arith.shrui %add3A_659, %shift_right_logical3A_665 : vector<256x128xi32>
      %or3A_667 = arith.ori %shift_left3A_663, %shift_right_logical3A_666 : vector<256x128xi32>
      %xor3A_668 = arith.xori %add3A_660, %or3A_667 : vector<256x128xi32>
      %add3A_669 = arith.addi %add3A_660, %xor3A_668 : vector<256x128xi32>
      %shift_left3A_670 = arith.constant 29 : i32
      %shift_left3A_671 = vector.broadcast %shift_left3A_670 : i32 to vector<256x128xi32>
      %shift_left3A_672 = arith.shli %xor3A_668, %shift_left3A_671 : vector<256x128xi32>
      %shift_right_logical3A_673 = arith.constant 3 : i32
      %shift_right_logical3A_674 = vector.broadcast %shift_right_logical3A_673 : i32 to vector<256x128xi32>
      %shift_right_logical3A_675 = arith.shrui %xor3A_668, %shift_right_logical3A_674 : vector<256x128xi32>
      %or3A_676 = arith.ori %shift_left3A_672, %shift_right_logical3A_675 : vector<256x128xi32>
      %xor3A_677 = arith.xori %add3A_669, %or3A_676 : vector<256x128xi32>
      %add3A_678 = arith.addi %add3A_669, %xor3A_677 : vector<256x128xi32>
      %shift_left3A_679 = arith.constant 16 : i32
      %shift_left3A_680 = vector.broadcast %shift_left3A_679 : i32 to vector<256x128xi32>
      %shift_left3A_681 = arith.shli %xor3A_677, %shift_left3A_680 : vector<256x128xi32>
      %shift_right_logical3A_682 = arith.constant 16 : i32
      %shift_right_logical3A_683 = vector.broadcast %shift_right_logical3A_682 : i32 to vector<256x128xi32>
      %shift_right_logical3A_684 = arith.shrui %xor3A_677, %shift_right_logical3A_683 : vector<256x128xi32>
      %or3A_685 = arith.ori %shift_left3A_681, %shift_right_logical3A_684 : vector<256x128xi32>
      %xor3A_686 = arith.xori %add3A_678, %or3A_685 : vector<256x128xi32>
      %add3A_687 = arith.addi %add3A_678, %xor3A_686 : vector<256x128xi32>
      %shift_left3A_688 = arith.constant 24 : i32
      %shift_left3A_689 = vector.broadcast %shift_left3A_688 : i32 to vector<256x128xi32>
      %shift_left3A_690 = arith.shli %xor3A_686, %shift_left3A_689 : vector<256x128xi32>
      %shift_right_logical3A_691 = arith.constant 8 : i32
      %shift_right_logical3A_692 = vector.broadcast %shift_right_logical3A_691 : i32 to vector<256x128xi32>
      %shift_right_logical3A_693 = arith.shrui %xor3A_686, %shift_right_logical3A_692 : vector<256x128xi32>
      %or3A_694 = arith.ori %shift_left3A_690, %shift_right_logical3A_693 : vector<256x128xi32>
      %xor3A_695 = arith.xori %add3A_687, %or3A_694 : vector<256x128xi32>
      %add3A_696 = arith.addi %add3A_687, %xor3A_616 : vector<256x128xi32>
      %add3A_697 = arith.addi %xor3A_695, %add3A_603 : vector<256x128xi32>
      %add3A_698 = arith.constant 2 : i32
      %add3A_699 = vector.broadcast %add3A_698 : i32 to vector<256x128xi32>
      %add3A_700 = arith.addi %add3A_697, %add3A_699 : vector<256x128xi32>
      %add3A_701 = arith.addi %add3A_696, %add3A_700 : vector<256x128xi32>
      %shift_left3A_702 = arith.constant 13 : i32
      %shift_left3A_703 = vector.broadcast %shift_left3A_702 : i32 to vector<256x128xi32>
      %shift_left3A_704 = arith.shli %add3A_700, %shift_left3A_703 : vector<256x128xi32>
      %shift_right_logical3A_705 = arith.constant 19 : i32
      %shift_right_logical3A_706 = vector.broadcast %shift_right_logical3A_705 : i32 to vector<256x128xi32>
      %shift_right_logical3A_707 = arith.shrui %add3A_700, %shift_right_logical3A_706 : vector<256x128xi32>
      %or3A_708 = arith.ori %shift_left3A_704, %shift_right_logical3A_707 : vector<256x128xi32>
      %xor3A_709 = arith.xori %add3A_701, %or3A_708 : vector<256x128xi32>
      %add3A_710 = arith.addi %add3A_701, %xor3A_709 : vector<256x128xi32>
      %shift_left3A_711 = arith.constant 15 : i32
      %shift_left3A_712 = vector.broadcast %shift_left3A_711 : i32 to vector<256x128xi32>
      %shift_left3A_713 = arith.shli %xor3A_709, %shift_left3A_712 : vector<256x128xi32>
      %shift_right_logical3A_714 = arith.constant 17 : i32
      %shift_right_logical3A_715 = vector.broadcast %shift_right_logical3A_714 : i32 to vector<256x128xi32>
      %shift_right_logical3A_716 = arith.shrui %xor3A_709, %shift_right_logical3A_715 : vector<256x128xi32>
      %or3A_717 = arith.ori %shift_left3A_713, %shift_right_logical3A_716 : vector<256x128xi32>
      %xor3A_718 = arith.xori %add3A_710, %or3A_717 : vector<256x128xi32>
      %add3A_719 = arith.addi %add3A_710, %xor3A_718 : vector<256x128xi32>
      %shift_left3A_720 = arith.constant 26 : i32
      %shift_left3A_721 = vector.broadcast %shift_left3A_720 : i32 to vector<256x128xi32>
      %shift_left3A_722 = arith.shli %xor3A_718, %shift_left3A_721 : vector<256x128xi32>
      %shift_right_logical3A_723 = arith.constant 6 : i32
      %shift_right_logical3A_724 = vector.broadcast %shift_right_logical3A_723 : i32 to vector<256x128xi32>
      %shift_right_logical3A_725 = arith.shrui %xor3A_718, %shift_right_logical3A_724 : vector<256x128xi32>
      %or3A_726 = arith.ori %shift_left3A_722, %shift_right_logical3A_725 : vector<256x128xi32>
      %xor3A_727 = arith.xori %add3A_719, %or3A_726 : vector<256x128xi32>
      %add3A_728 = arith.addi %add3A_719, %xor3A_727 : vector<256x128xi32>
      %shift_left3A_729 = arith.constant 6 : i32
      %shift_left3A_730 = vector.broadcast %shift_left3A_729 : i32 to vector<256x128xi32>
      %shift_left3A_731 = arith.shli %xor3A_727, %shift_left3A_730 : vector<256x128xi32>
      %shift_right_logical3A_732 = arith.constant 26 : i32
      %shift_right_logical3A_733 = vector.broadcast %shift_right_logical3A_732 : i32 to vector<256x128xi32>
      %shift_right_logical3A_734 = arith.shrui %xor3A_727, %shift_right_logical3A_733 : vector<256x128xi32>
      %or3A_735 = arith.ori %shift_left3A_731, %shift_right_logical3A_734 : vector<256x128xi32>
      %xor3A_736 = arith.xori %add3A_728, %or3A_735 : vector<256x128xi32>
      %add3A_737 = arith.addi %add3A_728, %add3A_603 : vector<256x128xi32>
      %add3A_738 = arith.addi %xor3A_736, %add3A_607 : vector<256x128xi32>
      %add3A_739 = arith.constant 3 : i32
      %add3A_740 = vector.broadcast %add3A_739 : i32 to vector<256x128xi32>
      %add3A_741 = arith.addi %add3A_738, %add3A_740 : vector<256x128xi32>
      %add3A_742 = arith.addi %add3A_737, %add3A_741 : vector<256x128xi32>
      %shift_left3A_743 = arith.constant 17 : i32
      %shift_left3A_744 = vector.broadcast %shift_left3A_743 : i32 to vector<256x128xi32>
      %shift_left3A_745 = arith.shli %add3A_741, %shift_left3A_744 : vector<256x128xi32>
      %shift_right_logical3A_746 = arith.constant 15 : i32
      %shift_right_logical3A_747 = vector.broadcast %shift_right_logical3A_746 : i32 to vector<256x128xi32>
      %shift_right_logical3A_748 = arith.shrui %add3A_741, %shift_right_logical3A_747 : vector<256x128xi32>
      %or3A_749 = arith.ori %shift_left3A_745, %shift_right_logical3A_748 : vector<256x128xi32>
      %xor3A_750 = arith.xori %add3A_742, %or3A_749 : vector<256x128xi32>
      %add3A_751 = arith.addi %add3A_742, %xor3A_750 : vector<256x128xi32>
      %shift_left3A_752 = arith.constant 29 : i32
      %shift_left3A_753 = vector.broadcast %shift_left3A_752 : i32 to vector<256x128xi32>
      %shift_left3A_754 = arith.shli %xor3A_750, %shift_left3A_753 : vector<256x128xi32>
      %shift_right_logical3A_755 = arith.constant 3 : i32
      %shift_right_logical3A_756 = vector.broadcast %shift_right_logical3A_755 : i32 to vector<256x128xi32>
      %shift_right_logical3A_757 = arith.shrui %xor3A_750, %shift_right_logical3A_756 : vector<256x128xi32>
      %or3A_758 = arith.ori %shift_left3A_754, %shift_right_logical3A_757 : vector<256x128xi32>
      %xor3A_759 = arith.xori %add3A_751, %or3A_758 : vector<256x128xi32>
      %add3A_760 = arith.addi %add3A_751, %xor3A_759 : vector<256x128xi32>
      %shift_left3A_761 = arith.constant 16 : i32
      %shift_left3A_762 = vector.broadcast %shift_left3A_761 : i32 to vector<256x128xi32>
      %shift_left3A_763 = arith.shli %xor3A_759, %shift_left3A_762 : vector<256x128xi32>
      %shift_right_logical3A_764 = arith.constant 16 : i32
      %shift_right_logical3A_765 = vector.broadcast %shift_right_logical3A_764 : i32 to vector<256x128xi32>
      %shift_right_logical3A_766 = arith.shrui %xor3A_759, %shift_right_logical3A_765 : vector<256x128xi32>
      %or3A_767 = arith.ori %shift_left3A_763, %shift_right_logical3A_766 : vector<256x128xi32>
      %xor3A_768 = arith.xori %add3A_760, %or3A_767 : vector<256x128xi32>
      %add3A_769 = arith.addi %add3A_760, %xor3A_768 : vector<256x128xi32>
      %shift_left3A_770 = arith.constant 24 : i32
      %shift_left3A_771 = vector.broadcast %shift_left3A_770 : i32 to vector<256x128xi32>
      %shift_left3A_772 = arith.shli %xor3A_768, %shift_left3A_771 : vector<256x128xi32>
      %shift_right_logical3A_773 = arith.constant 8 : i32
      %shift_right_logical3A_774 = vector.broadcast %shift_right_logical3A_773 : i32 to vector<256x128xi32>
      %shift_right_logical3A_775 = arith.shrui %xor3A_768, %shift_right_logical3A_774 : vector<256x128xi32>
      %or3A_776 = arith.ori %shift_left3A_772, %shift_right_logical3A_775 : vector<256x128xi32>
      %xor3A_777 = arith.xori %add3A_769, %or3A_776 : vector<256x128xi32>
      %add3A_778 = arith.addi %add3A_769, %add3A_607 : vector<256x128xi32>
      %add3A_779 = arith.addi %xor3A_777, %xor3A_616 : vector<256x128xi32>
      %add3A_780 = arith.constant 4 : i32
      %add3A_781 = vector.broadcast %add3A_780 : i32 to vector<256x128xi32>
      %add3A_782 = arith.addi %add3A_779, %add3A_781 : vector<256x128xi32>
      %add3A_783 = arith.addi %add3A_778, %add3A_782 : vector<256x128xi32>
      %shift_left3A_784 = arith.constant 13 : i32
      %shift_left3A_785 = vector.broadcast %shift_left3A_784 : i32 to vector<256x128xi32>
      %shift_left3A_786 = arith.shli %add3A_782, %shift_left3A_785 : vector<256x128xi32>
      %shift_right_logical3A_787 = arith.constant 19 : i32
      %shift_right_logical3A_788 = vector.broadcast %shift_right_logical3A_787 : i32 to vector<256x128xi32>
      %shift_right_logical3A_789 = arith.shrui %add3A_782, %shift_right_logical3A_788 : vector<256x128xi32>
      %or3A_790 = arith.ori %shift_left3A_786, %shift_right_logical3A_789 : vector<256x128xi32>
      %xor3A_791 = arith.xori %add3A_783, %or3A_790 : vector<256x128xi32>
      %add3A_792 = arith.addi %add3A_783, %xor3A_791 : vector<256x128xi32>
      %shift_left3A_793 = arith.constant 15 : i32
      %shift_left3A_794 = vector.broadcast %shift_left3A_793 : i32 to vector<256x128xi32>
      %shift_left3A_795 = arith.shli %xor3A_791, %shift_left3A_794 : vector<256x128xi32>
      %shift_right_logical3A_796 = arith.constant 17 : i32
      %shift_right_logical3A_797 = vector.broadcast %shift_right_logical3A_796 : i32 to vector<256x128xi32>
      %shift_right_logical3A_798 = arith.shrui %xor3A_791, %shift_right_logical3A_797 : vector<256x128xi32>
      %or3A_799 = arith.ori %shift_left3A_795, %shift_right_logical3A_798 : vector<256x128xi32>
      %xor3A_800 = arith.xori %add3A_792, %or3A_799 : vector<256x128xi32>
      %add3A_801 = arith.addi %add3A_792, %xor3A_800 : vector<256x128xi32>
      %shift_left3A_802 = arith.constant 26 : i32
      %shift_left3A_803 = vector.broadcast %shift_left3A_802 : i32 to vector<256x128xi32>
      %shift_left3A_804 = arith.shli %xor3A_800, %shift_left3A_803 : vector<256x128xi32>
      %shift_right_logical3A_805 = arith.constant 6 : i32
      %shift_right_logical3A_806 = vector.broadcast %shift_right_logical3A_805 : i32 to vector<256x128xi32>
      %shift_right_logical3A_807 = arith.shrui %xor3A_800, %shift_right_logical3A_806 : vector<256x128xi32>
      %or3A_808 = arith.ori %shift_left3A_804, %shift_right_logical3A_807 : vector<256x128xi32>
      %xor3A_809 = arith.xori %add3A_801, %or3A_808 : vector<256x128xi32>
      %add3A_810 = arith.addi %add3A_801, %xor3A_809 : vector<256x128xi32>
      %shift_left3A_811 = arith.constant 6 : i32
      %shift_left3A_812 = vector.broadcast %shift_left3A_811 : i32 to vector<256x128xi32>
      %shift_left3A_813 = arith.shli %xor3A_809, %shift_left3A_812 : vector<256x128xi32>
      %shift_right_logical3A_814 = arith.constant 26 : i32
      %shift_right_logical3A_815 = vector.broadcast %shift_right_logical3A_814 : i32 to vector<256x128xi32>
      %shift_right_logical3A_816 = arith.shrui %xor3A_809, %shift_right_logical3A_815 : vector<256x128xi32>
      %or3A_817 = arith.ori %shift_left3A_813, %shift_right_logical3A_816 : vector<256x128xi32>
      %xor3A_818 = arith.xori %add3A_810, %or3A_817 : vector<256x128xi32>
      %add3A_819 = arith.addi %add3A_810, %xor3A_616 : vector<256x128xi32>
      %add3A_820 = arith.addi %xor3A_818, %add3A_603 : vector<256x128xi32>
      %add3A_821 = arith.constant 5 : i32
      %add3A_822 = vector.broadcast %add3A_821 : i32 to vector<256x128xi32>
      %add3A_823 = arith.addi %add3A_820, %add3A_822 : vector<256x128xi32>
      %broadcast_in_dim3A_824 = arith.constant 0 : i32
      %broadcast_in_dim3A_825 = vector.broadcast %broadcast_in_dim3A_824 : i32 to vector<256x128xi32>
      %xor3A_826 = arith.xori %add3A_819, %add3A_823 : vector<256x128xi32>
      %xor3A_827 = arith.constant 466688986 : i32
      %xor3A_828 = vector.broadcast %xor3A_827 : i32 to vector<256x128xi32>
      %xor3A_829 = arith.xori %xor3A_826, %xor3A_828 : vector<256x128xi32>
      %add3A_830 = arith.addi %broadcast_in_dim3A_825, %add3A_819 : vector<256x128xi32>
      %add3A_831 = arith.addi %broadcast_in_dim3A_825, %add3A_823 : vector<256x128xi32>
      %add3A_832 = arith.addi %add3A_830, %add3A_831 : vector<256x128xi32>
      %shift_left3A_833 = arith.constant 13 : i32
      %shift_left3A_834 = vector.broadcast %shift_left3A_833 : i32 to vector<256x128xi32>
      %shift_left3A_835 = arith.shli %add3A_831, %shift_left3A_834 : vector<256x128xi32>
      %shift_right_logical3A_836 = arith.constant 19 : i32
      %shift_right_logical3A_837 = vector.broadcast %shift_right_logical3A_836 : i32 to vector<256x128xi32>
      %shift_right_logical3A_838 = arith.shrui %add3A_831, %shift_right_logical3A_837 : vector<256x128xi32>
      %or3A_839 = arith.ori %shift_left3A_835, %shift_right_logical3A_838 : vector<256x128xi32>
      %xor3A_840 = arith.xori %add3A_832, %or3A_839 : vector<256x128xi32>
      %add3A_841 = arith.addi %add3A_832, %xor3A_840 : vector<256x128xi32>
      %shift_left3A_842 = arith.constant 15 : i32
      %shift_left3A_843 = vector.broadcast %shift_left3A_842 : i32 to vector<256x128xi32>
      %shift_left3A_844 = arith.shli %xor3A_840, %shift_left3A_843 : vector<256x128xi32>
      %shift_right_logical3A_845 = arith.constant 17 : i32
      %shift_right_logical3A_846 = vector.broadcast %shift_right_logical3A_845 : i32 to vector<256x128xi32>
      %shift_right_logical3A_847 = arith.shrui %xor3A_840, %shift_right_logical3A_846 : vector<256x128xi32>
      %or3A_848 = arith.ori %shift_left3A_844, %shift_right_logical3A_847 : vector<256x128xi32>
      %xor3A_849 = arith.xori %add3A_841, %or3A_848 : vector<256x128xi32>
      %add3A_850 = arith.addi %add3A_841, %xor3A_849 : vector<256x128xi32>
      %shift_left3A_851 = arith.constant 26 : i32
      %shift_left3A_852 = vector.broadcast %shift_left3A_851 : i32 to vector<256x128xi32>
      %shift_left3A_853 = arith.shli %xor3A_849, %shift_left3A_852 : vector<256x128xi32>
      %shift_right_logical3A_854 = arith.constant 6 : i32
      %shift_right_logical3A_855 = vector.broadcast %shift_right_logical3A_854 : i32 to vector<256x128xi32>
      %shift_right_logical3A_856 = arith.shrui %xor3A_849, %shift_right_logical3A_855 : vector<256x128xi32>
      %or3A_857 = arith.ori %shift_left3A_853, %shift_right_logical3A_856 : vector<256x128xi32>
      %xor3A_858 = arith.xori %add3A_850, %or3A_857 : vector<256x128xi32>
      %add3A_859 = arith.addi %add3A_850, %xor3A_858 : vector<256x128xi32>
      %shift_left3A_860 = arith.constant 6 : i32
      %shift_left3A_861 = vector.broadcast %shift_left3A_860 : i32 to vector<256x128xi32>
      %shift_left3A_862 = arith.shli %xor3A_858, %shift_left3A_861 : vector<256x128xi32>
      %shift_right_logical3A_863 = arith.constant 26 : i32
      %shift_right_logical3A_864 = vector.broadcast %shift_right_logical3A_863 : i32 to vector<256x128xi32>
      %shift_right_logical3A_865 = arith.shrui %xor3A_858, %shift_right_logical3A_864 : vector<256x128xi32>
      %or3A_866 = arith.ori %shift_left3A_862, %shift_right_logical3A_865 : vector<256x128xi32>
      %xor3A_867 = arith.xori %add3A_859, %or3A_866 : vector<256x128xi32>
      %add3A_868 = arith.addi %add3A_859, %add3A_823 : vector<256x128xi32>
      %add3A_869 = arith.addi %xor3A_867, %xor3A_829 : vector<256x128xi32>
      %add3A_870 = arith.constant 1 : i32
      %add3A_871 = vector.broadcast %add3A_870 : i32 to vector<256x128xi32>
      %add3A_872 = arith.addi %add3A_869, %add3A_871 : vector<256x128xi32>
      %add3A_873 = arith.addi %add3A_868, %add3A_872 : vector<256x128xi32>
      %shift_left3A_874 = arith.constant 17 : i32
      %shift_left3A_875 = vector.broadcast %shift_left3A_874 : i32 to vector<256x128xi32>
      %shift_left3A_876 = arith.shli %add3A_872, %shift_left3A_875 : vector<256x128xi32>
      %shift_right_logical3A_877 = arith.constant 15 : i32
      %shift_right_logical3A_878 = vector.broadcast %shift_right_logical3A_877 : i32 to vector<256x128xi32>
      %shift_right_logical3A_879 = arith.shrui %add3A_872, %shift_right_logical3A_878 : vector<256x128xi32>
      %or3A_880 = arith.ori %shift_left3A_876, %shift_right_logical3A_879 : vector<256x128xi32>
      %xor3A_881 = arith.xori %add3A_873, %or3A_880 : vector<256x128xi32>
      %add3A_882 = arith.addi %add3A_873, %xor3A_881 : vector<256x128xi32>
      %shift_left3A_883 = arith.constant 29 : i32
      %shift_left3A_884 = vector.broadcast %shift_left3A_883 : i32 to vector<256x128xi32>
      %shift_left3A_885 = arith.shli %xor3A_881, %shift_left3A_884 : vector<256x128xi32>
      %shift_right_logical3A_886 = arith.constant 3 : i32
      %shift_right_logical3A_887 = vector.broadcast %shift_right_logical3A_886 : i32 to vector<256x128xi32>
      %shift_right_logical3A_888 = arith.shrui %xor3A_881, %shift_right_logical3A_887 : vector<256x128xi32>
      %or3A_889 = arith.ori %shift_left3A_885, %shift_right_logical3A_888 : vector<256x128xi32>
      %xor3A_890 = arith.xori %add3A_882, %or3A_889 : vector<256x128xi32>
      %add3A_891 = arith.addi %add3A_882, %xor3A_890 : vector<256x128xi32>
      %shift_left3A_892 = arith.constant 16 : i32
      %shift_left3A_893 = vector.broadcast %shift_left3A_892 : i32 to vector<256x128xi32>
      %shift_left3A_894 = arith.shli %xor3A_890, %shift_left3A_893 : vector<256x128xi32>
      %shift_right_logical3A_895 = arith.constant 16 : i32
      %shift_right_logical3A_896 = vector.broadcast %shift_right_logical3A_895 : i32 to vector<256x128xi32>
      %shift_right_logical3A_897 = arith.shrui %xor3A_890, %shift_right_logical3A_896 : vector<256x128xi32>
      %or3A_898 = arith.ori %shift_left3A_894, %shift_right_logical3A_897 : vector<256x128xi32>
      %xor3A_899 = arith.xori %add3A_891, %or3A_898 : vector<256x128xi32>
      %add3A_900 = arith.addi %add3A_891, %xor3A_899 : vector<256x128xi32>
      %shift_left3A_901 = arith.constant 24 : i32
      %shift_left3A_902 = vector.broadcast %shift_left3A_901 : i32 to vector<256x128xi32>
      %shift_left3A_903 = arith.shli %xor3A_899, %shift_left3A_902 : vector<256x128xi32>
      %shift_right_logical3A_904 = arith.constant 8 : i32
      %shift_right_logical3A_905 = vector.broadcast %shift_right_logical3A_904 : i32 to vector<256x128xi32>
      %shift_right_logical3A_906 = arith.shrui %xor3A_899, %shift_right_logical3A_905 : vector<256x128xi32>
      %or3A_907 = arith.ori %shift_left3A_903, %shift_right_logical3A_906 : vector<256x128xi32>
      %xor3A_908 = arith.xori %add3A_900, %or3A_907 : vector<256x128xi32>
      %add3A_909 = arith.addi %add3A_900, %xor3A_829 : vector<256x128xi32>
      %add3A_910 = arith.addi %xor3A_908, %add3A_819 : vector<256x128xi32>
      %add3A_911 = arith.constant 2 : i32
      %add3A_912 = vector.broadcast %add3A_911 : i32 to vector<256x128xi32>
      %add3A_913 = arith.addi %add3A_910, %add3A_912 : vector<256x128xi32>
      %add3A_914 = arith.addi %add3A_909, %add3A_913 : vector<256x128xi32>
      %shift_left3A_915 = arith.constant 13 : i32
      %shift_left3A_916 = vector.broadcast %shift_left3A_915 : i32 to vector<256x128xi32>
      %shift_left3A_917 = arith.shli %add3A_913, %shift_left3A_916 : vector<256x128xi32>
      %shift_right_logical3A_918 = arith.constant 19 : i32
      %shift_right_logical3A_919 = vector.broadcast %shift_right_logical3A_918 : i32 to vector<256x128xi32>
      %shift_right_logical3A_920 = arith.shrui %add3A_913, %shift_right_logical3A_919 : vector<256x128xi32>
      %or3A_921 = arith.ori %shift_left3A_917, %shift_right_logical3A_920 : vector<256x128xi32>
      %xor3A_922 = arith.xori %add3A_914, %or3A_921 : vector<256x128xi32>
      %add3A_923 = arith.addi %add3A_914, %xor3A_922 : vector<256x128xi32>
      %shift_left3A_924 = arith.constant 15 : i32
      %shift_left3A_925 = vector.broadcast %shift_left3A_924 : i32 to vector<256x128xi32>
      %shift_left3A_926 = arith.shli %xor3A_922, %shift_left3A_925 : vector<256x128xi32>
      %shift_right_logical3A_927 = arith.constant 17 : i32
      %shift_right_logical3A_928 = vector.broadcast %shift_right_logical3A_927 : i32 to vector<256x128xi32>
      %shift_right_logical3A_929 = arith.shrui %xor3A_922, %shift_right_logical3A_928 : vector<256x128xi32>
      %or3A_930 = arith.ori %shift_left3A_926, %shift_right_logical3A_929 : vector<256x128xi32>
      %xor3A_931 = arith.xori %add3A_923, %or3A_930 : vector<256x128xi32>
      %add3A_932 = arith.addi %add3A_923, %xor3A_931 : vector<256x128xi32>
      %shift_left3A_933 = arith.constant 26 : i32
      %shift_left3A_934 = vector.broadcast %shift_left3A_933 : i32 to vector<256x128xi32>
      %shift_left3A_935 = arith.shli %xor3A_931, %shift_left3A_934 : vector<256x128xi32>
      %shift_right_logical3A_936 = arith.constant 6 : i32
      %shift_right_logical3A_937 = vector.broadcast %shift_right_logical3A_936 : i32 to vector<256x128xi32>
      %shift_right_logical3A_938 = arith.shrui %xor3A_931, %shift_right_logical3A_937 : vector<256x128xi32>
      %or3A_939 = arith.ori %shift_left3A_935, %shift_right_logical3A_938 : vector<256x128xi32>
      %xor3A_940 = arith.xori %add3A_932, %or3A_939 : vector<256x128xi32>
      %add3A_941 = arith.addi %add3A_932, %xor3A_940 : vector<256x128xi32>
      %shift_left3A_942 = arith.constant 6 : i32
      %shift_left3A_943 = vector.broadcast %shift_left3A_942 : i32 to vector<256x128xi32>
      %shift_left3A_944 = arith.shli %xor3A_940, %shift_left3A_943 : vector<256x128xi32>
      %shift_right_logical3A_945 = arith.constant 26 : i32
      %shift_right_logical3A_946 = vector.broadcast %shift_right_logical3A_945 : i32 to vector<256x128xi32>
      %shift_right_logical3A_947 = arith.shrui %xor3A_940, %shift_right_logical3A_946 : vector<256x128xi32>
      %or3A_948 = arith.ori %shift_left3A_944, %shift_right_logical3A_947 : vector<256x128xi32>
      %xor3A_949 = arith.xori %add3A_941, %or3A_948 : vector<256x128xi32>
      %add3A_950 = arith.addi %add3A_941, %add3A_819 : vector<256x128xi32>
      %add3A_951 = arith.addi %xor3A_949, %add3A_823 : vector<256x128xi32>
      %add3A_952 = arith.constant 3 : i32
      %add3A_953 = vector.broadcast %add3A_952 : i32 to vector<256x128xi32>
      %add3A_954 = arith.addi %add3A_951, %add3A_953 : vector<256x128xi32>
      %add3A_955 = arith.addi %add3A_950, %add3A_954 : vector<256x128xi32>
      %shift_left3A_956 = arith.constant 17 : i32
      %shift_left3A_957 = vector.broadcast %shift_left3A_956 : i32 to vector<256x128xi32>
      %shift_left3A_958 = arith.shli %add3A_954, %shift_left3A_957 : vector<256x128xi32>
      %shift_right_logical3A_959 = arith.constant 15 : i32
      %shift_right_logical3A_960 = vector.broadcast %shift_right_logical3A_959 : i32 to vector<256x128xi32>
      %shift_right_logical3A_961 = arith.shrui %add3A_954, %shift_right_logical3A_960 : vector<256x128xi32>
      %or3A_962 = arith.ori %shift_left3A_958, %shift_right_logical3A_961 : vector<256x128xi32>
      %xor3A_963 = arith.xori %add3A_955, %or3A_962 : vector<256x128xi32>
      %add3A_964 = arith.addi %add3A_955, %xor3A_963 : vector<256x128xi32>
      %shift_left3A_965 = arith.constant 29 : i32
      %shift_left3A_966 = vector.broadcast %shift_left3A_965 : i32 to vector<256x128xi32>
      %shift_left3A_967 = arith.shli %xor3A_963, %shift_left3A_966 : vector<256x128xi32>
      %shift_right_logical3A_968 = arith.constant 3 : i32
      %shift_right_logical3A_969 = vector.broadcast %shift_right_logical3A_968 : i32 to vector<256x128xi32>
      %shift_right_logical3A_970 = arith.shrui %xor3A_963, %shift_right_logical3A_969 : vector<256x128xi32>
      %or3A_971 = arith.ori %shift_left3A_967, %shift_right_logical3A_970 : vector<256x128xi32>
      %xor3A_972 = arith.xori %add3A_964, %or3A_971 : vector<256x128xi32>
      %add3A_973 = arith.addi %add3A_964, %xor3A_972 : vector<256x128xi32>
      %shift_left3A_974 = arith.constant 16 : i32
      %shift_left3A_975 = vector.broadcast %shift_left3A_974 : i32 to vector<256x128xi32>
      %shift_left3A_976 = arith.shli %xor3A_972, %shift_left3A_975 : vector<256x128xi32>
      %shift_right_logical3A_977 = arith.constant 16 : i32
      %shift_right_logical3A_978 = vector.broadcast %shift_right_logical3A_977 : i32 to vector<256x128xi32>
      %shift_right_logical3A_979 = arith.shrui %xor3A_972, %shift_right_logical3A_978 : vector<256x128xi32>
      %or3A_980 = arith.ori %shift_left3A_976, %shift_right_logical3A_979 : vector<256x128xi32>
      %xor3A_981 = arith.xori %add3A_973, %or3A_980 : vector<256x128xi32>
      %add3A_982 = arith.addi %add3A_973, %xor3A_981 : vector<256x128xi32>
      %shift_left3A_983 = arith.constant 24 : i32
      %shift_left3A_984 = vector.broadcast %shift_left3A_983 : i32 to vector<256x128xi32>
      %shift_left3A_985 = arith.shli %xor3A_981, %shift_left3A_984 : vector<256x128xi32>
      %shift_right_logical3A_986 = arith.constant 8 : i32
      %shift_right_logical3A_987 = vector.broadcast %shift_right_logical3A_986 : i32 to vector<256x128xi32>
      %shift_right_logical3A_988 = arith.shrui %xor3A_981, %shift_right_logical3A_987 : vector<256x128xi32>
      %or3A_989 = arith.ori %shift_left3A_985, %shift_right_logical3A_988 : vector<256x128xi32>
      %xor3A_990 = arith.xori %add3A_982, %or3A_989 : vector<256x128xi32>
      %add3A_991 = arith.addi %add3A_982, %add3A_823 : vector<256x128xi32>
      %add3A_992 = arith.addi %xor3A_990, %xor3A_829 : vector<256x128xi32>
      %add3A_993 = arith.constant 4 : i32
      %add3A_994 = vector.broadcast %add3A_993 : i32 to vector<256x128xi32>
      %add3A_995 = arith.addi %add3A_992, %add3A_994 : vector<256x128xi32>
      %add3A_996 = arith.addi %add3A_991, %add3A_995 : vector<256x128xi32>
      %shift_left3A_997 = arith.constant 13 : i32
      %shift_left3A_998 = vector.broadcast %shift_left3A_997 : i32 to vector<256x128xi32>
      %shift_left3A_999 = arith.shli %add3A_995, %shift_left3A_998 : vector<256x128xi32>
      %shift_right_logical3A_1000 = arith.constant 19 : i32
      %shift_right_logical3A_1001 = vector.broadcast %shift_right_logical3A_1000 : i32 to vector<256x128xi32>
      %shift_right_logical3A_1002 = arith.shrui %add3A_995, %shift_right_logical3A_1001 : vector<256x128xi32>
      %or3A_1003 = arith.ori %shift_left3A_999, %shift_right_logical3A_1002 : vector<256x128xi32>
      %xor3A_1004 = arith.xori %add3A_996, %or3A_1003 : vector<256x128xi32>
      %add3A_1005 = arith.addi %add3A_996, %xor3A_1004 : vector<256x128xi32>
      %shift_left3A_1006 = arith.constant 15 : i32
      %shift_left3A_1007 = vector.broadcast %shift_left3A_1006 : i32 to vector<256x128xi32>
      %shift_left3A_1008 = arith.shli %xor3A_1004, %shift_left3A_1007 : vector<256x128xi32>
      %shift_right_logical3A_1009 = arith.constant 17 : i32
      %shift_right_logical3A_1010 = vector.broadcast %shift_right_logical3A_1009 : i32 to vector<256x128xi32>
      %shift_right_logical3A_1011 = arith.shrui %xor3A_1004, %shift_right_logical3A_1010 : vector<256x128xi32>
      %or3A_1012 = arith.ori %shift_left3A_1008, %shift_right_logical3A_1011 : vector<256x128xi32>
      %xor3A_1013 = arith.xori %add3A_1005, %or3A_1012 : vector<256x128xi32>
      %add3A_1014 = arith.addi %add3A_1005, %xor3A_1013 : vector<256x128xi32>
      %shift_left3A_1015 = arith.constant 26 : i32
      %shift_left3A_1016 = vector.broadcast %shift_left3A_1015 : i32 to vector<256x128xi32>
      %shift_left3A_1017 = arith.shli %xor3A_1013, %shift_left3A_1016 : vector<256x128xi32>
      %shift_right_logical3A_1018 = arith.constant 6 : i32
      %shift_right_logical3A_1019 = vector.broadcast %shift_right_logical3A_1018 : i32 to vector<256x128xi32>
      %shift_right_logical3A_1020 = arith.shrui %xor3A_1013, %shift_right_logical3A_1019 : vector<256x128xi32>
      %or3A_1021 = arith.ori %shift_left3A_1017, %shift_right_logical3A_1020 : vector<256x128xi32>
      %xor3A_1022 = arith.xori %add3A_1014, %or3A_1021 : vector<256x128xi32>
      %add3A_1023 = arith.addi %add3A_1014, %xor3A_1022 : vector<256x128xi32>
      %shift_left3A_1024 = arith.constant 6 : i32
      %shift_left3A_1025 = vector.broadcast %shift_left3A_1024 : i32 to vector<256x128xi32>
      %shift_left3A_1026 = arith.shli %xor3A_1022, %shift_left3A_1025 : vector<256x128xi32>
      %shift_right_logical3A_1027 = arith.constant 26 : i32
      %shift_right_logical3A_1028 = vector.broadcast %shift_right_logical3A_1027 : i32 to vector<256x128xi32>
      %shift_right_logical3A_1029 = arith.shrui %xor3A_1022, %shift_right_logical3A_1028 : vector<256x128xi32>
      %or3A_1030 = arith.ori %shift_left3A_1026, %shift_right_logical3A_1029 : vector<256x128xi32>
      %xor3A_1031 = arith.xori %add3A_1023, %or3A_1030 : vector<256x128xi32>
      %add3A_1032 = arith.addi %add3A_1023, %xor3A_829 : vector<256x128xi32>
      %add3A_1033 = arith.addi %xor3A_1031, %add3A_819 : vector<256x128xi32>
      %add3A_1034 = arith.constant 5 : i32
      %add3A_1035 = vector.broadcast %add3A_1034 : i32 to vector<256x128xi32>
      %add3A_1036 = arith.addi %add3A_1033, %add3A_1035 : vector<256x128xi32>
      %xor3A_1037 = arith.xori %add3A_1032, %add3A_1036 : vector<256x128xi32>
      %shift_right_logical3A_1038 = arith.constant 9 : i32
      %shift_right_logical3A_1039 = vector.broadcast %shift_right_logical3A_1038 : i32 to vector<256x128xi32>
      %shift_right_logical3A_1040 = arith.shrui %xor3A_1037, %shift_right_logical3A_1039 : vector<256x128xi32>
      %or3A_1041 = arith.constant 1065353216 : i32
      %or3A_1042 = vector.broadcast %or3A_1041 : i32 to vector<256x128xi32>
      %or3A_1043 = arith.ori %shift_right_logical3A_1040, %or3A_1042 : vector<256x128xi32>
      %bitcast_convert_type3A_1044 = tpu.bitcast %or3A_1043 : vector<256x128xi32> -> vector<256x128xf32>
      %sub3A_1045 = arith.constant 1.000000e+00 : f32
      %sub3A_1046 = vector.broadcast %sub3A_1045 : f32 to vector<256x128xf32>
      %sub3A_1047 = arith.subf %bitcast_convert_type3A_1044, %sub3A_1046 : vector<256x128xf32>
      %mul3A_1048 = arith.constant 2.000000e+00 : f32
      %mul3A_1049 = vector.broadcast %mul3A_1048 : f32 to vector<256x128xf32>
      %mul3A_1050 = arith.mulf %sub3A_1047, %mul3A_1049 : vector<256x128xf32>
      %add3A_1051 = arith.constant -0.99999994 : f32
      %add3A_1052 = vector.broadcast %add3A_1051 : f32 to vector<256x128xf32>
      %add3A_1053 = arith.addf %mul3A_1050, %add3A_1052 : vector<256x128xf32>
      %max3A_1054 = arith.constant -0.99999994 : f32
      %max3A_1055 = vector.broadcast %max3A_1054 : f32 to vector<256x128xf32>
      %max3A_1056 = arith.maximumf %max3A_1055, %add3A_1053 : vector<256x128xf32>
      %neg3A_1057 = arith.constant 0.000000e+00 : f32
      %neg3A_1058 = vector.broadcast %neg3A_1057 : f32 to vector<256x128xf32>
      %neg3A_1059 = arith.subf %neg3A_1058, %max3A_1056 : vector<256x128xf32>
      %mul3A_1060 = arith.mulf %neg3A_1059, %max3A_1056 : vector<256x128xf32>
      %log1p3A_1061 = math.log1p %mul3A_1060 : vector<256x128xf32>
      %neg3A_1062 = arith.constant 0.000000e+00 : f32
      %neg3A_1063 = vector.broadcast %neg3A_1062 : f32 to vector<256x128xf32>
      %neg3A_1064 = arith.subf %neg3A_1063, %log1p3A_1061 : vector<256x128xf32>
      %lt3A = arith.constant 5.000000e+00 : f32
      %lt3A_1065 = vector.broadcast %lt3A : f32 to vector<256x128xf32>
      %lt3A_1066 = arith.cmpf olt, %neg3A_1064, %lt3A_1065 : vector<256x128xf32>
      %sub3A_1067 = arith.constant 2.500000e+00 : f32
      %sub3A_1068 = vector.broadcast %sub3A_1067 : f32 to vector<256x128xf32>
      %sub3A_1069 = arith.subf %neg3A_1064, %sub3A_1068 : vector<256x128xf32>
      %broadcast_in_dim3A_1070 = arith.constant 2.81022636E-8 : f32
      %broadcast_in_dim3A_1071 = vector.broadcast %broadcast_in_dim3A_1070 : f32 to vector<256x128xf32>
      %mul3A_1072 = arith.mulf %broadcast_in_dim3A_1071, %sub3A_1069 : vector<256x128xf32>
      %add3A_1073 = arith.constant 3.43273939E-7 : f32
      %add3A_1074 = vector.broadcast %add3A_1073 : f32 to vector<256x128xf32>
      %add3A_1075 = arith.addf %add3A_1074, %mul3A_1072 : vector<256x128xf32>
      %mul3A_1076 = arith.mulf %add3A_1075, %sub3A_1069 : vector<256x128xf32>
      %add3A_1077 = arith.constant -3.5233877E-6 : f32
      %add3A_1078 = vector.broadcast %add3A_1077 : f32 to vector<256x128xf32>
      %add3A_1079 = arith.addf %add3A_1078, %mul3A_1076 : vector<256x128xf32>
      %mul3A_1080 = arith.mulf %add3A_1079, %sub3A_1069 : vector<256x128xf32>
      %add3A_1081 = arith.constant -4.39150654E-6 : f32
      %add3A_1082 = vector.broadcast %add3A_1081 : f32 to vector<256x128xf32>
      %add3A_1083 = arith.addf %add3A_1082, %mul3A_1080 : vector<256x128xf32>
      %mul3A_1084 = arith.mulf %add3A_1083, %sub3A_1069 : vector<256x128xf32>
      %add3A_1085 = arith.constant 2.1858087E-4 : f32
      %add3A_1086 = vector.broadcast %add3A_1085 : f32 to vector<256x128xf32>
      %add3A_1087 = arith.addf %add3A_1086, %mul3A_1084 : vector<256x128xf32>
      %mul3A_1088 = arith.mulf %add3A_1087, %sub3A_1069 : vector<256x128xf32>
      %add3A_1089 = arith.constant -0.00125372503 : f32
      %add3A_1090 = vector.broadcast %add3A_1089 : f32 to vector<256x128xf32>
      %add3A_1091 = arith.addf %add3A_1090, %mul3A_1088 : vector<256x128xf32>
      %mul3A_1092 = arith.mulf %add3A_1091, %sub3A_1069 : vector<256x128xf32>
      %add3A_1093 = arith.constant -0.00417768164 : f32
      %add3A_1094 = vector.broadcast %add3A_1093 : f32 to vector<256x128xf32>
      %add3A_1095 = arith.addf %add3A_1094, %mul3A_1092 : vector<256x128xf32>
      %mul3A_1096 = arith.mulf %add3A_1095, %sub3A_1069 : vector<256x128xf32>
      %add3A_1097 = arith.constant 0.246640727 : f32
      %add3A_1098 = vector.broadcast %add3A_1097 : f32 to vector<256x128xf32>
      %add3A_1099 = arith.addf %add3A_1098, %mul3A_1096 : vector<256x128xf32>
      %mul3A_1100 = arith.mulf %add3A_1099, %sub3A_1069 : vector<256x128xf32>
      %add3A_1101 = arith.constant 1.50140941 : f32
      %add3A_1102 = vector.broadcast %add3A_1101 : f32 to vector<256x128xf32>
      %add3A_1103 = arith.addf %add3A_1102, %mul3A_1100 : vector<256x128xf32>
      %sqrt3A_1104 = math.sqrt %neg3A_1064 : vector<256x128xf32>
      %sub3A_1105 = arith.constant 3.000000e+00 : f32
      %sub3A_1106 = vector.broadcast %sub3A_1105 : f32 to vector<256x128xf32>
      %sub3A_1107 = arith.subf %sqrt3A_1104, %sub3A_1106 : vector<256x128xf32>
      %broadcast_in_dim3A_1108 = arith.constant -2.00214257E-4 : f32
      %broadcast_in_dim3A_1109 = vector.broadcast %broadcast_in_dim3A_1108 : f32 to vector<256x128xf32>
      %mul3A_1110 = arith.mulf %broadcast_in_dim3A_1109, %sub3A_1107 : vector<256x128xf32>
      %add3A_1111 = arith.constant 1.00950558E-4 : f32
      %add3A_1112 = vector.broadcast %add3A_1111 : f32 to vector<256x128xf32>
      %add3A_1113 = arith.addf %add3A_1112, %mul3A_1110 : vector<256x128xf32>
      %mul3A_1114 = arith.mulf %add3A_1113, %sub3A_1107 : vector<256x128xf32>
      %add3A_1115 = arith.constant 0.00134934322 : f32
      %add3A_1116 = vector.broadcast %add3A_1115 : f32 to vector<256x128xf32>
      %add3A_1117 = arith.addf %add3A_1116, %mul3A_1114 : vector<256x128xf32>
      %mul3A_1118 = arith.mulf %add3A_1117, %sub3A_1107 : vector<256x128xf32>
      %add3A_1119 = arith.constant -0.00367342844 : f32
      %add3A_1120 = vector.broadcast %add3A_1119 : f32 to vector<256x128xf32>
      %add3A_1121 = arith.addf %add3A_1120, %mul3A_1118 : vector<256x128xf32>
      %mul3A_1122 = arith.mulf %add3A_1121, %sub3A_1107 : vector<256x128xf32>
      %add3A_1123 = arith.constant 0.00573950773 : f32
      %add3A_1124 = vector.broadcast %add3A_1123 : f32 to vector<256x128xf32>
      %add3A_1125 = arith.addf %add3A_1124, %mul3A_1122 : vector<256x128xf32>
      %mul3A_1126 = arith.mulf %add3A_1125, %sub3A_1107 : vector<256x128xf32>
      %add3A_1127 = arith.constant -0.0076224613 : f32
      %add3A_1128 = vector.broadcast %add3A_1127 : f32 to vector<256x128xf32>
      %add3A_1129 = arith.addf %add3A_1128, %mul3A_1126 : vector<256x128xf32>
      %mul3A_1130 = arith.mulf %add3A_1129, %sub3A_1107 : vector<256x128xf32>
      %add3A_1131 = arith.constant 0.00943887047 : f32
      %add3A_1132 = vector.broadcast %add3A_1131 : f32 to vector<256x128xf32>
      %add3A_1133 = arith.addf %add3A_1132, %mul3A_1130 : vector<256x128xf32>
      %mul3A_1134 = arith.mulf %add3A_1133, %sub3A_1107 : vector<256x128xf32>
      %add3A_1135 = arith.constant 1.00167406 : f32
      %add3A_1136 = vector.broadcast %add3A_1135 : f32 to vector<256x128xf32>
      %add3A_1137 = arith.addf %add3A_1136, %mul3A_1134 : vector<256x128xf32>
      %mul3A_1138 = arith.mulf %add3A_1137, %sub3A_1107 : vector<256x128xf32>
      %add3A_1139 = arith.constant 2.83297682 : f32
      %add3A_1140 = vector.broadcast %add3A_1139 : f32 to vector<256x128xf32>
      %add3A_1141 = arith.addf %add3A_1140, %mul3A_1138 : vector<256x128xf32>
      %select_n3A_1142 = arith.select %lt3A_1066, %add3A_1103, %add3A_1141 : vector<256x128xi1>, vector<256x128xf32>
      %mul3A_1143 = arith.mulf %select_n3A_1142, %max3A_1056 : vector<256x128xf32>
      %mul3A_1144 = arith.constant 1.41421354 : f32
      %mul3A_1145 = vector.broadcast %mul3A_1144 : f32 to vector<256x128xf32>
      %mul3A_1146 = arith.mulf %mul3A_1145, %mul3A_1143 : vector<256x128xf32>
      %broadcast_in_dim3A_1147 = arith.constant 0 : i32
      %broadcast_in_dim3A_1148 = vector.broadcast %broadcast_in_dim3A_1147 : i32 to vector<256x128xi32>
      %add3A_1149 = arith.constant 0 : i32
      %add3A_1150 = vector.broadcast %add3A_1149 : i32 to vector<256x128xi32>
      %add3A_1151 = arith.addi %broadcast_in_dim3A_1148, %add3A_1150 : vector<256x128xi32>
      %xor3A_1152 = arith.xori %get3A_383, %get3A_386 : vector<256x128xi32>
      %xor3A_1153 = arith.constant 466688986 : i32
      %xor3A_1154 = vector.broadcast %xor3A_1153 : i32 to vector<256x128xi32>
      %xor3A_1155 = arith.xori %xor3A_1152, %xor3A_1154 : vector<256x128xi32>
      %add3A_1156 = arith.addi %broadcast_in_dim3A_1148, %get3A_383 : vector<256x128xi32>
      %add3A_1157 = arith.addi %add3A_1151, %get3A_386 : vector<256x128xi32>
      %add3A_1158 = arith.addi %add3A_1156, %add3A_1157 : vector<256x128xi32>
      %shift_left3A_1159 = arith.constant 13 : i32
      %shift_left3A_1160 = vector.broadcast %shift_left3A_1159 : i32 to vector<256x128xi32>
      %shift_left3A_1161 = arith.shli %add3A_1157, %shift_left3A_1160 : vector<256x128xi32>
      %shift_right_logical3A_1162 = arith.constant 19 : i32
      %shift_right_logical3A_1163 = vector.broadcast %shift_right_logical3A_1162 : i32 to vector<256x128xi32>
      %shift_right_logical3A_1164 = arith.shrui %add3A_1157, %shift_right_logical3A_1163 : vector<256x128xi32>
      %or3A_1165 = arith.ori %shift_left3A_1161, %shift_right_logical3A_1164 : vector<256x128xi32>
      %xor3A_1166 = arith.xori %add3A_1158, %or3A_1165 : vector<256x128xi32>
      %add3A_1167 = arith.addi %add3A_1158, %xor3A_1166 : vector<256x128xi32>
      %shift_left3A_1168 = arith.constant 15 : i32
      %shift_left3A_1169 = vector.broadcast %shift_left3A_1168 : i32 to vector<256x128xi32>
      %shift_left3A_1170 = arith.shli %xor3A_1166, %shift_left3A_1169 : vector<256x128xi32>
      %shift_right_logical3A_1171 = arith.constant 17 : i32
      %shift_right_logical3A_1172 = vector.broadcast %shift_right_logical3A_1171 : i32 to vector<256x128xi32>
      %shift_right_logical3A_1173 = arith.shrui %xor3A_1166, %shift_right_logical3A_1172 : vector<256x128xi32>
      %or3A_1174 = arith.ori %shift_left3A_1170, %shift_right_logical3A_1173 : vector<256x128xi32>
      %xor3A_1175 = arith.xori %add3A_1167, %or3A_1174 : vector<256x128xi32>
      %add3A_1176 = arith.addi %add3A_1167, %xor3A_1175 : vector<256x128xi32>
      %shift_left3A_1177 = arith.constant 26 : i32
      %shift_left3A_1178 = vector.broadcast %shift_left3A_1177 : i32 to vector<256x128xi32>
      %shift_left3A_1179 = arith.shli %xor3A_1175, %shift_left3A_1178 : vector<256x128xi32>
      %shift_right_logical3A_1180 = arith.constant 6 : i32
      %shift_right_logical3A_1181 = vector.broadcast %shift_right_logical3A_1180 : i32 to vector<256x128xi32>
      %shift_right_logical3A_1182 = arith.shrui %xor3A_1175, %shift_right_logical3A_1181 : vector<256x128xi32>
      %or3A_1183 = arith.ori %shift_left3A_1179, %shift_right_logical3A_1182 : vector<256x128xi32>
      %xor3A_1184 = arith.xori %add3A_1176, %or3A_1183 : vector<256x128xi32>
      %add3A_1185 = arith.addi %add3A_1176, %xor3A_1184 : vector<256x128xi32>
      %shift_left3A_1186 = arith.constant 6 : i32
      %shift_left3A_1187 = vector.broadcast %shift_left3A_1186 : i32 to vector<256x128xi32>
      %shift_left3A_1188 = arith.shli %xor3A_1184, %shift_left3A_1187 : vector<256x128xi32>
      %shift_right_logical3A_1189 = arith.constant 26 : i32
      %shift_right_logical3A_1190 = vector.broadcast %shift_right_logical3A_1189 : i32 to vector<256x128xi32>
      %shift_right_logical3A_1191 = arith.shrui %xor3A_1184, %shift_right_logical3A_1190 : vector<256x128xi32>
      %or3A_1192 = arith.ori %shift_left3A_1188, %shift_right_logical3A_1191 : vector<256x128xi32>
      %xor3A_1193 = arith.xori %add3A_1185, %or3A_1192 : vector<256x128xi32>
      %add3A_1194 = arith.addi %add3A_1185, %get3A_386 : vector<256x128xi32>
      %add3A_1195 = arith.addi %xor3A_1193, %xor3A_1155 : vector<256x128xi32>
      %add3A_1196 = arith.constant 1 : i32
      %add3A_1197 = vector.broadcast %add3A_1196 : i32 to vector<256x128xi32>
      %add3A_1198 = arith.addi %add3A_1195, %add3A_1197 : vector<256x128xi32>
      %add3A_1199 = arith.addi %add3A_1194, %add3A_1198 : vector<256x128xi32>
      %shift_left3A_1200 = arith.constant 17 : i32
      %shift_left3A_1201 = vector.broadcast %shift_left3A_1200 : i32 to vector<256x128xi32>
      %shift_left3A_1202 = arith.shli %add3A_1198, %shift_left3A_1201 : vector<256x128xi32>
      %shift_right_logical3A_1203 = arith.constant 15 : i32
      %shift_right_logical3A_1204 = vector.broadcast %shift_right_logical3A_1203 : i32 to vector<256x128xi32>
      %shift_right_logical3A_1205 = arith.shrui %add3A_1198, %shift_right_logical3A_1204 : vector<256x128xi32>
      %or3A_1206 = arith.ori %shift_left3A_1202, %shift_right_logical3A_1205 : vector<256x128xi32>
      %xor3A_1207 = arith.xori %add3A_1199, %or3A_1206 : vector<256x128xi32>
      %add3A_1208 = arith.addi %add3A_1199, %xor3A_1207 : vector<256x128xi32>
      %shift_left3A_1209 = arith.constant 29 : i32
      %shift_left3A_1210 = vector.broadcast %shift_left3A_1209 : i32 to vector<256x128xi32>
      %shift_left3A_1211 = arith.shli %xor3A_1207, %shift_left3A_1210 : vector<256x128xi32>
      %shift_right_logical3A_1212 = arith.constant 3 : i32
      %shift_right_logical3A_1213 = vector.broadcast %shift_right_logical3A_1212 : i32 to vector<256x128xi32>
      %shift_right_logical3A_1214 = arith.shrui %xor3A_1207, %shift_right_logical3A_1213 : vector<256x128xi32>
      %or3A_1215 = arith.ori %shift_left3A_1211, %shift_right_logical3A_1214 : vector<256x128xi32>
      %xor3A_1216 = arith.xori %add3A_1208, %or3A_1215 : vector<256x128xi32>
      %add3A_1217 = arith.addi %add3A_1208, %xor3A_1216 : vector<256x128xi32>
      %shift_left3A_1218 = arith.constant 16 : i32
      %shift_left3A_1219 = vector.broadcast %shift_left3A_1218 : i32 to vector<256x128xi32>
      %shift_left3A_1220 = arith.shli %xor3A_1216, %shift_left3A_1219 : vector<256x128xi32>
      %shift_right_logical3A_1221 = arith.constant 16 : i32
      %shift_right_logical3A_1222 = vector.broadcast %shift_right_logical3A_1221 : i32 to vector<256x128xi32>
      %shift_right_logical3A_1223 = arith.shrui %xor3A_1216, %shift_right_logical3A_1222 : vector<256x128xi32>
      %or3A_1224 = arith.ori %shift_left3A_1220, %shift_right_logical3A_1223 : vector<256x128xi32>
      %xor3A_1225 = arith.xori %add3A_1217, %or3A_1224 : vector<256x128xi32>
      %add3A_1226 = arith.addi %add3A_1217, %xor3A_1225 : vector<256x128xi32>
      %shift_left3A_1227 = arith.constant 24 : i32
      %shift_left3A_1228 = vector.broadcast %shift_left3A_1227 : i32 to vector<256x128xi32>
      %shift_left3A_1229 = arith.shli %xor3A_1225, %shift_left3A_1228 : vector<256x128xi32>
      %shift_right_logical3A_1230 = arith.constant 8 : i32
      %shift_right_logical3A_1231 = vector.broadcast %shift_right_logical3A_1230 : i32 to vector<256x128xi32>
      %shift_right_logical3A_1232 = arith.shrui %xor3A_1225, %shift_right_logical3A_1231 : vector<256x128xi32>
      %or3A_1233 = arith.ori %shift_left3A_1229, %shift_right_logical3A_1232 : vector<256x128xi32>
      %xor3A_1234 = arith.xori %add3A_1226, %or3A_1233 : vector<256x128xi32>
      %add3A_1235 = arith.addi %add3A_1226, %xor3A_1155 : vector<256x128xi32>
      %add3A_1236 = arith.addi %xor3A_1234, %get3A_383 : vector<256x128xi32>
      %add3A_1237 = arith.constant 2 : i32
      %add3A_1238 = vector.broadcast %add3A_1237 : i32 to vector<256x128xi32>
      %add3A_1239 = arith.addi %add3A_1236, %add3A_1238 : vector<256x128xi32>
      %add3A_1240 = arith.addi %add3A_1235, %add3A_1239 : vector<256x128xi32>
      %shift_left3A_1241 = arith.constant 13 : i32
      %shift_left3A_1242 = vector.broadcast %shift_left3A_1241 : i32 to vector<256x128xi32>
      %shift_left3A_1243 = arith.shli %add3A_1239, %shift_left3A_1242 : vector<256x128xi32>
      %shift_right_logical3A_1244 = arith.constant 19 : i32
      %shift_right_logical3A_1245 = vector.broadcast %shift_right_logical3A_1244 : i32 to vector<256x128xi32>
      %shift_right_logical3A_1246 = arith.shrui %add3A_1239, %shift_right_logical3A_1245 : vector<256x128xi32>
      %or3A_1247 = arith.ori %shift_left3A_1243, %shift_right_logical3A_1246 : vector<256x128xi32>
      %xor3A_1248 = arith.xori %add3A_1240, %or3A_1247 : vector<256x128xi32>
      %add3A_1249 = arith.addi %add3A_1240, %xor3A_1248 : vector<256x128xi32>
      %shift_left3A_1250 = arith.constant 15 : i32
      %shift_left3A_1251 = vector.broadcast %shift_left3A_1250 : i32 to vector<256x128xi32>
      %shift_left3A_1252 = arith.shli %xor3A_1248, %shift_left3A_1251 : vector<256x128xi32>
      %shift_right_logical3A_1253 = arith.constant 17 : i32
      %shift_right_logical3A_1254 = vector.broadcast %shift_right_logical3A_1253 : i32 to vector<256x128xi32>
      %shift_right_logical3A_1255 = arith.shrui %xor3A_1248, %shift_right_logical3A_1254 : vector<256x128xi32>
      %or3A_1256 = arith.ori %shift_left3A_1252, %shift_right_logical3A_1255 : vector<256x128xi32>
      %xor3A_1257 = arith.xori %add3A_1249, %or3A_1256 : vector<256x128xi32>
      %add3A_1258 = arith.addi %add3A_1249, %xor3A_1257 : vector<256x128xi32>
      %shift_left3A_1259 = arith.constant 26 : i32
      %shift_left3A_1260 = vector.broadcast %shift_left3A_1259 : i32 to vector<256x128xi32>
      %shift_left3A_1261 = arith.shli %xor3A_1257, %shift_left3A_1260 : vector<256x128xi32>
      %shift_right_logical3A_1262 = arith.constant 6 : i32
      %shift_right_logical3A_1263 = vector.broadcast %shift_right_logical3A_1262 : i32 to vector<256x128xi32>
      %shift_right_logical3A_1264 = arith.shrui %xor3A_1257, %shift_right_logical3A_1263 : vector<256x128xi32>
      %or3A_1265 = arith.ori %shift_left3A_1261, %shift_right_logical3A_1264 : vector<256x128xi32>
      %xor3A_1266 = arith.xori %add3A_1258, %or3A_1265 : vector<256x128xi32>
      %add3A_1267 = arith.addi %add3A_1258, %xor3A_1266 : vector<256x128xi32>
      %shift_left3A_1268 = arith.constant 6 : i32
      %shift_left3A_1269 = vector.broadcast %shift_left3A_1268 : i32 to vector<256x128xi32>
      %shift_left3A_1270 = arith.shli %xor3A_1266, %shift_left3A_1269 : vector<256x128xi32>
      %shift_right_logical3A_1271 = arith.constant 26 : i32
      %shift_right_logical3A_1272 = vector.broadcast %shift_right_logical3A_1271 : i32 to vector<256x128xi32>
      %shift_right_logical3A_1273 = arith.shrui %xor3A_1266, %shift_right_logical3A_1272 : vector<256x128xi32>
      %or3A_1274 = arith.ori %shift_left3A_1270, %shift_right_logical3A_1273 : vector<256x128xi32>
      %xor3A_1275 = arith.xori %add3A_1267, %or3A_1274 : vector<256x128xi32>
      %add3A_1276 = arith.addi %add3A_1267, %get3A_383 : vector<256x128xi32>
      %add3A_1277 = arith.addi %xor3A_1275, %get3A_386 : vector<256x128xi32>
      %add3A_1278 = arith.constant 3 : i32
      %add3A_1279 = vector.broadcast %add3A_1278 : i32 to vector<256x128xi32>
      %add3A_1280 = arith.addi %add3A_1277, %add3A_1279 : vector<256x128xi32>
      %add3A_1281 = arith.addi %add3A_1276, %add3A_1280 : vector<256x128xi32>
      %shift_left3A_1282 = arith.constant 17 : i32
      %shift_left3A_1283 = vector.broadcast %shift_left3A_1282 : i32 to vector<256x128xi32>
      %shift_left3A_1284 = arith.shli %add3A_1280, %shift_left3A_1283 : vector<256x128xi32>
      %shift_right_logical3A_1285 = arith.constant 15 : i32
      %shift_right_logical3A_1286 = vector.broadcast %shift_right_logical3A_1285 : i32 to vector<256x128xi32>
      %shift_right_logical3A_1287 = arith.shrui %add3A_1280, %shift_right_logical3A_1286 : vector<256x128xi32>
      %or3A_1288 = arith.ori %shift_left3A_1284, %shift_right_logical3A_1287 : vector<256x128xi32>
      %xor3A_1289 = arith.xori %add3A_1281, %or3A_1288 : vector<256x128xi32>
      %add3A_1290 = arith.addi %add3A_1281, %xor3A_1289 : vector<256x128xi32>
      %shift_left3A_1291 = arith.constant 29 : i32
      %shift_left3A_1292 = vector.broadcast %shift_left3A_1291 : i32 to vector<256x128xi32>
      %shift_left3A_1293 = arith.shli %xor3A_1289, %shift_left3A_1292 : vector<256x128xi32>
      %shift_right_logical3A_1294 = arith.constant 3 : i32
      %shift_right_logical3A_1295 = vector.broadcast %shift_right_logical3A_1294 : i32 to vector<256x128xi32>
      %shift_right_logical3A_1296 = arith.shrui %xor3A_1289, %shift_right_logical3A_1295 : vector<256x128xi32>
      %or3A_1297 = arith.ori %shift_left3A_1293, %shift_right_logical3A_1296 : vector<256x128xi32>
      %xor3A_1298 = arith.xori %add3A_1290, %or3A_1297 : vector<256x128xi32>
      %add3A_1299 = arith.addi %add3A_1290, %xor3A_1298 : vector<256x128xi32>
      %shift_left3A_1300 = arith.constant 16 : i32
      %shift_left3A_1301 = vector.broadcast %shift_left3A_1300 : i32 to vector<256x128xi32>
      %shift_left3A_1302 = arith.shli %xor3A_1298, %shift_left3A_1301 : vector<256x128xi32>
      %shift_right_logical3A_1303 = arith.constant 16 : i32
      %shift_right_logical3A_1304 = vector.broadcast %shift_right_logical3A_1303 : i32 to vector<256x128xi32>
      %shift_right_logical3A_1305 = arith.shrui %xor3A_1298, %shift_right_logical3A_1304 : vector<256x128xi32>
      %or3A_1306 = arith.ori %shift_left3A_1302, %shift_right_logical3A_1305 : vector<256x128xi32>
      %xor3A_1307 = arith.xori %add3A_1299, %or3A_1306 : vector<256x128xi32>
      %add3A_1308 = arith.addi %add3A_1299, %xor3A_1307 : vector<256x128xi32>
      %shift_left3A_1309 = arith.constant 24 : i32
      %shift_left3A_1310 = vector.broadcast %shift_left3A_1309 : i32 to vector<256x128xi32>
      %shift_left3A_1311 = arith.shli %xor3A_1307, %shift_left3A_1310 : vector<256x128xi32>
      %shift_right_logical3A_1312 = arith.constant 8 : i32
      %shift_right_logical3A_1313 = vector.broadcast %shift_right_logical3A_1312 : i32 to vector<256x128xi32>
      %shift_right_logical3A_1314 = arith.shrui %xor3A_1307, %shift_right_logical3A_1313 : vector<256x128xi32>
      %or3A_1315 = arith.ori %shift_left3A_1311, %shift_right_logical3A_1314 : vector<256x128xi32>
      %xor3A_1316 = arith.xori %add3A_1308, %or3A_1315 : vector<256x128xi32>
      %add3A_1317 = arith.addi %add3A_1308, %get3A_386 : vector<256x128xi32>
      %add3A_1318 = arith.addi %xor3A_1316, %xor3A_1155 : vector<256x128xi32>
      %add3A_1319 = arith.constant 4 : i32
      %add3A_1320 = vector.broadcast %add3A_1319 : i32 to vector<256x128xi32>
      %add3A_1321 = arith.addi %add3A_1318, %add3A_1320 : vector<256x128xi32>
      %add3A_1322 = arith.addi %add3A_1317, %add3A_1321 : vector<256x128xi32>
      %shift_left3A_1323 = arith.constant 13 : i32
      %shift_left3A_1324 = vector.broadcast %shift_left3A_1323 : i32 to vector<256x128xi32>
      %shift_left3A_1325 = arith.shli %add3A_1321, %shift_left3A_1324 : vector<256x128xi32>
      %shift_right_logical3A_1326 = arith.constant 19 : i32
      %shift_right_logical3A_1327 = vector.broadcast %shift_right_logical3A_1326 : i32 to vector<256x128xi32>
      %shift_right_logical3A_1328 = arith.shrui %add3A_1321, %shift_right_logical3A_1327 : vector<256x128xi32>
      %or3A_1329 = arith.ori %shift_left3A_1325, %shift_right_logical3A_1328 : vector<256x128xi32>
      %xor3A_1330 = arith.xori %add3A_1322, %or3A_1329 : vector<256x128xi32>
      %add3A_1331 = arith.addi %add3A_1322, %xor3A_1330 : vector<256x128xi32>
      %shift_left3A_1332 = arith.constant 15 : i32
      %shift_left3A_1333 = vector.broadcast %shift_left3A_1332 : i32 to vector<256x128xi32>
      %shift_left3A_1334 = arith.shli %xor3A_1330, %shift_left3A_1333 : vector<256x128xi32>
      %shift_right_logical3A_1335 = arith.constant 17 : i32
      %shift_right_logical3A_1336 = vector.broadcast %shift_right_logical3A_1335 : i32 to vector<256x128xi32>
      %shift_right_logical3A_1337 = arith.shrui %xor3A_1330, %shift_right_logical3A_1336 : vector<256x128xi32>
      %or3A_1338 = arith.ori %shift_left3A_1334, %shift_right_logical3A_1337 : vector<256x128xi32>
      %xor3A_1339 = arith.xori %add3A_1331, %or3A_1338 : vector<256x128xi32>
      %add3A_1340 = arith.addi %add3A_1331, %xor3A_1339 : vector<256x128xi32>
      %shift_left3A_1341 = arith.constant 26 : i32
      %shift_left3A_1342 = vector.broadcast %shift_left3A_1341 : i32 to vector<256x128xi32>
      %shift_left3A_1343 = arith.shli %xor3A_1339, %shift_left3A_1342 : vector<256x128xi32>
      %shift_right_logical3A_1344 = arith.constant 6 : i32
      %shift_right_logical3A_1345 = vector.broadcast %shift_right_logical3A_1344 : i32 to vector<256x128xi32>
      %shift_right_logical3A_1346 = arith.shrui %xor3A_1339, %shift_right_logical3A_1345 : vector<256x128xi32>
      %or3A_1347 = arith.ori %shift_left3A_1343, %shift_right_logical3A_1346 : vector<256x128xi32>
      %xor3A_1348 = arith.xori %add3A_1340, %or3A_1347 : vector<256x128xi32>
      %add3A_1349 = arith.addi %add3A_1340, %xor3A_1348 : vector<256x128xi32>
      %shift_left3A_1350 = arith.constant 6 : i32
      %shift_left3A_1351 = vector.broadcast %shift_left3A_1350 : i32 to vector<256x128xi32>
      %shift_left3A_1352 = arith.shli %xor3A_1348, %shift_left3A_1351 : vector<256x128xi32>
      %shift_right_logical3A_1353 = arith.constant 26 : i32
      %shift_right_logical3A_1354 = vector.broadcast %shift_right_logical3A_1353 : i32 to vector<256x128xi32>
      %shift_right_logical3A_1355 = arith.shrui %xor3A_1348, %shift_right_logical3A_1354 : vector<256x128xi32>
      %or3A_1356 = arith.ori %shift_left3A_1352, %shift_right_logical3A_1355 : vector<256x128xi32>
      %xor3A_1357 = arith.xori %add3A_1349, %or3A_1356 : vector<256x128xi32>
      %add3A_1358 = arith.addi %add3A_1349, %xor3A_1155 : vector<256x128xi32>
      %add3A_1359 = arith.addi %xor3A_1357, %get3A_383 : vector<256x128xi32>
      %add3A_1360 = arith.constant 5 : i32
      %add3A_1361 = vector.broadcast %add3A_1360 : i32 to vector<256x128xi32>
      %add3A_1362 = arith.addi %add3A_1359, %add3A_1361 : vector<256x128xi32>
      %mul3A_1363 = arith.mulf %mul3A_1146, %div3A_21 : vector<256x128xf32>
      %add3A_1364 = arith.constant 1.000000e+00 : f32
      %add3A_1365 = vector.broadcast %add3A_1364 : f32 to vector<256x128xf32>
      %add3A_1366 = arith.addf %add3A_1365, %mul3A_1363 : vector<256x128xf32>
      %select_n3A_1367 = arith.select %ne3A_391, %add3A_1358, %get3A_383 : vector<256x128xi1>, vector<256x128xi32>
      %swap3A_1368 = arith.constant 0 : index
      %swap3A_1369 = arith.constant 0 : index
      %swap3A_1370 = vector.load %arg14[%swap3A_1368, %swap3A_1369] : memref<256x128xi32, #tpu.memory_space<vmem>>, vector<256x128xi32>
      tpu.vector_store %arg14[%swap3A_1368, %swap3A_1369], %select_n3A_1367 {strides = array<i32>} : memref<256x128xi32, #tpu.memory_space<vmem>>, vector<256x128xi32>,
      %select_n3A_1371 = arith.select %ne3A_391, %add3A_1362, %get3A_386 : vector<256x128xi1>, vector<256x128xi32>
      %swap3A_1372 = arith.constant 0 : index
      %swap3A_1373 = arith.constant 0 : index
      %swap3A_1374 = vector.load %arg15[%swap3A_1372, %swap3A_1373] : memref<256x128xi32, #tpu.memory_space<vmem>>, vector<256x128xi32>
      tpu.vector_store %arg15[%swap3A_1372, %swap3A_1373], %select_n3A_1371 {strides = array<i32>} : memref<256x128xi32, #tpu.memory_space<vmem>>, vector<256x128xi32>,
      %get3A_1375 = arith.constant 0 : index
      %get3A_1376 = arith.constant 0 : index
      %get3A_1377 = vector.load %arg16[%get3A_1375, %get3A_1376] : memref<256x128xf32, #tpu.memory_space<vmem>>, vector<256x128xf32>
      %select_n3A_1378 = arith.select %ne3A_391, %mul3A_1146, %get3A_1377 : vector<256x128xi1>, vector<256x128xf32>
      %swap3A_1379 = arith.constant 0 : index
      %swap3A_1380 = arith.constant 0 : index
      %swap3A_1381 = vector.load %arg16[%swap3A_1379, %swap3A_1380] : memref<256x128xf32, #tpu.memory_space<vmem>>, vector<256x128xf32>
      tpu.vector_store %arg16[%swap3A_1379, %swap3A_1380], %select_n3A_1378 {strides = array<i32>} : memref<256x128xf32, #tpu.memory_space<vmem>>, vector<256x128xf32>,
      %get3A_1382 = arith.constant 0 : index
      %get3A_1383 = arith.constant 0 : index
      %get3A_1384 = vector.load %arg17[%get3A_1382, %get3A_1383] : memref<256x128xf32, #tpu.memory_space<vmem>>, vector<256x128xf32>
      %select_n3A_1385 = arith.select %ne3A_391, %add3A_1366, %get3A_1384 : vector<256x128xi1>, vector<256x128xf32>
      %swap3A_1386 = arith.constant 0 : index
      %swap3A_1387 = arith.constant 0 : index
      %swap3A_1388 = vector.load %arg17[%swap3A_1386, %swap3A_1387] : memref<256x128xf32, #tpu.memory_space<vmem>>, vector<256x128xf32>
      tpu.vector_store %arg17[%swap3A_1386, %swap3A_1387], %select_n3A_1385 {strides = array<i32>} : memref<256x128xf32, #tpu.memory_space<vmem>>, vector<256x128xf32>,
      %le3A_1389 = arith.constant 0.000000e+00 : f32
      %le3A_1390 = vector.broadcast %le3A_1389 : f32 to vector<256x128xf32>
      %le3A_1391 = arith.cmpf ole, %add3A_1366, %le3A_1390 : vector<256x128xf32>
      %and3A_1392 = arith.andi %ne3A_391, %le3A_1391 : vector<256x128xi1>
      %convert_element_type3A_1393 = arith.extui %and3A_1392 : vector<256x128xi1> to vector<256x128xi32>
      %swap3A_1394 = arith.constant 0 : index
      %swap3A_1395 = arith.constant 0 : index
      %swap3A_1396 = vector.load %arg18[%swap3A_1394, %swap3A_1395] : memref<256x128xi32, #tpu.memory_space<vmem>>, vector<256x128xi32>
      tpu.vector_store %arg18[%swap3A_1394, %swap3A_1395], %convert_element_type3A_1393 {strides = array<i32>} : memref<256x128xi32, #tpu.memory_space<vmem>>, vector<256x128xi32>,
      %convert_element_type3A_1397 = arith.extui %and3A_1392 : vector<256x128xi1> to vector<256x128xi32>
      %reduce_sum3A_1398 = vector.shape_cast %convert_element_type3A_1397 : vector<256x128xi32> to vector<1x256x128xi32>
      %reduce_sum3A_1399 = arith.constant dense<0> : vector<1xi32>
      %reduce_sum3A_1400 = vector.multi_reduction <add>, %reduce_sum3A_1398, %reduce_sum3A_1399 [1, 2] : vector<1x256x128xi32> to vector<1xi32>
      %reduce_sum3A_1401 = vector.shape_cast %reduce_sum3A_1400 : vector<1xi32> to vector<1x1x1xi32>
      %reduce_sum3A_1402 = vector.extract %reduce_sum3A_1401[0, 0, 0] : i32 from vector<1x1x1xi32>
      scf.yield %reduce_sum3A_1402 : i32
    }
    %get3A_76 = arith.constant 0 : index
    %get3A_77 = arith.constant 0 : index
    %get3A_78 = vector.load %arg16[%get3A_76, %get3A_77] : memref<256x128xf32, #tpu.memory_space<vmem>>, vector<256x128xf32>
    %get3A_79 = arith.constant 0 : index
    %get3A_80 = arith.constant 0 : index
    %get3A_81 = vector.load %arg17[%get3A_79, %get3A_80] : memref<256x128xf32, #tpu.memory_space<vmem>>, vector<256x128xf32>
    %mul3A_82 = arith.mulf %get3A_78, %get3A_78 : vector<256x128xf32>
    %mul3A_83 = arith.mulf %get3A_81, %get3A_81 : vector<256x128xf32>
    %mul3A_84 = arith.mulf %mul3A_83, %get3A_81 : vector<256x128xf32>
    %select_n3A_85 = arith.select %broadcast_in_dim3A_26, %get3A_41, %get3A_47 : vector<256x128xi1>, vector<256x128xi32>
    %swap3A_86 = arith.constant 0 : index
    %swap3A_87 = arith.constant 0 : index
    %swap3A_88 = vector.load %arg10[%swap3A_86, %swap3A_87] : memref<256x128xi32, #tpu.memory_space<vmem>>, vector<256x128xi32>
    tpu.vector_store %arg10[%swap3A_86, %swap3A_87], %select_n3A_85 {strides = array<i32>} : memref<256x128xi32, #tpu.memory_space<vmem>>, vector<256x128xi32>,
    %select_n3A_89 = arith.select %broadcast_in_dim3A_26, %get3A_44, %get3A_50 : vector<256x128xi1>, vector<256x128xi32>
    %swap3A_90 = arith.constant 0 : index
    %swap3A_91 = arith.constant 0 : index
    %swap3A_92 = vector.load %arg11[%swap3A_90, %swap3A_91] : memref<256x128xi32, #tpu.memory_space<vmem>>, vector<256x128xi32>
    tpu.vector_store %arg11[%swap3A_90, %swap3A_91], %select_n3A_89 {strides = array<i32>} : memref<256x128xi32, #tpu.memory_space<vmem>>, vector<256x128xi32>,
    %get3A_93 = arith.constant 0 : index
    %get3A_94 = arith.constant 0 : index
    %get3A_95 = vector.load %arg12[%get3A_93, %get3A_94] : memref<256x128xf32, #tpu.memory_space<vmem>>, vector<256x128xf32>
    %select_n3A_96 = arith.select %broadcast_in_dim3A_26, %mul3A_84, %get3A_95 : vector<256x128xi1>, vector<256x128xf32>
    %swap3A_97 = arith.constant 0 : index
    %swap3A_98 = arith.constant 0 : index
    %swap3A_99 = vector.load %arg12[%swap3A_97, %swap3A_98] : memref<256x128xf32, #tpu.memory_space<vmem>>, vector<256x128xf32>
    tpu.vector_store %arg12[%swap3A_97, %swap3A_98], %select_n3A_96 {strides = array<i32>} : memref<256x128xf32, #tpu.memory_space<vmem>>, vector<256x128xf32>,
    %mul3A_100 = arith.mulf %mul3A_82, %mul3A_82 : vector<256x128xf32>
    %mul3A_101 = arith.constant 3.310000e-02 : f32
    %mul3A_102 = vector.broadcast %mul3A_101 : f32 to vector<256x128xf32>
    %mul3A_103 = arith.mulf %mul3A_102, %mul3A_100 : vector<256x128xf32>
    %sub3A_104 = arith.constant 1.000000e+00 : f32
    %sub3A_105 = vector.broadcast %sub3A_104 : f32 to vector<256x128xf32>
    %sub3A_106 = arith.subf %sub3A_105, %mul3A_103 : vector<256x128xf32>
    %ge3A_107 = arith.cmpf oge, %get3A_32, %sub3A_106 : vector<256x128xf32>
    %log3A = math.log %get3A_32 : vector<256x128xf32>
    %mul3A_108 = arith.constant 5.000000e-01 : f32
    %mul3A_109 = vector.broadcast %mul3A_108 : f32 to vector<256x128xf32>
    %mul3A_110 = arith.mulf %mul3A_82, %mul3A_109 : vector<256x128xf32>
    %sub3A_111 = arith.constant 1.000000e+00 : f32
    %sub3A_112 = vector.broadcast %sub3A_111 : f32 to vector<256x128xf32>
    %sub3A_113 = arith.subf %sub3A_112, %mul3A_84 : vector<256x128xf32>
    %log3A_114 = math.log %mul3A_84 : vector<256x128xf32>
    %add3A_115 = arith.addf %sub3A_113, %log3A_114 : vector<256x128xf32>
    %mul3A_116 = arith.mulf %sub3A_19, %add3A_115 : vector<256x128xf32>
    %add3A_117 = arith.addf %mul3A_110, %mul3A_116 : vector<256x128xf32>
    %ge3A_118 = arith.cmpf oge, %log3A, %add3A_117 : vector<256x128xf32>
    %and3A_119 = arith.andi %ge3A_107, %ge3A_118 : vector<256x128xi1>
    %and3A_120 = arith.andi %broadcast_in_dim3A_26, %and3A_119 : vector<256x128xi1>
    %convert_element_type3A_121 = arith.extui %and3A_120 : vector<256x128xi1> to vector<256x128xi32>
    %swap3A_122 = arith.constant 0 : index
    %swap3A_123 = arith.constant 0 : index
    %swap3A_124 = vector.load %arg13[%swap3A_122, %swap3A_123] : memref<256x128xi32, #tpu.memory_space<vmem>>, vector<256x128xi32>
    tpu.vector_store %arg13[%swap3A_122, %swap3A_123], %convert_element_type3A_121 {strides = array<i32>} : memref<256x128xi32, #tpu.memory_space<vmem>>, vector<256x128xi32>,
    %convert_element_type3A_125 = arith.extui %and3A_120 : vector<256x128xi1> to vector<256x128xi32>
    %reduce_sum3A_126 = vector.shape_cast %convert_element_type3A_125 : vector<256x128xi32> to vector<1x256x128xi32>
    %reduce_sum3A_127 = arith.constant dense<0> : vector<1xi32>
    %reduce_sum3A_128 = vector.multi_reduction <add>, %reduce_sum3A_126, %reduce_sum3A_127 [1, 2] : vector<1x256x128xi32> to vector<1xi32>
    %reduce_sum3A_129 = vector.shape_cast %reduce_sum3A_128 : vector<1xi32> to vector<1x1x1xi32>
    %reduce_sum3A_130 = vector.extract %reduce_sum3A_129[0, 0, 0] : i32 from vector<1x1x1xi32>
    %while3A_131 = scf.while (%while3A_380 = %reduce_sum3A_130) : (i32) -> i32 {
      %gt3A = arith.constant 0 : i32
      %gt3A_381 = arith.cmpi sgt, %while3A_380, %gt3A : i32
      scf.condition(%gt3A_381) %while3A_380 : i32
    } do {
    ^bb0(%while3A_380: i32):
      %get3A_381 = arith.constant 0 : index
      %get3A_382 = arith.constant 0 : index
      %get3A_383 = vector.load %arg10[%get3A_381, %get3A_382] : memref<256x128xi32, #tpu.memory_space<vmem>>, vector<256x128xi32>
      %get3A_384 = arith.constant 0 : index
      %get3A_385 = arith.constant 0 : index
      %get3A_386 = vector.load %arg11[%get3A_384, %get3A_385] : memref<256x128xi32, #tpu.memory_space<vmem>>, vector<256x128xi32>
      %get3A_387 = arith.constant 0 : index
      %get3A_388 = arith.constant 0 : index
      %get3A_389 = vector.load %arg13[%get3A_387, %get3A_388] : memref<256x128xi32, #tpu.memory_space<vmem>>, vector<256x128xi32>
      %ne3A = arith.constant 0 : i32
      %ne3A_390 = vector.broadcast %ne3A : i32 to vector<256x128xi32>
      %ne3A_391 = arith.cmpi ne, %get3A_389, %ne3A_390 : vector<256x128xi32>
      %broadcast_in_dim3A_392 = arith.constant 0 : i32
      %broadcast_in_dim3A_393 = vector.broadcast %broadcast_in_dim3A_392 : i32 to vector<256x128xi32>
      %add3A_394 = arith.constant 0 : i32
      %add3A_395 = vector.broadcast %add3A_394 : i32 to vector<256x128xi32>
      %add3A_396 = arith.addi %broadcast_in_dim3A_393, %add3A_395 : vector<256x128xi32>
      %xor3A_397 = arith.xori %get3A_383, %get3A_386 : vector<256x128xi32>
      %xor3A_398 = arith.constant 466688986 : i32
      %xor3A_399 = vector.broadcast %xor3A_398 : i32 to vector<256x128xi32>
      %xor3A_400 = arith.xori %xor3A_397, %xor3A_399 : vector<256x128xi32>
      %add3A_401 = arith.addi %broadcast_in_dim3A_393, %get3A_383 : vector<256x128xi32>
      %add3A_402 = arith.addi %add3A_396, %get3A_386 : vector<256x128xi32>
      %add3A_403 = arith.addi %add3A_401, %add3A_402 : vector<256x128xi32>
      %shift_left3A_404 = arith.constant 13 : i32
      %shift_left3A_405 = vector.broadcast %shift_left3A_404 : i32 to vector<256x128xi32>
      %shift_left3A_406 = arith.shli %add3A_402, %shift_left3A_405 : vector<256x128xi32>
      %shift_right_logical3A_407 = arith.constant 19 : i32
      %shift_right_logical3A_408 = vector.broadcast %shift_right_logical3A_407 : i32 to vector<256x128xi32>
      %shift_right_logical3A_409 = arith.shrui %add3A_402, %shift_right_logical3A_408 : vector<256x128xi32>
      %or3A_410 = arith.ori %shift_left3A_406, %shift_right_logical3A_409 : vector<256x128xi32>
      %xor3A_411 = arith.xori %add3A_403, %or3A_410 : vector<256x128xi32>
      %add3A_412 = arith.addi %add3A_403, %xor3A_411 : vector<256x128xi32>
      %shift_left3A_413 = arith.constant 15 : i32
      %shift_left3A_414 = vector.broadcast %shift_left3A_413 : i32 to vector<256x128xi32>
      %shift_left3A_415 = arith.shli %xor3A_411, %shift_left3A_414 : vector<256x128xi32>
      %shift_right_logical3A_416 = arith.constant 17 : i32
      %shift_right_logical3A_417 = vector.broadcast %shift_right_logical3A_416 : i32 to vector<256x128xi32>
      %shift_right_logical3A_418 = arith.shrui %xor3A_411, %shift_right_logical3A_417 : vector<256x128xi32>
      %or3A_419 = arith.ori %shift_left3A_415, %shift_right_logical3A_418 : vector<256x128xi32>
      %xor3A_420 = arith.xori %add3A_412, %or3A_419 : vector<256x128xi32>
      %add3A_421 = arith.addi %add3A_412, %xor3A_420 : vector<256x128xi32>
      %shift_left3A_422 = arith.constant 26 : i32
      %shift_left3A_423 = vector.broadcast %shift_left3A_422 : i32 to vector<256x128xi32>
      %shift_left3A_424 = arith.shli %xor3A_420, %shift_left3A_423 : vector<256x128xi32>
      %shift_right_logical3A_425 = arith.constant 6 : i32
      %shift_right_logical3A_426 = vector.broadcast %shift_right_logical3A_425 : i32 to vector<256x128xi32>
      %shift_right_logical3A_427 = arith.shrui %xor3A_420, %shift_right_logical3A_426 : vector<256x128xi32>
      %or3A_428 = arith.ori %shift_left3A_424, %shift_right_logical3A_427 : vector<256x128xi32>
      %xor3A_429 = arith.xori %add3A_421, %or3A_428 : vector<256x128xi32>
      %add3A_430 = arith.addi %add3A_421, %xor3A_429 : vector<256x128xi32>
      %shift_left3A_431 = arith.constant 6 : i32
      %shift_left3A_432 = vector.broadcast %shift_left3A_431 : i32 to vector<256x128xi32>
      %shift_left3A_433 = arith.shli %xor3A_429, %shift_left3A_432 : vector<256x128xi32>
      %shift_right_logical3A_434 = arith.constant 26 : i32
      %shift_right_logical3A_435 = vector.broadcast %shift_right_logical3A_434 : i32 to vector<256x128xi32>
      %shift_right_logical3A_436 = arith.shrui %xor3A_429, %shift_right_logical3A_435 : vector<256x128xi32>
      %or3A_437 = arith.ori %shift_left3A_433, %shift_right_logical3A_436 : vector<256x128xi32>
      %xor3A_438 = arith.xori %add3A_430, %or3A_437 : vector<256x128xi32>
      %add3A_439 = arith.addi %add3A_430, %get3A_386 : vector<256x128xi32>
      %add3A_440 = arith.addi %xor3A_438, %xor3A_400 : vector<256x128xi32>
      %add3A_441 = arith.constant 1 : i32
      %add3A_442 = vector.broadcast %add3A_441 : i32 to vector<256x128xi32>
      %add3A_443 = arith.addi %add3A_440, %add3A_442 : vector<256x128xi32>
      %add3A_444 = arith.addi %add3A_439, %add3A_443 : vector<256x128xi32>
      %shift_left3A_445 = arith.constant 17 : i32
      %shift_left3A_446 = vector.broadcast %shift_left3A_445 : i32 to vector<256x128xi32>
      %shift_left3A_447 = arith.shli %add3A_443, %shift_left3A_446 : vector<256x128xi32>
      %shift_right_logical3A_448 = arith.constant 15 : i32
      %shift_right_logical3A_449 = vector.broadcast %shift_right_logical3A_448 : i32 to vector<256x128xi32>
      %shift_right_logical3A_450 = arith.shrui %add3A_443, %shift_right_logical3A_449 : vector<256x128xi32>
      %or3A_451 = arith.ori %shift_left3A_447, %shift_right_logical3A_450 : vector<256x128xi32>
      %xor3A_452 = arith.xori %add3A_444, %or3A_451 : vector<256x128xi32>
      %add3A_453 = arith.addi %add3A_444, %xor3A_452 : vector<256x128xi32>
      %shift_left3A_454 = arith.constant 29 : i32
      %shift_left3A_455 = vector.broadcast %shift_left3A_454 : i32 to vector<256x128xi32>
      %shift_left3A_456 = arith.shli %xor3A_452, %shift_left3A_455 : vector<256x128xi32>
      %shift_right_logical3A_457 = arith.constant 3 : i32
      %shift_right_logical3A_458 = vector.broadcast %shift_right_logical3A_457 : i32 to vector<256x128xi32>
      %shift_right_logical3A_459 = arith.shrui %xor3A_452, %shift_right_logical3A_458 : vector<256x128xi32>
      %or3A_460 = arith.ori %shift_left3A_456, %shift_right_logical3A_459 : vector<256x128xi32>
      %xor3A_461 = arith.xori %add3A_453, %or3A_460 : vector<256x128xi32>
      %add3A_462 = arith.addi %add3A_453, %xor3A_461 : vector<256x128xi32>
      %shift_left3A_463 = arith.constant 16 : i32
      %shift_left3A_464 = vector.broadcast %shift_left3A_463 : i32 to vector<256x128xi32>
      %shift_left3A_465 = arith.shli %xor3A_461, %shift_left3A_464 : vector<256x128xi32>
      %shift_right_logical3A_466 = arith.constant 16 : i32
      %shift_right_logical3A_467 = vector.broadcast %shift_right_logical3A_466 : i32 to vector<256x128xi32>
      %shift_right_logical3A_468 = arith.shrui %xor3A_461, %shift_right_logical3A_467 : vector<256x128xi32>
      %or3A_469 = arith.ori %shift_left3A_465, %shift_right_logical3A_468 : vector<256x128xi32>
      %xor3A_470 = arith.xori %add3A_462, %or3A_469 : vector<256x128xi32>
      %add3A_471 = arith.addi %add3A_462, %xor3A_470 : vector<256x128xi32>
      %shift_left3A_472 = arith.constant 24 : i32
      %shift_left3A_473 = vector.broadcast %shift_left3A_472 : i32 to vector<256x128xi32>
      %shift_left3A_474 = arith.shli %xor3A_470, %shift_left3A_473 : vector<256x128xi32>
      %shift_right_logical3A_475 = arith.constant 8 : i32
      %shift_right_logical3A_476 = vector.broadcast %shift_right_logical3A_475 : i32 to vector<256x128xi32>
      %shift_right_logical3A_477 = arith.shrui %xor3A_470, %shift_right_logical3A_476 : vector<256x128xi32>
      %or3A_478 = arith.ori %shift_left3A_474, %shift_right_logical3A_477 : vector<256x128xi32>
      %xor3A_479 = arith.xori %add3A_471, %or3A_478 : vector<256x128xi32>
      %add3A_480 = arith.addi %add3A_471, %xor3A_400 : vector<256x128xi32>
      %add3A_481 = arith.addi %xor3A_479, %get3A_383 : vector<256x128xi32>
      %add3A_482 = arith.constant 2 : i32
      %add3A_483 = vector.broadcast %add3A_482 : i32 to vector<256x128xi32>
      %add3A_484 = arith.addi %add3A_481, %add3A_483 : vector<256x128xi32>
      %add3A_485 = arith.addi %add3A_480, %add3A_484 : vector<256x128xi32>
      %shift_left3A_486 = arith.constant 13 : i32
      %shift_left3A_487 = vector.broadcast %shift_left3A_486 : i32 to vector<256x128xi32>
      %shift_left3A_488 = arith.shli %add3A_484, %shift_left3A_487 : vector<256x128xi32>
      %shift_right_logical3A_489 = arith.constant 19 : i32
      %shift_right_logical3A_490 = vector.broadcast %shift_right_logical3A_489 : i32 to vector<256x128xi32>
      %shift_right_logical3A_491 = arith.shrui %add3A_484, %shift_right_logical3A_490 : vector<256x128xi32>
      %or3A_492 = arith.ori %shift_left3A_488, %shift_right_logical3A_491 : vector<256x128xi32>
      %xor3A_493 = arith.xori %add3A_485, %or3A_492 : vector<256x128xi32>
      %add3A_494 = arith.addi %add3A_485, %xor3A_493 : vector<256x128xi32>
      %shift_left3A_495 = arith.constant 15 : i32
      %shift_left3A_496 = vector.broadcast %shift_left3A_495 : i32 to vector<256x128xi32>
      %shift_left3A_497 = arith.shli %xor3A_493, %shift_left3A_496 : vector<256x128xi32>
      %shift_right_logical3A_498 = arith.constant 17 : i32
      %shift_right_logical3A_499 = vector.broadcast %shift_right_logical3A_498 : i32 to vector<256x128xi32>
      %shift_right_logical3A_500 = arith.shrui %xor3A_493, %shift_right_logical3A_499 : vector<256x128xi32>
      %or3A_501 = arith.ori %shift_left3A_497, %shift_right_logical3A_500 : vector<256x128xi32>
      %xor3A_502 = arith.xori %add3A_494, %or3A_501 : vector<256x128xi32>
      %add3A_503 = arith.addi %add3A_494, %xor3A_502 : vector<256x128xi32>
      %shift_left3A_504 = arith.constant 26 : i32
      %shift_left3A_505 = vector.broadcast %shift_left3A_504 : i32 to vector<256x128xi32>
      %shift_left3A_506 = arith.shli %xor3A_502, %shift_left3A_505 : vector<256x128xi32>
      %shift_right_logical3A_507 = arith.constant 6 : i32
      %shift_right_logical3A_508 = vector.broadcast %shift_right_logical3A_507 : i32 to vector<256x128xi32>
      %shift_right_logical3A_509 = arith.shrui %xor3A_502, %shift_right_logical3A_508 : vector<256x128xi32>
      %or3A_510 = arith.ori %shift_left3A_506, %shift_right_logical3A_509 : vector<256x128xi32>
      %xor3A_511 = arith.xori %add3A_503, %or3A_510 : vector<256x128xi32>
      %add3A_512 = arith.addi %add3A_503, %xor3A_511 : vector<256x128xi32>
      %shift_left3A_513 = arith.constant 6 : i32
      %shift_left3A_514 = vector.broadcast %shift_left3A_513 : i32 to vector<256x128xi32>
      %shift_left3A_515 = arith.shli %xor3A_511, %shift_left3A_514 : vector<256x128xi32>
      %shift_right_logical3A_516 = arith.constant 26 : i32
      %shift_right_logical3A_517 = vector.broadcast %shift_right_logical3A_516 : i32 to vector<256x128xi32>
      %shift_right_logical3A_518 = arith.shrui %xor3A_511, %shift_right_logical3A_517 : vector<256x128xi32>
      %or3A_519 = arith.ori %shift_left3A_515, %shift_right_logical3A_518 : vector<256x128xi32>
      %xor3A_520 = arith.xori %add3A_512, %or3A_519 : vector<256x128xi32>
      %add3A_521 = arith.addi %add3A_512, %get3A_383 : vector<256x128xi32>
      %add3A_522 = arith.addi %xor3A_520, %get3A_386 : vector<256x128xi32>
      %add3A_523 = arith.constant 3 : i32
      %add3A_524 = vector.broadcast %add3A_523 : i32 to vector<256x128xi32>
      %add3A_525 = arith.addi %add3A_522, %add3A_524 : vector<256x128xi32>
      %add3A_526 = arith.addi %add3A_521, %add3A_525 : vector<256x128xi32>
      %shift_left3A_527 = arith.constant 17 : i32
      %shift_left3A_528 = vector.broadcast %shift_left3A_527 : i32 to vector<256x128xi32>
      %shift_left3A_529 = arith.shli %add3A_525, %shift_left3A_528 : vector<256x128xi32>
      %shift_right_logical3A_530 = arith.constant 15 : i32
      %shift_right_logical3A_531 = vector.broadcast %shift_right_logical3A_530 : i32 to vector<256x128xi32>
      %shift_right_logical3A_532 = arith.shrui %add3A_525, %shift_right_logical3A_531 : vector<256x128xi32>
      %or3A_533 = arith.ori %shift_left3A_529, %shift_right_logical3A_532 : vector<256x128xi32>
      %xor3A_534 = arith.xori %add3A_526, %or3A_533 : vector<256x128xi32>
      %add3A_535 = arith.addi %add3A_526, %xor3A_534 : vector<256x128xi32>
      %shift_left3A_536 = arith.constant 29 : i32
      %shift_left3A_537 = vector.broadcast %shift_left3A_536 : i32 to vector<256x128xi32>
      %shift_left3A_538 = arith.shli %xor3A_534, %shift_left3A_537 : vector<256x128xi32>
      %shift_right_logical3A_539 = arith.constant 3 : i32
      %shift_right_logical3A_540 = vector.broadcast %shift_right_logical3A_539 : i32 to vector<256x128xi32>
      %shift_right_logical3A_541 = arith.shrui %xor3A_534, %shift_right_logical3A_540 : vector<256x128xi32>
      %or3A_542 = arith.ori %shift_left3A_538, %shift_right_logical3A_541 : vector<256x128xi32>
      %xor3A_543 = arith.xori %add3A_535, %or3A_542 : vector<256x128xi32>
      %add3A_544 = arith.addi %add3A_535, %xor3A_543 : vector<256x128xi32>
      %shift_left3A_545 = arith.constant 16 : i32
      %shift_left3A_546 = vector.broadcast %shift_left3A_545 : i32 to vector<256x128xi32>
      %shift_left3A_547 = arith.shli %xor3A_543, %shift_left3A_546 : vector<256x128xi32>
      %shift_right_logical3A_548 = arith.constant 16 : i32
      %shift_right_logical3A_549 = vector.broadcast %shift_right_logical3A_548 : i32 to vector<256x128xi32>
      %shift_right_logical3A_550 = arith.shrui %xor3A_543, %shift_right_logical3A_549 : vector<256x128xi32>
      %or3A_551 = arith.ori %shift_left3A_547, %shift_right_logical3A_550 : vector<256x128xi32>
      %xor3A_552 = arith.xori %add3A_544, %or3A_551 : vector<256x128xi32>
      %add3A_553 = arith.addi %add3A_544, %xor3A_552 : vector<256x128xi32>
      %shift_left3A_554 = arith.constant 24 : i32
      %shift_left3A_555 = vector.broadcast %shift_left3A_554 : i32 to vector<256x128xi32>
      %shift_left3A_556 = arith.shli %xor3A_552, %shift_left3A_555 : vector<256x128xi32>
      %shift_right_logical3A_557 = arith.constant 8 : i32
      %shift_right_logical3A_558 = vector.broadcast %shift_right_logical3A_557 : i32 to vector<256x128xi32>
      %shift_right_logical3A_559 = arith.shrui %xor3A_552, %shift_right_logical3A_558 : vector<256x128xi32>
      %or3A_560 = arith.ori %shift_left3A_556, %shift_right_logical3A_559 : vector<256x128xi32>
      %xor3A_561 = arith.xori %add3A_553, %or3A_560 : vector<256x128xi32>
      %add3A_562 = arith.addi %add3A_553, %get3A_386 : vector<256x128xi32>
      %add3A_563 = arith.addi %xor3A_561, %xor3A_400 : vector<256x128xi32>
      %add3A_564 = arith.constant 4 : i32
      %add3A_565 = vector.broadcast %add3A_564 : i32 to vector<256x128xi32>
      %add3A_566 = arith.addi %add3A_563, %add3A_565 : vector<256x128xi32>
      %add3A_567 = arith.addi %add3A_562, %add3A_566 : vector<256x128xi32>
      %shift_left3A_568 = arith.constant 13 : i32
      %shift_left3A_569 = vector.broadcast %shift_left3A_568 : i32 to vector<256x128xi32>
      %shift_left3A_570 = arith.shli %add3A_566, %shift_left3A_569 : vector<256x128xi32>
      %shift_right_logical3A_571 = arith.constant 19 : i32
      %shift_right_logical3A_572 = vector.broadcast %shift_right_logical3A_571 : i32 to vector<256x128xi32>
      %shift_right_logical3A_573 = arith.shrui %add3A_566, %shift_right_logical3A_572 : vector<256x128xi32>
      %or3A_574 = arith.ori %shift_left3A_570, %shift_right_logical3A_573 : vector<256x128xi32>
      %xor3A_575 = arith.xori %add3A_567, %or3A_574 : vector<256x128xi32>
      %add3A_576 = arith.addi %add3A_567, %xor3A_575 : vector<256x128xi32>
      %shift_left3A_577 = arith.constant 15 : i32
      %shift_left3A_578 = vector.broadcast %shift_left3A_577 : i32 to vector<256x128xi32>
      %shift_left3A_579 = arith.shli %xor3A_575, %shift_left3A_578 : vector<256x128xi32>
      %shift_right_logical3A_580 = arith.constant 17 : i32
      %shift_right_logical3A_581 = vector.broadcast %shift_right_logical3A_580 : i32 to vector<256x128xi32>
      %shift_right_logical3A_582 = arith.shrui %xor3A_575, %shift_right_logical3A_581 : vector<256x128xi32>
      %or3A_583 = arith.ori %shift_left3A_579, %shift_right_logical3A_582 : vector<256x128xi32>
      %xor3A_584 = arith.xori %add3A_576, %or3A_583 : vector<256x128xi32>
      %add3A_585 = arith.addi %add3A_576, %xor3A_584 : vector<256x128xi32>
      %shift_left3A_586 = arith.constant 26 : i32
      %shift_left3A_587 = vector.broadcast %shift_left3A_586 : i32 to vector<256x128xi32>
      %shift_left3A_588 = arith.shli %xor3A_584, %shift_left3A_587 : vector<256x128xi32>
      %shift_right_logical3A_589 = arith.constant 6 : i32
      %shift_right_logical3A_590 = vector.broadcast %shift_right_logical3A_589 : i32 to vector<256x128xi32>
      %shift_right_logical3A_591 = arith.shrui %xor3A_584, %shift_right_logical3A_590 : vector<256x128xi32>
      %or3A_592 = arith.ori %shift_left3A_588, %shift_right_logical3A_591 : vector<256x128xi32>
      %xor3A_593 = arith.xori %add3A_585, %or3A_592 : vector<256x128xi32>
      %add3A_594 = arith.addi %add3A_585, %xor3A_593 : vector<256x128xi32>
      %shift_left3A_595 = arith.constant 6 : i32
      %shift_left3A_596 = vector.broadcast %shift_left3A_595 : i32 to vector<256x128xi32>
      %shift_left3A_597 = arith.shli %xor3A_593, %shift_left3A_596 : vector<256x128xi32>
      %shift_right_logical3A_598 = arith.constant 26 : i32
      %shift_right_logical3A_599 = vector.broadcast %shift_right_logical3A_598 : i32 to vector<256x128xi32>
      %shift_right_logical3A_600 = arith.shrui %xor3A_593, %shift_right_logical3A_599 : vector<256x128xi32>
      %or3A_601 = arith.ori %shift_left3A_597, %shift_right_logical3A_600 : vector<256x128xi32>
      %xor3A_602 = arith.xori %add3A_594, %or3A_601 : vector<256x128xi32>
      %add3A_603 = arith.addi %add3A_594, %xor3A_400 : vector<256x128xi32>
      %add3A_604 = arith.addi %xor3A_602, %get3A_383 : vector<256x128xi32>
      %add3A_605 = arith.constant 5 : i32
      %add3A_606 = vector.broadcast %add3A_605 : i32 to vector<256x128xi32>
      %add3A_607 = arith.addi %add3A_604, %add3A_606 : vector<256x128xi32>
      %broadcast_in_dim3A_608 = arith.constant 0 : i32
      %broadcast_in_dim3A_609 = vector.broadcast %broadcast_in_dim3A_608 : i32 to vector<256x128xi32>
      %add3A_610 = arith.constant 1 : i32
      %add3A_611 = vector.broadcast %add3A_610 : i32 to vector<256x128xi32>
      %add3A_612 = arith.addi %broadcast_in_dim3A_609, %add3A_611 : vector<256x128xi32>
      %xor3A_613 = arith.xori %get3A_383, %get3A_386 : vector<256x128xi32>
      %xor3A_614 = arith.constant 466688986 : i32
      %xor3A_615 = vector.broadcast %xor3A_614 : i32 to vector<256x128xi32>
      %xor3A_616 = arith.xori %xor3A_613, %xor3A_615 : vector<256x128xi32>
      %add3A_617 = arith.addi %broadcast_in_dim3A_609, %get3A_383 : vector<256x128xi32>
      %add3A_618 = arith.addi %add3A_612, %get3A_386 : vector<256x128xi32>
      %add3A_619 = arith.addi %add3A_617, %add3A_618 : vector<256x128xi32>
      %shift_left3A_620 = arith.constant 13 : i32
      %shift_left3A_621 = vector.broadcast %shift_left3A_620 : i32 to vector<256x128xi32>
      %shift_left3A_622 = arith.shli %add3A_618, %shift_left3A_621 : vector<256x128xi32>
      %shift_right_logical3A_623 = arith.constant 19 : i32
      %shift_right_logical3A_624 = vector.broadcast %shift_right_logical3A_623 : i32 to vector<256x128xi32>
      %shift_right_logical3A_625 = arith.shrui %add3A_618, %shift_right_logical3A_624 : vector<256x128xi32>
      %or3A_626 = arith.ori %shift_left3A_622, %shift_right_logical3A_625 : vector<256x128xi32>
      %xor3A_627 = arith.xori %add3A_619, %or3A_626 : vector<256x128xi32>
      %add3A_628 = arith.addi %add3A_619, %xor3A_627 : vector<256x128xi32>
      %shift_left3A_629 = arith.constant 15 : i32
      %shift_left3A_630 = vector.broadcast %shift_left3A_629 : i32 to vector<256x128xi32>
      %shift_left3A_631 = arith.shli %xor3A_627, %shift_left3A_630 : vector<256x128xi32>
      %shift_right_logical3A_632 = arith.constant 17 : i32
      %shift_right_logical3A_633 = vector.broadcast %shift_right_logical3A_632 : i32 to vector<256x128xi32>
      %shift_right_logical3A_634 = arith.shrui %xor3A_627, %shift_right_logical3A_633 : vector<256x128xi32>
      %or3A_635 = arith.ori %shift_left3A_631, %shift_right_logical3A_634 : vector<256x128xi32>
      %xor3A_636 = arith.xori %add3A_628, %or3A_635 : vector<256x128xi32>
      %add3A_637 = arith.addi %add3A_628, %xor3A_636 : vector<256x128xi32>
      %shift_left3A_638 = arith.constant 26 : i32
      %shift_left3A_639 = vector.broadcast %shift_left3A_638 : i32 to vector<256x128xi32>
      %shift_left3A_640 = arith.shli %xor3A_636, %shift_left3A_639 : vector<256x128xi32>
      %shift_right_logical3A_641 = arith.constant 6 : i32
      %shift_right_logical3A_642 = vector.broadcast %shift_right_logical3A_641 : i32 to vector<256x128xi32>
      %shift_right_logical3A_643 = arith.shrui %xor3A_636, %shift_right_logical3A_642 : vector<256x128xi32>
      %or3A_644 = arith.ori %shift_left3A_640, %shift_right_logical3A_643 : vector<256x128xi32>
      %xor3A_645 = arith.xori %add3A_637, %or3A_644 : vector<256x128xi32>
      %add3A_646 = arith.addi %add3A_637, %xor3A_645 : vector<256x128xi32>
      %shift_left3A_647 = arith.constant 6 : i32
      %shift_left3A_648 = vector.broadcast %shift_left3A_647 : i32 to vector<256x128xi32>
      %shift_left3A_649 = arith.shli %xor3A_645, %shift_left3A_648 : vector<256x128xi32>
      %shift_right_logical3A_650 = arith.constant 26 : i32
      %shift_right_logical3A_651 = vector.broadcast %shift_right_logical3A_650 : i32 to vector<256x128xi32>
      %shift_right_logical3A_652 = arith.shrui %xor3A_645, %shift_right_logical3A_651 : vector<256x128xi32>
      %or3A_653 = arith.ori %shift_left3A_649, %shift_right_logical3A_652 : vector<256x128xi32>
      %xor3A_654 = arith.xori %add3A_646, %or3A_653 : vector<256x128xi32>
      %add3A_655 = arith.addi %add3A_646, %get3A_386 : vector<256x128xi32>
      %add3A_656 = arith.addi %xor3A_654, %xor3A_616 : vector<256x128xi32>
      %add3A_657 = arith.constant 1 : i32
      %add3A_658 = vector.broadcast %add3A_657 : i32 to vector<256x128xi32>
      %add3A_659 = arith.addi %add3A_656, %add3A_658 : vector<256x128xi32>
      %add3A_660 = arith.addi %add3A_655, %add3A_659 : vector<256x128xi32>
      %shift_left3A_661 = arith.constant 17 : i32
      %shift_left3A_662 = vector.broadcast %shift_left3A_661 : i32 to vector<256x128xi32>
      %shift_left3A_663 = arith.shli %add3A_659, %shift_left3A_662 : vector<256x128xi32>
      %shift_right_logical3A_664 = arith.constant 15 : i32
      %shift_right_logical3A_665 = vector.broadcast %shift_right_logical3A_664 : i32 to vector<256x128xi32>
      %shift_right_logical3A_666 = arith.shrui %add3A_659, %shift_right_logical3A_665 : vector<256x128xi32>
      %or3A_667 = arith.ori %shift_left3A_663, %shift_right_logical3A_666 : vector<256x128xi32>
      %xor3A_668 = arith.xori %add3A_660, %or3A_667 : vector<256x128xi32>
      %add3A_669 = arith.addi %add3A_660, %xor3A_668 : vector<256x128xi32>
      %shift_left3A_670 = arith.constant 29 : i32
      %shift_left3A_671 = vector.broadcast %shift_left3A_670 : i32 to vector<256x128xi32>
      %shift_left3A_672 = arith.shli %xor3A_668, %shift_left3A_671 : vector<256x128xi32>
      %shift_right_logical3A_673 = arith.constant 3 : i32
      %shift_right_logical3A_674 = vector.broadcast %shift_right_logical3A_673 : i32 to vector<256x128xi32>
      %shift_right_logical3A_675 = arith.shrui %xor3A_668, %shift_right_logical3A_674 : vector<256x128xi32>
      %or3A_676 = arith.ori %shift_left3A_672, %shift_right_logical3A_675 : vector<256x128xi32>
      %xor3A_677 = arith.xori %add3A_669, %or3A_676 : vector<256x128xi32>
      %add3A_678 = arith.addi %add3A_669, %xor3A_677 : vector<256x128xi32>
      %shift_left3A_679 = arith.constant 16 : i32
      %shift_left3A_680 = vector.broadcast %shift_left3A_679 : i32 to vector<256x128xi32>
      %shift_left3A_681 = arith.shli %xor3A_677, %shift_left3A_680 : vector<256x128xi32>
      %shift_right_logical3A_682 = arith.constant 16 : i32
      %shift_right_logical3A_683 = vector.broadcast %shift_right_logical3A_682 : i32 to vector<256x128xi32>
      %shift_right_logical3A_684 = arith.shrui %xor3A_677, %shift_right_logical3A_683 : vector<256x128xi32>
      %or3A_685 = arith.ori %shift_left3A_681, %shift_right_logical3A_684 : vector<256x128xi32>
      %xor3A_686 = arith.xori %add3A_678, %or3A_685 : vector<256x128xi32>
      %add3A_687 = arith.addi %add3A_678, %xor3A_686 : vector<256x128xi32>
      %shift_left3A_688 = arith.constant 24 : i32
      %shift_left3A_689 = vector.broadcast %shift_left3A_688 : i32 to vector<256x128xi32>
      %shift_left3A_690 = arith.shli %xor3A_686, %shift_left3A_689 : vector<256x128xi32>
      %shift_right_logical3A_691 = arith.constant 8 : i32
      %shift_right_logical3A_692 = vector.broadcast %shift_right_logical3A_691 : i32 to vector<256x128xi32>
      %shift_right_logical3A_693 = arith.shrui %xor3A_686, %shift_right_logical3A_692 : vector<256x128xi32>
      %or3A_694 = arith.ori %shift_left3A_690, %shift_right_logical3A_693 : vector<256x128xi32>
      %xor3A_695 = arith.xori %add3A_687, %or3A_694 : vector<256x128xi32>
      %add3A_696 = arith.addi %add3A_687, %xor3A_616 : vector<256x128xi32>
      %add3A_697 = arith.addi %xor3A_695, %get3A_383 : vector<256x128xi32>
      %add3A_698 = arith.constant 2 : i32
      %add3A_699 = vector.broadcast %add3A_698 : i32 to vector<256x128xi32>
      %add3A_700 = arith.addi %add3A_697, %add3A_699 : vector<256x128xi32>
      %add3A_701 = arith.addi %add3A_696, %add3A_700 : vector<256x128xi32>
      %shift_left3A_702 = arith.constant 13 : i32
      %shift_left3A_703 = vector.broadcast %shift_left3A_702 : i32 to vector<256x128xi32>
      %shift_left3A_704 = arith.shli %add3A_700, %shift_left3A_703 : vector<256x128xi32>
      %shift_right_logical3A_705 = arith.constant 19 : i32
      %shift_right_logical3A_706 = vector.broadcast %shift_right_logical3A_705 : i32 to vector<256x128xi32>
      %shift_right_logical3A_707 = arith.shrui %add3A_700, %shift_right_logical3A_706 : vector<256x128xi32>
      %or3A_708 = arith.ori %shift_left3A_704, %shift_right_logical3A_707 : vector<256x128xi32>
      %xor3A_709 = arith.xori %add3A_701, %or3A_708 : vector<256x128xi32>
      %add3A_710 = arith.addi %add3A_701, %xor3A_709 : vector<256x128xi32>
      %shift_left3A_711 = arith.constant 15 : i32
      %shift_left3A_712 = vector.broadcast %shift_left3A_711 : i32 to vector<256x128xi32>
      %shift_left3A_713 = arith.shli %xor3A_709, %shift_left3A_712 : vector<256x128xi32>
      %shift_right_logical3A_714 = arith.constant 17 : i32
      %shift_right_logical3A_715 = vector.broadcast %shift_right_logical3A_714 : i32 to vector<256x128xi32>
      %shift_right_logical3A_716 = arith.shrui %xor3A_709, %shift_right_logical3A_715 : vector<256x128xi32>
      %or3A_717 = arith.ori %shift_left3A_713, %shift_right_logical3A_716 : vector<256x128xi32>
      %xor3A_718 = arith.xori %add3A_710, %or3A_717 : vector<256x128xi32>
      %add3A_719 = arith.addi %add3A_710, %xor3A_718 : vector<256x128xi32>
      %shift_left3A_720 = arith.constant 26 : i32
      %shift_left3A_721 = vector.broadcast %shift_left3A_720 : i32 to vector<256x128xi32>
      %shift_left3A_722 = arith.shli %xor3A_718, %shift_left3A_721 : vector<256x128xi32>
      %shift_right_logical3A_723 = arith.constant 6 : i32
      %shift_right_logical3A_724 = vector.broadcast %shift_right_logical3A_723 : i32 to vector<256x128xi32>
      %shift_right_logical3A_725 = arith.shrui %xor3A_718, %shift_right_logical3A_724 : vector<256x128xi32>
      %or3A_726 = arith.ori %shift_left3A_722, %shift_right_logical3A_725 : vector<256x128xi32>
      %xor3A_727 = arith.xori %add3A_719, %or3A_726 : vector<256x128xi32>
      %add3A_728 = arith.addi %add3A_719, %xor3A_727 : vector<256x128xi32>
      %shift_left3A_729 = arith.constant 6 : i32
      %shift_left3A_730 = vector.broadcast %shift_left3A_729 : i32 to vector<256x128xi32>
      %shift_left3A_731 = arith.shli %xor3A_727, %shift_left3A_730 : vector<256x128xi32>
      %shift_right_logical3A_732 = arith.constant 26 : i32
      %shift_right_logical3A_733 = vector.broadcast %shift_right_logical3A_732 : i32 to vector<256x128xi32>
      %shift_right_logical3A_734 = arith.shrui %xor3A_727, %shift_right_logical3A_733 : vector<256x128xi32>
      %or3A_735 = arith.ori %shift_left3A_731, %shift_right_logical3A_734 : vector<256x128xi32>
      %xor3A_736 = arith.xori %add3A_728, %or3A_735 : vector<256x128xi32>
      %add3A_737 = arith.addi %add3A_728, %get3A_383 : vector<256x128xi32>
      %add3A_738 = arith.addi %xor3A_736, %get3A_386 : vector<256x128xi32>
      %add3A_739 = arith.constant 3 : i32
      %add3A_740 = vector.broadcast %add3A_739 : i32 to vector<256x128xi32>
      %add3A_741 = arith.addi %add3A_738, %add3A_740 : vector<256x128xi32>
      %add3A_742 = arith.addi %add3A_737, %add3A_741 : vector<256x128xi32>
      %shift_left3A_743 = arith.constant 17 : i32
      %shift_left3A_744 = vector.broadcast %shift_left3A_743 : i32 to vector<256x128xi32>
      %shift_left3A_745 = arith.shli %add3A_741, %shift_left3A_744 : vector<256x128xi32>
      %shift_right_logical3A_746 = arith.constant 15 : i32
      %shift_right_logical3A_747 = vector.broadcast %shift_right_logical3A_746 : i32 to vector<256x128xi32>
      %shift_right_logical3A_748 = arith.shrui %add3A_741, %shift_right_logical3A_747 : vector<256x128xi32>
      %or3A_749 = arith.ori %shift_left3A_745, %shift_right_logical3A_748 : vector<256x128xi32>
      %xor3A_750 = arith.xori %add3A_742, %or3A_749 : vector<256x128xi32>
      %add3A_751 = arith.addi %add3A_742, %xor3A_750 : vector<256x128xi32>
      %shift_left3A_752 = arith.constant 29 : i32
      %shift_left3A_753 = vector.broadcast %shift_left3A_752 : i32 to vector<256x128xi32>
      %shift_left3A_754 = arith.shli %xor3A_750, %shift_left3A_753 : vector<256x128xi32>
      %shift_right_logical3A_755 = arith.constant 3 : i32
      %shift_right_logical3A_756 = vector.broadcast %shift_right_logical3A_755 : i32 to vector<256x128xi32>
      %shift_right_logical3A_757 = arith.shrui %xor3A_750, %shift_right_logical3A_756 : vector<256x128xi32>
      %or3A_758 = arith.ori %shift_left3A_754, %shift_right_logical3A_757 : vector<256x128xi32>
      %xor3A_759 = arith.xori %add3A_751, %or3A_758 : vector<256x128xi32>
      %add3A_760 = arith.addi %add3A_751, %xor3A_759 : vector<256x128xi32>
      %shift_left3A_761 = arith.constant 16 : i32
      %shift_left3A_762 = vector.broadcast %shift_left3A_761 : i32 to vector<256x128xi32>
      %shift_left3A_763 = arith.shli %xor3A_759, %shift_left3A_762 : vector<256x128xi32>
      %shift_right_logical3A_764 = arith.constant 16 : i32
      %shift_right_logical3A_765 = vector.broadcast %shift_right_logical3A_764 : i32 to vector<256x128xi32>
      %shift_right_logical3A_766 = arith.shrui %xor3A_759, %shift_right_logical3A_765 : vector<256x128xi32>
      %or3A_767 = arith.ori %shift_left3A_763, %shift_right_logical3A_766 : vector<256x128xi32>
      %xor3A_768 = arith.xori %add3A_760, %or3A_767 : vector<256x128xi32>
      %add3A_769 = arith.addi %add3A_760, %xor3A_768 : vector<256x128xi32>
      %shift_left3A_770 = arith.constant 24 : i32
      %shift_left3A_771 = vector.broadcast %shift_left3A_770 : i32 to vector<256x128xi32>
      %shift_left3A_772 = arith.shli %xor3A_768, %shift_left3A_771 : vector<256x128xi32>
      %shift_right_logical3A_773 = arith.constant 8 : i32
      %shift_right_logical3A_774 = vector.broadcast %shift_right_logical3A_773 : i32 to vector<256x128xi32>
      %shift_right_logical3A_775 = arith.shrui %xor3A_768, %shift_right_logical3A_774 : vector<256x128xi32>
      %or3A_776 = arith.ori %shift_left3A_772, %shift_right_logical3A_775 : vector<256x128xi32>
      %xor3A_777 = arith.xori %add3A_769, %or3A_776 : vector<256x128xi32>
      %add3A_778 = arith.addi %add3A_769, %get3A_386 : vector<256x128xi32>
      %add3A_779 = arith.addi %xor3A_777, %xor3A_616 : vector<256x128xi32>
      %add3A_780 = arith.constant 4 : i32
      %add3A_781 = vector.broadcast %add3A_780 : i32 to vector<256x128xi32>
      %add3A_782 = arith.addi %add3A_779, %add3A_781 : vector<256x128xi32>
      %add3A_783 = arith.addi %add3A_778, %add3A_782 : vector<256x128xi32>
      %shift_left3A_784 = arith.constant 13 : i32
      %shift_left3A_785 = vector.broadcast %shift_left3A_784 : i32 to vector<256x128xi32>
      %shift_left3A_786 = arith.shli %add3A_782, %shift_left3A_785 : vector<256x128xi32>
      %shift_right_logical3A_787 = arith.constant 19 : i32
      %shift_right_logical3A_788 = vector.broadcast %shift_right_logical3A_787 : i32 to vector<256x128xi32>
      %shift_right_logical3A_789 = arith.shrui %add3A_782, %shift_right_logical3A_788 : vector<256x128xi32>
      %or3A_790 = arith.ori %shift_left3A_786, %shift_right_logical3A_789 : vector<256x128xi32>
      %xor3A_791 = arith.xori %add3A_783, %or3A_790 : vector<256x128xi32>
      %add3A_792 = arith.addi %add3A_783, %xor3A_791 : vector<256x128xi32>
      %shift_left3A_793 = arith.constant 15 : i32
      %shift_left3A_794 = vector.broadcast %shift_left3A_793 : i32 to vector<256x128xi32>
      %shift_left3A_795 = arith.shli %xor3A_791, %shift_left3A_794 : vector<256x128xi32>
      %shift_right_logical3A_796 = arith.constant 17 : i32
      %shift_right_logical3A_797 = vector.broadcast %shift_right_logical3A_796 : i32 to vector<256x128xi32>
      %shift_right_logical3A_798 = arith.shrui %xor3A_791, %shift_right_logical3A_797 : vector<256x128xi32>
      %or3A_799 = arith.ori %shift_left3A_795, %shift_right_logical3A_798 : vector<256x128xi32>
      %xor3A_800 = arith.xori %add3A_792, %or3A_799 : vector<256x128xi32>
      %add3A_801 = arith.addi %add3A_792, %xor3A_800 : vector<256x128xi32>
      %shift_left3A_802 = arith.constant 26 : i32
      %shift_left3A_803 = vector.broadcast %shift_left3A_802 : i32 to vector<256x128xi32>
      %shift_left3A_804 = arith.shli %xor3A_800, %shift_left3A_803 : vector<256x128xi32>
      %shift_right_logical3A_805 = arith.constant 6 : i32
      %shift_right_logical3A_806 = vector.broadcast %shift_right_logical3A_805 : i32 to vector<256x128xi32>
      %shift_right_logical3A_807 = arith.shrui %xor3A_800, %shift_right_logical3A_806 : vector<256x128xi32>
      %or3A_808 = arith.ori %shift_left3A_804, %shift_right_logical3A_807 : vector<256x128xi32>
      %xor3A_809 = arith.xori %add3A_801, %or3A_808 : vector<256x128xi32>
      %add3A_810 = arith.addi %add3A_801, %xor3A_809 : vector<256x128xi32>
      %shift_left3A_811 = arith.constant 6 : i32
      %shift_left3A_812 = vector.broadcast %shift_left3A_811 : i32 to vector<256x128xi32>
      %shift_left3A_813 = arith.shli %xor3A_809, %shift_left3A_812 : vector<256x128xi32>
      %shift_right_logical3A_814 = arith.constant 26 : i32
      %shift_right_logical3A_815 = vector.broadcast %shift_right_logical3A_814 : i32 to vector<256x128xi32>
      %shift_right_logical3A_816 = arith.shrui %xor3A_809, %shift_right_logical3A_815 : vector<256x128xi32>
      %or3A_817 = arith.ori %shift_left3A_813, %shift_right_logical3A_816 : vector<256x128xi32>
      %xor3A_818 = arith.xori %add3A_810, %or3A_817 : vector<256x128xi32>
      %add3A_819 = arith.addi %add3A_810, %xor3A_616 : vector<256x128xi32>
      %add3A_820 = arith.addi %xor3A_818, %get3A_383 : vector<256x128xi32>
      %add3A_821 = arith.constant 5 : i32
      %add3A_822 = vector.broadcast %add3A_821 : i32 to vector<256x128xi32>
      %add3A_823 = arith.addi %add3A_820, %add3A_822 : vector<256x128xi32>
      %broadcast_in_dim3A_824 = arith.constant 0 : i32
      %broadcast_in_dim3A_825 = vector.broadcast %broadcast_in_dim3A_824 : i32 to vector<256x128xi32>
      %add3A_826 = arith.constant 2 : i32
      %add3A_827 = vector.broadcast %add3A_826 : i32 to vector<256x128xi32>
      %add3A_828 = arith.addi %broadcast_in_dim3A_825, %add3A_827 : vector<256x128xi32>
      %xor3A_829 = arith.xori %get3A_383, %get3A_386 : vector<256x128xi32>
      %xor3A_830 = arith.constant 466688986 : i32
      %xor3A_831 = vector.broadcast %xor3A_830 : i32 to vector<256x128xi32>
      %xor3A_832 = arith.xori %xor3A_829, %xor3A_831 : vector<256x128xi32>
      %add3A_833 = arith.addi %broadcast_in_dim3A_825, %get3A_383 : vector<256x128xi32>
      %add3A_834 = arith.addi %add3A_828, %get3A_386 : vector<256x128xi32>
      %add3A_835 = arith.addi %add3A_833, %add3A_834 : vector<256x128xi32>
      %shift_left3A_836 = arith.constant 13 : i32
      %shift_left3A_837 = vector.broadcast %shift_left3A_836 : i32 to vector<256x128xi32>
      %shift_left3A_838 = arith.shli %add3A_834, %shift_left3A_837 : vector<256x128xi32>
      %shift_right_logical3A_839 = arith.constant 19 : i32
      %shift_right_logical3A_840 = vector.broadcast %shift_right_logical3A_839 : i32 to vector<256x128xi32>
      %shift_right_logical3A_841 = arith.shrui %add3A_834, %shift_right_logical3A_840 : vector<256x128xi32>
      %or3A_842 = arith.ori %shift_left3A_838, %shift_right_logical3A_841 : vector<256x128xi32>
      %xor3A_843 = arith.xori %add3A_835, %or3A_842 : vector<256x128xi32>
      %add3A_844 = arith.addi %add3A_835, %xor3A_843 : vector<256x128xi32>
      %shift_left3A_845 = arith.constant 15 : i32
      %shift_left3A_846 = vector.broadcast %shift_left3A_845 : i32 to vector<256x128xi32>
      %shift_left3A_847 = arith.shli %xor3A_843, %shift_left3A_846 : vector<256x128xi32>
      %shift_right_logical3A_848 = arith.constant 17 : i32
      %shift_right_logical3A_849 = vector.broadcast %shift_right_logical3A_848 : i32 to vector<256x128xi32>
      %shift_right_logical3A_850 = arith.shrui %xor3A_843, %shift_right_logical3A_849 : vector<256x128xi32>
      %or3A_851 = arith.ori %shift_left3A_847, %shift_right_logical3A_850 : vector<256x128xi32>
      %xor3A_852 = arith.xori %add3A_844, %or3A_851 : vector<256x128xi32>
      %add3A_853 = arith.addi %add3A_844, %xor3A_852 : vector<256x128xi32>
      %shift_left3A_854 = arith.constant 26 : i32
      %shift_left3A_855 = vector.broadcast %shift_left3A_854 : i32 to vector<256x128xi32>
      %shift_left3A_856 = arith.shli %xor3A_852, %shift_left3A_855 : vector<256x128xi32>
      %shift_right_logical3A_857 = arith.constant 6 : i32
      %shift_right_logical3A_858 = vector.broadcast %shift_right_logical3A_857 : i32 to vector<256x128xi32>
      %shift_right_logical3A_859 = arith.shrui %xor3A_852, %shift_right_logical3A_858 : vector<256x128xi32>
      %or3A_860 = arith.ori %shift_left3A_856, %shift_right_logical3A_859 : vector<256x128xi32>
      %xor3A_861 = arith.xori %add3A_853, %or3A_860 : vector<256x128xi32>
      %add3A_862 = arith.addi %add3A_853, %xor3A_861 : vector<256x128xi32>
      %shift_left3A_863 = arith.constant 6 : i32
      %shift_left3A_864 = vector.broadcast %shift_left3A_863 : i32 to vector<256x128xi32>
      %shift_left3A_865 = arith.shli %xor3A_861, %shift_left3A_864 : vector<256x128xi32>
      %shift_right_logical3A_866 = arith.constant 26 : i32
      %shift_right_logical3A_867 = vector.broadcast %shift_right_logical3A_866 : i32 to vector<256x128xi32>
      %shift_right_logical3A_868 = arith.shrui %xor3A_861, %shift_right_logical3A_867 : vector<256x128xi32>
      %or3A_869 = arith.ori %shift_left3A_865, %shift_right_logical3A_868 : vector<256x128xi32>
      %xor3A_870 = arith.xori %add3A_862, %or3A_869 : vector<256x128xi32>
      %add3A_871 = arith.addi %add3A_862, %get3A_386 : vector<256x128xi32>
      %add3A_872 = arith.addi %xor3A_870, %xor3A_832 : vector<256x128xi32>
      %add3A_873 = arith.constant 1 : i32
      %add3A_874 = vector.broadcast %add3A_873 : i32 to vector<256x128xi32>
      %add3A_875 = arith.addi %add3A_872, %add3A_874 : vector<256x128xi32>
      %add3A_876 = arith.addi %add3A_871, %add3A_875 : vector<256x128xi32>
      %shift_left3A_877 = arith.constant 17 : i32
      %shift_left3A_878 = vector.broadcast %shift_left3A_877 : i32 to vector<256x128xi32>
      %shift_left3A_879 = arith.shli %add3A_875, %shift_left3A_878 : vector<256x128xi32>
      %shift_right_logical3A_880 = arith.constant 15 : i32
      %shift_right_logical3A_881 = vector.broadcast %shift_right_logical3A_880 : i32 to vector<256x128xi32>
      %shift_right_logical3A_882 = arith.shrui %add3A_875, %shift_right_logical3A_881 : vector<256x128xi32>
      %or3A_883 = arith.ori %shift_left3A_879, %shift_right_logical3A_882 : vector<256x128xi32>
      %xor3A_884 = arith.xori %add3A_876, %or3A_883 : vector<256x128xi32>
      %add3A_885 = arith.addi %add3A_876, %xor3A_884 : vector<256x128xi32>
      %shift_left3A_886 = arith.constant 29 : i32
      %shift_left3A_887 = vector.broadcast %shift_left3A_886 : i32 to vector<256x128xi32>
      %shift_left3A_888 = arith.shli %xor3A_884, %shift_left3A_887 : vector<256x128xi32>
      %shift_right_logical3A_889 = arith.constant 3 : i32
      %shift_right_logical3A_890 = vector.broadcast %shift_right_logical3A_889 : i32 to vector<256x128xi32>
      %shift_right_logical3A_891 = arith.shrui %xor3A_884, %shift_right_logical3A_890 : vector<256x128xi32>
      %or3A_892 = arith.ori %shift_left3A_888, %shift_right_logical3A_891 : vector<256x128xi32>
      %xor3A_893 = arith.xori %add3A_885, %or3A_892 : vector<256x128xi32>
      %add3A_894 = arith.addi %add3A_885, %xor3A_893 : vector<256x128xi32>
      %shift_left3A_895 = arith.constant 16 : i32
      %shift_left3A_896 = vector.broadcast %shift_left3A_895 : i32 to vector<256x128xi32>
      %shift_left3A_897 = arith.shli %xor3A_893, %shift_left3A_896 : vector<256x128xi32>
      %shift_right_logical3A_898 = arith.constant 16 : i32
      %shift_right_logical3A_899 = vector.broadcast %shift_right_logical3A_898 : i32 to vector<256x128xi32>
      %shift_right_logical3A_900 = arith.shrui %xor3A_893, %shift_right_logical3A_899 : vector<256x128xi32>
      %or3A_901 = arith.ori %shift_left3A_897, %shift_right_logical3A_900 : vector<256x128xi32>
      %xor3A_902 = arith.xori %add3A_894, %or3A_901 : vector<256x128xi32>
      %add3A_903 = arith.addi %add3A_894, %xor3A_902 : vector<256x128xi32>
      %shift_left3A_904 = arith.constant 24 : i32
      %shift_left3A_905 = vector.broadcast %shift_left3A_904 : i32 to vector<256x128xi32>
      %shift_left3A_906 = arith.shli %xor3A_902, %shift_left3A_905 : vector<256x128xi32>
      %shift_right_logical3A_907 = arith.constant 8 : i32
      %shift_right_logical3A_908 = vector.broadcast %shift_right_logical3A_907 : i32 to vector<256x128xi32>
      %shift_right_logical3A_909 = arith.shrui %xor3A_902, %shift_right_logical3A_908 : vector<256x128xi32>
      %or3A_910 = arith.ori %shift_left3A_906, %shift_right_logical3A_909 : vector<256x128xi32>
      %xor3A_911 = arith.xori %add3A_903, %or3A_910 : vector<256x128xi32>
      %add3A_912 = arith.addi %add3A_903, %xor3A_832 : vector<256x128xi32>
      %add3A_913 = arith.addi %xor3A_911, %get3A_383 : vector<256x128xi32>
      %add3A_914 = arith.constant 2 : i32
      %add3A_915 = vector.broadcast %add3A_914 : i32 to vector<256x128xi32>
      %add3A_916 = arith.addi %add3A_913, %add3A_915 : vector<256x128xi32>
      %add3A_917 = arith.addi %add3A_912, %add3A_916 : vector<256x128xi32>
      %shift_left3A_918 = arith.constant 13 : i32
      %shift_left3A_919 = vector.broadcast %shift_left3A_918 : i32 to vector<256x128xi32>
      %shift_left3A_920 = arith.shli %add3A_916, %shift_left3A_919 : vector<256x128xi32>
      %shift_right_logical3A_921 = arith.constant 19 : i32
      %shift_right_logical3A_922 = vector.broadcast %shift_right_logical3A_921 : i32 to vector<256x128xi32>
      %shift_right_logical3A_923 = arith.shrui %add3A_916, %shift_right_logical3A_922 : vector<256x128xi32>
      %or3A_924 = arith.ori %shift_left3A_920, %shift_right_logical3A_923 : vector<256x128xi32>
      %xor3A_925 = arith.xori %add3A_917, %or3A_924 : vector<256x128xi32>
      %add3A_926 = arith.addi %add3A_917, %xor3A_925 : vector<256x128xi32>
      %shift_left3A_927 = arith.constant 15 : i32
      %shift_left3A_928 = vector.broadcast %shift_left3A_927 : i32 to vector<256x128xi32>
      %shift_left3A_929 = arith.shli %xor3A_925, %shift_left3A_928 : vector<256x128xi32>
      %shift_right_logical3A_930 = arith.constant 17 : i32
      %shift_right_logical3A_931 = vector.broadcast %shift_right_logical3A_930 : i32 to vector<256x128xi32>
      %shift_right_logical3A_932 = arith.shrui %xor3A_925, %shift_right_logical3A_931 : vector<256x128xi32>
      %or3A_933 = arith.ori %shift_left3A_929, %shift_right_logical3A_932 : vector<256x128xi32>
      %xor3A_934 = arith.xori %add3A_926, %or3A_933 : vector<256x128xi32>
      %add3A_935 = arith.addi %add3A_926, %xor3A_934 : vector<256x128xi32>
      %shift_left3A_936 = arith.constant 26 : i32
      %shift_left3A_937 = vector.broadcast %shift_left3A_936 : i32 to vector<256x128xi32>
      %shift_left3A_938 = arith.shli %xor3A_934, %shift_left3A_937 : vector<256x128xi32>
      %shift_right_logical3A_939 = arith.constant 6 : i32
      %shift_right_logical3A_940 = vector.broadcast %shift_right_logical3A_939 : i32 to vector<256x128xi32>
      %shift_right_logical3A_941 = arith.shrui %xor3A_934, %shift_right_logical3A_940 : vector<256x128xi32>
      %or3A_942 = arith.ori %shift_left3A_938, %shift_right_logical3A_941 : vector<256x128xi32>
      %xor3A_943 = arith.xori %add3A_935, %or3A_942 : vector<256x128xi32>
      %add3A_944 = arith.addi %add3A_935, %xor3A_943 : vector<256x128xi32>
      %shift_left3A_945 = arith.constant 6 : i32
      %shift_left3A_946 = vector.broadcast %shift_left3A_945 : i32 to vector<256x128xi32>
      %shift_left3A_947 = arith.shli %xor3A_943, %shift_left3A_946 : vector<256x128xi32>
      %shift_right_logical3A_948 = arith.constant 26 : i32
      %shift_right_logical3A_949 = vector.broadcast %shift_right_logical3A_948 : i32 to vector<256x128xi32>
      %shift_right_logical3A_950 = arith.shrui %xor3A_943, %shift_right_logical3A_949 : vector<256x128xi32>
      %or3A_951 = arith.ori %shift_left3A_947, %shift_right_logical3A_950 : vector<256x128xi32>
      %xor3A_952 = arith.xori %add3A_944, %or3A_951 : vector<256x128xi32>
      %add3A_953 = arith.addi %add3A_944, %get3A_383 : vector<256x128xi32>
      %add3A_954 = arith.addi %xor3A_952, %get3A_386 : vector<256x128xi32>
      %add3A_955 = arith.constant 3 : i32
      %add3A_956 = vector.broadcast %add3A_955 : i32 to vector<256x128xi32>
      %add3A_957 = arith.addi %add3A_954, %add3A_956 : vector<256x128xi32>
      %add3A_958 = arith.addi %add3A_953, %add3A_957 : vector<256x128xi32>
      %shift_left3A_959 = arith.constant 17 : i32
      %shift_left3A_960 = vector.broadcast %shift_left3A_959 : i32 to vector<256x128xi32>
      %shift_left3A_961 = arith.shli %add3A_957, %shift_left3A_960 : vector<256x128xi32>
      %shift_right_logical3A_962 = arith.constant 15 : i32
      %shift_right_logical3A_963 = vector.broadcast %shift_right_logical3A_962 : i32 to vector<256x128xi32>
      %shift_right_logical3A_964 = arith.shrui %add3A_957, %shift_right_logical3A_963 : vector<256x128xi32>
      %or3A_965 = arith.ori %shift_left3A_961, %shift_right_logical3A_964 : vector<256x128xi32>
      %xor3A_966 = arith.xori %add3A_958, %or3A_965 : vector<256x128xi32>
      %add3A_967 = arith.addi %add3A_958, %xor3A_966 : vector<256x128xi32>
      %shift_left3A_968 = arith.constant 29 : i32
      %shift_left3A_969 = vector.broadcast %shift_left3A_968 : i32 to vector<256x128xi32>
      %shift_left3A_970 = arith.shli %xor3A_966, %shift_left3A_969 : vector<256x128xi32>
      %shift_right_logical3A_971 = arith.constant 3 : i32
      %shift_right_logical3A_972 = vector.broadcast %shift_right_logical3A_971 : i32 to vector<256x128xi32>
      %shift_right_logical3A_973 = arith.shrui %xor3A_966, %shift_right_logical3A_972 : vector<256x128xi32>
      %or3A_974 = arith.ori %shift_left3A_970, %shift_right_logical3A_973 : vector<256x128xi32>
      %xor3A_975 = arith.xori %add3A_967, %or3A_974 : vector<256x128xi32>
      %add3A_976 = arith.addi %add3A_967, %xor3A_975 : vector<256x128xi32>
      %shift_left3A_977 = arith.constant 16 : i32
      %shift_left3A_978 = vector.broadcast %shift_left3A_977 : i32 to vector<256x128xi32>
      %shift_left3A_979 = arith.shli %xor3A_975, %shift_left3A_978 : vector<256x128xi32>
      %shift_right_logical3A_980 = arith.constant 16 : i32
      %shift_right_logical3A_981 = vector.broadcast %shift_right_logical3A_980 : i32 to vector<256x128xi32>
      %shift_right_logical3A_982 = arith.shrui %xor3A_975, %shift_right_logical3A_981 : vector<256x128xi32>
      %or3A_983 = arith.ori %shift_left3A_979, %shift_right_logical3A_982 : vector<256x128xi32>
      %xor3A_984 = arith.xori %add3A_976, %or3A_983 : vector<256x128xi32>
      %add3A_985 = arith.addi %add3A_976, %xor3A_984 : vector<256x128xi32>
      %shift_left3A_986 = arith.constant 24 : i32
      %shift_left3A_987 = vector.broadcast %shift_left3A_986 : i32 to vector<256x128xi32>
      %shift_left3A_988 = arith.shli %xor3A_984, %shift_left3A_987 : vector<256x128xi32>
      %shift_right_logical3A_989 = arith.constant 8 : i32
      %shift_right_logical3A_990 = vector.broadcast %shift_right_logical3A_989 : i32 to vector<256x128xi32>
      %shift_right_logical3A_991 = arith.shrui %xor3A_984, %shift_right_logical3A_990 : vector<256x128xi32>
      %or3A_992 = arith.ori %shift_left3A_988, %shift_right_logical3A_991 : vector<256x128xi32>
      %xor3A_993 = arith.xori %add3A_985, %or3A_992 : vector<256x128xi32>
      %add3A_994 = arith.addi %add3A_985, %get3A_386 : vector<256x128xi32>
      %add3A_995 = arith.addi %xor3A_993, %xor3A_832 : vector<256x128xi32>
      %add3A_996 = arith.constant 4 : i32
      %add3A_997 = vector.broadcast %add3A_996 : i32 to vector<256x128xi32>
      %add3A_998 = arith.addi %add3A_995, %add3A_997 : vector<256x128xi32>
      %add3A_999 = arith.addi %add3A_994, %add3A_998 : vector<256x128xi32>
      %shift_left3A_1000 = arith.constant 13 : i32
      %shift_left3A_1001 = vector.broadcast %shift_left3A_1000 : i32 to vector<256x128xi32>
      %shift_left3A_1002 = arith.shli %add3A_998, %shift_left3A_1001 : vector<256x128xi32>
      %shift_right_logical3A_1003 = arith.constant 19 : i32
      %shift_right_logical3A_1004 = vector.broadcast %shift_right_logical3A_1003 : i32 to vector<256x128xi32>
      %shift_right_logical3A_1005 = arith.shrui %add3A_998, %shift_right_logical3A_1004 : vector<256x128xi32>
      %or3A_1006 = arith.ori %shift_left3A_1002, %shift_right_logical3A_1005 : vector<256x128xi32>
      %xor3A_1007 = arith.xori %add3A_999, %or3A_1006 : vector<256x128xi32>
      %add3A_1008 = arith.addi %add3A_999, %xor3A_1007 : vector<256x128xi32>
      %shift_left3A_1009 = arith.constant 15 : i32
      %shift_left3A_1010 = vector.broadcast %shift_left3A_1009 : i32 to vector<256x128xi32>
      %shift_left3A_1011 = arith.shli %xor3A_1007, %shift_left3A_1010 : vector<256x128xi32>
      %shift_right_logical3A_1012 = arith.constant 17 : i32
      %shift_right_logical3A_1013 = vector.broadcast %shift_right_logical3A_1012 : i32 to vector<256x128xi32>
      %shift_right_logical3A_1014 = arith.shrui %xor3A_1007, %shift_right_logical3A_1013 : vector<256x128xi32>
      %or3A_1015 = arith.ori %shift_left3A_1011, %shift_right_logical3A_1014 : vector<256x128xi32>
      %xor3A_1016 = arith.xori %add3A_1008, %or3A_1015 : vector<256x128xi32>
      %add3A_1017 = arith.addi %add3A_1008, %xor3A_1016 : vector<256x128xi32>
      %shift_left3A_1018 = arith.constant 26 : i32
      %shift_left3A_1019 = vector.broadcast %shift_left3A_1018 : i32 to vector<256x128xi32>
      %shift_left3A_1020 = arith.shli %xor3A_1016, %shift_left3A_1019 : vector<256x128xi32>
      %shift_right_logical3A_1021 = arith.constant 6 : i32
      %shift_right_logical3A_1022 = vector.broadcast %shift_right_logical3A_1021 : i32 to vector<256x128xi32>
      %shift_right_logical3A_1023 = arith.shrui %xor3A_1016, %shift_right_logical3A_1022 : vector<256x128xi32>
      %or3A_1024 = arith.ori %shift_left3A_1020, %shift_right_logical3A_1023 : vector<256x128xi32>
      %xor3A_1025 = arith.xori %add3A_1017, %or3A_1024 : vector<256x128xi32>
      %add3A_1026 = arith.addi %add3A_1017, %xor3A_1025 : vector<256x128xi32>
      %shift_left3A_1027 = arith.constant 6 : i32
      %shift_left3A_1028 = vector.broadcast %shift_left3A_1027 : i32 to vector<256x128xi32>
      %shift_left3A_1029 = arith.shli %xor3A_1025, %shift_left3A_1028 : vector<256x128xi32>
      %shift_right_logical3A_1030 = arith.constant 26 : i32
      %shift_right_logical3A_1031 = vector.broadcast %shift_right_logical3A_1030 : i32 to vector<256x128xi32>
      %shift_right_logical3A_1032 = arith.shrui %xor3A_1025, %shift_right_logical3A_1031 : vector<256x128xi32>
      %or3A_1033 = arith.ori %shift_left3A_1029, %shift_right_logical3A_1032 : vector<256x128xi32>
      %xor3A_1034 = arith.xori %add3A_1026, %or3A_1033 : vector<256x128xi32>
      %add3A_1035 = arith.addi %add3A_1026, %xor3A_832 : vector<256x128xi32>
      %add3A_1036 = arith.addi %xor3A_1034, %get3A_383 : vector<256x128xi32>
      %add3A_1037 = arith.constant 5 : i32
      %add3A_1038 = vector.broadcast %add3A_1037 : i32 to vector<256x128xi32>
      %add3A_1039 = arith.addi %add3A_1036, %add3A_1038 : vector<256x128xi32>
      %broadcast_in_dim3A_1040 = arith.constant 0 : i32
      %broadcast_in_dim3A_1041 = vector.broadcast %broadcast_in_dim3A_1040 : i32 to vector<256x128xi32>
      %add3A_1042 = arith.constant 1 : i32
      %add3A_1043 = vector.broadcast %add3A_1042 : i32 to vector<256x128xi32>
      %add3A_1044 = arith.addi %broadcast_in_dim3A_1041, %add3A_1043 : vector<256x128xi32>
      %xor3A_1045 = arith.xori %add3A_819, %add3A_823 : vector<256x128xi32>
      %xor3A_1046 = arith.constant 466688986 : i32
      %xor3A_1047 = vector.broadcast %xor3A_1046 : i32 to vector<256x128xi32>
      %xor3A_1048 = arith.xori %xor3A_1045, %xor3A_1047 : vector<256x128xi32>
      %add3A_1049 = arith.addi %broadcast_in_dim3A_1041, %add3A_819 : vector<256x128xi32>
      %add3A_1050 = arith.addi %add3A_1044, %add3A_823 : vector<256x128xi32>
      %add3A_1051 = arith.addi %add3A_1049, %add3A_1050 : vector<256x128xi32>
      %shift_left3A_1052 = arith.constant 13 : i32
      %shift_left3A_1053 = vector.broadcast %shift_left3A_1052 : i32 to vector<256x128xi32>
      %shift_left3A_1054 = arith.shli %add3A_1050, %shift_left3A_1053 : vector<256x128xi32>
      %shift_right_logical3A_1055 = arith.constant 19 : i32
      %shift_right_logical3A_1056 = vector.broadcast %shift_right_logical3A_1055 : i32 to vector<256x128xi32>
      %shift_right_logical3A_1057 = arith.shrui %add3A_1050, %shift_right_logical3A_1056 : vector<256x128xi32>
      %or3A_1058 = arith.ori %shift_left3A_1054, %shift_right_logical3A_1057 : vector<256x128xi32>
      %xor3A_1059 = arith.xori %add3A_1051, %or3A_1058 : vector<256x128xi32>
      %add3A_1060 = arith.addi %add3A_1051, %xor3A_1059 : vector<256x128xi32>
      %shift_left3A_1061 = arith.constant 15 : i32
      %shift_left3A_1062 = vector.broadcast %shift_left3A_1061 : i32 to vector<256x128xi32>
      %shift_left3A_1063 = arith.shli %xor3A_1059, %shift_left3A_1062 : vector<256x128xi32>
      %shift_right_logical3A_1064 = arith.constant 17 : i32
      %shift_right_logical3A_1065 = vector.broadcast %shift_right_logical3A_1064 : i32 to vector<256x128xi32>
      %shift_right_logical3A_1066 = arith.shrui %xor3A_1059, %shift_right_logical3A_1065 : vector<256x128xi32>
      %or3A_1067 = arith.ori %shift_left3A_1063, %shift_right_logical3A_1066 : vector<256x128xi32>
      %xor3A_1068 = arith.xori %add3A_1060, %or3A_1067 : vector<256x128xi32>
      %add3A_1069 = arith.addi %add3A_1060, %xor3A_1068 : vector<256x128xi32>
      %shift_left3A_1070 = arith.constant 26 : i32
      %shift_left3A_1071 = vector.broadcast %shift_left3A_1070 : i32 to vector<256x128xi32>
      %shift_left3A_1072 = arith.shli %xor3A_1068, %shift_left3A_1071 : vector<256x128xi32>
      %shift_right_logical3A_1073 = arith.constant 6 : i32
      %shift_right_logical3A_1074 = vector.broadcast %shift_right_logical3A_1073 : i32 to vector<256x128xi32>
      %shift_right_logical3A_1075 = arith.shrui %xor3A_1068, %shift_right_logical3A_1074 : vector<256x128xi32>
      %or3A_1076 = arith.ori %shift_left3A_1072, %shift_right_logical3A_1075 : vector<256x128xi32>
      %xor3A_1077 = arith.xori %add3A_1069, %or3A_1076 : vector<256x128xi32>
      %add3A_1078 = arith.addi %add3A_1069, %xor3A_1077 : vector<256x128xi32>
      %shift_left3A_1079 = arith.constant 6 : i32
      %shift_left3A_1080 = vector.broadcast %shift_left3A_1079 : i32 to vector<256x128xi32>
      %shift_left3A_1081 = arith.shli %xor3A_1077, %shift_left3A_1080 : vector<256x128xi32>
      %shift_right_logical3A_1082 = arith.constant 26 : i32
      %shift_right_logical3A_1083 = vector.broadcast %shift_right_logical3A_1082 : i32 to vector<256x128xi32>
      %shift_right_logical3A_1084 = arith.shrui %xor3A_1077, %shift_right_logical3A_1083 : vector<256x128xi32>
      %or3A_1085 = arith.ori %shift_left3A_1081, %shift_right_logical3A_1084 : vector<256x128xi32>
      %xor3A_1086 = arith.xori %add3A_1078, %or3A_1085 : vector<256x128xi32>
      %add3A_1087 = arith.addi %add3A_1078, %add3A_823 : vector<256x128xi32>
      %add3A_1088 = arith.addi %xor3A_1086, %xor3A_1048 : vector<256x128xi32>
      %add3A_1089 = arith.constant 1 : i32
      %add3A_1090 = vector.broadcast %add3A_1089 : i32 to vector<256x128xi32>
      %add3A_1091 = arith.addi %add3A_1088, %add3A_1090 : vector<256x128xi32>
      %add3A_1092 = arith.addi %add3A_1087, %add3A_1091 : vector<256x128xi32>
      %shift_left3A_1093 = arith.constant 17 : i32
      %shift_left3A_1094 = vector.broadcast %shift_left3A_1093 : i32 to vector<256x128xi32>
      %shift_left3A_1095 = arith.shli %add3A_1091, %shift_left3A_1094 : vector<256x128xi32>
      %shift_right_logical3A_1096 = arith.constant 15 : i32
      %shift_right_logical3A_1097 = vector.broadcast %shift_right_logical3A_1096 : i32 to vector<256x128xi32>
      %shift_right_logical3A_1098 = arith.shrui %add3A_1091, %shift_right_logical3A_1097 : vector<256x128xi32>
      %or3A_1099 = arith.ori %shift_left3A_1095, %shift_right_logical3A_1098 : vector<256x128xi32>
      %xor3A_1100 = arith.xori %add3A_1092, %or3A_1099 : vector<256x128xi32>
      %add3A_1101 = arith.addi %add3A_1092, %xor3A_1100 : vector<256x128xi32>
      %shift_left3A_1102 = arith.constant 29 : i32
      %shift_left3A_1103 = vector.broadcast %shift_left3A_1102 : i32 to vector<256x128xi32>
      %shift_left3A_1104 = arith.shli %xor3A_1100, %shift_left3A_1103 : vector<256x128xi32>
      %shift_right_logical3A_1105 = arith.constant 3 : i32
      %shift_right_logical3A_1106 = vector.broadcast %shift_right_logical3A_1105 : i32 to vector<256x128xi32>
      %shift_right_logical3A_1107 = arith.shrui %xor3A_1100, %shift_right_logical3A_1106 : vector<256x128xi32>
      %or3A_1108 = arith.ori %shift_left3A_1104, %shift_right_logical3A_1107 : vector<256x128xi32>
      %xor3A_1109 = arith.xori %add3A_1101, %or3A_1108 : vector<256x128xi32>
      %add3A_1110 = arith.addi %add3A_1101, %xor3A_1109 : vector<256x128xi32>
      %shift_left3A_1111 = arith.constant 16 : i32
      %shift_left3A_1112 = vector.broadcast %shift_left3A_1111 : i32 to vector<256x128xi32>
      %shift_left3A_1113 = arith.shli %xor3A_1109, %shift_left3A_1112 : vector<256x128xi32>
      %shift_right_logical3A_1114 = arith.constant 16 : i32
      %shift_right_logical3A_1115 = vector.broadcast %shift_right_logical3A_1114 : i32 to vector<256x128xi32>
      %shift_right_logical3A_1116 = arith.shrui %xor3A_1109, %shift_right_logical3A_1115 : vector<256x128xi32>
      %or3A_1117 = arith.ori %shift_left3A_1113, %shift_right_logical3A_1116 : vector<256x128xi32>
      %xor3A_1118 = arith.xori %add3A_1110, %or3A_1117 : vector<256x128xi32>
      %add3A_1119 = arith.addi %add3A_1110, %xor3A_1118 : vector<256x128xi32>
      %shift_left3A_1120 = arith.constant 24 : i32
      %shift_left3A_1121 = vector.broadcast %shift_left3A_1120 : i32 to vector<256x128xi32>
      %shift_left3A_1122 = arith.shli %xor3A_1118, %shift_left3A_1121 : vector<256x128xi32>
      %shift_right_logical3A_1123 = arith.constant 8 : i32
      %shift_right_logical3A_1124 = vector.broadcast %shift_right_logical3A_1123 : i32 to vector<256x128xi32>
      %shift_right_logical3A_1125 = arith.shrui %xor3A_1118, %shift_right_logical3A_1124 : vector<256x128xi32>
      %or3A_1126 = arith.ori %shift_left3A_1122, %shift_right_logical3A_1125 : vector<256x128xi32>
      %xor3A_1127 = arith.xori %add3A_1119, %or3A_1126 : vector<256x128xi32>
      %add3A_1128 = arith.addi %add3A_1119, %xor3A_1048 : vector<256x128xi32>
      %add3A_1129 = arith.addi %xor3A_1127, %add3A_819 : vector<256x128xi32>
      %add3A_1130 = arith.constant 2 : i32
      %add3A_1131 = vector.broadcast %add3A_1130 : i32 to vector<256x128xi32>
      %add3A_1132 = arith.addi %add3A_1129, %add3A_1131 : vector<256x128xi32>
      %add3A_1133 = arith.addi %add3A_1128, %add3A_1132 : vector<256x128xi32>
      %shift_left3A_1134 = arith.constant 13 : i32
      %shift_left3A_1135 = vector.broadcast %shift_left3A_1134 : i32 to vector<256x128xi32>
      %shift_left3A_1136 = arith.shli %add3A_1132, %shift_left3A_1135 : vector<256x128xi32>
      %shift_right_logical3A_1137 = arith.constant 19 : i32
      %shift_right_logical3A_1138 = vector.broadcast %shift_right_logical3A_1137 : i32 to vector<256x128xi32>
      %shift_right_logical3A_1139 = arith.shrui %add3A_1132, %shift_right_logical3A_1138 : vector<256x128xi32>
      %or3A_1140 = arith.ori %shift_left3A_1136, %shift_right_logical3A_1139 : vector<256x128xi32>
      %xor3A_1141 = arith.xori %add3A_1133, %or3A_1140 : vector<256x128xi32>
      %add3A_1142 = arith.addi %add3A_1133, %xor3A_1141 : vector<256x128xi32>
      %shift_left3A_1143 = arith.constant 15 : i32
      %shift_left3A_1144 = vector.broadcast %shift_left3A_1143 : i32 to vector<256x128xi32>
      %shift_left3A_1145 = arith.shli %xor3A_1141, %shift_left3A_1144 : vector<256x128xi32>
      %shift_right_logical3A_1146 = arith.constant 17 : i32
      %shift_right_logical3A_1147 = vector.broadcast %shift_right_logical3A_1146 : i32 to vector<256x128xi32>
      %shift_right_logical3A_1148 = arith.shrui %xor3A_1141, %shift_right_logical3A_1147 : vector<256x128xi32>
      %or3A_1149 = arith.ori %shift_left3A_1145, %shift_right_logical3A_1148 : vector<256x128xi32>
      %xor3A_1150 = arith.xori %add3A_1142, %or3A_1149 : vector<256x128xi32>
      %add3A_1151 = arith.addi %add3A_1142, %xor3A_1150 : vector<256x128xi32>
      %shift_left3A_1152 = arith.constant 26 : i32
      %shift_left3A_1153 = vector.broadcast %shift_left3A_1152 : i32 to vector<256x128xi32>
      %shift_left3A_1154 = arith.shli %xor3A_1150, %shift_left3A_1153 : vector<256x128xi32>
      %shift_right_logical3A_1155 = arith.constant 6 : i32
      %shift_right_logical3A_1156 = vector.broadcast %shift_right_logical3A_1155 : i32 to vector<256x128xi32>
      %shift_right_logical3A_1157 = arith.shrui %xor3A_1150, %shift_right_logical3A_1156 : vector<256x128xi32>
      %or3A_1158 = arith.ori %shift_left3A_1154, %shift_right_logical3A_1157 : vector<256x128xi32>
      %xor3A_1159 = arith.xori %add3A_1151, %or3A_1158 : vector<256x128xi32>
      %add3A_1160 = arith.addi %add3A_1151, %xor3A_1159 : vector<256x128xi32>
      %shift_left3A_1161 = arith.constant 6 : i32
      %shift_left3A_1162 = vector.broadcast %shift_left3A_1161 : i32 to vector<256x128xi32>
      %shift_left3A_1163 = arith.shli %xor3A_1159, %shift_left3A_1162 : vector<256x128xi32>
      %shift_right_logical3A_1164 = arith.constant 26 : i32
      %shift_right_logical3A_1165 = vector.broadcast %shift_right_logical3A_1164 : i32 to vector<256x128xi32>
      %shift_right_logical3A_1166 = arith.shrui %xor3A_1159, %shift_right_logical3A_1165 : vector<256x128xi32>
      %or3A_1167 = arith.ori %shift_left3A_1163, %shift_right_logical3A_1166 : vector<256x128xi32>
      %xor3A_1168 = arith.xori %add3A_1160, %or3A_1167 : vector<256x128xi32>
      %add3A_1169 = arith.addi %add3A_1160, %add3A_819 : vector<256x128xi32>
      %add3A_1170 = arith.addi %xor3A_1168, %add3A_823 : vector<256x128xi32>
      %add3A_1171 = arith.constant 3 : i32
      %add3A_1172 = vector.broadcast %add3A_1171 : i32 to vector<256x128xi32>
      %add3A_1173 = arith.addi %add3A_1170, %add3A_1172 : vector<256x128xi32>
      %add3A_1174 = arith.addi %add3A_1169, %add3A_1173 : vector<256x128xi32>
      %shift_left3A_1175 = arith.constant 17 : i32
      %shift_left3A_1176 = vector.broadcast %shift_left3A_1175 : i32 to vector<256x128xi32>
      %shift_left3A_1177 = arith.shli %add3A_1173, %shift_left3A_1176 : vector<256x128xi32>
      %shift_right_logical3A_1178 = arith.constant 15 : i32
      %shift_right_logical3A_1179 = vector.broadcast %shift_right_logical3A_1178 : i32 to vector<256x128xi32>
      %shift_right_logical3A_1180 = arith.shrui %add3A_1173, %shift_right_logical3A_1179 : vector<256x128xi32>
      %or3A_1181 = arith.ori %shift_left3A_1177, %shift_right_logical3A_1180 : vector<256x128xi32>
      %xor3A_1182 = arith.xori %add3A_1174, %or3A_1181 : vector<256x128xi32>
      %add3A_1183 = arith.addi %add3A_1174, %xor3A_1182 : vector<256x128xi32>
      %shift_left3A_1184 = arith.constant 29 : i32
      %shift_left3A_1185 = vector.broadcast %shift_left3A_1184 : i32 to vector<256x128xi32>
      %shift_left3A_1186 = arith.shli %xor3A_1182, %shift_left3A_1185 : vector<256x128xi32>
      %shift_right_logical3A_1187 = arith.constant 3 : i32
      %shift_right_logical3A_1188 = vector.broadcast %shift_right_logical3A_1187 : i32 to vector<256x128xi32>
      %shift_right_logical3A_1189 = arith.shrui %xor3A_1182, %shift_right_logical3A_1188 : vector<256x128xi32>
      %or3A_1190 = arith.ori %shift_left3A_1186, %shift_right_logical3A_1189 : vector<256x128xi32>
      %xor3A_1191 = arith.xori %add3A_1183, %or3A_1190 : vector<256x128xi32>
      %add3A_1192 = arith.addi %add3A_1183, %xor3A_1191 : vector<256x128xi32>
      %shift_left3A_1193 = arith.constant 16 : i32
      %shift_left3A_1194 = vector.broadcast %shift_left3A_1193 : i32 to vector<256x128xi32>
      %shift_left3A_1195 = arith.shli %xor3A_1191, %shift_left3A_1194 : vector<256x128xi32>
      %shift_right_logical3A_1196 = arith.constant 16 : i32
      %shift_right_logical3A_1197 = vector.broadcast %shift_right_logical3A_1196 : i32 to vector<256x128xi32>
      %shift_right_logical3A_1198 = arith.shrui %xor3A_1191, %shift_right_logical3A_1197 : vector<256x128xi32>
      %or3A_1199 = arith.ori %shift_left3A_1195, %shift_right_logical3A_1198 : vector<256x128xi32>
      %xor3A_1200 = arith.xori %add3A_1192, %or3A_1199 : vector<256x128xi32>
      %add3A_1201 = arith.addi %add3A_1192, %xor3A_1200 : vector<256x128xi32>
      %shift_left3A_1202 = arith.constant 24 : i32
      %shift_left3A_1203 = vector.broadcast %shift_left3A_1202 : i32 to vector<256x128xi32>
      %shift_left3A_1204 = arith.shli %xor3A_1200, %shift_left3A_1203 : vector<256x128xi32>
      %shift_right_logical3A_1205 = arith.constant 8 : i32
      %shift_right_logical3A_1206 = vector.broadcast %shift_right_logical3A_1205 : i32 to vector<256x128xi32>
      %shift_right_logical3A_1207 = arith.shrui %xor3A_1200, %shift_right_logical3A_1206 : vector<256x128xi32>
      %or3A_1208 = arith.ori %shift_left3A_1204, %shift_right_logical3A_1207 : vector<256x128xi32>
      %xor3A_1209 = arith.xori %add3A_1201, %or3A_1208 : vector<256x128xi32>
      %add3A_1210 = arith.addi %add3A_1201, %add3A_823 : vector<256x128xi32>
      %add3A_1211 = arith.addi %xor3A_1209, %xor3A_1048 : vector<256x128xi32>
      %add3A_1212 = arith.constant 4 : i32
      %add3A_1213 = vector.broadcast %add3A_1212 : i32 to vector<256x128xi32>
      %add3A_1214 = arith.addi %add3A_1211, %add3A_1213 : vector<256x128xi32>
      %add3A_1215 = arith.addi %add3A_1210, %add3A_1214 : vector<256x128xi32>
      %shift_left3A_1216 = arith.constant 13 : i32
      %shift_left3A_1217 = vector.broadcast %shift_left3A_1216 : i32 to vector<256x128xi32>
      %shift_left3A_1218 = arith.shli %add3A_1214, %shift_left3A_1217 : vector<256x128xi32>
      %shift_right_logical3A_1219 = arith.constant 19 : i32
      %shift_right_logical3A_1220 = vector.broadcast %shift_right_logical3A_1219 : i32 to vector<256x128xi32>
      %shift_right_logical3A_1221 = arith.shrui %add3A_1214, %shift_right_logical3A_1220 : vector<256x128xi32>
      %or3A_1222 = arith.ori %shift_left3A_1218, %shift_right_logical3A_1221 : vector<256x128xi32>
      %xor3A_1223 = arith.xori %add3A_1215, %or3A_1222 : vector<256x128xi32>
      %add3A_1224 = arith.addi %add3A_1215, %xor3A_1223 : vector<256x128xi32>
      %shift_left3A_1225 = arith.constant 15 : i32
      %shift_left3A_1226 = vector.broadcast %shift_left3A_1225 : i32 to vector<256x128xi32>
      %shift_left3A_1227 = arith.shli %xor3A_1223, %shift_left3A_1226 : vector<256x128xi32>
      %shift_right_logical3A_1228 = arith.constant 17 : i32
      %shift_right_logical3A_1229 = vector.broadcast %shift_right_logical3A_1228 : i32 to vector<256x128xi32>
      %shift_right_logical3A_1230 = arith.shrui %xor3A_1223, %shift_right_logical3A_1229 : vector<256x128xi32>
      %or3A_1231 = arith.ori %shift_left3A_1227, %shift_right_logical3A_1230 : vector<256x128xi32>
      %xor3A_1232 = arith.xori %add3A_1224, %or3A_1231 : vector<256x128xi32>
      %add3A_1233 = arith.addi %add3A_1224, %xor3A_1232 : vector<256x128xi32>
      %shift_left3A_1234 = arith.constant 26 : i32
      %shift_left3A_1235 = vector.broadcast %shift_left3A_1234 : i32 to vector<256x128xi32>
      %shift_left3A_1236 = arith.shli %xor3A_1232, %shift_left3A_1235 : vector<256x128xi32>
      %shift_right_logical3A_1237 = arith.constant 6 : i32
      %shift_right_logical3A_1238 = vector.broadcast %shift_right_logical3A_1237 : i32 to vector<256x128xi32>
      %shift_right_logical3A_1239 = arith.shrui %xor3A_1232, %shift_right_logical3A_1238 : vector<256x128xi32>
      %or3A_1240 = arith.ori %shift_left3A_1236, %shift_right_logical3A_1239 : vector<256x128xi32>
      %xor3A_1241 = arith.xori %add3A_1233, %or3A_1240 : vector<256x128xi32>
      %add3A_1242 = arith.addi %add3A_1233, %xor3A_1241 : vector<256x128xi32>
      %shift_left3A_1243 = arith.constant 6 : i32
      %shift_left3A_1244 = vector.broadcast %shift_left3A_1243 : i32 to vector<256x128xi32>
      %shift_left3A_1245 = arith.shli %xor3A_1241, %shift_left3A_1244 : vector<256x128xi32>
      %shift_right_logical3A_1246 = arith.constant 26 : i32
      %shift_right_logical3A_1247 = vector.broadcast %shift_right_logical3A_1246 : i32 to vector<256x128xi32>
      %shift_right_logical3A_1248 = arith.shrui %xor3A_1241, %shift_right_logical3A_1247 : vector<256x128xi32>
      %or3A_1249 = arith.ori %shift_left3A_1245, %shift_right_logical3A_1248 : vector<256x128xi32>
      %xor3A_1250 = arith.xori %add3A_1242, %or3A_1249 : vector<256x128xi32>
      %add3A_1251 = arith.addi %add3A_1242, %xor3A_1048 : vector<256x128xi32>
      %add3A_1252 = arith.addi %xor3A_1250, %add3A_819 : vector<256x128xi32>
      %add3A_1253 = arith.constant 5 : i32
      %add3A_1254 = vector.broadcast %add3A_1253 : i32 to vector<256x128xi32>
      %add3A_1255 = arith.addi %add3A_1252, %add3A_1254 : vector<256x128xi32>
      %broadcast_in_dim3A_1256 = arith.constant 0 : i32
      %broadcast_in_dim3A_1257 = vector.broadcast %broadcast_in_dim3A_1256 : i32 to vector<256x128xi32>
      %xor3A_1258 = arith.xori %add3A_1251, %add3A_1255 : vector<256x128xi32>
      %xor3A_1259 = arith.constant 466688986 : i32
      %xor3A_1260 = vector.broadcast %xor3A_1259 : i32 to vector<256x128xi32>
      %xor3A_1261 = arith.xori %xor3A_1258, %xor3A_1260 : vector<256x128xi32>
      %add3A_1262 = arith.addi %broadcast_in_dim3A_1257, %add3A_1251 : vector<256x128xi32>
      %add3A_1263 = arith.addi %broadcast_in_dim3A_1257, %add3A_1255 : vector<256x128xi32>
      %add3A_1264 = arith.addi %add3A_1262, %add3A_1263 : vector<256x128xi32>
      %shift_left3A_1265 = arith.constant 13 : i32
      %shift_left3A_1266 = vector.broadcast %shift_left3A_1265 : i32 to vector<256x128xi32>
      %shift_left3A_1267 = arith.shli %add3A_1263, %shift_left3A_1266 : vector<256x128xi32>
      %shift_right_logical3A_1268 = arith.constant 19 : i32
      %shift_right_logical3A_1269 = vector.broadcast %shift_right_logical3A_1268 : i32 to vector<256x128xi32>
      %shift_right_logical3A_1270 = arith.shrui %add3A_1263, %shift_right_logical3A_1269 : vector<256x128xi32>
      %or3A_1271 = arith.ori %shift_left3A_1267, %shift_right_logical3A_1270 : vector<256x128xi32>
      %xor3A_1272 = arith.xori %add3A_1264, %or3A_1271 : vector<256x128xi32>
      %add3A_1273 = arith.addi %add3A_1264, %xor3A_1272 : vector<256x128xi32>
      %shift_left3A_1274 = arith.constant 15 : i32
      %shift_left3A_1275 = vector.broadcast %shift_left3A_1274 : i32 to vector<256x128xi32>
      %shift_left3A_1276 = arith.shli %xor3A_1272, %shift_left3A_1275 : vector<256x128xi32>
      %shift_right_logical3A_1277 = arith.constant 17 : i32
      %shift_right_logical3A_1278 = vector.broadcast %shift_right_logical3A_1277 : i32 to vector<256x128xi32>
      %shift_right_logical3A_1279 = arith.shrui %xor3A_1272, %shift_right_logical3A_1278 : vector<256x128xi32>
      %or3A_1280 = arith.ori %shift_left3A_1276, %shift_right_logical3A_1279 : vector<256x128xi32>
      %xor3A_1281 = arith.xori %add3A_1273, %or3A_1280 : vector<256x128xi32>
      %add3A_1282 = arith.addi %add3A_1273, %xor3A_1281 : vector<256x128xi32>
      %shift_left3A_1283 = arith.constant 26 : i32
      %shift_left3A_1284 = vector.broadcast %shift_left3A_1283 : i32 to vector<256x128xi32>
      %shift_left3A_1285 = arith.shli %xor3A_1281, %shift_left3A_1284 : vector<256x128xi32>
      %shift_right_logical3A_1286 = arith.constant 6 : i32
      %shift_right_logical3A_1287 = vector.broadcast %shift_right_logical3A_1286 : i32 to vector<256x128xi32>
      %shift_right_logical3A_1288 = arith.shrui %xor3A_1281, %shift_right_logical3A_1287 : vector<256x128xi32>
      %or3A_1289 = arith.ori %shift_left3A_1285, %shift_right_logical3A_1288 : vector<256x128xi32>
      %xor3A_1290 = arith.xori %add3A_1282, %or3A_1289 : vector<256x128xi32>
      %add3A_1291 = arith.addi %add3A_1282, %xor3A_1290 : vector<256x128xi32>
      %shift_left3A_1292 = arith.constant 6 : i32
      %shift_left3A_1293 = vector.broadcast %shift_left3A_1292 : i32 to vector<256x128xi32>
      %shift_left3A_1294 = arith.shli %xor3A_1290, %shift_left3A_1293 : vector<256x128xi32>
      %shift_right_logical3A_1295 = arith.constant 26 : i32
      %shift_right_logical3A_1296 = vector.broadcast %shift_right_logical3A_1295 : i32 to vector<256x128xi32>
      %shift_right_logical3A_1297 = arith.shrui %xor3A_1290, %shift_right_logical3A_1296 : vector<256x128xi32>
      %or3A_1298 = arith.ori %shift_left3A_1294, %shift_right_logical3A_1297 : vector<256x128xi32>
      %xor3A_1299 = arith.xori %add3A_1291, %or3A_1298 : vector<256x128xi32>
      %add3A_1300 = arith.addi %add3A_1291, %add3A_1255 : vector<256x128xi32>
      %add3A_1301 = arith.addi %xor3A_1299, %xor3A_1261 : vector<256x128xi32>
      %add3A_1302 = arith.constant 1 : i32
      %add3A_1303 = vector.broadcast %add3A_1302 : i32 to vector<256x128xi32>
      %add3A_1304 = arith.addi %add3A_1301, %add3A_1303 : vector<256x128xi32>
      %add3A_1305 = arith.addi %add3A_1300, %add3A_1304 : vector<256x128xi32>
      %shift_left3A_1306 = arith.constant 17 : i32
      %shift_left3A_1307 = vector.broadcast %shift_left3A_1306 : i32 to vector<256x128xi32>
      %shift_left3A_1308 = arith.shli %add3A_1304, %shift_left3A_1307 : vector<256x128xi32>
      %shift_right_logical3A_1309 = arith.constant 15 : i32
      %shift_right_logical3A_1310 = vector.broadcast %shift_right_logical3A_1309 : i32 to vector<256x128xi32>
      %shift_right_logical3A_1311 = arith.shrui %add3A_1304, %shift_right_logical3A_1310 : vector<256x128xi32>
      %or3A_1312 = arith.ori %shift_left3A_1308, %shift_right_logical3A_1311 : vector<256x128xi32>
      %xor3A_1313 = arith.xori %add3A_1305, %or3A_1312 : vector<256x128xi32>
      %add3A_1314 = arith.addi %add3A_1305, %xor3A_1313 : vector<256x128xi32>
      %shift_left3A_1315 = arith.constant 29 : i32
      %shift_left3A_1316 = vector.broadcast %shift_left3A_1315 : i32 to vector<256x128xi32>
      %shift_left3A_1317 = arith.shli %xor3A_1313, %shift_left3A_1316 : vector<256x128xi32>
      %shift_right_logical3A_1318 = arith.constant 3 : i32
      %shift_right_logical3A_1319 = vector.broadcast %shift_right_logical3A_1318 : i32 to vector<256x128xi32>
      %shift_right_logical3A_1320 = arith.shrui %xor3A_1313, %shift_right_logical3A_1319 : vector<256x128xi32>
      %or3A_1321 = arith.ori %shift_left3A_1317, %shift_right_logical3A_1320 : vector<256x128xi32>
      %xor3A_1322 = arith.xori %add3A_1314, %or3A_1321 : vector<256x128xi32>
      %add3A_1323 = arith.addi %add3A_1314, %xor3A_1322 : vector<256x128xi32>
      %shift_left3A_1324 = arith.constant 16 : i32
      %shift_left3A_1325 = vector.broadcast %shift_left3A_1324 : i32 to vector<256x128xi32>
      %shift_left3A_1326 = arith.shli %xor3A_1322, %shift_left3A_1325 : vector<256x128xi32>
      %shift_right_logical3A_1327 = arith.constant 16 : i32
      %shift_right_logical3A_1328 = vector.broadcast %shift_right_logical3A_1327 : i32 to vector<256x128xi32>
      %shift_right_logical3A_1329 = arith.shrui %xor3A_1322, %shift_right_logical3A_1328 : vector<256x128xi32>
      %or3A_1330 = arith.ori %shift_left3A_1326, %shift_right_logical3A_1329 : vector<256x128xi32>
      %xor3A_1331 = arith.xori %add3A_1323, %or3A_1330 : vector<256x128xi32>
      %add3A_1332 = arith.addi %add3A_1323, %xor3A_1331 : vector<256x128xi32>
      %shift_left3A_1333 = arith.constant 24 : i32
      %shift_left3A_1334 = vector.broadcast %shift_left3A_1333 : i32 to vector<256x128xi32>
      %shift_left3A_1335 = arith.shli %xor3A_1331, %shift_left3A_1334 : vector<256x128xi32>
      %shift_right_logical3A_1336 = arith.constant 8 : i32
      %shift_right_logical3A_1337 = vector.broadcast %shift_right_logical3A_1336 : i32 to vector<256x128xi32>
      %shift_right_logical3A_1338 = arith.shrui %xor3A_1331, %shift_right_logical3A_1337 : vector<256x128xi32>
      %or3A_1339 = arith.ori %shift_left3A_1335, %shift_right_logical3A_1338 : vector<256x128xi32>
      %xor3A_1340 = arith.xori %add3A_1332, %or3A_1339 : vector<256x128xi32>
      %add3A_1341 = arith.addi %add3A_1332, %xor3A_1261 : vector<256x128xi32>
      %add3A_1342 = arith.addi %xor3A_1340, %add3A_1251 : vector<256x128xi32>
      %add3A_1343 = arith.constant 2 : i32
      %add3A_1344 = vector.broadcast %add3A_1343 : i32 to vector<256x128xi32>
      %add3A_1345 = arith.addi %add3A_1342, %add3A_1344 : vector<256x128xi32>
      %add3A_1346 = arith.addi %add3A_1341, %add3A_1345 : vector<256x128xi32>
      %shift_left3A_1347 = arith.constant 13 : i32
      %shift_left3A_1348 = vector.broadcast %shift_left3A_1347 : i32 to vector<256x128xi32>
      %shift_left3A_1349 = arith.shli %add3A_1345, %shift_left3A_1348 : vector<256x128xi32>
      %shift_right_logical3A_1350 = arith.constant 19 : i32
      %shift_right_logical3A_1351 = vector.broadcast %shift_right_logical3A_1350 : i32 to vector<256x128xi32>
      %shift_right_logical3A_1352 = arith.shrui %add3A_1345, %shift_right_logical3A_1351 : vector<256x128xi32>
      %or3A_1353 = arith.ori %shift_left3A_1349, %shift_right_logical3A_1352 : vector<256x128xi32>
      %xor3A_1354 = arith.xori %add3A_1346, %or3A_1353 : vector<256x128xi32>
      %add3A_1355 = arith.addi %add3A_1346, %xor3A_1354 : vector<256x128xi32>
      %shift_left3A_1356 = arith.constant 15 : i32
      %shift_left3A_1357 = vector.broadcast %shift_left3A_1356 : i32 to vector<256x128xi32>
      %shift_left3A_1358 = arith.shli %xor3A_1354, %shift_left3A_1357 : vector<256x128xi32>
      %shift_right_logical3A_1359 = arith.constant 17 : i32
      %shift_right_logical3A_1360 = vector.broadcast %shift_right_logical3A_1359 : i32 to vector<256x128xi32>
      %shift_right_logical3A_1361 = arith.shrui %xor3A_1354, %shift_right_logical3A_1360 : vector<256x128xi32>
      %or3A_1362 = arith.ori %shift_left3A_1358, %shift_right_logical3A_1361 : vector<256x128xi32>
      %xor3A_1363 = arith.xori %add3A_1355, %or3A_1362 : vector<256x128xi32>
      %add3A_1364 = arith.addi %add3A_1355, %xor3A_1363 : vector<256x128xi32>
      %shift_left3A_1365 = arith.constant 26 : i32
      %shift_left3A_1366 = vector.broadcast %shift_left3A_1365 : i32 to vector<256x128xi32>
      %shift_left3A_1367 = arith.shli %xor3A_1363, %shift_left3A_1366 : vector<256x128xi32>
      %shift_right_logical3A_1368 = arith.constant 6 : i32
      %shift_right_logical3A_1369 = vector.broadcast %shift_right_logical3A_1368 : i32 to vector<256x128xi32>
      %shift_right_logical3A_1370 = arith.shrui %xor3A_1363, %shift_right_logical3A_1369 : vector<256x128xi32>
      %or3A_1371 = arith.ori %shift_left3A_1367, %shift_right_logical3A_1370 : vector<256x128xi32>
      %xor3A_1372 = arith.xori %add3A_1364, %or3A_1371 : vector<256x128xi32>
      %add3A_1373 = arith.addi %add3A_1364, %xor3A_1372 : vector<256x128xi32>
      %shift_left3A_1374 = arith.constant 6 : i32
      %shift_left3A_1375 = vector.broadcast %shift_left3A_1374 : i32 to vector<256x128xi32>
      %shift_left3A_1376 = arith.shli %xor3A_1372, %shift_left3A_1375 : vector<256x128xi32>
      %shift_right_logical3A_1377 = arith.constant 26 : i32
      %shift_right_logical3A_1378 = vector.broadcast %shift_right_logical3A_1377 : i32 to vector<256x128xi32>
      %shift_right_logical3A_1379 = arith.shrui %xor3A_1372, %shift_right_logical3A_1378 : vector<256x128xi32>
      %or3A_1380 = arith.ori %shift_left3A_1376, %shift_right_logical3A_1379 : vector<256x128xi32>
      %xor3A_1381 = arith.xori %add3A_1373, %or3A_1380 : vector<256x128xi32>
      %add3A_1382 = arith.addi %add3A_1373, %add3A_1251 : vector<256x128xi32>
      %add3A_1383 = arith.addi %xor3A_1381, %add3A_1255 : vector<256x128xi32>
      %add3A_1384 = arith.constant 3 : i32
      %add3A_1385 = vector.broadcast %add3A_1384 : i32 to vector<256x128xi32>
      %add3A_1386 = arith.addi %add3A_1383, %add3A_1385 : vector<256x128xi32>
      %add3A_1387 = arith.addi %add3A_1382, %add3A_1386 : vector<256x128xi32>
      %shift_left3A_1388 = arith.constant 17 : i32
      %shift_left3A_1389 = vector.broadcast %shift_left3A_1388 : i32 to vector<256x128xi32>
      %shift_left3A_1390 = arith.shli %add3A_1386, %shift_left3A_1389 : vector<256x128xi32>
      %shift_right_logical3A_1391 = arith.constant 15 : i32
      %shift_right_logical3A_1392 = vector.broadcast %shift_right_logical3A_1391 : i32 to vector<256x128xi32>
      %shift_right_logical3A_1393 = arith.shrui %add3A_1386, %shift_right_logical3A_1392 : vector<256x128xi32>
      %or3A_1394 = arith.ori %shift_left3A_1390, %shift_right_logical3A_1393 : vector<256x128xi32>
      %xor3A_1395 = arith.xori %add3A_1387, %or3A_1394 : vector<256x128xi32>
      %add3A_1396 = arith.addi %add3A_1387, %xor3A_1395 : vector<256x128xi32>
      %shift_left3A_1397 = arith.constant 29 : i32
      %shift_left3A_1398 = vector.broadcast %shift_left3A_1397 : i32 to vector<256x128xi32>
      %shift_left3A_1399 = arith.shli %xor3A_1395, %shift_left3A_1398 : vector<256x128xi32>
      %shift_right_logical3A_1400 = arith.constant 3 : i32
      %shift_right_logical3A_1401 = vector.broadcast %shift_right_logical3A_1400 : i32 to vector<256x128xi32>
      %shift_right_logical3A_1402 = arith.shrui %xor3A_1395, %shift_right_logical3A_1401 : vector<256x128xi32>
      %or3A_1403 = arith.ori %shift_left3A_1399, %shift_right_logical3A_1402 : vector<256x128xi32>
      %xor3A_1404 = arith.xori %add3A_1396, %or3A_1403 : vector<256x128xi32>
      %add3A_1405 = arith.addi %add3A_1396, %xor3A_1404 : vector<256x128xi32>
      %shift_left3A_1406 = arith.constant 16 : i32
      %shift_left3A_1407 = vector.broadcast %shift_left3A_1406 : i32 to vector<256x128xi32>
      %shift_left3A_1408 = arith.shli %xor3A_1404, %shift_left3A_1407 : vector<256x128xi32>
      %shift_right_logical3A_1409 = arith.constant 16 : i32
      %shift_right_logical3A_1410 = vector.broadcast %shift_right_logical3A_1409 : i32 to vector<256x128xi32>
      %shift_right_logical3A_1411 = arith.shrui %xor3A_1404, %shift_right_logical3A_1410 : vector<256x128xi32>
      %or3A_1412 = arith.ori %shift_left3A_1408, %shift_right_logical3A_1411 : vector<256x128xi32>
      %xor3A_1413 = arith.xori %add3A_1405, %or3A_1412 : vector<256x128xi32>
      %add3A_1414 = arith.addi %add3A_1405, %xor3A_1413 : vector<256x128xi32>
      %shift_left3A_1415 = arith.constant 24 : i32
      %shift_left3A_1416 = vector.broadcast %shift_left3A_1415 : i32 to vector<256x128xi32>
      %shift_left3A_1417 = arith.shli %xor3A_1413, %shift_left3A_1416 : vector<256x128xi32>
      %shift_right_logical3A_1418 = arith.constant 8 : i32
      %shift_right_logical3A_1419 = vector.broadcast %shift_right_logical3A_1418 : i32 to vector<256x128xi32>
      %shift_right_logical3A_1420 = arith.shrui %xor3A_1413, %shift_right_logical3A_1419 : vector<256x128xi32>
      %or3A_1421 = arith.ori %shift_left3A_1417, %shift_right_logical3A_1420 : vector<256x128xi32>
      %xor3A_1422 = arith.xori %add3A_1414, %or3A_1421 : vector<256x128xi32>
      %add3A_1423 = arith.addi %add3A_1414, %add3A_1255 : vector<256x128xi32>
      %add3A_1424 = arith.addi %xor3A_1422, %xor3A_1261 : vector<256x128xi32>
      %add3A_1425 = arith.constant 4 : i32
      %add3A_1426 = vector.broadcast %add3A_1425 : i32 to vector<256x128xi32>
      %add3A_1427 = arith.addi %add3A_1424, %add3A_1426 : vector<256x128xi32>
      %add3A_1428 = arith.addi %add3A_1423, %add3A_1427 : vector<256x128xi32>
      %shift_left3A_1429 = arith.constant 13 : i32
      %shift_left3A_1430 = vector.broadcast %shift_left3A_1429 : i32 to vector<256x128xi32>
      %shift_left3A_1431 = arith.shli %add3A_1427, %shift_left3A_1430 : vector<256x128xi32>
      %shift_right_logical3A_1432 = arith.constant 19 : i32
      %shift_right_logical3A_1433 = vector.broadcast %shift_right_logical3A_1432 : i32 to vector<256x128xi32>
      %shift_right_logical3A_1434 = arith.shrui %add3A_1427, %shift_right_logical3A_1433 : vector<256x128xi32>
      %or3A_1435 = arith.ori %shift_left3A_1431, %shift_right_logical3A_1434 : vector<256x128xi32>
      %xor3A_1436 = arith.xori %add3A_1428, %or3A_1435 : vector<256x128xi32>
      %add3A_1437 = arith.addi %add3A_1428, %xor3A_1436 : vector<256x128xi32>
      %shift_left3A_1438 = arith.constant 15 : i32
      %shift_left3A_1439 = vector.broadcast %shift_left3A_1438 : i32 to vector<256x128xi32>
      %shift_left3A_1440 = arith.shli %xor3A_1436, %shift_left3A_1439 : vector<256x128xi32>
      %shift_right_logical3A_1441 = arith.constant 17 : i32
      %shift_right_logical3A_1442 = vector.broadcast %shift_right_logical3A_1441 : i32 to vector<256x128xi32>
      %shift_right_logical3A_1443 = arith.shrui %xor3A_1436, %shift_right_logical3A_1442 : vector<256x128xi32>
      %or3A_1444 = arith.ori %shift_left3A_1440, %shift_right_logical3A_1443 : vector<256x128xi32>
      %xor3A_1445 = arith.xori %add3A_1437, %or3A_1444 : vector<256x128xi32>
      %add3A_1446 = arith.addi %add3A_1437, %xor3A_1445 : vector<256x128xi32>
      %shift_left3A_1447 = arith.constant 26 : i32
      %shift_left3A_1448 = vector.broadcast %shift_left3A_1447 : i32 to vector<256x128xi32>
      %shift_left3A_1449 = arith.shli %xor3A_1445, %shift_left3A_1448 : vector<256x128xi32>
      %shift_right_logical3A_1450 = arith.constant 6 : i32
      %shift_right_logical3A_1451 = vector.broadcast %shift_right_logical3A_1450 : i32 to vector<256x128xi32>
      %shift_right_logical3A_1452 = arith.shrui %xor3A_1445, %shift_right_logical3A_1451 : vector<256x128xi32>
      %or3A_1453 = arith.ori %shift_left3A_1449, %shift_right_logical3A_1452 : vector<256x128xi32>
      %xor3A_1454 = arith.xori %add3A_1446, %or3A_1453 : vector<256x128xi32>
      %add3A_1455 = arith.addi %add3A_1446, %xor3A_1454 : vector<256x128xi32>
      %shift_left3A_1456 = arith.constant 6 : i32
      %shift_left3A_1457 = vector.broadcast %shift_left3A_1456 : i32 to vector<256x128xi32>
      %shift_left3A_1458 = arith.shli %xor3A_1454, %shift_left3A_1457 : vector<256x128xi32>
      %shift_right_logical3A_1459 = arith.constant 26 : i32
      %shift_right_logical3A_1460 = vector.broadcast %shift_right_logical3A_1459 : i32 to vector<256x128xi32>
      %shift_right_logical3A_1461 = arith.shrui %xor3A_1454, %shift_right_logical3A_1460 : vector<256x128xi32>
      %or3A_1462 = arith.ori %shift_left3A_1458, %shift_right_logical3A_1461 : vector<256x128xi32>
      %xor3A_1463 = arith.xori %add3A_1455, %or3A_1462 : vector<256x128xi32>
      %add3A_1464 = arith.addi %add3A_1455, %xor3A_1261 : vector<256x128xi32>
      %add3A_1465 = arith.addi %xor3A_1463, %add3A_1251 : vector<256x128xi32>
      %add3A_1466 = arith.constant 5 : i32
      %add3A_1467 = vector.broadcast %add3A_1466 : i32 to vector<256x128xi32>
      %add3A_1468 = arith.addi %add3A_1465, %add3A_1467 : vector<256x128xi32>
      %xor3A_1469 = arith.xori %add3A_1464, %add3A_1468 : vector<256x128xi32>
      %shift_right_logical3A_1470 = arith.constant 9 : i32
      %shift_right_logical3A_1471 = vector.broadcast %shift_right_logical3A_1470 : i32 to vector<256x128xi32>
      %shift_right_logical3A_1472 = arith.shrui %xor3A_1469, %shift_right_logical3A_1471 : vector<256x128xi32>
      %or3A_1473 = arith.constant 1065353216 : i32
      %or3A_1474 = vector.broadcast %or3A_1473 : i32 to vector<256x128xi32>
      %or3A_1475 = arith.ori %shift_right_logical3A_1472, %or3A_1474 : vector<256x128xi32>
      %bitcast_convert_type3A_1476 = tpu.bitcast %or3A_1475 : vector<256x128xi32> -> vector<256x128xf32>
      %sub3A_1477 = arith.constant 1.000000e+00 : f32
      %sub3A_1478 = vector.broadcast %sub3A_1477 : f32 to vector<256x128xf32>
      %sub3A_1479 = arith.subf %bitcast_convert_type3A_1476, %sub3A_1478 : vector<256x128xf32>
      %mul3A_1480 = arith.constant 2.000000e+00 : f32
      %mul3A_1481 = vector.broadcast %mul3A_1480 : f32 to vector<256x128xf32>
      %mul3A_1482 = arith.mulf %sub3A_1479, %mul3A_1481 : vector<256x128xf32>
      %add3A_1483 = arith.constant -0.99999994 : f32
      %add3A_1484 = vector.broadcast %add3A_1483 : f32 to vector<256x128xf32>
      %add3A_1485 = arith.addf %mul3A_1482, %add3A_1484 : vector<256x128xf32>
      %max3A_1486 = arith.constant -0.99999994 : f32
      %max3A_1487 = vector.broadcast %max3A_1486 : f32 to vector<256x128xf32>
      %max3A_1488 = arith.maximumf %max3A_1487, %add3A_1485 : vector<256x128xf32>
      %neg3A_1489 = arith.constant 0.000000e+00 : f32
      %neg3A_1490 = vector.broadcast %neg3A_1489 : f32 to vector<256x128xf32>
      %neg3A_1491 = arith.subf %neg3A_1490, %max3A_1488 : vector<256x128xf32>
      %mul3A_1492 = arith.mulf %neg3A_1491, %max3A_1488 : vector<256x128xf32>
      %log1p3A_1493 = math.log1p %mul3A_1492 : vector<256x128xf32>
      %neg3A_1494 = arith.constant 0.000000e+00 : f32
      %neg3A_1495 = vector.broadcast %neg3A_1494 : f32 to vector<256x128xf32>
      %neg3A_1496 = arith.subf %neg3A_1495, %log1p3A_1493 : vector<256x128xf32>
      %lt3A = arith.constant 5.000000e+00 : f32
      %lt3A_1497 = vector.broadcast %lt3A : f32 to vector<256x128xf32>
      %lt3A_1498 = arith.cmpf olt, %neg3A_1496, %lt3A_1497 : vector<256x128xf32>
      %sub3A_1499 = arith.constant 2.500000e+00 : f32
      %sub3A_1500 = vector.broadcast %sub3A_1499 : f32 to vector<256x128xf32>
      %sub3A_1501 = arith.subf %neg3A_1496, %sub3A_1500 : vector<256x128xf32>
      %broadcast_in_dim3A_1502 = arith.constant 2.81022636E-8 : f32
      %broadcast_in_dim3A_1503 = vector.broadcast %broadcast_in_dim3A_1502 : f32 to vector<256x128xf32>
      %mul3A_1504 = arith.mulf %broadcast_in_dim3A_1503, %sub3A_1501 : vector<256x128xf32>
      %add3A_1505 = arith.constant 3.43273939E-7 : f32
      %add3A_1506 = vector.broadcast %add3A_1505 : f32 to vector<256x128xf32>
      %add3A_1507 = arith.addf %add3A_1506, %mul3A_1504 : vector<256x128xf32>
      %mul3A_1508 = arith.mulf %add3A_1507, %sub3A_1501 : vector<256x128xf32>
      %add3A_1509 = arith.constant -3.5233877E-6 : f32
      %add3A_1510 = vector.broadcast %add3A_1509 : f32 to vector<256x128xf32>
      %add3A_1511 = arith.addf %add3A_1510, %mul3A_1508 : vector<256x128xf32>
      %mul3A_1512 = arith.mulf %add3A_1511, %sub3A_1501 : vector<256x128xf32>
      %add3A_1513 = arith.constant -4.39150654E-6 : f32
      %add3A_1514 = vector.broadcast %add3A_1513 : f32 to vector<256x128xf32>
      %add3A_1515 = arith.addf %add3A_1514, %mul3A_1512 : vector<256x128xf32>
      %mul3A_1516 = arith.mulf %add3A_1515, %sub3A_1501 : vector<256x128xf32>
      %add3A_1517 = arith.constant 2.1858087E-4 : f32
      %add3A_1518 = vector.broadcast %add3A_1517 : f32 to vector<256x128xf32>
      %add3A_1519 = arith.addf %add3A_1518, %mul3A_1516 : vector<256x128xf32>
      %mul3A_1520 = arith.mulf %add3A_1519, %sub3A_1501 : vector<256x128xf32>
      %add3A_1521 = arith.constant -0.00125372503 : f32
      %add3A_1522 = vector.broadcast %add3A_1521 : f32 to vector<256x128xf32>
      %add3A_1523 = arith.addf %add3A_1522, %mul3A_1520 : vector<256x128xf32>
      %mul3A_1524 = arith.mulf %add3A_1523, %sub3A_1501 : vector<256x128xf32>
      %add3A_1525 = arith.constant -0.00417768164 : f32
      %add3A_1526 = vector.broadcast %add3A_1525 : f32 to vector<256x128xf32>
      %add3A_1527 = arith.addf %add3A_1526, %mul3A_1524 : vector<256x128xf32>
      %mul3A_1528 = arith.mulf %add3A_1527, %sub3A_1501 : vector<256x128xf32>
      %add3A_1529 = arith.constant 0.246640727 : f32
      %add3A_1530 = vector.broadcast %add3A_1529 : f32 to vector<256x128xf32>
      %add3A_1531 = arith.addf %add3A_1530, %mul3A_1528 : vector<256x128xf32>
      %mul3A_1532 = arith.mulf %add3A_1531, %sub3A_1501 : vector<256x128xf32>
      %add3A_1533 = arith.constant 1.50140941 : f32
      %add3A_1534 = vector.broadcast %add3A_1533 : f32 to vector<256x128xf32>
      %add3A_1535 = arith.addf %add3A_1534, %mul3A_1532 : vector<256x128xf32>
      %sqrt3A_1536 = math.sqrt %neg3A_1496 : vector<256x128xf32>
      %sub3A_1537 = arith.constant 3.000000e+00 : f32
      %sub3A_1538 = vector.broadcast %sub3A_1537 : f32 to vector<256x128xf32>
      %sub3A_1539 = arith.subf %sqrt3A_1536, %sub3A_1538 : vector<256x128xf32>
      %broadcast_in_dim3A_1540 = arith.constant -2.00214257E-4 : f32
      %broadcast_in_dim3A_1541 = vector.broadcast %broadcast_in_dim3A_1540 : f32 to vector<256x128xf32>
      %mul3A_1542 = arith.mulf %broadcast_in_dim3A_1541, %sub3A_1539 : vector<256x128xf32>
      %add3A_1543 = arith.constant 1.00950558E-4 : f32
      %add3A_1544 = vector.broadcast %add3A_1543 : f32 to vector<256x128xf32>
      %add3A_1545 = arith.addf %add3A_1544, %mul3A_1542 : vector<256x128xf32>
      %mul3A_1546 = arith.mulf %add3A_1545, %sub3A_1539 : vector<256x128xf32>
      %add3A_1547 = arith.constant 0.00134934322 : f32
      %add3A_1548 = vector.broadcast %add3A_1547 : f32 to vector<256x128xf32>
      %add3A_1549 = arith.addf %add3A_1548, %mul3A_1546 : vector<256x128xf32>
      %mul3A_1550 = arith.mulf %add3A_1549, %sub3A_1539 : vector<256x128xf32>
      %add3A_1551 = arith.constant -0.00367342844 : f32
      %add3A_1552 = vector.broadcast %add3A_1551 : f32 to vector<256x128xf32>
      %add3A_1553 = arith.addf %add3A_1552, %mul3A_1550 : vector<256x128xf32>
      %mul3A_1554 = arith.mulf %add3A_1553, %sub3A_1539 : vector<256x128xf32>
      %add3A_1555 = arith.constant 0.00573950773 : f32
      %add3A_1556 = vector.broadcast %add3A_1555 : f32 to vector<256x128xf32>
      %add3A_1557 = arith.addf %add3A_1556, %mul3A_1554 : vector<256x128xf32>
      %mul3A_1558 = arith.mulf %add3A_1557, %sub3A_1539 : vector<256x128xf32>
      %add3A_1559 = arith.constant -0.0076224613 : f32
      %add3A_1560 = vector.broadcast %add3A_1559 : f32 to vector<256x128xf32>
      %add3A_1561 = arith.addf %add3A_1560, %mul3A_1558 : vector<256x128xf32>
      %mul3A_1562 = arith.mulf %add3A_1561, %sub3A_1539 : vector<256x128xf32>
      %add3A_1563 = arith.constant 0.00943887047 : f32
      %add3A_1564 = vector.broadcast %add3A_1563 : f32 to vector<256x128xf32>
      %add3A_1565 = arith.addf %add3A_1564, %mul3A_1562 : vector<256x128xf32>
      %mul3A_1566 = arith.mulf %add3A_1565, %sub3A_1539 : vector<256x128xf32>
      %add3A_1567 = arith.constant 1.00167406 : f32
      %add3A_1568 = vector.broadcast %add3A_1567 : f32 to vector<256x128xf32>
      %add3A_1569 = arith.addf %add3A_1568, %mul3A_1566 : vector<256x128xf32>
      %mul3A_1570 = arith.mulf %add3A_1569, %sub3A_1539 : vector<256x128xf32>
      %add3A_1571 = arith.constant 2.83297682 : f32
      %add3A_1572 = vector.broadcast %add3A_1571 : f32 to vector<256x128xf32>
      %add3A_1573 = arith.addf %add3A_1572, %mul3A_1570 : vector<256x128xf32>
      %select_n3A_1574 = arith.select %lt3A_1498, %add3A_1535, %add3A_1573 : vector<256x128xi1>, vector<256x128xf32>
      %mul3A_1575 = arith.mulf %select_n3A_1574, %max3A_1488 : vector<256x128xf32>
      %mul3A_1576 = arith.constant 1.41421354 : f32
      %mul3A_1577 = vector.broadcast %mul3A_1576 : f32 to vector<256x128xf32>
      %mul3A_1578 = arith.mulf %mul3A_1577, %mul3A_1575 : vector<256x128xf32>
      %broadcast_in_dim3A_1579 = arith.constant 0 : i32
      %broadcast_in_dim3A_1580 = vector.broadcast %broadcast_in_dim3A_1579 : i32 to vector<256x128xi32>
      %xor3A_1581 = arith.xori %add3A_1035, %add3A_1039 : vector<256x128xi32>
      %xor3A_1582 = arith.constant 466688986 : i32
      %xor3A_1583 = vector.broadcast %xor3A_1582 : i32 to vector<256x128xi32>
      %xor3A_1584 = arith.xori %xor3A_1581, %xor3A_1583 : vector<256x128xi32>
      %add3A_1585 = arith.addi %broadcast_in_dim3A_1580, %add3A_1035 : vector<256x128xi32>
      %add3A_1586 = arith.addi %broadcast_in_dim3A_1580, %add3A_1039 : vector<256x128xi32>
      %add3A_1587 = arith.addi %add3A_1585, %add3A_1586 : vector<256x128xi32>
      %shift_left3A_1588 = arith.constant 13 : i32
      %shift_left3A_1589 = vector.broadcast %shift_left3A_1588 : i32 to vector<256x128xi32>
      %shift_left3A_1590 = arith.shli %add3A_1586, %shift_left3A_1589 : vector<256x128xi32>
      %shift_right_logical3A_1591 = arith.constant 19 : i32
      %shift_right_logical3A_1592 = vector.broadcast %shift_right_logical3A_1591 : i32 to vector<256x128xi32>
      %shift_right_logical3A_1593 = arith.shrui %add3A_1586, %shift_right_logical3A_1592 : vector<256x128xi32>
      %or3A_1594 = arith.ori %shift_left3A_1590, %shift_right_logical3A_1593 : vector<256x128xi32>
      %xor3A_1595 = arith.xori %add3A_1587, %or3A_1594 : vector<256x128xi32>
      %add3A_1596 = arith.addi %add3A_1587, %xor3A_1595 : vector<256x128xi32>
      %shift_left3A_1597 = arith.constant 15 : i32
      %shift_left3A_1598 = vector.broadcast %shift_left3A_1597 : i32 to vector<256x128xi32>
      %shift_left3A_1599 = arith.shli %xor3A_1595, %shift_left3A_1598 : vector<256x128xi32>
      %shift_right_logical3A_1600 = arith.constant 17 : i32
      %shift_right_logical3A_1601 = vector.broadcast %shift_right_logical3A_1600 : i32 to vector<256x128xi32>
      %shift_right_logical3A_1602 = arith.shrui %xor3A_1595, %shift_right_logical3A_1601 : vector<256x128xi32>
      %or3A_1603 = arith.ori %shift_left3A_1599, %shift_right_logical3A_1602 : vector<256x128xi32>
      %xor3A_1604 = arith.xori %add3A_1596, %or3A_1603 : vector<256x128xi32>
      %add3A_1605 = arith.addi %add3A_1596, %xor3A_1604 : vector<256x128xi32>
      %shift_left3A_1606 = arith.constant 26 : i32
      %shift_left3A_1607 = vector.broadcast %shift_left3A_1606 : i32 to vector<256x128xi32>
      %shift_left3A_1608 = arith.shli %xor3A_1604, %shift_left3A_1607 : vector<256x128xi32>
      %shift_right_logical3A_1609 = arith.constant 6 : i32
      %shift_right_logical3A_1610 = vector.broadcast %shift_right_logical3A_1609 : i32 to vector<256x128xi32>
      %shift_right_logical3A_1611 = arith.shrui %xor3A_1604, %shift_right_logical3A_1610 : vector<256x128xi32>
      %or3A_1612 = arith.ori %shift_left3A_1608, %shift_right_logical3A_1611 : vector<256x128xi32>
      %xor3A_1613 = arith.xori %add3A_1605, %or3A_1612 : vector<256x128xi32>
      %add3A_1614 = arith.addi %add3A_1605, %xor3A_1613 : vector<256x128xi32>
      %shift_left3A_1615 = arith.constant 6 : i32
      %shift_left3A_1616 = vector.broadcast %shift_left3A_1615 : i32 to vector<256x128xi32>
      %shift_left3A_1617 = arith.shli %xor3A_1613, %shift_left3A_1616 : vector<256x128xi32>
      %shift_right_logical3A_1618 = arith.constant 26 : i32
      %shift_right_logical3A_1619 = vector.broadcast %shift_right_logical3A_1618 : i32 to vector<256x128xi32>
      %shift_right_logical3A_1620 = arith.shrui %xor3A_1613, %shift_right_logical3A_1619 : vector<256x128xi32>
      %or3A_1621 = arith.ori %shift_left3A_1617, %shift_right_logical3A_1620 : vector<256x128xi32>
      %xor3A_1622 = arith.xori %add3A_1614, %or3A_1621 : vector<256x128xi32>
      %add3A_1623 = arith.addi %add3A_1614, %add3A_1039 : vector<256x128xi32>
      %add3A_1624 = arith.addi %xor3A_1622, %xor3A_1584 : vector<256x128xi32>
      %add3A_1625 = arith.constant 1 : i32
      %add3A_1626 = vector.broadcast %add3A_1625 : i32 to vector<256x128xi32>
      %add3A_1627 = arith.addi %add3A_1624, %add3A_1626 : vector<256x128xi32>
      %add3A_1628 = arith.addi %add3A_1623, %add3A_1627 : vector<256x128xi32>
      %shift_left3A_1629 = arith.constant 17 : i32
      %shift_left3A_1630 = vector.broadcast %shift_left3A_1629 : i32 to vector<256x128xi32>
      %shift_left3A_1631 = arith.shli %add3A_1627, %shift_left3A_1630 : vector<256x128xi32>
      %shift_right_logical3A_1632 = arith.constant 15 : i32
      %shift_right_logical3A_1633 = vector.broadcast %shift_right_logical3A_1632 : i32 to vector<256x128xi32>
      %shift_right_logical3A_1634 = arith.shrui %add3A_1627, %shift_right_logical3A_1633 : vector<256x128xi32>
      %or3A_1635 = arith.ori %shift_left3A_1631, %shift_right_logical3A_1634 : vector<256x128xi32>
      %xor3A_1636 = arith.xori %add3A_1628, %or3A_1635 : vector<256x128xi32>
      %add3A_1637 = arith.addi %add3A_1628, %xor3A_1636 : vector<256x128xi32>
      %shift_left3A_1638 = arith.constant 29 : i32
      %shift_left3A_1639 = vector.broadcast %shift_left3A_1638 : i32 to vector<256x128xi32>
      %shift_left3A_1640 = arith.shli %xor3A_1636, %shift_left3A_1639 : vector<256x128xi32>
      %shift_right_logical3A_1641 = arith.constant 3 : i32
      %shift_right_logical3A_1642 = vector.broadcast %shift_right_logical3A_1641 : i32 to vector<256x128xi32>
      %shift_right_logical3A_1643 = arith.shrui %xor3A_1636, %shift_right_logical3A_1642 : vector<256x128xi32>
      %or3A_1644 = arith.ori %shift_left3A_1640, %shift_right_logical3A_1643 : vector<256x128xi32>
      %xor3A_1645 = arith.xori %add3A_1637, %or3A_1644 : vector<256x128xi32>
      %add3A_1646 = arith.addi %add3A_1637, %xor3A_1645 : vector<256x128xi32>
      %shift_left3A_1647 = arith.constant 16 : i32
      %shift_left3A_1648 = vector.broadcast %shift_left3A_1647 : i32 to vector<256x128xi32>
      %shift_left3A_1649 = arith.shli %xor3A_1645, %shift_left3A_1648 : vector<256x128xi32>
      %shift_right_logical3A_1650 = arith.constant 16 : i32
      %shift_right_logical3A_1651 = vector.broadcast %shift_right_logical3A_1650 : i32 to vector<256x128xi32>
      %shift_right_logical3A_1652 = arith.shrui %xor3A_1645, %shift_right_logical3A_1651 : vector<256x128xi32>
      %or3A_1653 = arith.ori %shift_left3A_1649, %shift_right_logical3A_1652 : vector<256x128xi32>
      %xor3A_1654 = arith.xori %add3A_1646, %or3A_1653 : vector<256x128xi32>
      %add3A_1655 = arith.addi %add3A_1646, %xor3A_1654 : vector<256x128xi32>
      %shift_left3A_1656 = arith.constant 24 : i32
      %shift_left3A_1657 = vector.broadcast %shift_left3A_1656 : i32 to vector<256x128xi32>
      %shift_left3A_1658 = arith.shli %xor3A_1654, %shift_left3A_1657 : vector<256x128xi32>
      %shift_right_logical3A_1659 = arith.constant 8 : i32
      %shift_right_logical3A_1660 = vector.broadcast %shift_right_logical3A_1659 : i32 to vector<256x128xi32>
      %shift_right_logical3A_1661 = arith.shrui %xor3A_1654, %shift_right_logical3A_1660 : vector<256x128xi32>
      %or3A_1662 = arith.ori %shift_left3A_1658, %shift_right_logical3A_1661 : vector<256x128xi32>
      %xor3A_1663 = arith.xori %add3A_1655, %or3A_1662 : vector<256x128xi32>
      %add3A_1664 = arith.addi %add3A_1655, %xor3A_1584 : vector<256x128xi32>
      %add3A_1665 = arith.addi %xor3A_1663, %add3A_1035 : vector<256x128xi32>
      %add3A_1666 = arith.constant 2 : i32
      %add3A_1667 = vector.broadcast %add3A_1666 : i32 to vector<256x128xi32>
      %add3A_1668 = arith.addi %add3A_1665, %add3A_1667 : vector<256x128xi32>
      %add3A_1669 = arith.addi %add3A_1664, %add3A_1668 : vector<256x128xi32>
      %shift_left3A_1670 = arith.constant 13 : i32
      %shift_left3A_1671 = vector.broadcast %shift_left3A_1670 : i32 to vector<256x128xi32>
      %shift_left3A_1672 = arith.shli %add3A_1668, %shift_left3A_1671 : vector<256x128xi32>
      %shift_right_logical3A_1673 = arith.constant 19 : i32
      %shift_right_logical3A_1674 = vector.broadcast %shift_right_logical3A_1673 : i32 to vector<256x128xi32>
      %shift_right_logical3A_1675 = arith.shrui %add3A_1668, %shift_right_logical3A_1674 : vector<256x128xi32>
      %or3A_1676 = arith.ori %shift_left3A_1672, %shift_right_logical3A_1675 : vector<256x128xi32>
      %xor3A_1677 = arith.xori %add3A_1669, %or3A_1676 : vector<256x128xi32>
      %add3A_1678 = arith.addi %add3A_1669, %xor3A_1677 : vector<256x128xi32>
      %shift_left3A_1679 = arith.constant 15 : i32
      %shift_left3A_1680 = vector.broadcast %shift_left3A_1679 : i32 to vector<256x128xi32>
      %shift_left3A_1681 = arith.shli %xor3A_1677, %shift_left3A_1680 : vector<256x128xi32>
      %shift_right_logical3A_1682 = arith.constant 17 : i32
      %shift_right_logical3A_1683 = vector.broadcast %shift_right_logical3A_1682 : i32 to vector<256x128xi32>
      %shift_right_logical3A_1684 = arith.shrui %xor3A_1677, %shift_right_logical3A_1683 : vector<256x128xi32>
      %or3A_1685 = arith.ori %shift_left3A_1681, %shift_right_logical3A_1684 : vector<256x128xi32>
      %xor3A_1686 = arith.xori %add3A_1678, %or3A_1685 : vector<256x128xi32>
      %add3A_1687 = arith.addi %add3A_1678, %xor3A_1686 : vector<256x128xi32>
      %shift_left3A_1688 = arith.constant 26 : i32
      %shift_left3A_1689 = vector.broadcast %shift_left3A_1688 : i32 to vector<256x128xi32>
      %shift_left3A_1690 = arith.shli %xor3A_1686, %shift_left3A_1689 : vector<256x128xi32>
      %shift_right_logical3A_1691 = arith.constant 6 : i32
      %shift_right_logical3A_1692 = vector.broadcast %shift_right_logical3A_1691 : i32 to vector<256x128xi32>
      %shift_right_logical3A_1693 = arith.shrui %xor3A_1686, %shift_right_logical3A_1692 : vector<256x128xi32>
      %or3A_1694 = arith.ori %shift_left3A_1690, %shift_right_logical3A_1693 : vector<256x128xi32>
      %xor3A_1695 = arith.xori %add3A_1687, %or3A_1694 : vector<256x128xi32>
      %add3A_1696 = arith.addi %add3A_1687, %xor3A_1695 : vector<256x128xi32>
      %shift_left3A_1697 = arith.constant 6 : i32
      %shift_left3A_1698 = vector.broadcast %shift_left3A_1697 : i32 to vector<256x128xi32>
      %shift_left3A_1699 = arith.shli %xor3A_1695, %shift_left3A_1698 : vector<256x128xi32>
      %shift_right_logical3A_1700 = arith.constant 26 : i32
      %shift_right_logical3A_1701 = vector.broadcast %shift_right_logical3A_1700 : i32 to vector<256x128xi32>
      %shift_right_logical3A_1702 = arith.shrui %xor3A_1695, %shift_right_logical3A_1701 : vector<256x128xi32>
      %or3A_1703 = arith.ori %shift_left3A_1699, %shift_right_logical3A_1702 : vector<256x128xi32>
      %xor3A_1704 = arith.xori %add3A_1696, %or3A_1703 : vector<256x128xi32>
      %add3A_1705 = arith.addi %add3A_1696, %add3A_1035 : vector<256x128xi32>
      %add3A_1706 = arith.addi %xor3A_1704, %add3A_1039 : vector<256x128xi32>
      %add3A_1707 = arith.constant 3 : i32
      %add3A_1708 = vector.broadcast %add3A_1707 : i32 to vector<256x128xi32>
      %add3A_1709 = arith.addi %add3A_1706, %add3A_1708 : vector<256x128xi32>
      %add3A_1710 = arith.addi %add3A_1705, %add3A_1709 : vector<256x128xi32>
      %shift_left3A_1711 = arith.constant 17 : i32
      %shift_left3A_1712 = vector.broadcast %shift_left3A_1711 : i32 to vector<256x128xi32>
      %shift_left3A_1713 = arith.shli %add3A_1709, %shift_left3A_1712 : vector<256x128xi32>
      %shift_right_logical3A_1714 = arith.constant 15 : i32
      %shift_right_logical3A_1715 = vector.broadcast %shift_right_logical3A_1714 : i32 to vector<256x128xi32>
      %shift_right_logical3A_1716 = arith.shrui %add3A_1709, %shift_right_logical3A_1715 : vector<256x128xi32>
      %or3A_1717 = arith.ori %shift_left3A_1713, %shift_right_logical3A_1716 : vector<256x128xi32>
      %xor3A_1718 = arith.xori %add3A_1710, %or3A_1717 : vector<256x128xi32>
      %add3A_1719 = arith.addi %add3A_1710, %xor3A_1718 : vector<256x128xi32>
      %shift_left3A_1720 = arith.constant 29 : i32
      %shift_left3A_1721 = vector.broadcast %shift_left3A_1720 : i32 to vector<256x128xi32>
      %shift_left3A_1722 = arith.shli %xor3A_1718, %shift_left3A_1721 : vector<256x128xi32>
      %shift_right_logical3A_1723 = arith.constant 3 : i32
      %shift_right_logical3A_1724 = vector.broadcast %shift_right_logical3A_1723 : i32 to vector<256x128xi32>
      %shift_right_logical3A_1725 = arith.shrui %xor3A_1718, %shift_right_logical3A_1724 : vector<256x128xi32>
      %or3A_1726 = arith.ori %shift_left3A_1722, %shift_right_logical3A_1725 : vector<256x128xi32>
      %xor3A_1727 = arith.xori %add3A_1719, %or3A_1726 : vector<256x128xi32>
      %add3A_1728 = arith.addi %add3A_1719, %xor3A_1727 : vector<256x128xi32>
      %shift_left3A_1729 = arith.constant 16 : i32
      %shift_left3A_1730 = vector.broadcast %shift_left3A_1729 : i32 to vector<256x128xi32>
      %shift_left3A_1731 = arith.shli %xor3A_1727, %shift_left3A_1730 : vector<256x128xi32>
      %shift_right_logical3A_1732 = arith.constant 16 : i32
      %shift_right_logical3A_1733 = vector.broadcast %shift_right_logical3A_1732 : i32 to vector<256x128xi32>
      %shift_right_logical3A_1734 = arith.shrui %xor3A_1727, %shift_right_logical3A_1733 : vector<256x128xi32>
      %or3A_1735 = arith.ori %shift_left3A_1731, %shift_right_logical3A_1734 : vector<256x128xi32>
      %xor3A_1736 = arith.xori %add3A_1728, %or3A_1735 : vector<256x128xi32>
      %add3A_1737 = arith.addi %add3A_1728, %xor3A_1736 : vector<256x128xi32>
      %shift_left3A_1738 = arith.constant 24 : i32
      %shift_left3A_1739 = vector.broadcast %shift_left3A_1738 : i32 to vector<256x128xi32>
      %shift_left3A_1740 = arith.shli %xor3A_1736, %shift_left3A_1739 : vector<256x128xi32>
      %shift_right_logical3A_1741 = arith.constant 8 : i32
      %shift_right_logical3A_1742 = vector.broadcast %shift_right_logical3A_1741 : i32 to vector<256x128xi32>
      %shift_right_logical3A_1743 = arith.shrui %xor3A_1736, %shift_right_logical3A_1742 : vector<256x128xi32>
      %or3A_1744 = arith.ori %shift_left3A_1740, %shift_right_logical3A_1743 : vector<256x128xi32>
      %xor3A_1745 = arith.xori %add3A_1737, %or3A_1744 : vector<256x128xi32>
      %add3A_1746 = arith.addi %add3A_1737, %add3A_1039 : vector<256x128xi32>
      %add3A_1747 = arith.addi %xor3A_1745, %xor3A_1584 : vector<256x128xi32>
      %add3A_1748 = arith.constant 4 : i32
      %add3A_1749 = vector.broadcast %add3A_1748 : i32 to vector<256x128xi32>
      %add3A_1750 = arith.addi %add3A_1747, %add3A_1749 : vector<256x128xi32>
      %add3A_1751 = arith.addi %add3A_1746, %add3A_1750 : vector<256x128xi32>
      %shift_left3A_1752 = arith.constant 13 : i32
      %shift_left3A_1753 = vector.broadcast %shift_left3A_1752 : i32 to vector<256x128xi32>
      %shift_left3A_1754 = arith.shli %add3A_1750, %shift_left3A_1753 : vector<256x128xi32>
      %shift_right_logical3A_1755 = arith.constant 19 : i32
      %shift_right_logical3A_1756 = vector.broadcast %shift_right_logical3A_1755 : i32 to vector<256x128xi32>
      %shift_right_logical3A_1757 = arith.shrui %add3A_1750, %shift_right_logical3A_1756 : vector<256x128xi32>
      %or3A_1758 = arith.ori %shift_left3A_1754, %shift_right_logical3A_1757 : vector<256x128xi32>
      %xor3A_1759 = arith.xori %add3A_1751, %or3A_1758 : vector<256x128xi32>
      %add3A_1760 = arith.addi %add3A_1751, %xor3A_1759 : vector<256x128xi32>
      %shift_left3A_1761 = arith.constant 15 : i32
      %shift_left3A_1762 = vector.broadcast %shift_left3A_1761 : i32 to vector<256x128xi32>
      %shift_left3A_1763 = arith.shli %xor3A_1759, %shift_left3A_1762 : vector<256x128xi32>
      %shift_right_logical3A_1764 = arith.constant 17 : i32
      %shift_right_logical3A_1765 = vector.broadcast %shift_right_logical3A_1764 : i32 to vector<256x128xi32>
      %shift_right_logical3A_1766 = arith.shrui %xor3A_1759, %shift_right_logical3A_1765 : vector<256x128xi32>
      %or3A_1767 = arith.ori %shift_left3A_1763, %shift_right_logical3A_1766 : vector<256x128xi32>
      %xor3A_1768 = arith.xori %add3A_1760, %or3A_1767 : vector<256x128xi32>
      %add3A_1769 = arith.addi %add3A_1760, %xor3A_1768 : vector<256x128xi32>
      %shift_left3A_1770 = arith.constant 26 : i32
      %shift_left3A_1771 = vector.broadcast %shift_left3A_1770 : i32 to vector<256x128xi32>
      %shift_left3A_1772 = arith.shli %xor3A_1768, %shift_left3A_1771 : vector<256x128xi32>
      %shift_right_logical3A_1773 = arith.constant 6 : i32
      %shift_right_logical3A_1774 = vector.broadcast %shift_right_logical3A_1773 : i32 to vector<256x128xi32>
      %shift_right_logical3A_1775 = arith.shrui %xor3A_1768, %shift_right_logical3A_1774 : vector<256x128xi32>
      %or3A_1776 = arith.ori %shift_left3A_1772, %shift_right_logical3A_1775 : vector<256x128xi32>
      %xor3A_1777 = arith.xori %add3A_1769, %or3A_1776 : vector<256x128xi32>
      %add3A_1778 = arith.addi %add3A_1769, %xor3A_1777 : vector<256x128xi32>
      %shift_left3A_1779 = arith.constant 6 : i32
      %shift_left3A_1780 = vector.broadcast %shift_left3A_1779 : i32 to vector<256x128xi32>
      %shift_left3A_1781 = arith.shli %xor3A_1777, %shift_left3A_1780 : vector<256x128xi32>
      %shift_right_logical3A_1782 = arith.constant 26 : i32
      %shift_right_logical3A_1783 = vector.broadcast %shift_right_logical3A_1782 : i32 to vector<256x128xi32>
      %shift_right_logical3A_1784 = arith.shrui %xor3A_1777, %shift_right_logical3A_1783 : vector<256x128xi32>
      %or3A_1785 = arith.ori %shift_left3A_1781, %shift_right_logical3A_1784 : vector<256x128xi32>
      %xor3A_1786 = arith.xori %add3A_1778, %or3A_1785 : vector<256x128xi32>
      %add3A_1787 = arith.addi %add3A_1778, %xor3A_1584 : vector<256x128xi32>
      %add3A_1788 = arith.addi %xor3A_1786, %add3A_1035 : vector<256x128xi32>
      %add3A_1789 = arith.constant 5 : i32
      %add3A_1790 = vector.broadcast %add3A_1789 : i32 to vector<256x128xi32>
      %add3A_1791 = arith.addi %add3A_1788, %add3A_1790 : vector<256x128xi32>
      %xor3A_1792 = arith.xori %add3A_1787, %add3A_1791 : vector<256x128xi32>
      %shift_right_logical3A_1793 = arith.constant 9 : i32
      %shift_right_logical3A_1794 = vector.broadcast %shift_right_logical3A_1793 : i32 to vector<256x128xi32>
      %shift_right_logical3A_1795 = arith.shrui %xor3A_1792, %shift_right_logical3A_1794 : vector<256x128xi32>
      %or3A_1796 = arith.constant 1065353216 : i32
      %or3A_1797 = vector.broadcast %or3A_1796 : i32 to vector<256x128xi32>
      %or3A_1798 = arith.ori %shift_right_logical3A_1795, %or3A_1797 : vector<256x128xi32>
      %bitcast_convert_type3A_1799 = tpu.bitcast %or3A_1798 : vector<256x128xi32> -> vector<256x128xf32>
      %sub3A_1800 = arith.constant 1.000000e+00 : f32
      %sub3A_1801 = vector.broadcast %sub3A_1800 : f32 to vector<256x128xf32>
      %sub3A_1802 = arith.subf %bitcast_convert_type3A_1799, %sub3A_1801 : vector<256x128xf32>
      %mul3A_1803 = arith.mulf %mul3A_1578, %div3A_21 : vector<256x128xf32>
      %add3A_1804 = arith.constant 1.000000e+00 : f32
      %add3A_1805 = vector.broadcast %add3A_1804 : f32 to vector<256x128xf32>
      %add3A_1806 = arith.addf %add3A_1805, %mul3A_1803 : vector<256x128xf32>
      %swap3A_1807 = arith.constant 0 : index
      %swap3A_1808 = arith.constant 0 : index
      %swap3A_1809 = vector.load %arg14[%swap3A_1807, %swap3A_1808] : memref<256x128xi32, #tpu.memory_space<vmem>>, vector<256x128xi32>
      tpu.vector_store %arg14[%swap3A_1807, %swap3A_1808], %add3A_819 {strides = array<i32>} : memref<256x128xi32, #tpu.memory_space<vmem>>, vector<256x128xi32>,
      %swap3A_1810 = arith.constant 0 : index
      %swap3A_1811 = arith.constant 0 : index
      %swap3A_1812 = vector.load %arg15[%swap3A_1810, %swap3A_1811] : memref<256x128xi32, #tpu.memory_space<vmem>>, vector<256x128xi32>
      tpu.vector_store %arg15[%swap3A_1810, %swap3A_1811], %add3A_823 {strides = array<i32>} : memref<256x128xi32, #tpu.memory_space<vmem>>, vector<256x128xi32>,
      %swap3A_1813 = arith.constant 0 : index
      %swap3A_1814 = arith.constant 0 : index
      %swap3A_1815 = vector.load %arg16[%swap3A_1813, %swap3A_1814] : memref<256x128xf32, #tpu.memory_space<vmem>>, vector<256x128xf32>
      tpu.vector_store %arg16[%swap3A_1813, %swap3A_1814], %mul3A_1578 {strides = array<i32>} : memref<256x128xf32, #tpu.memory_space<vmem>>, vector<256x128xf32>,
      %swap3A_1816 = arith.constant 0 : index
      %swap3A_1817 = arith.constant 0 : index
      %swap3A_1818 = vector.load %arg17[%swap3A_1816, %swap3A_1817] : memref<256x128xf32, #tpu.memory_space<vmem>>, vector<256x128xf32>
      tpu.vector_store %arg17[%swap3A_1816, %swap3A_1817], %add3A_1806 {strides = array<i32>} : memref<256x128xf32, #tpu.memory_space<vmem>>, vector<256x128xf32>,
      %le3A_1819 = arith.constant 0.000000e+00 : f32
      %le3A_1820 = vector.broadcast %le3A_1819 : f32 to vector<256x128xf32>
      %le3A_1821 = arith.cmpf ole, %add3A_1806, %le3A_1820 : vector<256x128xf32>
      %and3A_1822 = arith.andi %ne3A_391, %le3A_1821 : vector<256x128xi1>
      %convert_element_type3A_1823 = arith.extui %and3A_1822 : vector<256x128xi1> to vector<256x128xi32>
      %swap3A_1824 = arith.constant 0 : index
      %swap3A_1825 = arith.constant 0 : index
      %swap3A_1826 = vector.load %arg18[%swap3A_1824, %swap3A_1825] : memref<256x128xi32, #tpu.memory_space<vmem>>, vector<256x128xi32>
      tpu.vector_store %arg18[%swap3A_1824, %swap3A_1825], %convert_element_type3A_1823 {strides = array<i32>} : memref<256x128xi32, #tpu.memory_space<vmem>>, vector<256x128xi32>,
      %convert_element_type3A_1827 = arith.extui %and3A_1822 : vector<256x128xi1> to vector<256x128xi32>
      %reduce_sum3A_1828 = vector.shape_cast %convert_element_type3A_1827 : vector<256x128xi32> to vector<1x256x128xi32>
      %reduce_sum3A_1829 = arith.constant dense<0> : vector<1xi32>
      %reduce_sum3A_1830 = vector.multi_reduction <add>, %reduce_sum3A_1828, %reduce_sum3A_1829 [1, 2] : vector<1x256x128xi32> to vector<1xi32>
      %reduce_sum3A_1831 = vector.shape_cast %reduce_sum3A_1830 : vector<1xi32> to vector<1x1x1xi32>
      %reduce_sum3A_1832 = vector.extract %reduce_sum3A_1831[0, 0, 0] : i32 from vector<1x1x1xi32>
      %while3A_1833 = scf.while (%while3A_1890 = %reduce_sum3A_1832) : (i32) -> i32 {
        %gt3A = arith.constant 0 : i32
        %gt3A_1891 = arith.cmpi sgt, %while3A_1890, %gt3A : i32
        scf.condition(%gt3A_1891) %while3A_1890 : i32
      } do {
      ^bb0(%while3A_1890: i32):
        %get3A_1891 = arith.constant 0 : index
        %get3A_1892 = arith.constant 0 : index
        %get3A_1893 = vector.load %arg14[%get3A_1891, %get3A_1892] : memref<256x128xi32, #tpu.memory_space<vmem>>, vector<256x128xi32>
        %get3A_1894 = arith.constant 0 : index
        %get3A_1895 = arith.constant 0 : index
        %get3A_1896 = vector.load %arg15[%get3A_1894, %get3A_1895] : memref<256x128xi32, #tpu.memory_space<vmem>>, vector<256x128xi32>
        %get3A_1897 = arith.constant 0 : index
        %get3A_1898 = arith.constant 0 : index
        %get3A_1899 = vector.load %arg18[%get3A_1897, %get3A_1898] : memref<256x128xi32, #tpu.memory_space<vmem>>, vector<256x128xi32>
        %ne3A_1900 = arith.constant 0 : i32
        %ne3A_1901 = vector.broadcast %ne3A_1900 : i32 to vector<256x128xi32>
        %ne3A_1902 = arith.cmpi ne, %get3A_1899, %ne3A_1901 : vector<256x128xi32>
        %broadcast_in_dim3A_1903 = arith.constant 0 : i32
        %broadcast_in_dim3A_1904 = vector.broadcast %broadcast_in_dim3A_1903 : i32 to vector<256x128xi32>
        %add3A_1905 = arith.constant 0 : i32
        %add3A_1906 = vector.broadcast %add3A_1905 : i32 to vector<256x128xi32>
        %add3A_1907 = arith.addi %broadcast_in_dim3A_1904, %add3A_1906 : vector<256x128xi32>
        %xor3A_1908 = arith.xori %get3A_1893, %get3A_1896 : vector<256x128xi32>
        %xor3A_1909 = arith.constant 466688986 : i32
        %xor3A_1910 = vector.broadcast %xor3A_1909 : i32 to vector<256x128xi32>
        %xor3A_1911 = arith.xori %xor3A_1908, %xor3A_1910 : vector<256x128xi32>
        %add3A_1912 = arith.addi %broadcast_in_dim3A_1904, %get3A_1893 : vector<256x128xi32>
        %add3A_1913 = arith.addi %add3A_1907, %get3A_1896 : vector<256x128xi32>
        %add3A_1914 = arith.addi %add3A_1912, %add3A_1913 : vector<256x128xi32>
        %shift_left3A_1915 = arith.constant 13 : i32
        %shift_left3A_1916 = vector.broadcast %shift_left3A_1915 : i32 to vector<256x128xi32>
        %shift_left3A_1917 = arith.shli %add3A_1913, %shift_left3A_1916 : vector<256x128xi32>
        %shift_right_logical3A_1918 = arith.constant 19 : i32
        %shift_right_logical3A_1919 = vector.broadcast %shift_right_logical3A_1918 : i32 to vector<256x128xi32>
        %shift_right_logical3A_1920 = arith.shrui %add3A_1913, %shift_right_logical3A_1919 : vector<256x128xi32>
        %or3A_1921 = arith.ori %shift_left3A_1917, %shift_right_logical3A_1920 : vector<256x128xi32>
        %xor3A_1922 = arith.xori %add3A_1914, %or3A_1921 : vector<256x128xi32>
        %add3A_1923 = arith.addi %add3A_1914, %xor3A_1922 : vector<256x128xi32>
        %shift_left3A_1924 = arith.constant 15 : i32
        %shift_left3A_1925 = vector.broadcast %shift_left3A_1924 : i32 to vector<256x128xi32>
        %shift_left3A_1926 = arith.shli %xor3A_1922, %shift_left3A_1925 : vector<256x128xi32>
        %shift_right_logical3A_1927 = arith.constant 17 : i32
        %shift_right_logical3A_1928 = vector.broadcast %shift_right_logical3A_1927 : i32 to vector<256x128xi32>
        %shift_right_logical3A_1929 = arith.shrui %xor3A_1922, %shift_right_logical3A_1928 : vector<256x128xi32>
        %or3A_1930 = arith.ori %shift_left3A_1926, %shift_right_logical3A_1929 : vector<256x128xi32>
        %xor3A_1931 = arith.xori %add3A_1923, %or3A_1930 : vector<256x128xi32>
        %add3A_1932 = arith.addi %add3A_1923, %xor3A_1931 : vector<256x128xi32>
        %shift_left3A_1933 = arith.constant 26 : i32
        %shift_left3A_1934 = vector.broadcast %shift_left3A_1933 : i32 to vector<256x128xi32>
        %shift_left3A_1935 = arith.shli %xor3A_1931, %shift_left3A_1934 : vector<256x128xi32>
        %shift_right_logical3A_1936 = arith.constant 6 : i32
        %shift_right_logical3A_1937 = vector.broadcast %shift_right_logical3A_1936 : i32 to vector<256x128xi32>
        %shift_right_logical3A_1938 = arith.shrui %xor3A_1931, %shift_right_logical3A_1937 : vector<256x128xi32>
        %or3A_1939 = arith.ori %shift_left3A_1935, %shift_right_logical3A_1938 : vector<256x128xi32>
        %xor3A_1940 = arith.xori %add3A_1932, %or3A_1939 : vector<256x128xi32>
        %add3A_1941 = arith.addi %add3A_1932, %xor3A_1940 : vector<256x128xi32>
        %shift_left3A_1942 = arith.constant 6 : i32
        %shift_left3A_1943 = vector.broadcast %shift_left3A_1942 : i32 to vector<256x128xi32>
        %shift_left3A_1944 = arith.shli %xor3A_1940, %shift_left3A_1943 : vector<256x128xi32>
        %shift_right_logical3A_1945 = arith.constant 26 : i32
        %shift_right_logical3A_1946 = vector.broadcast %shift_right_logical3A_1945 : i32 to vector<256x128xi32>
        %shift_right_logical3A_1947 = arith.shrui %xor3A_1940, %shift_right_logical3A_1946 : vector<256x128xi32>
        %or3A_1948 = arith.ori %shift_left3A_1944, %shift_right_logical3A_1947 : vector<256x128xi32>
        %xor3A_1949 = arith.xori %add3A_1941, %or3A_1948 : vector<256x128xi32>
        %add3A_1950 = arith.addi %add3A_1941, %get3A_1896 : vector<256x128xi32>
        %add3A_1951 = arith.addi %xor3A_1949, %xor3A_1911 : vector<256x128xi32>
        %add3A_1952 = arith.constant 1 : i32
        %add3A_1953 = vector.broadcast %add3A_1952 : i32 to vector<256x128xi32>
        %add3A_1954 = arith.addi %add3A_1951, %add3A_1953 : vector<256x128xi32>
        %add3A_1955 = arith.addi %add3A_1950, %add3A_1954 : vector<256x128xi32>
        %shift_left3A_1956 = arith.constant 17 : i32
        %shift_left3A_1957 = vector.broadcast %shift_left3A_1956 : i32 to vector<256x128xi32>
        %shift_left3A_1958 = arith.shli %add3A_1954, %shift_left3A_1957 : vector<256x128xi32>
        %shift_right_logical3A_1959 = arith.constant 15 : i32
        %shift_right_logical3A_1960 = vector.broadcast %shift_right_logical3A_1959 : i32 to vector<256x128xi32>
        %shift_right_logical3A_1961 = arith.shrui %add3A_1954, %shift_right_logical3A_1960 : vector<256x128xi32>
        %or3A_1962 = arith.ori %shift_left3A_1958, %shift_right_logical3A_1961 : vector<256x128xi32>
        %xor3A_1963 = arith.xori %add3A_1955, %or3A_1962 : vector<256x128xi32>
        %add3A_1964 = arith.addi %add3A_1955, %xor3A_1963 : vector<256x128xi32>
        %shift_left3A_1965 = arith.constant 29 : i32
        %shift_left3A_1966 = vector.broadcast %shift_left3A_1965 : i32 to vector<256x128xi32>
        %shift_left3A_1967 = arith.shli %xor3A_1963, %shift_left3A_1966 : vector<256x128xi32>
        %shift_right_logical3A_1968 = arith.constant 3 : i32
        %shift_right_logical3A_1969 = vector.broadcast %shift_right_logical3A_1968 : i32 to vector<256x128xi32>
        %shift_right_logical3A_1970 = arith.shrui %xor3A_1963, %shift_right_logical3A_1969 : vector<256x128xi32>
        %or3A_1971 = arith.ori %shift_left3A_1967, %shift_right_logical3A_1970 : vector<256x128xi32>
        %xor3A_1972 = arith.xori %add3A_1964, %or3A_1971 : vector<256x128xi32>
        %add3A_1973 = arith.addi %add3A_1964, %xor3A_1972 : vector<256x128xi32>
        %shift_left3A_1974 = arith.constant 16 : i32
        %shift_left3A_1975 = vector.broadcast %shift_left3A_1974 : i32 to vector<256x128xi32>
        %shift_left3A_1976 = arith.shli %xor3A_1972, %shift_left3A_1975 : vector<256x128xi32>
        %shift_right_logical3A_1977 = arith.constant 16 : i32
        %shift_right_logical3A_1978 = vector.broadcast %shift_right_logical3A_1977 : i32 to vector<256x128xi32>
        %shift_right_logical3A_1979 = arith.shrui %xor3A_1972, %shift_right_logical3A_1978 : vector<256x128xi32>
        %or3A_1980 = arith.ori %shift_left3A_1976, %shift_right_logical3A_1979 : vector<256x128xi32>
        %xor3A_1981 = arith.xori %add3A_1973, %or3A_1980 : vector<256x128xi32>
        %add3A_1982 = arith.addi %add3A_1973, %xor3A_1981 : vector<256x128xi32>
        %shift_left3A_1983 = arith.constant 24 : i32
        %shift_left3A_1984 = vector.broadcast %shift_left3A_1983 : i32 to vector<256x128xi32>
        %shift_left3A_1985 = arith.shli %xor3A_1981, %shift_left3A_1984 : vector<256x128xi32>
        %shift_right_logical3A_1986 = arith.constant 8 : i32
        %shift_right_logical3A_1987 = vector.broadcast %shift_right_logical3A_1986 : i32 to vector<256x128xi32>
        %shift_right_logical3A_1988 = arith.shrui %xor3A_1981, %shift_right_logical3A_1987 : vector<256x128xi32>
        %or3A_1989 = arith.ori %shift_left3A_1985, %shift_right_logical3A_1988 : vector<256x128xi32>
        %xor3A_1990 = arith.xori %add3A_1982, %or3A_1989 : vector<256x128xi32>
        %add3A_1991 = arith.addi %add3A_1982, %xor3A_1911 : vector<256x128xi32>
        %add3A_1992 = arith.addi %xor3A_1990, %get3A_1893 : vector<256x128xi32>
        %add3A_1993 = arith.constant 2 : i32
        %add3A_1994 = vector.broadcast %add3A_1993 : i32 to vector<256x128xi32>
        %add3A_1995 = arith.addi %add3A_1992, %add3A_1994 : vector<256x128xi32>
        %add3A_1996 = arith.addi %add3A_1991, %add3A_1995 : vector<256x128xi32>
        %shift_left3A_1997 = arith.constant 13 : i32
        %shift_left3A_1998 = vector.broadcast %shift_left3A_1997 : i32 to vector<256x128xi32>
        %shift_left3A_1999 = arith.shli %add3A_1995, %shift_left3A_1998 : vector<256x128xi32>
        %shift_right_logical3A_2000 = arith.constant 19 : i32
        %shift_right_logical3A_2001 = vector.broadcast %shift_right_logical3A_2000 : i32 to vector<256x128xi32>
        %shift_right_logical3A_2002 = arith.shrui %add3A_1995, %shift_right_logical3A_2001 : vector<256x128xi32>
        %or3A_2003 = arith.ori %shift_left3A_1999, %shift_right_logical3A_2002 : vector<256x128xi32>
        %xor3A_2004 = arith.xori %add3A_1996, %or3A_2003 : vector<256x128xi32>
        %add3A_2005 = arith.addi %add3A_1996, %xor3A_2004 : vector<256x128xi32>
        %shift_left3A_2006 = arith.constant 15 : i32
        %shift_left3A_2007 = vector.broadcast %shift_left3A_2006 : i32 to vector<256x128xi32>
        %shift_left3A_2008 = arith.shli %xor3A_2004, %shift_left3A_2007 : vector<256x128xi32>
        %shift_right_logical3A_2009 = arith.constant 17 : i32
        %shift_right_logical3A_2010 = vector.broadcast %shift_right_logical3A_2009 : i32 to vector<256x128xi32>
        %shift_right_logical3A_2011 = arith.shrui %xor3A_2004, %shift_right_logical3A_2010 : vector<256x128xi32>
        %or3A_2012 = arith.ori %shift_left3A_2008, %shift_right_logical3A_2011 : vector<256x128xi32>
        %xor3A_2013 = arith.xori %add3A_2005, %or3A_2012 : vector<256x128xi32>
        %add3A_2014 = arith.addi %add3A_2005, %xor3A_2013 : vector<256x128xi32>
        %shift_left3A_2015 = arith.constant 26 : i32
        %shift_left3A_2016 = vector.broadcast %shift_left3A_2015 : i32 to vector<256x128xi32>
        %shift_left3A_2017 = arith.shli %xor3A_2013, %shift_left3A_2016 : vector<256x128xi32>
        %shift_right_logical3A_2018 = arith.constant 6 : i32
        %shift_right_logical3A_2019 = vector.broadcast %shift_right_logical3A_2018 : i32 to vector<256x128xi32>
        %shift_right_logical3A_2020 = arith.shrui %xor3A_2013, %shift_right_logical3A_2019 : vector<256x128xi32>
        %or3A_2021 = arith.ori %shift_left3A_2017, %shift_right_logical3A_2020 : vector<256x128xi32>
        %xor3A_2022 = arith.xori %add3A_2014, %or3A_2021 : vector<256x128xi32>
        %add3A_2023 = arith.addi %add3A_2014, %xor3A_2022 : vector<256x128xi32>
        %shift_left3A_2024 = arith.constant 6 : i32
        %shift_left3A_2025 = vector.broadcast %shift_left3A_2024 : i32 to vector<256x128xi32>
        %shift_left3A_2026 = arith.shli %xor3A_2022, %shift_left3A_2025 : vector<256x128xi32>
        %shift_right_logical3A_2027 = arith.constant 26 : i32
        %shift_right_logical3A_2028 = vector.broadcast %shift_right_logical3A_2027 : i32 to vector<256x128xi32>
        %shift_right_logical3A_2029 = arith.shrui %xor3A_2022, %shift_right_logical3A_2028 : vector<256x128xi32>
        %or3A_2030 = arith.ori %shift_left3A_2026, %shift_right_logical3A_2029 : vector<256x128xi32>
        %xor3A_2031 = arith.xori %add3A_2023, %or3A_2030 : vector<256x128xi32>
        %add3A_2032 = arith.addi %add3A_2023, %get3A_1893 : vector<256x128xi32>
        %add3A_2033 = arith.addi %xor3A_2031, %get3A_1896 : vector<256x128xi32>
        %add3A_2034 = arith.constant 3 : i32
        %add3A_2035 = vector.broadcast %add3A_2034 : i32 to vector<256x128xi32>
        %add3A_2036 = arith.addi %add3A_2033, %add3A_2035 : vector<256x128xi32>
        %add3A_2037 = arith.addi %add3A_2032, %add3A_2036 : vector<256x128xi32>
        %shift_left3A_2038 = arith.constant 17 : i32
        %shift_left3A_2039 = vector.broadcast %shift_left3A_2038 : i32 to vector<256x128xi32>
        %shift_left3A_2040 = arith.shli %add3A_2036, %shift_left3A_2039 : vector<256x128xi32>
        %shift_right_logical3A_2041 = arith.constant 15 : i32
        %shift_right_logical3A_2042 = vector.broadcast %shift_right_logical3A_2041 : i32 to vector<256x128xi32>
        %shift_right_logical3A_2043 = arith.shrui %add3A_2036, %shift_right_logical3A_2042 : vector<256x128xi32>
        %or3A_2044 = arith.ori %shift_left3A_2040, %shift_right_logical3A_2043 : vector<256x128xi32>
        %xor3A_2045 = arith.xori %add3A_2037, %or3A_2044 : vector<256x128xi32>
        %add3A_2046 = arith.addi %add3A_2037, %xor3A_2045 : vector<256x128xi32>
        %shift_left3A_2047 = arith.constant 29 : i32
        %shift_left3A_2048 = vector.broadcast %shift_left3A_2047 : i32 to vector<256x128xi32>
        %shift_left3A_2049 = arith.shli %xor3A_2045, %shift_left3A_2048 : vector<256x128xi32>
        %shift_right_logical3A_2050 = arith.constant 3 : i32
        %shift_right_logical3A_2051 = vector.broadcast %shift_right_logical3A_2050 : i32 to vector<256x128xi32>
        %shift_right_logical3A_2052 = arith.shrui %xor3A_2045, %shift_right_logical3A_2051 : vector<256x128xi32>
        %or3A_2053 = arith.ori %shift_left3A_2049, %shift_right_logical3A_2052 : vector<256x128xi32>
        %xor3A_2054 = arith.xori %add3A_2046, %or3A_2053 : vector<256x128xi32>
        %add3A_2055 = arith.addi %add3A_2046, %xor3A_2054 : vector<256x128xi32>
        %shift_left3A_2056 = arith.constant 16 : i32
        %shift_left3A_2057 = vector.broadcast %shift_left3A_2056 : i32 to vector<256x128xi32>
        %shift_left3A_2058 = arith.shli %xor3A_2054, %shift_left3A_2057 : vector<256x128xi32>
        %shift_right_logical3A_2059 = arith.constant 16 : i32
        %shift_right_logical3A_2060 = vector.broadcast %shift_right_logical3A_2059 : i32 to vector<256x128xi32>
        %shift_right_logical3A_2061 = arith.shrui %xor3A_2054, %shift_right_logical3A_2060 : vector<256x128xi32>
        %or3A_2062 = arith.ori %shift_left3A_2058, %shift_right_logical3A_2061 : vector<256x128xi32>
        %xor3A_2063 = arith.xori %add3A_2055, %or3A_2062 : vector<256x128xi32>
        %add3A_2064 = arith.addi %add3A_2055, %xor3A_2063 : vector<256x128xi32>
        %shift_left3A_2065 = arith.constant 24 : i32
        %shift_left3A_2066 = vector.broadcast %shift_left3A_2065 : i32 to vector<256x128xi32>
        %shift_left3A_2067 = arith.shli %xor3A_2063, %shift_left3A_2066 : vector<256x128xi32>
        %shift_right_logical3A_2068 = arith.constant 8 : i32
        %shift_right_logical3A_2069 = vector.broadcast %shift_right_logical3A_2068 : i32 to vector<256x128xi32>
        %shift_right_logical3A_2070 = arith.shrui %xor3A_2063, %shift_right_logical3A_2069 : vector<256x128xi32>
        %or3A_2071 = arith.ori %shift_left3A_2067, %shift_right_logical3A_2070 : vector<256x128xi32>
        %xor3A_2072 = arith.xori %add3A_2064, %or3A_2071 : vector<256x128xi32>
        %add3A_2073 = arith.addi %add3A_2064, %get3A_1896 : vector<256x128xi32>
        %add3A_2074 = arith.addi %xor3A_2072, %xor3A_1911 : vector<256x128xi32>
        %add3A_2075 = arith.constant 4 : i32
        %add3A_2076 = vector.broadcast %add3A_2075 : i32 to vector<256x128xi32>
        %add3A_2077 = arith.addi %add3A_2074, %add3A_2076 : vector<256x128xi32>
        %add3A_2078 = arith.addi %add3A_2073, %add3A_2077 : vector<256x128xi32>
        %shift_left3A_2079 = arith.constant 13 : i32
        %shift_left3A_2080 = vector.broadcast %shift_left3A_2079 : i32 to vector<256x128xi32>
        %shift_left3A_2081 = arith.shli %add3A_2077, %shift_left3A_2080 : vector<256x128xi32>
        %shift_right_logical3A_2082 = arith.constant 19 : i32
        %shift_right_logical3A_2083 = vector.broadcast %shift_right_logical3A_2082 : i32 to vector<256x128xi32>
        %shift_right_logical3A_2084 = arith.shrui %add3A_2077, %shift_right_logical3A_2083 : vector<256x128xi32>
        %or3A_2085 = arith.ori %shift_left3A_2081, %shift_right_logical3A_2084 : vector<256x128xi32>
        %xor3A_2086 = arith.xori %add3A_2078, %or3A_2085 : vector<256x128xi32>
        %add3A_2087 = arith.addi %add3A_2078, %xor3A_2086 : vector<256x128xi32>
        %shift_left3A_2088 = arith.constant 15 : i32
        %shift_left3A_2089 = vector.broadcast %shift_left3A_2088 : i32 to vector<256x128xi32>
        %shift_left3A_2090 = arith.shli %xor3A_2086, %shift_left3A_2089 : vector<256x128xi32>
        %shift_right_logical3A_2091 = arith.constant 17 : i32
        %shift_right_logical3A_2092 = vector.broadcast %shift_right_logical3A_2091 : i32 to vector<256x128xi32>
        %shift_right_logical3A_2093 = arith.shrui %xor3A_2086, %shift_right_logical3A_2092 : vector<256x128xi32>
        %or3A_2094 = arith.ori %shift_left3A_2090, %shift_right_logical3A_2093 : vector<256x128xi32>
        %xor3A_2095 = arith.xori %add3A_2087, %or3A_2094 : vector<256x128xi32>
        %add3A_2096 = arith.addi %add3A_2087, %xor3A_2095 : vector<256x128xi32>
        %shift_left3A_2097 = arith.constant 26 : i32
        %shift_left3A_2098 = vector.broadcast %shift_left3A_2097 : i32 to vector<256x128xi32>
        %shift_left3A_2099 = arith.shli %xor3A_2095, %shift_left3A_2098 : vector<256x128xi32>
        %shift_right_logical3A_2100 = arith.constant 6 : i32
        %shift_right_logical3A_2101 = vector.broadcast %shift_right_logical3A_2100 : i32 to vector<256x128xi32>
        %shift_right_logical3A_2102 = arith.shrui %xor3A_2095, %shift_right_logical3A_2101 : vector<256x128xi32>
        %or3A_2103 = arith.ori %shift_left3A_2099, %shift_right_logical3A_2102 : vector<256x128xi32>
        %xor3A_2104 = arith.xori %add3A_2096, %or3A_2103 : vector<256x128xi32>
        %add3A_2105 = arith.addi %add3A_2096, %xor3A_2104 : vector<256x128xi32>
        %shift_left3A_2106 = arith.constant 6 : i32
        %shift_left3A_2107 = vector.broadcast %shift_left3A_2106 : i32 to vector<256x128xi32>
        %shift_left3A_2108 = arith.shli %xor3A_2104, %shift_left3A_2107 : vector<256x128xi32>
        %shift_right_logical3A_2109 = arith.constant 26 : i32
        %shift_right_logical3A_2110 = vector.broadcast %shift_right_logical3A_2109 : i32 to vector<256x128xi32>
        %shift_right_logical3A_2111 = arith.shrui %xor3A_2104, %shift_right_logical3A_2110 : vector<256x128xi32>
        %or3A_2112 = arith.ori %shift_left3A_2108, %shift_right_logical3A_2111 : vector<256x128xi32>
        %xor3A_2113 = arith.xori %add3A_2105, %or3A_2112 : vector<256x128xi32>
        %add3A_2114 = arith.addi %add3A_2105, %xor3A_1911 : vector<256x128xi32>
        %add3A_2115 = arith.addi %xor3A_2113, %get3A_1893 : vector<256x128xi32>
        %add3A_2116 = arith.constant 5 : i32
        %add3A_2117 = vector.broadcast %add3A_2116 : i32 to vector<256x128xi32>
        %add3A_2118 = arith.addi %add3A_2115, %add3A_2117 : vector<256x128xi32>
        %broadcast_in_dim3A_2119 = arith.constant 0 : i32
        %broadcast_in_dim3A_2120 = vector.broadcast %broadcast_in_dim3A_2119 : i32 to vector<256x128xi32>
        %add3A_2121 = arith.constant 1 : i32
        %add3A_2122 = vector.broadcast %add3A_2121 : i32 to vector<256x128xi32>
        %add3A_2123 = arith.addi %broadcast_in_dim3A_2120, %add3A_2122 : vector<256x128xi32>
        %xor3A_2124 = arith.xori %add3A_2114, %add3A_2118 : vector<256x128xi32>
        %xor3A_2125 = arith.constant 466688986 : i32
        %xor3A_2126 = vector.broadcast %xor3A_2125 : i32 to vector<256x128xi32>
        %xor3A_2127 = arith.xori %xor3A_2124, %xor3A_2126 : vector<256x128xi32>
        %add3A_2128 = arith.addi %broadcast_in_dim3A_2120, %add3A_2114 : vector<256x128xi32>
        %add3A_2129 = arith.addi %add3A_2123, %add3A_2118 : vector<256x128xi32>
        %add3A_2130 = arith.addi %add3A_2128, %add3A_2129 : vector<256x128xi32>
        %shift_left3A_2131 = arith.constant 13 : i32
        %shift_left3A_2132 = vector.broadcast %shift_left3A_2131 : i32 to vector<256x128xi32>
        %shift_left3A_2133 = arith.shli %add3A_2129, %shift_left3A_2132 : vector<256x128xi32>
        %shift_right_logical3A_2134 = arith.constant 19 : i32
        %shift_right_logical3A_2135 = vector.broadcast %shift_right_logical3A_2134 : i32 to vector<256x128xi32>
        %shift_right_logical3A_2136 = arith.shrui %add3A_2129, %shift_right_logical3A_2135 : vector<256x128xi32>
        %or3A_2137 = arith.ori %shift_left3A_2133, %shift_right_logical3A_2136 : vector<256x128xi32>
        %xor3A_2138 = arith.xori %add3A_2130, %or3A_2137 : vector<256x128xi32>
        %add3A_2139 = arith.addi %add3A_2130, %xor3A_2138 : vector<256x128xi32>
        %shift_left3A_2140 = arith.constant 15 : i32
        %shift_left3A_2141 = vector.broadcast %shift_left3A_2140 : i32 to vector<256x128xi32>
        %shift_left3A_2142 = arith.shli %xor3A_2138, %shift_left3A_2141 : vector<256x128xi32>
        %shift_right_logical3A_2143 = arith.constant 17 : i32
        %shift_right_logical3A_2144 = vector.broadcast %shift_right_logical3A_2143 : i32 to vector<256x128xi32>
        %shift_right_logical3A_2145 = arith.shrui %xor3A_2138, %shift_right_logical3A_2144 : vector<256x128xi32>
        %or3A_2146 = arith.ori %shift_left3A_2142, %shift_right_logical3A_2145 : vector<256x128xi32>
        %xor3A_2147 = arith.xori %add3A_2139, %or3A_2146 : vector<256x128xi32>
        %add3A_2148 = arith.addi %add3A_2139, %xor3A_2147 : vector<256x128xi32>
        %shift_left3A_2149 = arith.constant 26 : i32
        %shift_left3A_2150 = vector.broadcast %shift_left3A_2149 : i32 to vector<256x128xi32>
        %shift_left3A_2151 = arith.shli %xor3A_2147, %shift_left3A_2150 : vector<256x128xi32>
        %shift_right_logical3A_2152 = arith.constant 6 : i32
        %shift_right_logical3A_2153 = vector.broadcast %shift_right_logical3A_2152 : i32 to vector<256x128xi32>
        %shift_right_logical3A_2154 = arith.shrui %xor3A_2147, %shift_right_logical3A_2153 : vector<256x128xi32>
        %or3A_2155 = arith.ori %shift_left3A_2151, %shift_right_logical3A_2154 : vector<256x128xi32>
        %xor3A_2156 = arith.xori %add3A_2148, %or3A_2155 : vector<256x128xi32>
        %add3A_2157 = arith.addi %add3A_2148, %xor3A_2156 : vector<256x128xi32>
        %shift_left3A_2158 = arith.constant 6 : i32
        %shift_left3A_2159 = vector.broadcast %shift_left3A_2158 : i32 to vector<256x128xi32>
        %shift_left3A_2160 = arith.shli %xor3A_2156, %shift_left3A_2159 : vector<256x128xi32>
        %shift_right_logical3A_2161 = arith.constant 26 : i32
        %shift_right_logical3A_2162 = vector.broadcast %shift_right_logical3A_2161 : i32 to vector<256x128xi32>
        %shift_right_logical3A_2163 = arith.shrui %xor3A_2156, %shift_right_logical3A_2162 : vector<256x128xi32>
        %or3A_2164 = arith.ori %shift_left3A_2160, %shift_right_logical3A_2163 : vector<256x128xi32>
        %xor3A_2165 = arith.xori %add3A_2157, %or3A_2164 : vector<256x128xi32>
        %add3A_2166 = arith.addi %add3A_2157, %add3A_2118 : vector<256x128xi32>
        %add3A_2167 = arith.addi %xor3A_2165, %xor3A_2127 : vector<256x128xi32>
        %add3A_2168 = arith.constant 1 : i32
        %add3A_2169 = vector.broadcast %add3A_2168 : i32 to vector<256x128xi32>
        %add3A_2170 = arith.addi %add3A_2167, %add3A_2169 : vector<256x128xi32>
        %add3A_2171 = arith.addi %add3A_2166, %add3A_2170 : vector<256x128xi32>
        %shift_left3A_2172 = arith.constant 17 : i32
        %shift_left3A_2173 = vector.broadcast %shift_left3A_2172 : i32 to vector<256x128xi32>
        %shift_left3A_2174 = arith.shli %add3A_2170, %shift_left3A_2173 : vector<256x128xi32>
        %shift_right_logical3A_2175 = arith.constant 15 : i32
        %shift_right_logical3A_2176 = vector.broadcast %shift_right_logical3A_2175 : i32 to vector<256x128xi32>
        %shift_right_logical3A_2177 = arith.shrui %add3A_2170, %shift_right_logical3A_2176 : vector<256x128xi32>
        %or3A_2178 = arith.ori %shift_left3A_2174, %shift_right_logical3A_2177 : vector<256x128xi32>
        %xor3A_2179 = arith.xori %add3A_2171, %or3A_2178 : vector<256x128xi32>
        %add3A_2180 = arith.addi %add3A_2171, %xor3A_2179 : vector<256x128xi32>
        %shift_left3A_2181 = arith.constant 29 : i32
        %shift_left3A_2182 = vector.broadcast %shift_left3A_2181 : i32 to vector<256x128xi32>
        %shift_left3A_2183 = arith.shli %xor3A_2179, %shift_left3A_2182 : vector<256x128xi32>
        %shift_right_logical3A_2184 = arith.constant 3 : i32
        %shift_right_logical3A_2185 = vector.broadcast %shift_right_logical3A_2184 : i32 to vector<256x128xi32>
        %shift_right_logical3A_2186 = arith.shrui %xor3A_2179, %shift_right_logical3A_2185 : vector<256x128xi32>
        %or3A_2187 = arith.ori %shift_left3A_2183, %shift_right_logical3A_2186 : vector<256x128xi32>
        %xor3A_2188 = arith.xori %add3A_2180, %or3A_2187 : vector<256x128xi32>
        %add3A_2189 = arith.addi %add3A_2180, %xor3A_2188 : vector<256x128xi32>
        %shift_left3A_2190 = arith.constant 16 : i32
        %shift_left3A_2191 = vector.broadcast %shift_left3A_2190 : i32 to vector<256x128xi32>
        %shift_left3A_2192 = arith.shli %xor3A_2188, %shift_left3A_2191 : vector<256x128xi32>
        %shift_right_logical3A_2193 = arith.constant 16 : i32
        %shift_right_logical3A_2194 = vector.broadcast %shift_right_logical3A_2193 : i32 to vector<256x128xi32>
        %shift_right_logical3A_2195 = arith.shrui %xor3A_2188, %shift_right_logical3A_2194 : vector<256x128xi32>
        %or3A_2196 = arith.ori %shift_left3A_2192, %shift_right_logical3A_2195 : vector<256x128xi32>
        %xor3A_2197 = arith.xori %add3A_2189, %or3A_2196 : vector<256x128xi32>
        %add3A_2198 = arith.addi %add3A_2189, %xor3A_2197 : vector<256x128xi32>
        %shift_left3A_2199 = arith.constant 24 : i32
        %shift_left3A_2200 = vector.broadcast %shift_left3A_2199 : i32 to vector<256x128xi32>
        %shift_left3A_2201 = arith.shli %xor3A_2197, %shift_left3A_2200 : vector<256x128xi32>
        %shift_right_logical3A_2202 = arith.constant 8 : i32
        %shift_right_logical3A_2203 = vector.broadcast %shift_right_logical3A_2202 : i32 to vector<256x128xi32>
        %shift_right_logical3A_2204 = arith.shrui %xor3A_2197, %shift_right_logical3A_2203 : vector<256x128xi32>
        %or3A_2205 = arith.ori %shift_left3A_2201, %shift_right_logical3A_2204 : vector<256x128xi32>
        %xor3A_2206 = arith.xori %add3A_2198, %or3A_2205 : vector<256x128xi32>
        %add3A_2207 = arith.addi %add3A_2198, %xor3A_2127 : vector<256x128xi32>
        %add3A_2208 = arith.addi %xor3A_2206, %add3A_2114 : vector<256x128xi32>
        %add3A_2209 = arith.constant 2 : i32
        %add3A_2210 = vector.broadcast %add3A_2209 : i32 to vector<256x128xi32>
        %add3A_2211 = arith.addi %add3A_2208, %add3A_2210 : vector<256x128xi32>
        %add3A_2212 = arith.addi %add3A_2207, %add3A_2211 : vector<256x128xi32>
        %shift_left3A_2213 = arith.constant 13 : i32
        %shift_left3A_2214 = vector.broadcast %shift_left3A_2213 : i32 to vector<256x128xi32>
        %shift_left3A_2215 = arith.shli %add3A_2211, %shift_left3A_2214 : vector<256x128xi32>
        %shift_right_logical3A_2216 = arith.constant 19 : i32
        %shift_right_logical3A_2217 = vector.broadcast %shift_right_logical3A_2216 : i32 to vector<256x128xi32>
        %shift_right_logical3A_2218 = arith.shrui %add3A_2211, %shift_right_logical3A_2217 : vector<256x128xi32>
        %or3A_2219 = arith.ori %shift_left3A_2215, %shift_right_logical3A_2218 : vector<256x128xi32>
        %xor3A_2220 = arith.xori %add3A_2212, %or3A_2219 : vector<256x128xi32>
        %add3A_2221 = arith.addi %add3A_2212, %xor3A_2220 : vector<256x128xi32>
        %shift_left3A_2222 = arith.constant 15 : i32
        %shift_left3A_2223 = vector.broadcast %shift_left3A_2222 : i32 to vector<256x128xi32>
        %shift_left3A_2224 = arith.shli %xor3A_2220, %shift_left3A_2223 : vector<256x128xi32>
        %shift_right_logical3A_2225 = arith.constant 17 : i32
        %shift_right_logical3A_2226 = vector.broadcast %shift_right_logical3A_2225 : i32 to vector<256x128xi32>
        %shift_right_logical3A_2227 = arith.shrui %xor3A_2220, %shift_right_logical3A_2226 : vector<256x128xi32>
        %or3A_2228 = arith.ori %shift_left3A_2224, %shift_right_logical3A_2227 : vector<256x128xi32>
        %xor3A_2229 = arith.xori %add3A_2221, %or3A_2228 : vector<256x128xi32>
        %add3A_2230 = arith.addi %add3A_2221, %xor3A_2229 : vector<256x128xi32>
        %shift_left3A_2231 = arith.constant 26 : i32
        %shift_left3A_2232 = vector.broadcast %shift_left3A_2231 : i32 to vector<256x128xi32>
        %shift_left3A_2233 = arith.shli %xor3A_2229, %shift_left3A_2232 : vector<256x128xi32>
        %shift_right_logical3A_2234 = arith.constant 6 : i32
        %shift_right_logical3A_2235 = vector.broadcast %shift_right_logical3A_2234 : i32 to vector<256x128xi32>
        %shift_right_logical3A_2236 = arith.shrui %xor3A_2229, %shift_right_logical3A_2235 : vector<256x128xi32>
        %or3A_2237 = arith.ori %shift_left3A_2233, %shift_right_logical3A_2236 : vector<256x128xi32>
        %xor3A_2238 = arith.xori %add3A_2230, %or3A_2237 : vector<256x128xi32>
        %add3A_2239 = arith.addi %add3A_2230, %xor3A_2238 : vector<256x128xi32>
        %shift_left3A_2240 = arith.constant 6 : i32
        %shift_left3A_2241 = vector.broadcast %shift_left3A_2240 : i32 to vector<256x128xi32>
        %shift_left3A_2242 = arith.shli %xor3A_2238, %shift_left3A_2241 : vector<256x128xi32>
        %shift_right_logical3A_2243 = arith.constant 26 : i32
        %shift_right_logical3A_2244 = vector.broadcast %shift_right_logical3A_2243 : i32 to vector<256x128xi32>
        %shift_right_logical3A_2245 = arith.shrui %xor3A_2238, %shift_right_logical3A_2244 : vector<256x128xi32>
        %or3A_2246 = arith.ori %shift_left3A_2242, %shift_right_logical3A_2245 : vector<256x128xi32>
        %xor3A_2247 = arith.xori %add3A_2239, %or3A_2246 : vector<256x128xi32>
        %add3A_2248 = arith.addi %add3A_2239, %add3A_2114 : vector<256x128xi32>
        %add3A_2249 = arith.addi %xor3A_2247, %add3A_2118 : vector<256x128xi32>
        %add3A_2250 = arith.constant 3 : i32
        %add3A_2251 = vector.broadcast %add3A_2250 : i32 to vector<256x128xi32>
        %add3A_2252 = arith.addi %add3A_2249, %add3A_2251 : vector<256x128xi32>
        %add3A_2253 = arith.addi %add3A_2248, %add3A_2252 : vector<256x128xi32>
        %shift_left3A_2254 = arith.constant 17 : i32
        %shift_left3A_2255 = vector.broadcast %shift_left3A_2254 : i32 to vector<256x128xi32>
        %shift_left3A_2256 = arith.shli %add3A_2252, %shift_left3A_2255 : vector<256x128xi32>
        %shift_right_logical3A_2257 = arith.constant 15 : i32
        %shift_right_logical3A_2258 = vector.broadcast %shift_right_logical3A_2257 : i32 to vector<256x128xi32>
        %shift_right_logical3A_2259 = arith.shrui %add3A_2252, %shift_right_logical3A_2258 : vector<256x128xi32>
        %or3A_2260 = arith.ori %shift_left3A_2256, %shift_right_logical3A_2259 : vector<256x128xi32>
        %xor3A_2261 = arith.xori %add3A_2253, %or3A_2260 : vector<256x128xi32>
        %add3A_2262 = arith.addi %add3A_2253, %xor3A_2261 : vector<256x128xi32>
        %shift_left3A_2263 = arith.constant 29 : i32
        %shift_left3A_2264 = vector.broadcast %shift_left3A_2263 : i32 to vector<256x128xi32>
        %shift_left3A_2265 = arith.shli %xor3A_2261, %shift_left3A_2264 : vector<256x128xi32>
        %shift_right_logical3A_2266 = arith.constant 3 : i32
        %shift_right_logical3A_2267 = vector.broadcast %shift_right_logical3A_2266 : i32 to vector<256x128xi32>
        %shift_right_logical3A_2268 = arith.shrui %xor3A_2261, %shift_right_logical3A_2267 : vector<256x128xi32>
        %or3A_2269 = arith.ori %shift_left3A_2265, %shift_right_logical3A_2268 : vector<256x128xi32>
        %xor3A_2270 = arith.xori %add3A_2262, %or3A_2269 : vector<256x128xi32>
        %add3A_2271 = arith.addi %add3A_2262, %xor3A_2270 : vector<256x128xi32>
        %shift_left3A_2272 = arith.constant 16 : i32
        %shift_left3A_2273 = vector.broadcast %shift_left3A_2272 : i32 to vector<256x128xi32>
        %shift_left3A_2274 = arith.shli %xor3A_2270, %shift_left3A_2273 : vector<256x128xi32>
        %shift_right_logical3A_2275 = arith.constant 16 : i32
        %shift_right_logical3A_2276 = vector.broadcast %shift_right_logical3A_2275 : i32 to vector<256x128xi32>
        %shift_right_logical3A_2277 = arith.shrui %xor3A_2270, %shift_right_logical3A_2276 : vector<256x128xi32>
        %or3A_2278 = arith.ori %shift_left3A_2274, %shift_right_logical3A_2277 : vector<256x128xi32>
        %xor3A_2279 = arith.xori %add3A_2271, %or3A_2278 : vector<256x128xi32>
        %add3A_2280 = arith.addi %add3A_2271, %xor3A_2279 : vector<256x128xi32>
        %shift_left3A_2281 = arith.constant 24 : i32
        %shift_left3A_2282 = vector.broadcast %shift_left3A_2281 : i32 to vector<256x128xi32>
        %shift_left3A_2283 = arith.shli %xor3A_2279, %shift_left3A_2282 : vector<256x128xi32>
        %shift_right_logical3A_2284 = arith.constant 8 : i32
        %shift_right_logical3A_2285 = vector.broadcast %shift_right_logical3A_2284 : i32 to vector<256x128xi32>
        %shift_right_logical3A_2286 = arith.shrui %xor3A_2279, %shift_right_logical3A_2285 : vector<256x128xi32>
        %or3A_2287 = arith.ori %shift_left3A_2283, %shift_right_logical3A_2286 : vector<256x128xi32>
        %xor3A_2288 = arith.xori %add3A_2280, %or3A_2287 : vector<256x128xi32>
        %add3A_2289 = arith.addi %add3A_2280, %add3A_2118 : vector<256x128xi32>
        %add3A_2290 = arith.addi %xor3A_2288, %xor3A_2127 : vector<256x128xi32>
        %add3A_2291 = arith.constant 4 : i32
        %add3A_2292 = vector.broadcast %add3A_2291 : i32 to vector<256x128xi32>
        %add3A_2293 = arith.addi %add3A_2290, %add3A_2292 : vector<256x128xi32>
        %add3A_2294 = arith.addi %add3A_2289, %add3A_2293 : vector<256x128xi32>
        %shift_left3A_2295 = arith.constant 13 : i32
        %shift_left3A_2296 = vector.broadcast %shift_left3A_2295 : i32 to vector<256x128xi32>
        %shift_left3A_2297 = arith.shli %add3A_2293, %shift_left3A_2296 : vector<256x128xi32>
        %shift_right_logical3A_2298 = arith.constant 19 : i32
        %shift_right_logical3A_2299 = vector.broadcast %shift_right_logical3A_2298 : i32 to vector<256x128xi32>
        %shift_right_logical3A_2300 = arith.shrui %add3A_2293, %shift_right_logical3A_2299 : vector<256x128xi32>
        %or3A_2301 = arith.ori %shift_left3A_2297, %shift_right_logical3A_2300 : vector<256x128xi32>
        %xor3A_2302 = arith.xori %add3A_2294, %or3A_2301 : vector<256x128xi32>
        %add3A_2303 = arith.addi %add3A_2294, %xor3A_2302 : vector<256x128xi32>
        %shift_left3A_2304 = arith.constant 15 : i32
        %shift_left3A_2305 = vector.broadcast %shift_left3A_2304 : i32 to vector<256x128xi32>
        %shift_left3A_2306 = arith.shli %xor3A_2302, %shift_left3A_2305 : vector<256x128xi32>
        %shift_right_logical3A_2307 = arith.constant 17 : i32
        %shift_right_logical3A_2308 = vector.broadcast %shift_right_logical3A_2307 : i32 to vector<256x128xi32>
        %shift_right_logical3A_2309 = arith.shrui %xor3A_2302, %shift_right_logical3A_2308 : vector<256x128xi32>
        %or3A_2310 = arith.ori %shift_left3A_2306, %shift_right_logical3A_2309 : vector<256x128xi32>
        %xor3A_2311 = arith.xori %add3A_2303, %or3A_2310 : vector<256x128xi32>
        %add3A_2312 = arith.addi %add3A_2303, %xor3A_2311 : vector<256x128xi32>
        %shift_left3A_2313 = arith.constant 26 : i32
        %shift_left3A_2314 = vector.broadcast %shift_left3A_2313 : i32 to vector<256x128xi32>
        %shift_left3A_2315 = arith.shli %xor3A_2311, %shift_left3A_2314 : vector<256x128xi32>
        %shift_right_logical3A_2316 = arith.constant 6 : i32
        %shift_right_logical3A_2317 = vector.broadcast %shift_right_logical3A_2316 : i32 to vector<256x128xi32>
        %shift_right_logical3A_2318 = arith.shrui %xor3A_2311, %shift_right_logical3A_2317 : vector<256x128xi32>
        %or3A_2319 = arith.ori %shift_left3A_2315, %shift_right_logical3A_2318 : vector<256x128xi32>
        %xor3A_2320 = arith.xori %add3A_2312, %or3A_2319 : vector<256x128xi32>
        %add3A_2321 = arith.addi %add3A_2312, %xor3A_2320 : vector<256x128xi32>
        %shift_left3A_2322 = arith.constant 6 : i32
        %shift_left3A_2323 = vector.broadcast %shift_left3A_2322 : i32 to vector<256x128xi32>
        %shift_left3A_2324 = arith.shli %xor3A_2320, %shift_left3A_2323 : vector<256x128xi32>
        %shift_right_logical3A_2325 = arith.constant 26 : i32
        %shift_right_logical3A_2326 = vector.broadcast %shift_right_logical3A_2325 : i32 to vector<256x128xi32>
        %shift_right_logical3A_2327 = arith.shrui %xor3A_2320, %shift_right_logical3A_2326 : vector<256x128xi32>
        %or3A_2328 = arith.ori %shift_left3A_2324, %shift_right_logical3A_2327 : vector<256x128xi32>
        %xor3A_2329 = arith.xori %add3A_2321, %or3A_2328 : vector<256x128xi32>
        %add3A_2330 = arith.addi %add3A_2321, %xor3A_2127 : vector<256x128xi32>
        %add3A_2331 = arith.addi %xor3A_2329, %add3A_2114 : vector<256x128xi32>
        %add3A_2332 = arith.constant 5 : i32
        %add3A_2333 = vector.broadcast %add3A_2332 : i32 to vector<256x128xi32>
        %add3A_2334 = arith.addi %add3A_2331, %add3A_2333 : vector<256x128xi32>
        %broadcast_in_dim3A_2335 = arith.constant 0 : i32
        %broadcast_in_dim3A_2336 = vector.broadcast %broadcast_in_dim3A_2335 : i32 to vector<256x128xi32>
        %xor3A_2337 = arith.xori %add3A_2330, %add3A_2334 : vector<256x128xi32>
        %xor3A_2338 = arith.constant 466688986 : i32
        %xor3A_2339 = vector.broadcast %xor3A_2338 : i32 to vector<256x128xi32>
        %xor3A_2340 = arith.xori %xor3A_2337, %xor3A_2339 : vector<256x128xi32>
        %add3A_2341 = arith.addi %broadcast_in_dim3A_2336, %add3A_2330 : vector<256x128xi32>
        %add3A_2342 = arith.addi %broadcast_in_dim3A_2336, %add3A_2334 : vector<256x128xi32>
        %add3A_2343 = arith.addi %add3A_2341, %add3A_2342 : vector<256x128xi32>
        %shift_left3A_2344 = arith.constant 13 : i32
        %shift_left3A_2345 = vector.broadcast %shift_left3A_2344 : i32 to vector<256x128xi32>
        %shift_left3A_2346 = arith.shli %add3A_2342, %shift_left3A_2345 : vector<256x128xi32>
        %shift_right_logical3A_2347 = arith.constant 19 : i32
        %shift_right_logical3A_2348 = vector.broadcast %shift_right_logical3A_2347 : i32 to vector<256x128xi32>
        %shift_right_logical3A_2349 = arith.shrui %add3A_2342, %shift_right_logical3A_2348 : vector<256x128xi32>
        %or3A_2350 = arith.ori %shift_left3A_2346, %shift_right_logical3A_2349 : vector<256x128xi32>
        %xor3A_2351 = arith.xori %add3A_2343, %or3A_2350 : vector<256x128xi32>
        %add3A_2352 = arith.addi %add3A_2343, %xor3A_2351 : vector<256x128xi32>
        %shift_left3A_2353 = arith.constant 15 : i32
        %shift_left3A_2354 = vector.broadcast %shift_left3A_2353 : i32 to vector<256x128xi32>
        %shift_left3A_2355 = arith.shli %xor3A_2351, %shift_left3A_2354 : vector<256x128xi32>
        %shift_right_logical3A_2356 = arith.constant 17 : i32
        %shift_right_logical3A_2357 = vector.broadcast %shift_right_logical3A_2356 : i32 to vector<256x128xi32>
        %shift_right_logical3A_2358 = arith.shrui %xor3A_2351, %shift_right_logical3A_2357 : vector<256x128xi32>
        %or3A_2359 = arith.ori %shift_left3A_2355, %shift_right_logical3A_2358 : vector<256x128xi32>
        %xor3A_2360 = arith.xori %add3A_2352, %or3A_2359 : vector<256x128xi32>
        %add3A_2361 = arith.addi %add3A_2352, %xor3A_2360 : vector<256x128xi32>
        %shift_left3A_2362 = arith.constant 26 : i32
        %shift_left3A_2363 = vector.broadcast %shift_left3A_2362 : i32 to vector<256x128xi32>
        %shift_left3A_2364 = arith.shli %xor3A_2360, %shift_left3A_2363 : vector<256x128xi32>
        %shift_right_logical3A_2365 = arith.constant 6 : i32
        %shift_right_logical3A_2366 = vector.broadcast %shift_right_logical3A_2365 : i32 to vector<256x128xi32>
        %shift_right_logical3A_2367 = arith.shrui %xor3A_2360, %shift_right_logical3A_2366 : vector<256x128xi32>
        %or3A_2368 = arith.ori %shift_left3A_2364, %shift_right_logical3A_2367 : vector<256x128xi32>
        %xor3A_2369 = arith.xori %add3A_2361, %or3A_2368 : vector<256x128xi32>
        %add3A_2370 = arith.addi %add3A_2361, %xor3A_2369 : vector<256x128xi32>
        %shift_left3A_2371 = arith.constant 6 : i32
        %shift_left3A_2372 = vector.broadcast %shift_left3A_2371 : i32 to vector<256x128xi32>
        %shift_left3A_2373 = arith.shli %xor3A_2369, %shift_left3A_2372 : vector<256x128xi32>
        %shift_right_logical3A_2374 = arith.constant 26 : i32
        %shift_right_logical3A_2375 = vector.broadcast %shift_right_logical3A_2374 : i32 to vector<256x128xi32>
        %shift_right_logical3A_2376 = arith.shrui %xor3A_2369, %shift_right_logical3A_2375 : vector<256x128xi32>
        %or3A_2377 = arith.ori %shift_left3A_2373, %shift_right_logical3A_2376 : vector<256x128xi32>
        %xor3A_2378 = arith.xori %add3A_2370, %or3A_2377 : vector<256x128xi32>
        %add3A_2379 = arith.addi %add3A_2370, %add3A_2334 : vector<256x128xi32>
        %add3A_2380 = arith.addi %xor3A_2378, %xor3A_2340 : vector<256x128xi32>
        %add3A_2381 = arith.constant 1 : i32
        %add3A_2382 = vector.broadcast %add3A_2381 : i32 to vector<256x128xi32>
        %add3A_2383 = arith.addi %add3A_2380, %add3A_2382 : vector<256x128xi32>
        %add3A_2384 = arith.addi %add3A_2379, %add3A_2383 : vector<256x128xi32>
        %shift_left3A_2385 = arith.constant 17 : i32
        %shift_left3A_2386 = vector.broadcast %shift_left3A_2385 : i32 to vector<256x128xi32>
        %shift_left3A_2387 = arith.shli %add3A_2383, %shift_left3A_2386 : vector<256x128xi32>
        %shift_right_logical3A_2388 = arith.constant 15 : i32
        %shift_right_logical3A_2389 = vector.broadcast %shift_right_logical3A_2388 : i32 to vector<256x128xi32>
        %shift_right_logical3A_2390 = arith.shrui %add3A_2383, %shift_right_logical3A_2389 : vector<256x128xi32>
        %or3A_2391 = arith.ori %shift_left3A_2387, %shift_right_logical3A_2390 : vector<256x128xi32>
        %xor3A_2392 = arith.xori %add3A_2384, %or3A_2391 : vector<256x128xi32>
        %add3A_2393 = arith.addi %add3A_2384, %xor3A_2392 : vector<256x128xi32>
        %shift_left3A_2394 = arith.constant 29 : i32
        %shift_left3A_2395 = vector.broadcast %shift_left3A_2394 : i32 to vector<256x128xi32>
        %shift_left3A_2396 = arith.shli %xor3A_2392, %shift_left3A_2395 : vector<256x128xi32>
        %shift_right_logical3A_2397 = arith.constant 3 : i32
        %shift_right_logical3A_2398 = vector.broadcast %shift_right_logical3A_2397 : i32 to vector<256x128xi32>
        %shift_right_logical3A_2399 = arith.shrui %xor3A_2392, %shift_right_logical3A_2398 : vector<256x128xi32>
        %or3A_2400 = arith.ori %shift_left3A_2396, %shift_right_logical3A_2399 : vector<256x128xi32>
        %xor3A_2401 = arith.xori %add3A_2393, %or3A_2400 : vector<256x128xi32>
        %add3A_2402 = arith.addi %add3A_2393, %xor3A_2401 : vector<256x128xi32>
        %shift_left3A_2403 = arith.constant 16 : i32
        %shift_left3A_2404 = vector.broadcast %shift_left3A_2403 : i32 to vector<256x128xi32>
        %shift_left3A_2405 = arith.shli %xor3A_2401, %shift_left3A_2404 : vector<256x128xi32>
        %shift_right_logical3A_2406 = arith.constant 16 : i32
        %shift_right_logical3A_2407 = vector.broadcast %shift_right_logical3A_2406 : i32 to vector<256x128xi32>
        %shift_right_logical3A_2408 = arith.shrui %xor3A_2401, %shift_right_logical3A_2407 : vector<256x128xi32>
        %or3A_2409 = arith.ori %shift_left3A_2405, %shift_right_logical3A_2408 : vector<256x128xi32>
        %xor3A_2410 = arith.xori %add3A_2402, %or3A_2409 : vector<256x128xi32>
        %add3A_2411 = arith.addi %add3A_2402, %xor3A_2410 : vector<256x128xi32>
        %shift_left3A_2412 = arith.constant 24 : i32
        %shift_left3A_2413 = vector.broadcast %shift_left3A_2412 : i32 to vector<256x128xi32>
        %shift_left3A_2414 = arith.shli %xor3A_2410, %shift_left3A_2413 : vector<256x128xi32>
        %shift_right_logical3A_2415 = arith.constant 8 : i32
        %shift_right_logical3A_2416 = vector.broadcast %shift_right_logical3A_2415 : i32 to vector<256x128xi32>
        %shift_right_logical3A_2417 = arith.shrui %xor3A_2410, %shift_right_logical3A_2416 : vector<256x128xi32>
        %or3A_2418 = arith.ori %shift_left3A_2414, %shift_right_logical3A_2417 : vector<256x128xi32>
        %xor3A_2419 = arith.xori %add3A_2411, %or3A_2418 : vector<256x128xi32>
        %add3A_2420 = arith.addi %add3A_2411, %xor3A_2340 : vector<256x128xi32>
        %add3A_2421 = arith.addi %xor3A_2419, %add3A_2330 : vector<256x128xi32>
        %add3A_2422 = arith.constant 2 : i32
        %add3A_2423 = vector.broadcast %add3A_2422 : i32 to vector<256x128xi32>
        %add3A_2424 = arith.addi %add3A_2421, %add3A_2423 : vector<256x128xi32>
        %add3A_2425 = arith.addi %add3A_2420, %add3A_2424 : vector<256x128xi32>
        %shift_left3A_2426 = arith.constant 13 : i32
        %shift_left3A_2427 = vector.broadcast %shift_left3A_2426 : i32 to vector<256x128xi32>
        %shift_left3A_2428 = arith.shli %add3A_2424, %shift_left3A_2427 : vector<256x128xi32>
        %shift_right_logical3A_2429 = arith.constant 19 : i32
        %shift_right_logical3A_2430 = vector.broadcast %shift_right_logical3A_2429 : i32 to vector<256x128xi32>
        %shift_right_logical3A_2431 = arith.shrui %add3A_2424, %shift_right_logical3A_2430 : vector<256x128xi32>
        %or3A_2432 = arith.ori %shift_left3A_2428, %shift_right_logical3A_2431 : vector<256x128xi32>
        %xor3A_2433 = arith.xori %add3A_2425, %or3A_2432 : vector<256x128xi32>
        %add3A_2434 = arith.addi %add3A_2425, %xor3A_2433 : vector<256x128xi32>
        %shift_left3A_2435 = arith.constant 15 : i32
        %shift_left3A_2436 = vector.broadcast %shift_left3A_2435 : i32 to vector<256x128xi32>
        %shift_left3A_2437 = arith.shli %xor3A_2433, %shift_left3A_2436 : vector<256x128xi32>
        %shift_right_logical3A_2438 = arith.constant 17 : i32
        %shift_right_logical3A_2439 = vector.broadcast %shift_right_logical3A_2438 : i32 to vector<256x128xi32>
        %shift_right_logical3A_2440 = arith.shrui %xor3A_2433, %shift_right_logical3A_2439 : vector<256x128xi32>
        %or3A_2441 = arith.ori %shift_left3A_2437, %shift_right_logical3A_2440 : vector<256x128xi32>
        %xor3A_2442 = arith.xori %add3A_2434, %or3A_2441 : vector<256x128xi32>
        %add3A_2443 = arith.addi %add3A_2434, %xor3A_2442 : vector<256x128xi32>
        %shift_left3A_2444 = arith.constant 26 : i32
        %shift_left3A_2445 = vector.broadcast %shift_left3A_2444 : i32 to vector<256x128xi32>
        %shift_left3A_2446 = arith.shli %xor3A_2442, %shift_left3A_2445 : vector<256x128xi32>
        %shift_right_logical3A_2447 = arith.constant 6 : i32
        %shift_right_logical3A_2448 = vector.broadcast %shift_right_logical3A_2447 : i32 to vector<256x128xi32>
        %shift_right_logical3A_2449 = arith.shrui %xor3A_2442, %shift_right_logical3A_2448 : vector<256x128xi32>
        %or3A_2450 = arith.ori %shift_left3A_2446, %shift_right_logical3A_2449 : vector<256x128xi32>
        %xor3A_2451 = arith.xori %add3A_2443, %or3A_2450 : vector<256x128xi32>
        %add3A_2452 = arith.addi %add3A_2443, %xor3A_2451 : vector<256x128xi32>
        %shift_left3A_2453 = arith.constant 6 : i32
        %shift_left3A_2454 = vector.broadcast %shift_left3A_2453 : i32 to vector<256x128xi32>
        %shift_left3A_2455 = arith.shli %xor3A_2451, %shift_left3A_2454 : vector<256x128xi32>
        %shift_right_logical3A_2456 = arith.constant 26 : i32
        %shift_right_logical3A_2457 = vector.broadcast %shift_right_logical3A_2456 : i32 to vector<256x128xi32>
        %shift_right_logical3A_2458 = arith.shrui %xor3A_2451, %shift_right_logical3A_2457 : vector<256x128xi32>
        %or3A_2459 = arith.ori %shift_left3A_2455, %shift_right_logical3A_2458 : vector<256x128xi32>
        %xor3A_2460 = arith.xori %add3A_2452, %or3A_2459 : vector<256x128xi32>
        %add3A_2461 = arith.addi %add3A_2452, %add3A_2330 : vector<256x128xi32>
        %add3A_2462 = arith.addi %xor3A_2460, %add3A_2334 : vector<256x128xi32>
        %add3A_2463 = arith.constant 3 : i32
        %add3A_2464 = vector.broadcast %add3A_2463 : i32 to vector<256x128xi32>
        %add3A_2465 = arith.addi %add3A_2462, %add3A_2464 : vector<256x128xi32>
        %add3A_2466 = arith.addi %add3A_2461, %add3A_2465 : vector<256x128xi32>
        %shift_left3A_2467 = arith.constant 17 : i32
        %shift_left3A_2468 = vector.broadcast %shift_left3A_2467 : i32 to vector<256x128xi32>
        %shift_left3A_2469 = arith.shli %add3A_2465, %shift_left3A_2468 : vector<256x128xi32>
        %shift_right_logical3A_2470 = arith.constant 15 : i32
        %shift_right_logical3A_2471 = vector.broadcast %shift_right_logical3A_2470 : i32 to vector<256x128xi32>
        %shift_right_logical3A_2472 = arith.shrui %add3A_2465, %shift_right_logical3A_2471 : vector<256x128xi32>
        %or3A_2473 = arith.ori %shift_left3A_2469, %shift_right_logical3A_2472 : vector<256x128xi32>
        %xor3A_2474 = arith.xori %add3A_2466, %or3A_2473 : vector<256x128xi32>
        %add3A_2475 = arith.addi %add3A_2466, %xor3A_2474 : vector<256x128xi32>
        %shift_left3A_2476 = arith.constant 29 : i32
        %shift_left3A_2477 = vector.broadcast %shift_left3A_2476 : i32 to vector<256x128xi32>
        %shift_left3A_2478 = arith.shli %xor3A_2474, %shift_left3A_2477 : vector<256x128xi32>
        %shift_right_logical3A_2479 = arith.constant 3 : i32
        %shift_right_logical3A_2480 = vector.broadcast %shift_right_logical3A_2479 : i32 to vector<256x128xi32>
        %shift_right_logical3A_2481 = arith.shrui %xor3A_2474, %shift_right_logical3A_2480 : vector<256x128xi32>
        %or3A_2482 = arith.ori %shift_left3A_2478, %shift_right_logical3A_2481 : vector<256x128xi32>
        %xor3A_2483 = arith.xori %add3A_2475, %or3A_2482 : vector<256x128xi32>
        %add3A_2484 = arith.addi %add3A_2475, %xor3A_2483 : vector<256x128xi32>
        %shift_left3A_2485 = arith.constant 16 : i32
        %shift_left3A_2486 = vector.broadcast %shift_left3A_2485 : i32 to vector<256x128xi32>
        %shift_left3A_2487 = arith.shli %xor3A_2483, %shift_left3A_2486 : vector<256x128xi32>
        %shift_right_logical3A_2488 = arith.constant 16 : i32
        %shift_right_logical3A_2489 = vector.broadcast %shift_right_logical3A_2488 : i32 to vector<256x128xi32>
        %shift_right_logical3A_2490 = arith.shrui %xor3A_2483, %shift_right_logical3A_2489 : vector<256x128xi32>
        %or3A_2491 = arith.ori %shift_left3A_2487, %shift_right_logical3A_2490 : vector<256x128xi32>
        %xor3A_2492 = arith.xori %add3A_2484, %or3A_2491 : vector<256x128xi32>
        %add3A_2493 = arith.addi %add3A_2484, %xor3A_2492 : vector<256x128xi32>
        %shift_left3A_2494 = arith.constant 24 : i32
        %shift_left3A_2495 = vector.broadcast %shift_left3A_2494 : i32 to vector<256x128xi32>
        %shift_left3A_2496 = arith.shli %xor3A_2492, %shift_left3A_2495 : vector<256x128xi32>
        %shift_right_logical3A_2497 = arith.constant 8 : i32
        %shift_right_logical3A_2498 = vector.broadcast %shift_right_logical3A_2497 : i32 to vector<256x128xi32>
        %shift_right_logical3A_2499 = arith.shrui %xor3A_2492, %shift_right_logical3A_2498 : vector<256x128xi32>
        %or3A_2500 = arith.ori %shift_left3A_2496, %shift_right_logical3A_2499 : vector<256x128xi32>
        %xor3A_2501 = arith.xori %add3A_2493, %or3A_2500 : vector<256x128xi32>
        %add3A_2502 = arith.addi %add3A_2493, %add3A_2334 : vector<256x128xi32>
        %add3A_2503 = arith.addi %xor3A_2501, %xor3A_2340 : vector<256x128xi32>
        %add3A_2504 = arith.constant 4 : i32
        %add3A_2505 = vector.broadcast %add3A_2504 : i32 to vector<256x128xi32>
        %add3A_2506 = arith.addi %add3A_2503, %add3A_2505 : vector<256x128xi32>
        %add3A_2507 = arith.addi %add3A_2502, %add3A_2506 : vector<256x128xi32>
        %shift_left3A_2508 = arith.constant 13 : i32
        %shift_left3A_2509 = vector.broadcast %shift_left3A_2508 : i32 to vector<256x128xi32>
        %shift_left3A_2510 = arith.shli %add3A_2506, %shift_left3A_2509 : vector<256x128xi32>
        %shift_right_logical3A_2511 = arith.constant 19 : i32
        %shift_right_logical3A_2512 = vector.broadcast %shift_right_logical3A_2511 : i32 to vector<256x128xi32>
        %shift_right_logical3A_2513 = arith.shrui %add3A_2506, %shift_right_logical3A_2512 : vector<256x128xi32>
        %or3A_2514 = arith.ori %shift_left3A_2510, %shift_right_logical3A_2513 : vector<256x128xi32>
        %xor3A_2515 = arith.xori %add3A_2507, %or3A_2514 : vector<256x128xi32>
        %add3A_2516 = arith.addi %add3A_2507, %xor3A_2515 : vector<256x128xi32>
        %shift_left3A_2517 = arith.constant 15 : i32
        %shift_left3A_2518 = vector.broadcast %shift_left3A_2517 : i32 to vector<256x128xi32>
        %shift_left3A_2519 = arith.shli %xor3A_2515, %shift_left3A_2518 : vector<256x128xi32>
        %shift_right_logical3A_2520 = arith.constant 17 : i32
        %shift_right_logical3A_2521 = vector.broadcast %shift_right_logical3A_2520 : i32 to vector<256x128xi32>
        %shift_right_logical3A_2522 = arith.shrui %xor3A_2515, %shift_right_logical3A_2521 : vector<256x128xi32>
        %or3A_2523 = arith.ori %shift_left3A_2519, %shift_right_logical3A_2522 : vector<256x128xi32>
        %xor3A_2524 = arith.xori %add3A_2516, %or3A_2523 : vector<256x128xi32>
        %add3A_2525 = arith.addi %add3A_2516, %xor3A_2524 : vector<256x128xi32>
        %shift_left3A_2526 = arith.constant 26 : i32
        %shift_left3A_2527 = vector.broadcast %shift_left3A_2526 : i32 to vector<256x128xi32>
        %shift_left3A_2528 = arith.shli %xor3A_2524, %shift_left3A_2527 : vector<256x128xi32>
        %shift_right_logical3A_2529 = arith.constant 6 : i32
        %shift_right_logical3A_2530 = vector.broadcast %shift_right_logical3A_2529 : i32 to vector<256x128xi32>
        %shift_right_logical3A_2531 = arith.shrui %xor3A_2524, %shift_right_logical3A_2530 : vector<256x128xi32>
        %or3A_2532 = arith.ori %shift_left3A_2528, %shift_right_logical3A_2531 : vector<256x128xi32>
        %xor3A_2533 = arith.xori %add3A_2525, %or3A_2532 : vector<256x128xi32>
        %add3A_2534 = arith.addi %add3A_2525, %xor3A_2533 : vector<256x128xi32>
        %shift_left3A_2535 = arith.constant 6 : i32
        %shift_left3A_2536 = vector.broadcast %shift_left3A_2535 : i32 to vector<256x128xi32>
        %shift_left3A_2537 = arith.shli %xor3A_2533, %shift_left3A_2536 : vector<256x128xi32>
        %shift_right_logical3A_2538 = arith.constant 26 : i32
        %shift_right_logical3A_2539 = vector.broadcast %shift_right_logical3A_2538 : i32 to vector<256x128xi32>
        %shift_right_logical3A_2540 = arith.shrui %xor3A_2533, %shift_right_logical3A_2539 : vector<256x128xi32>
        %or3A_2541 = arith.ori %shift_left3A_2537, %shift_right_logical3A_2540 : vector<256x128xi32>
        %xor3A_2542 = arith.xori %add3A_2534, %or3A_2541 : vector<256x128xi32>
        %add3A_2543 = arith.addi %add3A_2534, %xor3A_2340 : vector<256x128xi32>
        %add3A_2544 = arith.addi %xor3A_2542, %add3A_2330 : vector<256x128xi32>
        %add3A_2545 = arith.constant 5 : i32
        %add3A_2546 = vector.broadcast %add3A_2545 : i32 to vector<256x128xi32>
        %add3A_2547 = arith.addi %add3A_2544, %add3A_2546 : vector<256x128xi32>
        %xor3A_2548 = arith.xori %add3A_2543, %add3A_2547 : vector<256x128xi32>
        %shift_right_logical3A_2549 = arith.constant 9 : i32
        %shift_right_logical3A_2550 = vector.broadcast %shift_right_logical3A_2549 : i32 to vector<256x128xi32>
        %shift_right_logical3A_2551 = arith.shrui %xor3A_2548, %shift_right_logical3A_2550 : vector<256x128xi32>
        %or3A_2552 = arith.constant 1065353216 : i32
        %or3A_2553 = vector.broadcast %or3A_2552 : i32 to vector<256x128xi32>
        %or3A_2554 = arith.ori %shift_right_logical3A_2551, %or3A_2553 : vector<256x128xi32>
        %bitcast_convert_type3A_2555 = tpu.bitcast %or3A_2554 : vector<256x128xi32> -> vector<256x128xf32>
        %sub3A_2556 = arith.constant 1.000000e+00 : f32
        %sub3A_2557 = vector.broadcast %sub3A_2556 : f32 to vector<256x128xf32>
        %sub3A_2558 = arith.subf %bitcast_convert_type3A_2555, %sub3A_2557 : vector<256x128xf32>
        %mul3A_2559 = arith.constant 2.000000e+00 : f32
        %mul3A_2560 = vector.broadcast %mul3A_2559 : f32 to vector<256x128xf32>
        %mul3A_2561 = arith.mulf %sub3A_2558, %mul3A_2560 : vector<256x128xf32>
        %add3A_2562 = arith.constant -0.99999994 : f32
        %add3A_2563 = vector.broadcast %add3A_2562 : f32 to vector<256x128xf32>
        %add3A_2564 = arith.addf %mul3A_2561, %add3A_2563 : vector<256x128xf32>
        %max3A_2565 = arith.constant -0.99999994 : f32
        %max3A_2566 = vector.broadcast %max3A_2565 : f32 to vector<256x128xf32>
        %max3A_2567 = arith.maximumf %max3A_2566, %add3A_2564 : vector<256x128xf32>
        %neg3A_2568 = arith.constant 0.000000e+00 : f32
        %neg3A_2569 = vector.broadcast %neg3A_2568 : f32 to vector<256x128xf32>
        %neg3A_2570 = arith.subf %neg3A_2569, %max3A_2567 : vector<256x128xf32>
        %mul3A_2571 = arith.mulf %neg3A_2570, %max3A_2567 : vector<256x128xf32>
        %log1p3A_2572 = math.log1p %mul3A_2571 : vector<256x128xf32>
        %neg3A_2573 = arith.constant 0.000000e+00 : f32
        %neg3A_2574 = vector.broadcast %neg3A_2573 : f32 to vector<256x128xf32>
        %neg3A_2575 = arith.subf %neg3A_2574, %log1p3A_2572 : vector<256x128xf32>
        %lt3A_2576 = arith.constant 5.000000e+00 : f32
        %lt3A_2577 = vector.broadcast %lt3A_2576 : f32 to vector<256x128xf32>
        %lt3A_2578 = arith.cmpf olt, %neg3A_2575, %lt3A_2577 : vector<256x128xf32>
        %sub3A_2579 = arith.constant 2.500000e+00 : f32
        %sub3A_2580 = vector.broadcast %sub3A_2579 : f32 to vector<256x128xf32>
        %sub3A_2581 = arith.subf %neg3A_2575, %sub3A_2580 : vector<256x128xf32>
        %broadcast_in_dim3A_2582 = arith.constant 2.81022636E-8 : f32
        %broadcast_in_dim3A_2583 = vector.broadcast %broadcast_in_dim3A_2582 : f32 to vector<256x128xf32>
        %mul3A_2584 = arith.mulf %broadcast_in_dim3A_2583, %sub3A_2581 : vector<256x128xf32>
        %add3A_2585 = arith.constant 3.43273939E-7 : f32
        %add3A_2586 = vector.broadcast %add3A_2585 : f32 to vector<256x128xf32>
        %add3A_2587 = arith.addf %add3A_2586, %mul3A_2584 : vector<256x128xf32>
        %mul3A_2588 = arith.mulf %add3A_2587, %sub3A_2581 : vector<256x128xf32>
        %add3A_2589 = arith.constant -3.5233877E-6 : f32
        %add3A_2590 = vector.broadcast %add3A_2589 : f32 to vector<256x128xf32>
        %add3A_2591 = arith.addf %add3A_2590, %mul3A_2588 : vector<256x128xf32>
        %mul3A_2592 = arith.mulf %add3A_2591, %sub3A_2581 : vector<256x128xf32>
        %add3A_2593 = arith.constant -4.39150654E-6 : f32
        %add3A_2594 = vector.broadcast %add3A_2593 : f32 to vector<256x128xf32>
        %add3A_2595 = arith.addf %add3A_2594, %mul3A_2592 : vector<256x128xf32>
        %mul3A_2596 = arith.mulf %add3A_2595, %sub3A_2581 : vector<256x128xf32>
        %add3A_2597 = arith.constant 2.1858087E-4 : f32
        %add3A_2598 = vector.broadcast %add3A_2597 : f32 to vector<256x128xf32>
        %add3A_2599 = arith.addf %add3A_2598, %mul3A_2596 : vector<256x128xf32>
        %mul3A_2600 = arith.mulf %add3A_2599, %sub3A_2581 : vector<256x128xf32>
        %add3A_2601 = arith.constant -0.00125372503 : f32
        %add3A_2602 = vector.broadcast %add3A_2601 : f32 to vector<256x128xf32>
        %add3A_2603 = arith.addf %add3A_2602, %mul3A_2600 : vector<256x128xf32>
        %mul3A_2604 = arith.mulf %add3A_2603, %sub3A_2581 : vector<256x128xf32>
        %add3A_2605 = arith.constant -0.00417768164 : f32
        %add3A_2606 = vector.broadcast %add3A_2605 : f32 to vector<256x128xf32>
        %add3A_2607 = arith.addf %add3A_2606, %mul3A_2604 : vector<256x128xf32>
        %mul3A_2608 = arith.mulf %add3A_2607, %sub3A_2581 : vector<256x128xf32>
        %add3A_2609 = arith.constant 0.246640727 : f32
        %add3A_2610 = vector.broadcast %add3A_2609 : f32 to vector<256x128xf32>
        %add3A_2611 = arith.addf %add3A_2610, %mul3A_2608 : vector<256x128xf32>
        %mul3A_2612 = arith.mulf %add3A_2611, %sub3A_2581 : vector<256x128xf32>
        %add3A_2613 = arith.constant 1.50140941 : f32
        %add3A_2614 = vector.broadcast %add3A_2613 : f32 to vector<256x128xf32>
        %add3A_2615 = arith.addf %add3A_2614, %mul3A_2612 : vector<256x128xf32>
        %sqrt3A_2616 = math.sqrt %neg3A_2575 : vector<256x128xf32>
        %sub3A_2617 = arith.constant 3.000000e+00 : f32
        %sub3A_2618 = vector.broadcast %sub3A_2617 : f32 to vector<256x128xf32>
        %sub3A_2619 = arith.subf %sqrt3A_2616, %sub3A_2618 : vector<256x128xf32>
        %broadcast_in_dim3A_2620 = arith.constant -2.00214257E-4 : f32
        %broadcast_in_dim3A_2621 = vector.broadcast %broadcast_in_dim3A_2620 : f32 to vector<256x128xf32>
        %mul3A_2622 = arith.mulf %broadcast_in_dim3A_2621, %sub3A_2619 : vector<256x128xf32>
        %add3A_2623 = arith.constant 1.00950558E-4 : f32
        %add3A_2624 = vector.broadcast %add3A_2623 : f32 to vector<256x128xf32>
        %add3A_2625 = arith.addf %add3A_2624, %mul3A_2622 : vector<256x128xf32>
        %mul3A_2626 = arith.mulf %add3A_2625, %sub3A_2619 : vector<256x128xf32>
        %add3A_2627 = arith.constant 0.00134934322 : f32
        %add3A_2628 = vector.broadcast %add3A_2627 : f32 to vector<256x128xf32>
        %add3A_2629 = arith.addf %add3A_2628, %mul3A_2626 : vector<256x128xf32>
        %mul3A_2630 = arith.mulf %add3A_2629, %sub3A_2619 : vector<256x128xf32>
        %add3A_2631 = arith.constant -0.00367342844 : f32
        %add3A_2632 = vector.broadcast %add3A_2631 : f32 to vector<256x128xf32>
        %add3A_2633 = arith.addf %add3A_2632, %mul3A_2630 : vector<256x128xf32>
        %mul3A_2634 = arith.mulf %add3A_2633, %sub3A_2619 : vector<256x128xf32>
        %add3A_2635 = arith.constant 0.00573950773 : f32
        %add3A_2636 = vector.broadcast %add3A_2635 : f32 to vector<256x128xf32>
        %add3A_2637 = arith.addf %add3A_2636, %mul3A_2634 : vector<256x128xf32>
        %mul3A_2638 = arith.mulf %add3A_2637, %sub3A_2619 : vector<256x128xf32>
        %add3A_2639 = arith.constant -0.0076224613 : f32
        %add3A_2640 = vector.broadcast %add3A_2639 : f32 to vector<256x128xf32>
        %add3A_2641 = arith.addf %add3A_2640, %mul3A_2638 : vector<256x128xf32>
        %mul3A_2642 = arith.mulf %add3A_2641, %sub3A_2619 : vector<256x128xf32>
        %add3A_2643 = arith.constant 0.00943887047 : f32
        %add3A_2644 = vector.broadcast %add3A_2643 : f32 to vector<256x128xf32>
        %add3A_2645 = arith.addf %add3A_2644, %mul3A_2642 : vector<256x128xf32>
        %mul3A_2646 = arith.mulf %add3A_2645, %sub3A_2619 : vector<256x128xf32>
        %add3A_2647 = arith.constant 1.00167406 : f32
        %add3A_2648 = vector.broadcast %add3A_2647 : f32 to vector<256x128xf32>
        %add3A_2649 = arith.addf %add3A_2648, %mul3A_2646 : vector<256x128xf32>
        %mul3A_2650 = arith.mulf %add3A_2649, %sub3A_2619 : vector<256x128xf32>
        %add3A_2651 = arith.constant 2.83297682 : f32
        %add3A_2652 = vector.broadcast %add3A_2651 : f32 to vector<256x128xf32>
        %add3A_2653 = arith.addf %add3A_2652, %mul3A_2650 : vector<256x128xf32>
        %select_n3A_2654 = arith.select %lt3A_2578, %add3A_2615, %add3A_2653 : vector<256x128xi1>, vector<256x128xf32>
        %mul3A_2655 = arith.mulf %select_n3A_2654, %max3A_2567 : vector<256x128xf32>
        %mul3A_2656 = arith.constant 1.41421354 : f32
        %mul3A_2657 = vector.broadcast %mul3A_2656 : f32 to vector<256x128xf32>
        %mul3A_2658 = arith.mulf %mul3A_2657, %mul3A_2655 : vector<256x128xf32>
        %broadcast_in_dim3A_2659 = arith.constant 0 : i32
        %broadcast_in_dim3A_2660 = vector.broadcast %broadcast_in_dim3A_2659 : i32 to vector<256x128xi32>
        %add3A_2661 = arith.constant 0 : i32
        %add3A_2662 = vector.broadcast %add3A_2661 : i32 to vector<256x128xi32>
        %add3A_2663 = arith.addi %broadcast_in_dim3A_2660, %add3A_2662 : vector<256x128xi32>
        %xor3A_2664 = arith.xori %get3A_1893, %get3A_1896 : vector<256x128xi32>
        %xor3A_2665 = arith.constant 466688986 : i32
        %xor3A_2666 = vector.broadcast %xor3A_2665 : i32 to vector<256x128xi32>
        %xor3A_2667 = arith.xori %xor3A_2664, %xor3A_2666 : vector<256x128xi32>
        %add3A_2668 = arith.addi %broadcast_in_dim3A_2660, %get3A_1893 : vector<256x128xi32>
        %add3A_2669 = arith.addi %add3A_2663, %get3A_1896 : vector<256x128xi32>
        %add3A_2670 = arith.addi %add3A_2668, %add3A_2669 : vector<256x128xi32>
        %shift_left3A_2671 = arith.constant 13 : i32
        %shift_left3A_2672 = vector.broadcast %shift_left3A_2671 : i32 to vector<256x128xi32>
        %shift_left3A_2673 = arith.shli %add3A_2669, %shift_left3A_2672 : vector<256x128xi32>
        %shift_right_logical3A_2674 = arith.constant 19 : i32
        %shift_right_logical3A_2675 = vector.broadcast %shift_right_logical3A_2674 : i32 to vector<256x128xi32>
        %shift_right_logical3A_2676 = arith.shrui %add3A_2669, %shift_right_logical3A_2675 : vector<256x128xi32>
        %or3A_2677 = arith.ori %shift_left3A_2673, %shift_right_logical3A_2676 : vector<256x128xi32>
        %xor3A_2678 = arith.xori %add3A_2670, %or3A_2677 : vector<256x128xi32>
        %add3A_2679 = arith.addi %add3A_2670, %xor3A_2678 : vector<256x128xi32>
        %shift_left3A_2680 = arith.constant 15 : i32
        %shift_left3A_2681 = vector.broadcast %shift_left3A_2680 : i32 to vector<256x128xi32>
        %shift_left3A_2682 = arith.shli %xor3A_2678, %shift_left3A_2681 : vector<256x128xi32>
        %shift_right_logical3A_2683 = arith.constant 17 : i32
        %shift_right_logical3A_2684 = vector.broadcast %shift_right_logical3A_2683 : i32 to vector<256x128xi32>
        %shift_right_logical3A_2685 = arith.shrui %xor3A_2678, %shift_right_logical3A_2684 : vector<256x128xi32>
        %or3A_2686 = arith.ori %shift_left3A_2682, %shift_right_logical3A_2685 : vector<256x128xi32>
        %xor3A_2687 = arith.xori %add3A_2679, %or3A_2686 : vector<256x128xi32>
        %add3A_2688 = arith.addi %add3A_2679, %xor3A_2687 : vector<256x128xi32>
        %shift_left3A_2689 = arith.constant 26 : i32
        %shift_left3A_2690 = vector.broadcast %shift_left3A_2689 : i32 to vector<256x128xi32>
        %shift_left3A_2691 = arith.shli %xor3A_2687, %shift_left3A_2690 : vector<256x128xi32>
        %shift_right_logical3A_2692 = arith.constant 6 : i32
        %shift_right_logical3A_2693 = vector.broadcast %shift_right_logical3A_2692 : i32 to vector<256x128xi32>
        %shift_right_logical3A_2694 = arith.shrui %xor3A_2687, %shift_right_logical3A_2693 : vector<256x128xi32>
        %or3A_2695 = arith.ori %shift_left3A_2691, %shift_right_logical3A_2694 : vector<256x128xi32>
        %xor3A_2696 = arith.xori %add3A_2688, %or3A_2695 : vector<256x128xi32>
        %add3A_2697 = arith.addi %add3A_2688, %xor3A_2696 : vector<256x128xi32>
        %shift_left3A_2698 = arith.constant 6 : i32
        %shift_left3A_2699 = vector.broadcast %shift_left3A_2698 : i32 to vector<256x128xi32>
        %shift_left3A_2700 = arith.shli %xor3A_2696, %shift_left3A_2699 : vector<256x128xi32>
        %shift_right_logical3A_2701 = arith.constant 26 : i32
        %shift_right_logical3A_2702 = vector.broadcast %shift_right_logical3A_2701 : i32 to vector<256x128xi32>
        %shift_right_logical3A_2703 = arith.shrui %xor3A_2696, %shift_right_logical3A_2702 : vector<256x128xi32>
        %or3A_2704 = arith.ori %shift_left3A_2700, %shift_right_logical3A_2703 : vector<256x128xi32>
        %xor3A_2705 = arith.xori %add3A_2697, %or3A_2704 : vector<256x128xi32>
        %add3A_2706 = arith.addi %add3A_2697, %get3A_1896 : vector<256x128xi32>
        %add3A_2707 = arith.addi %xor3A_2705, %xor3A_2667 : vector<256x128xi32>
        %add3A_2708 = arith.constant 1 : i32
        %add3A_2709 = vector.broadcast %add3A_2708 : i32 to vector<256x128xi32>
        %add3A_2710 = arith.addi %add3A_2707, %add3A_2709 : vector<256x128xi32>
        %add3A_2711 = arith.addi %add3A_2706, %add3A_2710 : vector<256x128xi32>
        %shift_left3A_2712 = arith.constant 17 : i32
        %shift_left3A_2713 = vector.broadcast %shift_left3A_2712 : i32 to vector<256x128xi32>
        %shift_left3A_2714 = arith.shli %add3A_2710, %shift_left3A_2713 : vector<256x128xi32>
        %shift_right_logical3A_2715 = arith.constant 15 : i32
        %shift_right_logical3A_2716 = vector.broadcast %shift_right_logical3A_2715 : i32 to vector<256x128xi32>
        %shift_right_logical3A_2717 = arith.shrui %add3A_2710, %shift_right_logical3A_2716 : vector<256x128xi32>
        %or3A_2718 = arith.ori %shift_left3A_2714, %shift_right_logical3A_2717 : vector<256x128xi32>
        %xor3A_2719 = arith.xori %add3A_2711, %or3A_2718 : vector<256x128xi32>
        %add3A_2720 = arith.addi %add3A_2711, %xor3A_2719 : vector<256x128xi32>
        %shift_left3A_2721 = arith.constant 29 : i32
        %shift_left3A_2722 = vector.broadcast %shift_left3A_2721 : i32 to vector<256x128xi32>
        %shift_left3A_2723 = arith.shli %xor3A_2719, %shift_left3A_2722 : vector<256x128xi32>
        %shift_right_logical3A_2724 = arith.constant 3 : i32
        %shift_right_logical3A_2725 = vector.broadcast %shift_right_logical3A_2724 : i32 to vector<256x128xi32>
        %shift_right_logical3A_2726 = arith.shrui %xor3A_2719, %shift_right_logical3A_2725 : vector<256x128xi32>
        %or3A_2727 = arith.ori %shift_left3A_2723, %shift_right_logical3A_2726 : vector<256x128xi32>
        %xor3A_2728 = arith.xori %add3A_2720, %or3A_2727 : vector<256x128xi32>
        %add3A_2729 = arith.addi %add3A_2720, %xor3A_2728 : vector<256x128xi32>
        %shift_left3A_2730 = arith.constant 16 : i32
        %shift_left3A_2731 = vector.broadcast %shift_left3A_2730 : i32 to vector<256x128xi32>
        %shift_left3A_2732 = arith.shli %xor3A_2728, %shift_left3A_2731 : vector<256x128xi32>
        %shift_right_logical3A_2733 = arith.constant 16 : i32
        %shift_right_logical3A_2734 = vector.broadcast %shift_right_logical3A_2733 : i32 to vector<256x128xi32>
        %shift_right_logical3A_2735 = arith.shrui %xor3A_2728, %shift_right_logical3A_2734 : vector<256x128xi32>
        %or3A_2736 = arith.ori %shift_left3A_2732, %shift_right_logical3A_2735 : vector<256x128xi32>
        %xor3A_2737 = arith.xori %add3A_2729, %or3A_2736 : vector<256x128xi32>
        %add3A_2738 = arith.addi %add3A_2729, %xor3A_2737 : vector<256x128xi32>
        %shift_left3A_2739 = arith.constant 24 : i32
        %shift_left3A_2740 = vector.broadcast %shift_left3A_2739 : i32 to vector<256x128xi32>
        %shift_left3A_2741 = arith.shli %xor3A_2737, %shift_left3A_2740 : vector<256x128xi32>
        %shift_right_logical3A_2742 = arith.constant 8 : i32
        %shift_right_logical3A_2743 = vector.broadcast %shift_right_logical3A_2742 : i32 to vector<256x128xi32>
        %shift_right_logical3A_2744 = arith.shrui %xor3A_2737, %shift_right_logical3A_2743 : vector<256x128xi32>
        %or3A_2745 = arith.ori %shift_left3A_2741, %shift_right_logical3A_2744 : vector<256x128xi32>
        %xor3A_2746 = arith.xori %add3A_2738, %or3A_2745 : vector<256x128xi32>
        %add3A_2747 = arith.addi %add3A_2738, %xor3A_2667 : vector<256x128xi32>
        %add3A_2748 = arith.addi %xor3A_2746, %get3A_1893 : vector<256x128xi32>
        %add3A_2749 = arith.constant 2 : i32
        %add3A_2750 = vector.broadcast %add3A_2749 : i32 to vector<256x128xi32>
        %add3A_2751 = arith.addi %add3A_2748, %add3A_2750 : vector<256x128xi32>
        %add3A_2752 = arith.addi %add3A_2747, %add3A_2751 : vector<256x128xi32>
        %shift_left3A_2753 = arith.constant 13 : i32
        %shift_left3A_2754 = vector.broadcast %shift_left3A_2753 : i32 to vector<256x128xi32>
        %shift_left3A_2755 = arith.shli %add3A_2751, %shift_left3A_2754 : vector<256x128xi32>
        %shift_right_logical3A_2756 = arith.constant 19 : i32
        %shift_right_logical3A_2757 = vector.broadcast %shift_right_logical3A_2756 : i32 to vector<256x128xi32>
        %shift_right_logical3A_2758 = arith.shrui %add3A_2751, %shift_right_logical3A_2757 : vector<256x128xi32>
        %or3A_2759 = arith.ori %shift_left3A_2755, %shift_right_logical3A_2758 : vector<256x128xi32>
        %xor3A_2760 = arith.xori %add3A_2752, %or3A_2759 : vector<256x128xi32>
        %add3A_2761 = arith.addi %add3A_2752, %xor3A_2760 : vector<256x128xi32>
        %shift_left3A_2762 = arith.constant 15 : i32
        %shift_left3A_2763 = vector.broadcast %shift_left3A_2762 : i32 to vector<256x128xi32>
        %shift_left3A_2764 = arith.shli %xor3A_2760, %shift_left3A_2763 : vector<256x128xi32>
        %shift_right_logical3A_2765 = arith.constant 17 : i32
        %shift_right_logical3A_2766 = vector.broadcast %shift_right_logical3A_2765 : i32 to vector<256x128xi32>
        %shift_right_logical3A_2767 = arith.shrui %xor3A_2760, %shift_right_logical3A_2766 : vector<256x128xi32>
        %or3A_2768 = arith.ori %shift_left3A_2764, %shift_right_logical3A_2767 : vector<256x128xi32>
        %xor3A_2769 = arith.xori %add3A_2761, %or3A_2768 : vector<256x128xi32>
        %add3A_2770 = arith.addi %add3A_2761, %xor3A_2769 : vector<256x128xi32>
        %shift_left3A_2771 = arith.constant 26 : i32
        %shift_left3A_2772 = vector.broadcast %shift_left3A_2771 : i32 to vector<256x128xi32>
        %shift_left3A_2773 = arith.shli %xor3A_2769, %shift_left3A_2772 : vector<256x128xi32>
        %shift_right_logical3A_2774 = arith.constant 6 : i32
        %shift_right_logical3A_2775 = vector.broadcast %shift_right_logical3A_2774 : i32 to vector<256x128xi32>
        %shift_right_logical3A_2776 = arith.shrui %xor3A_2769, %shift_right_logical3A_2775 : vector<256x128xi32>
        %or3A_2777 = arith.ori %shift_left3A_2773, %shift_right_logical3A_2776 : vector<256x128xi32>
        %xor3A_2778 = arith.xori %add3A_2770, %or3A_2777 : vector<256x128xi32>
        %add3A_2779 = arith.addi %add3A_2770, %xor3A_2778 : vector<256x128xi32>
        %shift_left3A_2780 = arith.constant 6 : i32
        %shift_left3A_2781 = vector.broadcast %shift_left3A_2780 : i32 to vector<256x128xi32>
        %shift_left3A_2782 = arith.shli %xor3A_2778, %shift_left3A_2781 : vector<256x128xi32>
        %shift_right_logical3A_2783 = arith.constant 26 : i32
        %shift_right_logical3A_2784 = vector.broadcast %shift_right_logical3A_2783 : i32 to vector<256x128xi32>
        %shift_right_logical3A_2785 = arith.shrui %xor3A_2778, %shift_right_logical3A_2784 : vector<256x128xi32>
        %or3A_2786 = arith.ori %shift_left3A_2782, %shift_right_logical3A_2785 : vector<256x128xi32>
        %xor3A_2787 = arith.xori %add3A_2779, %or3A_2786 : vector<256x128xi32>
        %add3A_2788 = arith.addi %add3A_2779, %get3A_1893 : vector<256x128xi32>
        %add3A_2789 = arith.addi %xor3A_2787, %get3A_1896 : vector<256x128xi32>
        %add3A_2790 = arith.constant 3 : i32
        %add3A_2791 = vector.broadcast %add3A_2790 : i32 to vector<256x128xi32>
        %add3A_2792 = arith.addi %add3A_2789, %add3A_2791 : vector<256x128xi32>
        %add3A_2793 = arith.addi %add3A_2788, %add3A_2792 : vector<256x128xi32>
        %shift_left3A_2794 = arith.constant 17 : i32
        %shift_left3A_2795 = vector.broadcast %shift_left3A_2794 : i32 to vector<256x128xi32>
        %shift_left3A_2796 = arith.shli %add3A_2792, %shift_left3A_2795 : vector<256x128xi32>
        %shift_right_logical3A_2797 = arith.constant 15 : i32
        %shift_right_logical3A_2798 = vector.broadcast %shift_right_logical3A_2797 : i32 to vector<256x128xi32>
        %shift_right_logical3A_2799 = arith.shrui %add3A_2792, %shift_right_logical3A_2798 : vector<256x128xi32>
        %or3A_2800 = arith.ori %shift_left3A_2796, %shift_right_logical3A_2799 : vector<256x128xi32>
        %xor3A_2801 = arith.xori %add3A_2793, %or3A_2800 : vector<256x128xi32>
        %add3A_2802 = arith.addi %add3A_2793, %xor3A_2801 : vector<256x128xi32>
        %shift_left3A_2803 = arith.constant 29 : i32
        %shift_left3A_2804 = vector.broadcast %shift_left3A_2803 : i32 to vector<256x128xi32>
        %shift_left3A_2805 = arith.shli %xor3A_2801, %shift_left3A_2804 : vector<256x128xi32>
        %shift_right_logical3A_2806 = arith.constant 3 : i32
        %shift_right_logical3A_2807 = vector.broadcast %shift_right_logical3A_2806 : i32 to vector<256x128xi32>
        %shift_right_logical3A_2808 = arith.shrui %xor3A_2801, %shift_right_logical3A_2807 : vector<256x128xi32>
        %or3A_2809 = arith.ori %shift_left3A_2805, %shift_right_logical3A_2808 : vector<256x128xi32>
        %xor3A_2810 = arith.xori %add3A_2802, %or3A_2809 : vector<256x128xi32>
        %add3A_2811 = arith.addi %add3A_2802, %xor3A_2810 : vector<256x128xi32>
        %shift_left3A_2812 = arith.constant 16 : i32
        %shift_left3A_2813 = vector.broadcast %shift_left3A_2812 : i32 to vector<256x128xi32>
        %shift_left3A_2814 = arith.shli %xor3A_2810, %shift_left3A_2813 : vector<256x128xi32>
        %shift_right_logical3A_2815 = arith.constant 16 : i32
        %shift_right_logical3A_2816 = vector.broadcast %shift_right_logical3A_2815 : i32 to vector<256x128xi32>
        %shift_right_logical3A_2817 = arith.shrui %xor3A_2810, %shift_right_logical3A_2816 : vector<256x128xi32>
        %or3A_2818 = arith.ori %shift_left3A_2814, %shift_right_logical3A_2817 : vector<256x128xi32>
        %xor3A_2819 = arith.xori %add3A_2811, %or3A_2818 : vector<256x128xi32>
        %add3A_2820 = arith.addi %add3A_2811, %xor3A_2819 : vector<256x128xi32>
        %shift_left3A_2821 = arith.constant 24 : i32
        %shift_left3A_2822 = vector.broadcast %shift_left3A_2821 : i32 to vector<256x128xi32>
        %shift_left3A_2823 = arith.shli %xor3A_2819, %shift_left3A_2822 : vector<256x128xi32>
        %shift_right_logical3A_2824 = arith.constant 8 : i32
        %shift_right_logical3A_2825 = vector.broadcast %shift_right_logical3A_2824 : i32 to vector<256x128xi32>
        %shift_right_logical3A_2826 = arith.shrui %xor3A_2819, %shift_right_logical3A_2825 : vector<256x128xi32>
        %or3A_2827 = arith.ori %shift_left3A_2823, %shift_right_logical3A_2826 : vector<256x128xi32>
        %xor3A_2828 = arith.xori %add3A_2820, %or3A_2827 : vector<256x128xi32>
        %add3A_2829 = arith.addi %add3A_2820, %get3A_1896 : vector<256x128xi32>
        %add3A_2830 = arith.addi %xor3A_2828, %xor3A_2667 : vector<256x128xi32>
        %add3A_2831 = arith.constant 4 : i32
        %add3A_2832 = vector.broadcast %add3A_2831 : i32 to vector<256x128xi32>
        %add3A_2833 = arith.addi %add3A_2830, %add3A_2832 : vector<256x128xi32>
        %add3A_2834 = arith.addi %add3A_2829, %add3A_2833 : vector<256x128xi32>
        %shift_left3A_2835 = arith.constant 13 : i32
        %shift_left3A_2836 = vector.broadcast %shift_left3A_2835 : i32 to vector<256x128xi32>
        %shift_left3A_2837 = arith.shli %add3A_2833, %shift_left3A_2836 : vector<256x128xi32>
        %shift_right_logical3A_2838 = arith.constant 19 : i32
        %shift_right_logical3A_2839 = vector.broadcast %shift_right_logical3A_2838 : i32 to vector<256x128xi32>
        %shift_right_logical3A_2840 = arith.shrui %add3A_2833, %shift_right_logical3A_2839 : vector<256x128xi32>
        %or3A_2841 = arith.ori %shift_left3A_2837, %shift_right_logical3A_2840 : vector<256x128xi32>
        %xor3A_2842 = arith.xori %add3A_2834, %or3A_2841 : vector<256x128xi32>
        %add3A_2843 = arith.addi %add3A_2834, %xor3A_2842 : vector<256x128xi32>
        %shift_left3A_2844 = arith.constant 15 : i32
        %shift_left3A_2845 = vector.broadcast %shift_left3A_2844 : i32 to vector<256x128xi32>
        %shift_left3A_2846 = arith.shli %xor3A_2842, %shift_left3A_2845 : vector<256x128xi32>
        %shift_right_logical3A_2847 = arith.constant 17 : i32
        %shift_right_logical3A_2848 = vector.broadcast %shift_right_logical3A_2847 : i32 to vector<256x128xi32>
        %shift_right_logical3A_2849 = arith.shrui %xor3A_2842, %shift_right_logical3A_2848 : vector<256x128xi32>
        %or3A_2850 = arith.ori %shift_left3A_2846, %shift_right_logical3A_2849 : vector<256x128xi32>
        %xor3A_2851 = arith.xori %add3A_2843, %or3A_2850 : vector<256x128xi32>
        %add3A_2852 = arith.addi %add3A_2843, %xor3A_2851 : vector<256x128xi32>
        %shift_left3A_2853 = arith.constant 26 : i32
        %shift_left3A_2854 = vector.broadcast %shift_left3A_2853 : i32 to vector<256x128xi32>
        %shift_left3A_2855 = arith.shli %xor3A_2851, %shift_left3A_2854 : vector<256x128xi32>
        %shift_right_logical3A_2856 = arith.constant 6 : i32
        %shift_right_logical3A_2857 = vector.broadcast %shift_right_logical3A_2856 : i32 to vector<256x128xi32>
        %shift_right_logical3A_2858 = arith.shrui %xor3A_2851, %shift_right_logical3A_2857 : vector<256x128xi32>
        %or3A_2859 = arith.ori %shift_left3A_2855, %shift_right_logical3A_2858 : vector<256x128xi32>
        %xor3A_2860 = arith.xori %add3A_2852, %or3A_2859 : vector<256x128xi32>
        %add3A_2861 = arith.addi %add3A_2852, %xor3A_2860 : vector<256x128xi32>
        %shift_left3A_2862 = arith.constant 6 : i32
        %shift_left3A_2863 = vector.broadcast %shift_left3A_2862 : i32 to vector<256x128xi32>
        %shift_left3A_2864 = arith.shli %xor3A_2860, %shift_left3A_2863 : vector<256x128xi32>
        %shift_right_logical3A_2865 = arith.constant 26 : i32
        %shift_right_logical3A_2866 = vector.broadcast %shift_right_logical3A_2865 : i32 to vector<256x128xi32>
        %shift_right_logical3A_2867 = arith.shrui %xor3A_2860, %shift_right_logical3A_2866 : vector<256x128xi32>
        %or3A_2868 = arith.ori %shift_left3A_2864, %shift_right_logical3A_2867 : vector<256x128xi32>
        %xor3A_2869 = arith.xori %add3A_2861, %or3A_2868 : vector<256x128xi32>
        %add3A_2870 = arith.addi %add3A_2861, %xor3A_2667 : vector<256x128xi32>
        %add3A_2871 = arith.addi %xor3A_2869, %get3A_1893 : vector<256x128xi32>
        %add3A_2872 = arith.constant 5 : i32
        %add3A_2873 = vector.broadcast %add3A_2872 : i32 to vector<256x128xi32>
        %add3A_2874 = arith.addi %add3A_2871, %add3A_2873 : vector<256x128xi32>
        %mul3A_2875 = arith.mulf %mul3A_2658, %div3A_21 : vector<256x128xf32>
        %add3A_2876 = arith.constant 1.000000e+00 : f32
        %add3A_2877 = vector.broadcast %add3A_2876 : f32 to vector<256x128xf32>
        %add3A_2878 = arith.addf %add3A_2877, %mul3A_2875 : vector<256x128xf32>
        %select_n3A_2879 = arith.select %ne3A_1902, %add3A_2870, %get3A_1893 : vector<256x128xi1>, vector<256x128xi32>
        %swap3A_2880 = arith.constant 0 : index
        %swap3A_2881 = arith.constant 0 : index
        %swap3A_2882 = vector.load %arg14[%swap3A_2880, %swap3A_2881] : memref<256x128xi32, #tpu.memory_space<vmem>>, vector<256x128xi32>
        tpu.vector_store %arg14[%swap3A_2880, %swap3A_2881], %select_n3A_2879 {strides = array<i32>} : memref<256x128xi32, #tpu.memory_space<vmem>>, vector<256x128xi32>,
        %select_n3A_2883 = arith.select %ne3A_1902, %add3A_2874, %get3A_1896 : vector<256x128xi1>, vector<256x128xi32>
        %swap3A_2884 = arith.constant 0 : index
        %swap3A_2885 = arith.constant 0 : index
        %swap3A_2886 = vector.load %arg15[%swap3A_2884, %swap3A_2885] : memref<256x128xi32, #tpu.memory_space<vmem>>, vector<256x128xi32>
        tpu.vector_store %arg15[%swap3A_2884, %swap3A_2885], %select_n3A_2883 {strides = array<i32>} : memref<256x128xi32, #tpu.memory_space<vmem>>, vector<256x128xi32>,
        %get3A_2887 = arith.constant 0 : index
        %get3A_2888 = arith.constant 0 : index
        %get3A_2889 = vector.load %arg16[%get3A_2887, %get3A_2888] : memref<256x128xf32, #tpu.memory_space<vmem>>, vector<256x128xf32>
        %select_n3A_2890 = arith.select %ne3A_1902, %mul3A_2658, %get3A_2889 : vector<256x128xi1>, vector<256x128xf32>
        %swap3A_2891 = arith.constant 0 : index
        %swap3A_2892 = arith.constant 0 : index
        %swap3A_2893 = vector.load %arg16[%swap3A_2891, %swap3A_2892] : memref<256x128xf32, #tpu.memory_space<vmem>>, vector<256x128xf32>
        tpu.vector_store %arg16[%swap3A_2891, %swap3A_2892], %select_n3A_2890 {strides = array<i32>} : memref<256x128xf32, #tpu.memory_space<vmem>>, vector<256x128xf32>,
        %get3A_2894 = arith.constant 0 : index
        %get3A_2895 = arith.constant 0 : index
        %get3A_2896 = vector.load %arg17[%get3A_2894, %get3A_2895] : memref<256x128xf32, #tpu.memory_space<vmem>>, vector<256x128xf32>
        %select_n3A_2897 = arith.select %ne3A_1902, %add3A_2878, %get3A_2896 : vector<256x128xi1>, vector<256x128xf32>
        %swap3A_2898 = arith.constant 0 : index
        %swap3A_2899 = arith.constant 0 : index
        %swap3A_2900 = vector.load %arg17[%swap3A_2898, %swap3A_2899] : memref<256x128xf32, #tpu.memory_space<vmem>>, vector<256x128xf32>
        tpu.vector_store %arg17[%swap3A_2898, %swap3A_2899], %select_n3A_2897 {strides = array<i32>} : memref<256x128xf32, #tpu.memory_space<vmem>>, vector<256x128xf32>,
        %le3A_2901 = arith.constant 0.000000e+00 : f32
        %le3A_2902 = vector.broadcast %le3A_2901 : f32 to vector<256x128xf32>
        %le3A_2903 = arith.cmpf ole, %add3A_2878, %le3A_2902 : vector<256x128xf32>
        %and3A_2904 = arith.andi %ne3A_1902, %le3A_2903 : vector<256x128xi1>
        %convert_element_type3A_2905 = arith.extui %and3A_2904 : vector<256x128xi1> to vector<256x128xi32>
        %swap3A_2906 = arith.constant 0 : index
        %swap3A_2907 = arith.constant 0 : index
        %swap3A_2908 = vector.load %arg18[%swap3A_2906, %swap3A_2907] : memref<256x128xi32, #tpu.memory_space<vmem>>, vector<256x128xi32>
        tpu.vector_store %arg18[%swap3A_2906, %swap3A_2907], %convert_element_type3A_2905 {strides = array<i32>} : memref<256x128xi32, #tpu.memory_space<vmem>>, vector<256x128xi32>,
        %convert_element_type3A_2909 = arith.extui %and3A_2904 : vector<256x128xi1> to vector<256x128xi32>
        %reduce_sum3A_2910 = vector.shape_cast %convert_element_type3A_2909 : vector<256x128xi32> to vector<1x256x128xi32>
        %reduce_sum3A_2911 = arith.constant dense<0> : vector<1xi32>
        %reduce_sum3A_2912 = vector.multi_reduction <add>, %reduce_sum3A_2910, %reduce_sum3A_2911 [1, 2] : vector<1x256x128xi32> to vector<1xi32>
        %reduce_sum3A_2913 = vector.shape_cast %reduce_sum3A_2912 : vector<1xi32> to vector<1x1x1xi32>
        %reduce_sum3A_2914 = vector.extract %reduce_sum3A_2913[0, 0, 0] : i32 from vector<1x1x1xi32>
        scf.yield %reduce_sum3A_2914 : i32
      }
      %get3A_1834 = arith.constant 0 : index
      %get3A_1835 = arith.constant 0 : index
      %get3A_1836 = vector.load %arg16[%get3A_1834, %get3A_1835] : memref<256x128xf32, #tpu.memory_space<vmem>>, vector<256x128xf32>
      %get3A_1837 = arith.constant 0 : index
      %get3A_1838 = arith.constant 0 : index
      %get3A_1839 = vector.load %arg17[%get3A_1837, %get3A_1838] : memref<256x128xf32, #tpu.memory_space<vmem>>, vector<256x128xf32>
      %mul3A_1840 = arith.mulf %get3A_1836, %get3A_1836 : vector<256x128xf32>
      %mul3A_1841 = arith.mulf %get3A_1839, %get3A_1839 : vector<256x128xf32>
      %mul3A_1842 = arith.mulf %mul3A_1841, %get3A_1839 : vector<256x128xf32>
      %select_n3A_1843 = arith.select %ne3A_391, %add3A_603, %get3A_383 : vector<256x128xi1>, vector<256x128xi32>
      %swap3A_1844 = arith.constant 0 : index
      %swap3A_1845 = arith.constant 0 : index
      %swap3A_1846 = vector.load %arg10[%swap3A_1844, %swap3A_1845] : memref<256x128xi32, #tpu.memory_space<vmem>>, vector<256x128xi32>
      tpu.vector_store %arg10[%swap3A_1844, %swap3A_1845], %select_n3A_1843 {strides = array<i32>} : memref<256x128xi32, #tpu.memory_space<vmem>>, vector<256x128xi32>,
      %select_n3A_1847 = arith.select %ne3A_391, %add3A_607, %get3A_386 : vector<256x128xi1>, vector<256x128xi32>
      %swap3A_1848 = arith.constant 0 : index
      %swap3A_1849 = arith.constant 0 : index
      %swap3A_1850 = vector.load %arg11[%swap3A_1848, %swap3A_1849] : memref<256x128xi32, #tpu.memory_space<vmem>>, vector<256x128xi32>
      tpu.vector_store %arg11[%swap3A_1848, %swap3A_1849], %select_n3A_1847 {strides = array<i32>} : memref<256x128xi32, #tpu.memory_space<vmem>>, vector<256x128xi32>,
      %get3A_1851 = arith.constant 0 : index
      %get3A_1852 = arith.constant 0 : index
      %get3A_1853 = vector.load %arg12[%get3A_1851, %get3A_1852] : memref<256x128xf32, #tpu.memory_space<vmem>>, vector<256x128xf32>
      %select_n3A_1854 = arith.select %ne3A_391, %mul3A_1842, %get3A_1853 : vector<256x128xi1>, vector<256x128xf32>
      %swap3A_1855 = arith.constant 0 : index
      %swap3A_1856 = arith.constant 0 : index
      %swap3A_1857 = vector.load %arg12[%swap3A_1855, %swap3A_1856] : memref<256x128xf32, #tpu.memory_space<vmem>>, vector<256x128xf32>
      tpu.vector_store %arg12[%swap3A_1855, %swap3A_1856], %select_n3A_1854 {strides = array<i32>} : memref<256x128xf32, #tpu.memory_space<vmem>>, vector<256x128xf32>,
      %mul3A_1858 = arith.mulf %mul3A_1840, %mul3A_1840 : vector<256x128xf32>
      %mul3A_1859 = arith.constant 3.310000e-02 : f32
      %mul3A_1860 = vector.broadcast %mul3A_1859 : f32 to vector<256x128xf32>
      %mul3A_1861 = arith.mulf %mul3A_1860, %mul3A_1858 : vector<256x128xf32>
      %sub3A_1862 = arith.constant 1.000000e+00 : f32
      %sub3A_1863 = vector.broadcast %sub3A_1862 : f32 to vector<256x128xf32>
      %sub3A_1864 = arith.subf %sub3A_1863, %mul3A_1861 : vector<256x128xf32>
      %ge3A_1865 = arith.cmpf oge, %sub3A_1802, %sub3A_1864 : vector<256x128xf32>
      %log3A_1866 = math.log %sub3A_1802 : vector<256x128xf32>
      %mul3A_1867 = arith.constant 5.000000e-01 : f32
      %mul3A_1868 = vector.broadcast %mul3A_1867 : f32 to vector<256x128xf32>
      %mul3A_1869 = arith.mulf %mul3A_1840, %mul3A_1868 : vector<256x128xf32>
      %sub3A_1870 = arith.constant 1.000000e+00 : f32
      %sub3A_1871 = vector.broadcast %sub3A_1870 : f32 to vector<256x128xf32>
      %sub3A_1872 = arith.subf %sub3A_1871, %mul3A_1842 : vector<256x128xf32>
      %log3A_1873 = math.log %mul3A_1842 : vector<256x128xf32>
      %add3A_1874 = arith.addf %sub3A_1872, %log3A_1873 : vector<256x128xf32>
      %mul3A_1875 = arith.mulf %sub3A_19, %add3A_1874 : vector<256x128xf32>
      %add3A_1876 = arith.addf %mul3A_1869, %mul3A_1875 : vector<256x128xf32>
      %ge3A_1877 = arith.cmpf oge, %log3A_1866, %add3A_1876 : vector<256x128xf32>
      %and3A_1878 = arith.andi %ge3A_1865, %ge3A_1877 : vector<256x128xi1>
      %and3A_1879 = arith.andi %ne3A_391, %and3A_1878 : vector<256x128xi1>
      %convert_element_type3A_1880 = arith.extui %and3A_1879 : vector<256x128xi1> to vector<256x128xi32>
      %swap3A_1881 = arith.constant 0 : index
      %swap3A_1882 = arith.constant 0 : index
      %swap3A_1883 = vector.load %arg13[%swap3A_1881, %swap3A_1882] : memref<256x128xi32, #tpu.memory_space<vmem>>, vector<256x128xi32>
      tpu.vector_store %arg13[%swap3A_1881, %swap3A_1882], %convert_element_type3A_1880 {strides = array<i32>} : memref<256x128xi32, #tpu.memory_space<vmem>>, vector<256x128xi32>,
      %convert_element_type3A_1884 = arith.extui %and3A_1879 : vector<256x128xi1> to vector<256x128xi32>
      %reduce_sum3A_1885 = vector.shape_cast %convert_element_type3A_1884 : vector<256x128xi32> to vector<1x256x128xi32>
      %reduce_sum3A_1886 = arith.constant dense<0> : vector<1xi32>
      %reduce_sum3A_1887 = vector.multi_reduction <add>, %reduce_sum3A_1885, %reduce_sum3A_1886 [1, 2] : vector<1x256x128xi32> to vector<1xi32>
      %reduce_sum3A_1888 = vector.shape_cast %reduce_sum3A_1887 : vector<1xi32> to vector<1x1x1xi32>
      %reduce_sum3A_1889 = vector.extract %reduce_sum3A_1888[0, 0, 0] : i32 from vector<1x1x1xi32>
      scf.yield %reduce_sum3A_1889 : i32
    }
    %broadcast_in_dim3A_132 = arith.constant 0 : i32
    %broadcast_in_dim3A_133 = vector.broadcast %broadcast_in_dim3A_132 : i32 to vector<256x128xi32>
    %xor3A = arith.xori %get3A_10, %get3A_13 : vector<256x128xi32>
    %xor3A_134 = arith.constant 466688986 : i32
    %xor3A_135 = vector.broadcast %xor3A_134 : i32 to vector<256x128xi32>
    %xor3A_136 = arith.xori %xor3A, %xor3A_135 : vector<256x128xi32>
    %add3A_137 = arith.addi %broadcast_in_dim3A_133, %get3A_10 : vector<256x128xi32>
    %add3A_138 = arith.addi %broadcast_in_dim3A_133, %get3A_13 : vector<256x128xi32>
    %add3A_139 = arith.addi %add3A_137, %add3A_138 : vector<256x128xi32>
    %shift_left3A = arith.constant 13 : i32
    %shift_left3A_140 = vector.broadcast %shift_left3A : i32 to vector<256x128xi32>
    %shift_left3A_141 = arith.shli %add3A_138, %shift_left3A_140 : vector<256x128xi32>
    %shift_right_logical3A = arith.constant 19 : i32
    %shift_right_logical3A_142 = vector.broadcast %shift_right_logical3A : i32 to vector<256x128xi32>
    %shift_right_logical3A_143 = arith.shrui %add3A_138, %shift_right_logical3A_142 : vector<256x128xi32>
    %or3A = arith.ori %shift_left3A_141, %shift_right_logical3A_143 : vector<256x128xi32>
    %xor3A_144 = arith.xori %add3A_139, %or3A : vector<256x128xi32>
    %add3A_145 = arith.addi %add3A_139, %xor3A_144 : vector<256x128xi32>
    %shift_left3A_146 = arith.constant 15 : i32
    %shift_left3A_147 = vector.broadcast %shift_left3A_146 : i32 to vector<256x128xi32>
    %shift_left3A_148 = arith.shli %xor3A_144, %shift_left3A_147 : vector<256x128xi32>
    %shift_right_logical3A_149 = arith.constant 17 : i32
    %shift_right_logical3A_150 = vector.broadcast %shift_right_logical3A_149 : i32 to vector<256x128xi32>
    %shift_right_logical3A_151 = arith.shrui %xor3A_144, %shift_right_logical3A_150 : vector<256x128xi32>
    %or3A_152 = arith.ori %shift_left3A_148, %shift_right_logical3A_151 : vector<256x128xi32>
    %xor3A_153 = arith.xori %add3A_145, %or3A_152 : vector<256x128xi32>
    %add3A_154 = arith.addi %add3A_145, %xor3A_153 : vector<256x128xi32>
    %shift_left3A_155 = arith.constant 26 : i32
    %shift_left3A_156 = vector.broadcast %shift_left3A_155 : i32 to vector<256x128xi32>
    %shift_left3A_157 = arith.shli %xor3A_153, %shift_left3A_156 : vector<256x128xi32>
    %shift_right_logical3A_158 = arith.constant 6 : i32
    %shift_right_logical3A_159 = vector.broadcast %shift_right_logical3A_158 : i32 to vector<256x128xi32>
    %shift_right_logical3A_160 = arith.shrui %xor3A_153, %shift_right_logical3A_159 : vector<256x128xi32>
    %or3A_161 = arith.ori %shift_left3A_157, %shift_right_logical3A_160 : vector<256x128xi32>
    %xor3A_162 = arith.xori %add3A_154, %or3A_161 : vector<256x128xi32>
    %add3A_163 = arith.addi %add3A_154, %xor3A_162 : vector<256x128xi32>
    %shift_left3A_164 = arith.constant 6 : i32
    %shift_left3A_165 = vector.broadcast %shift_left3A_164 : i32 to vector<256x128xi32>
    %shift_left3A_166 = arith.shli %xor3A_162, %shift_left3A_165 : vector<256x128xi32>
    %shift_right_logical3A_167 = arith.constant 26 : i32
    %shift_right_logical3A_168 = vector.broadcast %shift_right_logical3A_167 : i32 to vector<256x128xi32>
    %shift_right_logical3A_169 = arith.shrui %xor3A_162, %shift_right_logical3A_168 : vector<256x128xi32>
    %or3A_170 = arith.ori %shift_left3A_166, %shift_right_logical3A_169 : vector<256x128xi32>
    %xor3A_171 = arith.xori %add3A_163, %or3A_170 : vector<256x128xi32>
    %add3A_172 = arith.addi %add3A_163, %get3A_13 : vector<256x128xi32>
    %add3A_173 = arith.addi %xor3A_171, %xor3A_136 : vector<256x128xi32>
    %add3A_174 = arith.constant 1 : i32
    %add3A_175 = vector.broadcast %add3A_174 : i32 to vector<256x128xi32>
    %add3A_176 = arith.addi %add3A_173, %add3A_175 : vector<256x128xi32>
    %add3A_177 = arith.addi %add3A_172, %add3A_176 : vector<256x128xi32>
    %shift_left3A_178 = arith.constant 17 : i32
    %shift_left3A_179 = vector.broadcast %shift_left3A_178 : i32 to vector<256x128xi32>
    %shift_left3A_180 = arith.shli %add3A_176, %shift_left3A_179 : vector<256x128xi32>
    %shift_right_logical3A_181 = arith.constant 15 : i32
    %shift_right_logical3A_182 = vector.broadcast %shift_right_logical3A_181 : i32 to vector<256x128xi32>
    %shift_right_logical3A_183 = arith.shrui %add3A_176, %shift_right_logical3A_182 : vector<256x128xi32>
    %or3A_184 = arith.ori %shift_left3A_180, %shift_right_logical3A_183 : vector<256x128xi32>
    %xor3A_185 = arith.xori %add3A_177, %or3A_184 : vector<256x128xi32>
    %add3A_186 = arith.addi %add3A_177, %xor3A_185 : vector<256x128xi32>
    %shift_left3A_187 = arith.constant 29 : i32
    %shift_left3A_188 = vector.broadcast %shift_left3A_187 : i32 to vector<256x128xi32>
    %shift_left3A_189 = arith.shli %xor3A_185, %shift_left3A_188 : vector<256x128xi32>
    %shift_right_logical3A_190 = arith.constant 3 : i32
    %shift_right_logical3A_191 = vector.broadcast %shift_right_logical3A_190 : i32 to vector<256x128xi32>
    %shift_right_logical3A_192 = arith.shrui %xor3A_185, %shift_right_logical3A_191 : vector<256x128xi32>
    %or3A_193 = arith.ori %shift_left3A_189, %shift_right_logical3A_192 : vector<256x128xi32>
    %xor3A_194 = arith.xori %add3A_186, %or3A_193 : vector<256x128xi32>
    %add3A_195 = arith.addi %add3A_186, %xor3A_194 : vector<256x128xi32>
    %shift_left3A_196 = arith.constant 16 : i32
    %shift_left3A_197 = vector.broadcast %shift_left3A_196 : i32 to vector<256x128xi32>
    %shift_left3A_198 = arith.shli %xor3A_194, %shift_left3A_197 : vector<256x128xi32>
    %shift_right_logical3A_199 = arith.constant 16 : i32
    %shift_right_logical3A_200 = vector.broadcast %shift_right_logical3A_199 : i32 to vector<256x128xi32>
    %shift_right_logical3A_201 = arith.shrui %xor3A_194, %shift_right_logical3A_200 : vector<256x128xi32>
    %or3A_202 = arith.ori %shift_left3A_198, %shift_right_logical3A_201 : vector<256x128xi32>
    %xor3A_203 = arith.xori %add3A_195, %or3A_202 : vector<256x128xi32>
    %add3A_204 = arith.addi %add3A_195, %xor3A_203 : vector<256x128xi32>
    %shift_left3A_205 = arith.constant 24 : i32
    %shift_left3A_206 = vector.broadcast %shift_left3A_205 : i32 to vector<256x128xi32>
    %shift_left3A_207 = arith.shli %xor3A_203, %shift_left3A_206 : vector<256x128xi32>
    %shift_right_logical3A_208 = arith.constant 8 : i32
    %shift_right_logical3A_209 = vector.broadcast %shift_right_logical3A_208 : i32 to vector<256x128xi32>
    %shift_right_logical3A_210 = arith.shrui %xor3A_203, %shift_right_logical3A_209 : vector<256x128xi32>
    %or3A_211 = arith.ori %shift_left3A_207, %shift_right_logical3A_210 : vector<256x128xi32>
    %xor3A_212 = arith.xori %add3A_204, %or3A_211 : vector<256x128xi32>
    %add3A_213 = arith.addi %add3A_204, %xor3A_136 : vector<256x128xi32>
    %add3A_214 = arith.addi %xor3A_212, %get3A_10 : vector<256x128xi32>
    %add3A_215 = arith.constant 2 : i32
    %add3A_216 = vector.broadcast %add3A_215 : i32 to vector<256x128xi32>
    %add3A_217 = arith.addi %add3A_214, %add3A_216 : vector<256x128xi32>
    %add3A_218 = arith.addi %add3A_213, %add3A_217 : vector<256x128xi32>
    %shift_left3A_219 = arith.constant 13 : i32
    %shift_left3A_220 = vector.broadcast %shift_left3A_219 : i32 to vector<256x128xi32>
    %shift_left3A_221 = arith.shli %add3A_217, %shift_left3A_220 : vector<256x128xi32>
    %shift_right_logical3A_222 = arith.constant 19 : i32
    %shift_right_logical3A_223 = vector.broadcast %shift_right_logical3A_222 : i32 to vector<256x128xi32>
    %shift_right_logical3A_224 = arith.shrui %add3A_217, %shift_right_logical3A_223 : vector<256x128xi32>
    %or3A_225 = arith.ori %shift_left3A_221, %shift_right_logical3A_224 : vector<256x128xi32>
    %xor3A_226 = arith.xori %add3A_218, %or3A_225 : vector<256x128xi32>
    %add3A_227 = arith.addi %add3A_218, %xor3A_226 : vector<256x128xi32>
    %shift_left3A_228 = arith.constant 15 : i32
    %shift_left3A_229 = vector.broadcast %shift_left3A_228 : i32 to vector<256x128xi32>
    %shift_left3A_230 = arith.shli %xor3A_226, %shift_left3A_229 : vector<256x128xi32>
    %shift_right_logical3A_231 = arith.constant 17 : i32
    %shift_right_logical3A_232 = vector.broadcast %shift_right_logical3A_231 : i32 to vector<256x128xi32>
    %shift_right_logical3A_233 = arith.shrui %xor3A_226, %shift_right_logical3A_232 : vector<256x128xi32>
    %or3A_234 = arith.ori %shift_left3A_230, %shift_right_logical3A_233 : vector<256x128xi32>
    %xor3A_235 = arith.xori %add3A_227, %or3A_234 : vector<256x128xi32>
    %add3A_236 = arith.addi %add3A_227, %xor3A_235 : vector<256x128xi32>
    %shift_left3A_237 = arith.constant 26 : i32
    %shift_left3A_238 = vector.broadcast %shift_left3A_237 : i32 to vector<256x128xi32>
    %shift_left3A_239 = arith.shli %xor3A_235, %shift_left3A_238 : vector<256x128xi32>
    %shift_right_logical3A_240 = arith.constant 6 : i32
    %shift_right_logical3A_241 = vector.broadcast %shift_right_logical3A_240 : i32 to vector<256x128xi32>
    %shift_right_logical3A_242 = arith.shrui %xor3A_235, %shift_right_logical3A_241 : vector<256x128xi32>
    %or3A_243 = arith.ori %shift_left3A_239, %shift_right_logical3A_242 : vector<256x128xi32>
    %xor3A_244 = arith.xori %add3A_236, %or3A_243 : vector<256x128xi32>
    %add3A_245 = arith.addi %add3A_236, %xor3A_244 : vector<256x128xi32>
    %shift_left3A_246 = arith.constant 6 : i32
    %shift_left3A_247 = vector.broadcast %shift_left3A_246 : i32 to vector<256x128xi32>
    %shift_left3A_248 = arith.shli %xor3A_244, %shift_left3A_247 : vector<256x128xi32>
    %shift_right_logical3A_249 = arith.constant 26 : i32
    %shift_right_logical3A_250 = vector.broadcast %shift_right_logical3A_249 : i32 to vector<256x128xi32>
    %shift_right_logical3A_251 = arith.shrui %xor3A_244, %shift_right_logical3A_250 : vector<256x128xi32>
    %or3A_252 = arith.ori %shift_left3A_248, %shift_right_logical3A_251 : vector<256x128xi32>
    %xor3A_253 = arith.xori %add3A_245, %or3A_252 : vector<256x128xi32>
    %add3A_254 = arith.addi %add3A_245, %get3A_10 : vector<256x128xi32>
    %add3A_255 = arith.addi %xor3A_253, %get3A_13 : vector<256x128xi32>
    %add3A_256 = arith.constant 3 : i32
    %add3A_257 = vector.broadcast %add3A_256 : i32 to vector<256x128xi32>
    %add3A_258 = arith.addi %add3A_255, %add3A_257 : vector<256x128xi32>
    %add3A_259 = arith.addi %add3A_254, %add3A_258 : vector<256x128xi32>
    %shift_left3A_260 = arith.constant 17 : i32
    %shift_left3A_261 = vector.broadcast %shift_left3A_260 : i32 to vector<256x128xi32>
    %shift_left3A_262 = arith.shli %add3A_258, %shift_left3A_261 : vector<256x128xi32>
    %shift_right_logical3A_263 = arith.constant 15 : i32
    %shift_right_logical3A_264 = vector.broadcast %shift_right_logical3A_263 : i32 to vector<256x128xi32>
    %shift_right_logical3A_265 = arith.shrui %add3A_258, %shift_right_logical3A_264 : vector<256x128xi32>
    %or3A_266 = arith.ori %shift_left3A_262, %shift_right_logical3A_265 : vector<256x128xi32>
    %xor3A_267 = arith.xori %add3A_259, %or3A_266 : vector<256x128xi32>
    %add3A_268 = arith.addi %add3A_259, %xor3A_267 : vector<256x128xi32>
    %shift_left3A_269 = arith.constant 29 : i32
    %shift_left3A_270 = vector.broadcast %shift_left3A_269 : i32 to vector<256x128xi32>
    %shift_left3A_271 = arith.shli %xor3A_267, %shift_left3A_270 : vector<256x128xi32>
    %shift_right_logical3A_272 = arith.constant 3 : i32
    %shift_right_logical3A_273 = vector.broadcast %shift_right_logical3A_272 : i32 to vector<256x128xi32>
    %shift_right_logical3A_274 = arith.shrui %xor3A_267, %shift_right_logical3A_273 : vector<256x128xi32>
    %or3A_275 = arith.ori %shift_left3A_271, %shift_right_logical3A_274 : vector<256x128xi32>
    %xor3A_276 = arith.xori %add3A_268, %or3A_275 : vector<256x128xi32>
    %add3A_277 = arith.addi %add3A_268, %xor3A_276 : vector<256x128xi32>
    %shift_left3A_278 = arith.constant 16 : i32
    %shift_left3A_279 = vector.broadcast %shift_left3A_278 : i32 to vector<256x128xi32>
    %shift_left3A_280 = arith.shli %xor3A_276, %shift_left3A_279 : vector<256x128xi32>
    %shift_right_logical3A_281 = arith.constant 16 : i32
    %shift_right_logical3A_282 = vector.broadcast %shift_right_logical3A_281 : i32 to vector<256x128xi32>
    %shift_right_logical3A_283 = arith.shrui %xor3A_276, %shift_right_logical3A_282 : vector<256x128xi32>
    %or3A_284 = arith.ori %shift_left3A_280, %shift_right_logical3A_283 : vector<256x128xi32>
    %xor3A_285 = arith.xori %add3A_277, %or3A_284 : vector<256x128xi32>
    %add3A_286 = arith.addi %add3A_277, %xor3A_285 : vector<256x128xi32>
    %shift_left3A_287 = arith.constant 24 : i32
    %shift_left3A_288 = vector.broadcast %shift_left3A_287 : i32 to vector<256x128xi32>
    %shift_left3A_289 = arith.shli %xor3A_285, %shift_left3A_288 : vector<256x128xi32>
    %shift_right_logical3A_290 = arith.constant 8 : i32
    %shift_right_logical3A_291 = vector.broadcast %shift_right_logical3A_290 : i32 to vector<256x128xi32>
    %shift_right_logical3A_292 = arith.shrui %xor3A_285, %shift_right_logical3A_291 : vector<256x128xi32>
    %or3A_293 = arith.ori %shift_left3A_289, %shift_right_logical3A_292 : vector<256x128xi32>
    %xor3A_294 = arith.xori %add3A_286, %or3A_293 : vector<256x128xi32>
    %add3A_295 = arith.addi %add3A_286, %get3A_13 : vector<256x128xi32>
    %add3A_296 = arith.addi %xor3A_294, %xor3A_136 : vector<256x128xi32>
    %add3A_297 = arith.constant 4 : i32
    %add3A_298 = vector.broadcast %add3A_297 : i32 to vector<256x128xi32>
    %add3A_299 = arith.addi %add3A_296, %add3A_298 : vector<256x128xi32>
    %add3A_300 = arith.addi %add3A_295, %add3A_299 : vector<256x128xi32>
    %shift_left3A_301 = arith.constant 13 : i32
    %shift_left3A_302 = vector.broadcast %shift_left3A_301 : i32 to vector<256x128xi32>
    %shift_left3A_303 = arith.shli %add3A_299, %shift_left3A_302 : vector<256x128xi32>
    %shift_right_logical3A_304 = arith.constant 19 : i32
    %shift_right_logical3A_305 = vector.broadcast %shift_right_logical3A_304 : i32 to vector<256x128xi32>
    %shift_right_logical3A_306 = arith.shrui %add3A_299, %shift_right_logical3A_305 : vector<256x128xi32>
    %or3A_307 = arith.ori %shift_left3A_303, %shift_right_logical3A_306 : vector<256x128xi32>
    %xor3A_308 = arith.xori %add3A_300, %or3A_307 : vector<256x128xi32>
    %add3A_309 = arith.addi %add3A_300, %xor3A_308 : vector<256x128xi32>
    %shift_left3A_310 = arith.constant 15 : i32
    %shift_left3A_311 = vector.broadcast %shift_left3A_310 : i32 to vector<256x128xi32>
    %shift_left3A_312 = arith.shli %xor3A_308, %shift_left3A_311 : vector<256x128xi32>
    %shift_right_logical3A_313 = arith.constant 17 : i32
    %shift_right_logical3A_314 = vector.broadcast %shift_right_logical3A_313 : i32 to vector<256x128xi32>
    %shift_right_logical3A_315 = arith.shrui %xor3A_308, %shift_right_logical3A_314 : vector<256x128xi32>
    %or3A_316 = arith.ori %shift_left3A_312, %shift_right_logical3A_315 : vector<256x128xi32>
    %xor3A_317 = arith.xori %add3A_309, %or3A_316 : vector<256x128xi32>
    %add3A_318 = arith.addi %add3A_309, %xor3A_317 : vector<256x128xi32>
    %shift_left3A_319 = arith.constant 26 : i32
    %shift_left3A_320 = vector.broadcast %shift_left3A_319 : i32 to vector<256x128xi32>
    %shift_left3A_321 = arith.shli %xor3A_317, %shift_left3A_320 : vector<256x128xi32>
    %shift_right_logical3A_322 = arith.constant 6 : i32
    %shift_right_logical3A_323 = vector.broadcast %shift_right_logical3A_322 : i32 to vector<256x128xi32>
    %shift_right_logical3A_324 = arith.shrui %xor3A_317, %shift_right_logical3A_323 : vector<256x128xi32>
    %or3A_325 = arith.ori %shift_left3A_321, %shift_right_logical3A_324 : vector<256x128xi32>
    %xor3A_326 = arith.xori %add3A_318, %or3A_325 : vector<256x128xi32>
    %add3A_327 = arith.addi %add3A_318, %xor3A_326 : vector<256x128xi32>
    %shift_left3A_328 = arith.constant 6 : i32
    %shift_left3A_329 = vector.broadcast %shift_left3A_328 : i32 to vector<256x128xi32>
    %shift_left3A_330 = arith.shli %xor3A_326, %shift_left3A_329 : vector<256x128xi32>
    %shift_right_logical3A_331 = arith.constant 26 : i32
    %shift_right_logical3A_332 = vector.broadcast %shift_right_logical3A_331 : i32 to vector<256x128xi32>
    %shift_right_logical3A_333 = arith.shrui %xor3A_326, %shift_right_logical3A_332 : vector<256x128xi32>
    %or3A_334 = arith.ori %shift_left3A_330, %shift_right_logical3A_333 : vector<256x128xi32>
    %xor3A_335 = arith.xori %add3A_327, %or3A_334 : vector<256x128xi32>
    %add3A_336 = arith.addi %add3A_327, %xor3A_136 : vector<256x128xi32>
    %add3A_337 = arith.addi %xor3A_335, %get3A_10 : vector<256x128xi32>
    %add3A_338 = arith.constant 5 : i32
    %add3A_339 = vector.broadcast %add3A_338 : i32 to vector<256x128xi32>
    %add3A_340 = arith.addi %add3A_337, %add3A_339 : vector<256x128xi32>
    %xor3A_341 = arith.xori %add3A_336, %add3A_340 : vector<256x128xi32>
    %shift_right_logical3A_342 = arith.constant 9 : i32
    %shift_right_logical3A_343 = vector.broadcast %shift_right_logical3A_342 : i32 to vector<256x128xi32>
    %shift_right_logical3A_344 = arith.shrui %xor3A_341, %shift_right_logical3A_343 : vector<256x128xi32>
    %or3A_345 = arith.constant 1065353216 : i32
    %or3A_346 = vector.broadcast %or3A_345 : i32 to vector<256x128xi32>
    %or3A_347 = arith.ori %shift_right_logical3A_344, %or3A_346 : vector<256x128xi32>
    %bitcast_convert_type3A = tpu.bitcast %or3A_347 : vector<256x128xi32> -> vector<256x128xf32>
    %sub3A_348 = arith.constant 1.000000e+00 : f32
    %sub3A_349 = vector.broadcast %sub3A_348 : f32 to vector<256x128xf32>
    %sub3A_350 = arith.subf %bitcast_convert_type3A, %sub3A_349 : vector<256x128xf32>
    %neg3A = arith.constant 0.000000e+00 : f32
    %neg3A_351 = vector.broadcast %neg3A : f32 to vector<256x128xf32>
    %neg3A_352 = arith.subf %neg3A_351, %sub3A_350 : vector<256x128xf32>
    %log1p3A = math.log1p %neg3A_352 : vector<256x128xf32>
    %eq3A = arith.constant 0.000000e+00 : f32
    %eq3A_353 = vector.broadcast %eq3A : f32 to vector<256x128xf32>
    %eq3A_354 = arith.cmpf oeq, %log1p3A, %eq3A_353 : vector<256x128xf32>
    %or3A_355 = arith.ori %ge3A_15, %eq3A_354 : vector<256x128xi1>
    %div3A_356 = arith.constant 1.000000e+00 : f32
    %div3A_357 = vector.broadcast %div3A_356 : f32 to vector<256x128xf32>
    %div3A_358 = arith.divf %div3A_357, %min3A_7 : vector<256x128xf32>
    %mul3A_359 = arith.mulf %log1p3A, %div3A_358 : vector<256x128xf32>
    %jit3A_360 = arith.constant 0.000000e+00 : f32
    %broadcast_in_dim3A_361 = vector.broadcast %jit3A_360 : f32 to vector<256x128xf32>
    %select_n3A_362 = arith.select %or3A_355, %broadcast_in_dim3A_361, %mul3A_359 : vector<256x128xi1>, vector<256x128xf32>
    %log3A_363 = math.log %sub3A_19 : vector<256x128xf32>
    %get3A_364 = arith.constant 0 : index
    %get3A_365 = arith.constant 0 : index
    %get3A_366 = vector.load %arg12[%get3A_364, %get3A_365] : memref<256x128xf32, #tpu.memory_space<vmem>>, vector<256x128xf32>
    %log3A_367 = math.log %get3A_366 : vector<256x128xf32>
    %add3A_368 = arith.addf %log3A_363, %log3A_367 : vector<256x128xf32>
    %add3A_369 = arith.addf %add3A_368, %select_n3A_362 : vector<256x128xf32>
    %slice3A = vector.extract_strided_slice %add3A_369 {offsets = [0, 0], sizes = [128, 128], strides = [1, 1]} : vector<256x128xf32> to vector<128x128xf32>
    %slice3A_370 = vector.extract_strided_slice %add3A_369 {offsets = [128, 0], sizes = [128, 128], strides = [1, 1]} : vector<256x128xf32> to vector<128x128xf32>
    %max3A_371 = arith.maximumf %slice3A, %slice3A_370 : vector<128x128xf32>
    %sub3A_372 = arith.subf %slice3A, %max3A_371 : vector<128x128xf32>
    %exp3A = math.exp %sub3A_372 : vector<128x128xf32>
    %sub3A_373 = arith.subf %slice3A_370, %max3A_371 : vector<128x128xf32>
    %exp3A_374 = math.exp %sub3A_373 : vector<128x128xf32>
    %add3A_375 = arith.addf %exp3A, %exp3A_374 : vector<128x128xf32>
    %div3A_376 = arith.divf %exp3A, %add3A_375 : vector<128x128xf32>
    %swap3A_377 = arith.constant 0 : index
    %swap3A_378 = arith.constant 0 : index
    %swap3A_379 = vector.load %arg9[%swap3A_377, %swap3A_378] : memref<128x128xf32, #tpu.memory_space<vmem>>, vector<128x128xf32>
    tpu.vector_store %arg9[%swap3A_377, %swap3A_378], %div3A_376 {strides = array<i32>} : memref<128x128xf32, #tpu.memory_space<vmem>>, vector<128x128xf32>,
    return
  }
}

</mosaic_0001>

<sc_bundles>
// kernel: kernel.5.cloned.1.call-start
scs
__scs_entry_jumppad:
0x0: {  	(pc) =	sbr.rel $0x88, $3  }
0x1: {  	(tag) =	ssettag $0x0;
	lr =	simm.s32 $0x1  }
0x2: {  	[smem:$0x3F9E] =	sst lr;
	_ =	strace $0xD0000000  }
0x3: {  	_ = 	snop  }
0x4: {  	_ = 	snop  }
0x5: {  	_ = 	snop  }
0x6: {  	_ = 	snop  }
0x7: {  	_ = 	snop  }
__scs_overlays_trampoline_lowered:
0x8: {  	[smem:$0x3FAD] =	sst s0  }
0x9: {  	[smem:$0x3FAE] =	sst s1  }
0xa: {  	[smem:$0x3FAF] =	sst s2  }
0xb: {  	[smem:$0x3FB0] =	sst s3  }
0xc: {  	[smem:$0x3FB1] =	sst s4  }
0xd: {  	[smem:$0x3FB2] =	sst s5  }
0xe: {  	[smem:$0x3FB3] =	sst s6  }
0xf: {  	[smem:$0x3FB4] =	sst s7  }
0x10: {  	[smem:$0x3FB5] =	sst s8  }
0x11: {  	[smem:$0x3FB6] =	sst s9;
	s0 =	simm.s32 @!p0 $0x0  }
0x12: {  	s1 =	sld [smem:$0x3F9C];
	s0 =	simm.s32 @p0 $0x1  }
0x13: {  	[smem:$0x3FB7] =	sst s0;
	s0 =	simm.s32 @!p1 $0x0  }
0x14: {  	s2 =	sld [smem:$0x3F9B];
	s0 =	simm.s32 @p1 $0x1  }
0x15: {  	[smem:$0x3FB8] =	sst s0;
	s0 =	simm.s32 @!p2 $0x0  }
0x16: {  	s3 =	sld [smem:$0x3FDB];
	s0 =	simm.s32 @p2 $0x1  }
0x17: {  	s4 =	simm.s32 $0x1BF5;
	[smem:$0x3FBA] =	sst s0  }
0x18: {  	s0 =	sld [smem:$0x3F9D];
	_ =	swait.ge [sflag:s4], $0x0  }
0x19: {  	s7 =	sld [smem:$0x3F9E]  }
0x1a: {  	s8 =	sadd.s32 $0xFFFFE003, lr  }
0x1b: {  	s9 =	sadd.s32 $0xFFFFFEF7, lr;
	s5 =	simm.s32 $0xFFFFFFFF;
	p2 =	slt.u32 s8, $0xFFFFF086  }
0x1c: {  	p1 =	slt.u32 s9, $0xF7A;
	s5 =	simm.s32 @!p2 $0x0  }
0x1d: {  	s5 =	simm.s32 @p1 $0x1;
	p0 =	seq.s32 s7, s2  }
0x1e: {  	s7 =	smul.u32 @!p0 $0xF7A, s2;
	p2 =	seq.s32 @!p0 s5, $0x0  }
0x1f: {  	s9 =	smul.u32 $0xF7A, s1;
	s8 =	simm.s32 @!p0 $0x1BF5;
	p2 =	por !p2, p0  }
0x20: {  	[sflag:s8] =	ssyncset.s32 @!p0 $0xFFFFF086;
	s6 =	sadd.s32 @!p0 s3, s7;
	s7 =	simm.s32 @!p0 $0x108  }
0x21: {  	s3 =	sadd.s32 s3, s9;
	s6 =	sadd.s32 @!p0 $0x88, s6;
	s7 =	simm.s32 @p2 $0x1082  }
0x22: {  	[simem:s7], [sflag:s8] =	dma.local @!p0 [hbm:s6], $0xF7A  }
0x23: {  	s9 =	sor.u32 $0xD0000000, s2;
	s6 =	simm.s32 $0x108;
	_ =	swait.ge @!p0 [sflag:s8], $0x0  }
0x24: {  	s3 =	sadd.s32 $0x88, s3;
	s6 =	simm.s32 @!p1 $0x1082;
	[sflag:s4] =	ssyncset.s32 $0xFFFFF086  }
0x25: {  	[simem:s6], [sflag:s4] =	dma.local [hbm:s3], $0xF7A  }
0x26: {  	[smem:$0x3F9E] =	sst s1;
	(tag) =	ssettag s2;
	_ =	strace s9  }
0x27: {  	s1 =	sld [smem:$0x3FAE]  }
0x28: {  	s2 =	sld [smem:$0x3FAF]  }
0x29: {  	s4 =	sld [smem:$0x3FB1]  }
0x2a: {  	p0 =	seq.s32 s5, $0x0;
	s5 =	sld [smem:$0x3FB2]  }
0x2b: {  	s6 =	sld [smem:$0x3FB3]  }
0x2c: {  	s7 =	sld [smem:$0x3FB4]  }
0x2d: {  	s3 =	simm.s32 $0x108;
	s8 =	sld [smem:$0x3FB5]  }
0x2e: {  	s3 =	simm.s32 @!p0 $0x1082;
	s9 =	sld [smem:$0x3FB6]  }
0x2f: {  	lr =	sadd.s32 s0, s3;
	s0 =	sld [smem:$0x3FAD]  }
0x30: {  	s3 =	sld [smem:$0x3FB0]  }
0x31: {  	[smem:$0x3FB9] =	sst s10  }
0x32: {  	s10 =	sld [smem:$0x3FB7];
	_ =	sdelay $0x3  }
0x33: {  	p0 =	seq.s32 s10, $0x1;
	s10 =	sld [smem:$0x3FB9];
	_ =	sdelay $0x3  }
0x34: {  	[smem:$0x3FB9] =	sst s10  }
0x35: {  	s10 =	sld [smem:$0x3FB8];
	_ =	sdelay $0x3  }
0x36: {  	p1 =	seq.s32 s10, $0x1;
	s10 =	sld [smem:$0x3FB9];
	_ =	sdelay $0x3  }
0x37: {  	[smem:$0x3FB9] =	sst s10  }
0x38: {  	s10 =	sld [smem:$0x3FBA]  }
0x39: {  	_ = 	snop;
	(pc) =	sbr.ind lr, $3  }
0x3a: {  	_ = 	snop  }
0x3b: {  	_ = 	snop  }
0x3c: {  	p2 =	seq.s32 s10, $0x1;
	s10 =	sld [smem:$0x3FB9]  }
0x3d: {  	_ =	shalt  }
0x3e: {  	_ =	shalt  }
0x3f: {  	_ =	shalt  }
0x40: {  	_ =	shalt  }
0x41: {  	_ =	shalt  }
0x42: {  	_ =	shalt  }
0x43: {  	_ =	shalt  }
0x44: {  	_ =	shalt  }
0x45: {  	_ =	shalt  }
0x46: {  	_ =	shalt  }
0x47: {  	_ =	shalt  }
0x48: {  	_ =	shalt  }
0x49: {  	_ =	shalt  }
0x4a: {  	_ =	shalt  }
0x4b: {  	_ =	shalt  }
0x4c: {  	_ =	shalt  }
0x4d: {  	_ =	shalt  }
0x4e: {  	_ =	shalt  }
0x4f: {  	_ =	shalt  }
0x50: {  	_ =	shalt  }
0x51: {  	_ =	shalt  }
0x52: {  	_ =	shalt  }
0x53: {  	_ =	shalt  }
0x54: {  	_ =	shalt  }
0x55: {  	_ =	shalt  }
0x56: {  	_ =	shalt  }
0x57: {  	_ =	shalt  }
0x58: {  	_ =	shalt  }
0x59: {  	_ =	shalt  }
0x5a: {  	_ =	shalt  }
0x5b: {  	_ =	shalt  }
0x5c: {  	_ =	shalt  }
0x5d: {  	_ =	shalt  }
0x5e: {  	_ =	shalt  }
0x5f: {  	_ =	shalt  }
0x60: {  	_ =	shalt  }
0x61: {  	_ =	shalt  }
0x62: {  	_ =	shalt  }
0x63: {  	_ =	shalt  }
0x64: {  	_ =	shalt  }
0x65: {  	_ =	shalt  }
0x66: {  	_ =	shalt  }
0x67: {  	_ =	shalt  }
0x68: {  	_ =	shalt  }
0x69: {  	_ =	shalt  }
0x6a: {  	_ =	shalt  }
0x6b: {  	_ =	shalt  }
0x6c: {  	_ =	shalt  }
0x6d: {  	_ =	shalt  }
0x6e: {  	_ =	shalt  }
0x6f: {  	_ =	shalt  }
0x70: {  	_ =	shalt  }
0x71: {  	_ =	shalt  }
0x72: {  	_ =	shalt  }
0x73: {  	_ =	shalt  }
0x74: {  	_ =	shalt  }
0x75: {  	_ =	shalt  }
0x76: {  	_ =	shalt  }
0x77: {  	_ =	shalt  }
0x78: {  	_ =	shalt  }
0x79: {  	_ =	shalt  }
0x7a: {  	_ =	shalt  }
0x7b: {  	_ =	shalt  }
0x7c: {  	_ =	shalt  }
0x7d: {  	_ =	shalt  }
0x7e: {  	_ =	shalt  }
0x7f: {  	_ =	shalt  }
0x80: {  	_ =	shalt  }
0x81: {  	_ =	shalt  }
0x82: {  	_ =	shalt  }
0x83: {  	_ =	shalt  }
0x84: {  	_ =	shalt  }
0x85: {  	_ =	shalt  }
0x86: {  	_ =	shalt  }
0x87: {  	_ =	shalt  }
.Lfunc_end0:
.L_simem_size_0:
called_computation_lowered:
.L_overlay_start_0:
0x88: {  	s2 =	sld [smem:$0x3FD9]  }
0x89: {  	s3 =	sld [smem:$0x3FFE];
	_ =	sdelay $0x1  }
0x8a: {  	s1 =	srdreg.scid  }
0x8b: {  	s0 =	sand.u32 $0x1, s1  }
0x8c: {  	s17 =	sshll.u32 s0, $0xA;
	s2 =	sadd.s32 s3, s2  }
0x8d: {  	s2 =	sadd.s32 s2, s17  }
0x8e: {  	[smem:$0x3FC5] =	sst s2  }
0x8f: {  	_ = 	snop  }
0x90: {  	s2 =	sld [smem:$0x3FC8];
	(tm) =	ssettm $0x1  }
0x91: {  	s18 =	sld [smem:$0x3FFB];
	_ =	sdelay $0x3  }
0x92: {  	_ =	strace s18  }
0x93: {  	s3 =	sld [smem:$0x3FFC];
	_ =	sdelay $0x3  }
0x94: {  	_ =	strace s3  }
0x95: {  	s3 =	sld [smem:$0x3FFD];
	_ =	sdelay $0x3  }
0x96: {  	_ =	strace s3  }
0x97: {  	_ =	strace $0x8FFFFFFF  }
0x98: {  	s19 =	sld [smem:$0x3FDB];
	_ =	sdelay $0x1  }
0x99: {  	s4 =	simm.s32 $_scs_section_size  }
0x9a: {  	s5 =	simm.s32 $_size__tile_overlayer_lowered;
	s6 =	simm.s32 $_tile_overlayer_lowered  }
0x9b: {  	s22 =	simm.s32 $0x1BFF;
	s21 =	sshll.u32 s6, $0x1;
	s3 =	sadd.s32 s4, s19  }
0x9c: {  	s7 =	simm.s32 $0x0;
	s20 =	sshll.u32 s5, $0x1;
	s5 =	sadd.s32 s21, s3  }
0x9d: {  	[timem:s7], [sflag:s22] =	dma.local [hbm:s5], s20  }
0x9e: {  	_ =	swait.ge [sflag:s22], s20  }
0x9f: {  	s4 =	ssub.s32 $0x0, s20;
	[sflag:s22] =	ssyncset.done $0x0  }
0xa0: {  	[sflag:s22] =	ssyncadd.s32 s4;
	_ =	sdelay $0x1  }
0xa1: {  	s23 =	simm.s32 $0x1B8B  }
0xa2: {  	_ =	swait.ge [sflag:s23], $0x1  }
0xa3: {  	[sflag:s23] =	ssyncset.done $0x0  }
0xa4: {  	s25 =	simm.s32 $0x1B8E;
	s24 =	sld [smem:$0x3FFE];
	[sflag:s23] =	ssyncadd.s32 $0xFFFFFFFF  }
0xa5: {  	s26 =	simm.s32 $execute0_lowered;
	[smem:$0x3FD2] =	sst s25  }
0xa6: {  	s5 =	sshll.u32 s26, $0x1;
	_ =	strace $0x80000046;
	[dreg:$0x1] =	wrdreg $0xFFFFFFFF  }
0xa7: {  	s28 =	simm.s32 $_size_execute0_lowered;
	s3 =	sadd.s32 s3, s5;
	[dreg:$0x0] =	wrdreg $0x0  }
0xa8: {  	s5 =	sshll.u32 s28, $0x1;
	[dreg:$0x2] =	wrdreg s3  }
0xa9: {  	[dreg:$0x3] =	wrdreg s5  }
0xaa: {  	[dreg:$0x4] =	wrdreg $0xC0  }
0xab: {  	_ =	task [dreg:s7], $0x5FFFF  }
0xac: {  	[dreg:$0x1] =	wrdreg $0xFFFFFFFF  }
0xad: {  	[dreg:$0x0] =	wrdreg $0x60  }
0xae: {  	[dreg:$0x2] =	wrdreg s24  }
0xaf: {  	[dreg:$0x3] =	wrdreg s2  }
0xb0: {  	[dreg:$0x4] =	wrdreg $0x9  }
0xb1: {  	_ =	task.clear_ibuf [dreg:s7], $0x5FFFF;
	_ =	strace $0x90000046  }
0xb2: {  	s29 =	simm.s32 $0x9;
	_ =	strace $0x80000048  }
0xb3: {  	_ =	swait.ge [sflag:s29], $0x1  }
0xb4: {  	[sflag:s29] =	ssyncadd.s32 $0xFFFFFFFF  }
0xb5: {  	_ =	strace $0x90000048  }
0xb6: {  	_ =	sfence  }
0xb7: {  	s30 =	sld [smem:$0x0];
	_ =	sdelay $0x2  }
0xb8: {  	s31 =	sshll.u32 s1, $0xD;
	s1 =	sshrl.u32 s1, $0x2  }
0xb9: {  	s3 =	sand.u32 $0x4000, s31;
	s1 =	sadd.s32 s1, s30  }
0xba: {  	s0 =	sor.u32 s3, s0;
	s1 =	sshll.u32 s1, $0x11  }
0xbb: {  	s0 =	sor.u32 s1, s0  }
0xbc: {  	s0 =	sadd.s32 $0x8F2B, s0  }
0xbd: {  	[sflag:s0] =	ssyncadd.remote.s32 $0x1  }
0xbe: {  	_ =	sfence.sel $0xFFFF  }
0xbf: {  	[dreg:$0x0] =	wrdreg $0xFFFFFFFF;
	(pc) =	sbr.abs _section_cstart, $3  }
0xc0: {  	[dreg:$0x1] =	wrdreg $0xFFFFFFFF  }
0xc1: {  	_ =	task.clear_ibuf [dreg:s7], $0x2FFFF;
	_ =	strace $0x9FFFFFFF  }
0xc2: {  	(tm) =	ssettm $0x7FFFFFFF  }
0xc3: {  	_ =	shalt  }
tec
execute0_lowered:
.L_overlay_start_1:
0x0: {  	(tag) =	ssettag $0x1  }
0x1: {  	s19 =	rddreg [dreg:$0x0]  }
0x2: {  	s3 =	rddreg [dreg:$0x1];
	s2 =	srdreg.scid  }
0x3: {  	s0 =	rddreg [dreg:$0x2];
	s1 =	stileid.u32;
	s20 =	sand.u32 $0x1, s2  }
0x4: {  	s2 =	simm.s32 $0x0;
	s4 =	sshll.u32 s1, $0x7;
	s5 =	sshll.u32 s20, $0x6  }
0x5: {  	[smem:$0x7FF] =	sst s2;
	s21 =	sor.u32 s5, s4  }
0x6: {  	_ =	strace $0x80000047;
	s4 =	sadd.s32 s3, s21;
	s3 =	simm.s32 $0x2  }
0x7: {  	[tilespmem:s2], [sflag:$0x2] =	stream.linear.gather [hbm4b:s4+s2], $0x200, $0x38;
	[tilespmem:$0x600] =	vst v63  }
0x8: {  	_ =	swait.ge [sflag:s3], $0x200  }
0x9: {  	s6 =	simm.s32 $0x80;
	[sflag:s3] =	ssyncset.done $0x0  }
0xa: {  	s7 =	simm.s32 $0x200;
	s5 =	sadd.s32 $0xE00, s19;
	[sflag:s3] =	ssyncadd.s32 $0xFFFFFE00  }
0xb: {  	[tilespmem:s7], [sflag:$0x1] =	stream.indirect.gather [hbm4b:s5+s6], $0x1, s2, s6, $0xb8;
	[tilespmem:$0x600] =	vst v63  }
0xc: {  	s9 =	simm.s32 $0x400;
	s8 =	sadd.s32 $0x1F800, s19  }
0xd: {  	[tilespmem:s9], [sflag:$0x1] =	stream.indirect.gather [hbm4b:s8+s6], $0x1, s2, s6, $0xb8;
	[tilespmem:$0x600] =	vst v63  }
0xe: {  	s10 =	simm.s32 $0x280  }
0xf: {  	[tilespmem:s10], [sflag:$0x1] =	stream.indirect.gather [hbm4b:s5+s6], $0x1, s6, s6, $0xb8;
	[tilespmem:$0x600] =	vst v63  }
0x10: {  	s11 =	simm.s32 $0x480  }
0x11: {  	[tilespmem:s11], [sflag:$0x1] =	stream.indirect.gather [hbm4b:s8+s6], $0x1, s6, s6, $0xb8;
	[tilespmem:$0x600] =	vst v63  }
0x12: {  	s12 =	simm.s32 $0x100;
	s13 =	simm.s32 $0x300  }
0x13: {  	[tilespmem:s13], [sflag:$0x1] =	stream.indirect.gather [hbm4b:s5+s6], $0x1, s12, s6, $0xb8;
	[tilespmem:$0x600] =	vst v63  }
0x14: {  	s14 =	simm.s32 $0x500  }
0x15: {  	[tilespmem:s14], [sflag:$0x1] =	stream.indirect.gather [hbm4b:s8+s6], $0x1, s12, s6, $0xb8;
	[tilespmem:$0x600] =	vst v63  }
0x16: {  	s15 =	simm.s32 $0x180;
	s16 =	simm.s32 $0x380  }
0x17: {  	[tilespmem:s16], [sflag:$0x1] =	stream.indirect.gather [hbm4b:s5+s6], $0x1, s15, s6, $0xb8;
	[tilespmem:$0x600] =	vst v63  }
0x18: {  	s17 =	simm.s32 $0x580;
	s18 =	simm.s32 $0x1  }
0x19: {  	[tilespmem:s17], [sflag:$0x1] =	stream.indirect.gather [hbm4b:s8+s6], $0x1, s15, s6, $0xb8;
	[tilespmem:$0x600] =	vst v63  }
0x1a: {  	_ =	swait.ge [sflag:s18], $0x80  }
0x1b: {  	[sflag:s18] =	ssyncset.done $0x0  }
0x1c: {  	[sflag:s18] =	ssyncadd.s32 $0xFFFFFF80  }
0x1d: {  	_ =	swait.ge [sflag:s18], $0x80  }
0x1e: {  	[sflag:s18] =	ssyncset.done $0x0  }
0x1f: {  	[sflag:s18] =	ssyncadd.s32 $0xFFFFFF80  }
0x20: {  	_ =	swait.ge [sflag:s18], $0x80  }
0x21: {  	[sflag:s18] =	ssyncset.done $0x0  }
0x22: {  	[sflag:s18] =	ssyncadd.s32 $0xFFFFFF80  }
0x23: {  	_ =	swait.ge [sflag:s18], $0x80  }
0x24: {  	[sflag:s18] =	ssyncset.done $0x0  }
0x25: {  	[sflag:s18] =	ssyncadd.s32 $0xFFFFFF80  }
0x26: {  	_ =	swait.ge [sflag:s18], $0x80  }
0x27: {  	[sflag:s18] =	ssyncset.done $0x0  }
0x28: {  	[sflag:s18] =	ssyncadd.s32 $0xFFFFFF80  }
0x29: {  	_ =	swait.ge [sflag:s18], $0x80  }
0x2a: {  	[sflag:s18] =	ssyncset.done $0x0  }
0x2b: {  	[sflag:s18] =	ssyncadd.s32 $0xFFFFFF80  }
0x2c: {  	_ =	swait.ge [sflag:s18], $0x80  }
0x2d: {  	[sflag:s18] =	ssyncset.done $0x0  }
0x2e: {  	s20 =	ssub.s32 $0x2, s20;
	[sflag:s18] =	ssyncadd.s32 $0xFFFFFF80  }
0x2f: {  	s22 =	sshrl.u32 s20, $0x1;
	_ =	swait.ge [sflag:s18], $0x80  }
0x30: {  	s21 =	sadd.s32 s21, s19;
	s22 =	ssub.s32 s20, s22;
	[sflag:s18] =	ssyncset.done $0x0  }
0x31: {  	s19 =	sadd.s32 $0x3E200, s21;
	s31 =	smax.u32 s22, $0x1;
	[sflag:s18] =	ssyncadd.s32 $0xFFFFFF80  }
0x32: {  	[hbm4b:s19+s2] =	stream.linear.scatter [tilespmem:s7], [sflag:$0x2], $0x200, $0x38;
	[tilespmem:$0x600] =	vst v63  }
0x33: {  	p0 =	sne.s32 s31, $0x1;
	_ =	swait.ge [sflag:s3], $0x200  }
.Ltmp0:
0x34: {  	[sflag:s3] =	ssyncset.done $0x0;
	(pc) =	sbr.rel @!p0 .LBB2_2-.Ltmp0, $4  }
0x35: {  	s20 =	sadd.s32 $0x3EA00, s21;
	[sflag:s3] =	ssyncadd.s32 $0xFFFFFE00  }
0x36: {  	[hbm4b:s20+s2] =	stream.linear.scatter [tilespmem:s9], [sflag:$0x2], $0x200, $0x38;
	[tilespmem:$0x600] =	vst v63  }
0x37: {  	_ =	swait.ge [sflag:s3], $0x200  }
0x38: {  	s21 =	sadd.s32 $0xFFFFFFFF, s31;
	[sflag:s3] =	ssyncset.done $0x0  }
.LBB2_1:
0x39: {  	p0 =	sne.s32 s21, $0x1;
	s21 =	sadd.s32 $0xFFFFFFFF, s21;
	[sflag:s3] =	ssyncadd.s32 $0xFFFFFE00  }
0x3a: {  	[tilespmem:s2], [sflag:$0x2] =	stream.linear.gather [hbm4b:s4+s2], $0x200, $0x38;
	[tilespmem:$0x600] =	vst v63  }
0x3b: {  	_ =	swait.ge [sflag:s3], $0x200  }
0x3c: {  	[sflag:s3] =	ssyncset.done $0x0  }
0x3d: {  	[sflag:s3] =	ssyncadd.s32 $0xFFFFFE00  }
0x3e: {  	[tilespmem:s7], [sflag:$0x1] =	stream.indirect.gather [hbm4b:s5+s6], $0x1, s2, s6, $0xb8;
	[tilespmem:$0x600] =	vst v63  }
0x3f: {  	_ = 	snop  }
0x40: {  	[tilespmem:s9], [sflag:$0x1] =	stream.indirect.gather [hbm4b:s8+s6], $0x1, s2, s6, $0xb8;
	[tilespmem:$0x600] =	vst v63  }
0x41: {  	_ = 	snop  }
0x42: {  	[tilespmem:s10], [sflag:$0x1] =	stream.indirect.gather [hbm4b:s5+s6], $0x1, s6, s6, $0xb8;
	[tilespmem:$0x600] =	vst v63  }
0x43: {  	_ = 	snop  }
0x44: {  	[tilespmem:s11], [sflag:$0x1] =	stream.indirect.gather [hbm4b:s8+s6], $0x1, s6, s6, $0xb8;
	[tilespmem:$0x600] =	vst v63  }
0x45: {  	_ = 	snop  }
0x46: {  	[tilespmem:s13], [sflag:$0x1] =	stream.indirect.gather [hbm4b:s5+s6], $0x1, s12, s6, $0xb8;
	[tilespmem:$0x600] =	vst v63  }
0x47: {  	_ = 	snop  }
0x48: {  	[tilespmem:s14], [sflag:$0x1] =	stream.indirect.gather [hbm4b:s8+s6], $0x1, s12, s6, $0xb8;
	[tilespmem:$0x600] =	vst v63  }
0x49: {  	_ = 	snop  }
0x4a: {  	[tilespmem:s16], [sflag:$0x1] =	stream.indirect.gather [hbm4b:s5+s6], $0x1, s15, s6, $0xb8;
	[tilespmem:$0x600] =	vst v63  }
0x4b: {  	_ = 	snop  }
0x4c: {  	[tilespmem:s17], [sflag:$0x1] =	stream.indirect.gather [hbm4b:s8+s6], $0x1, s15, s6, $0xb8;
	[tilespmem:$0x600] =	vst v63  }
0x4d: {  	_ =	swait.ge [sflag:s18], $0x80  }
0x4e: {  	[sflag:s18] =	ssyncset.done $0x0  }
0x4f: {  	[sflag:s18] =	ssyncadd.s32 $0xFFFFFF80  }
0x50: {  	_ =	swait.ge [sflag:s18], $0x80  }
0x51: {  	[sflag:s18] =	ssyncset.done $0x0  }
0x52: {  	[sflag:s18] =	ssyncadd.s32 $0xFFFFFF80  }
0x53: {  	_ =	swait.ge [sflag:s18], $0x80  }
0x54: {  	[sflag:s18] =	ssyncset.done $0x0  }
0x55: {  	[sflag:s18] =	ssyncadd.s32 $0xFFFFFF80  }
0x56: {  	_ =	swait.ge [sflag:s18], $0x80  }
0x57: {  	[sflag:s18] =	ssyncset.done $0x0  }
0x58: {  	[sflag:s18] =	ssyncadd.s32 $0xFFFFFF80  }
0x59: {  	_ =	swait.ge [sflag:s18], $0x80  }
0x5a: {  	[sflag:s18] =	ssyncset.done $0x0  }
0x5b: {  	[sflag:s18] =	ssyncadd.s32 $0xFFFFFF80  }
0x5c: {  	_ =	swait.ge [sflag:s18], $0x80  }
0x5d: {  	[sflag:s18] =	ssyncset.done $0x0  }
0x5e: {  	[sflag:s18] =	ssyncadd.s32 $0xFFFFFF80  }
0x5f: {  	_ =	swait.ge [sflag:s18], $0x80  }
0x60: {  	[sflag:s18] =	ssyncset.done $0x0  }
0x61: {  	[sflag:s18] =	ssyncadd.s32 $0xFFFFFF80  }
0x62: {  	_ =	swait.ge [sflag:s18], $0x80  }
0x63: {  	[sflag:s18] =	ssyncset.done $0x0  }
0x64: {  	[sflag:s18] =	ssyncadd.s32 $0xFFFFFF80  }
0x65: {  	[hbm4b:s19+s2] =	stream.linear.scatter [tilespmem:s7], [sflag:$0x2], $0x200, $0x38;
	[tilespmem:$0x600] =	vst v63  }
0x66: {  	_ =	swait.ge [sflag:s3], $0x200  }
.Ltmp1:
0x67: {  	[sflag:s3] =	ssyncset.done $0x0;
	(pc) =	sbr.rel @p0 .LBB2_1-.Ltmp1, $4  }
0x68: {  	[sflag:s3] =	ssyncadd.s32 $0xFFFFFE00  }
0x69: {  	[hbm4b:s20+s2] =	stream.linear.scatter [tilespmem:s9], [sflag:$0x2], $0x200, $0x38;
	[tilespmem:$0x600] =	vst v63  }
0x6a: {  	_ =	swait.ge [sflag:s3], $0x200  }
0x6b: {  	[sflag:s3] =	ssyncset.done $0x0  }
.LBB2_2:
0x6c: {  	[sflag:s3] =	ssyncadd.s32 $0xFFFFFE00  }
0x6d: {  	_ =	sfence.sel $0x180000  }
0x6e: {  	[bflag:$0x0] =	sbarrier.arrive $0xFFFF  }
0x6f: {  	p0 =	sne.s32 s1, $0x0;
	_ =	strace $0x90000047  }
0x70: {  	s0 =	sadd.s32 @!p0 $0x100000, s0;
	[bflag:$0x2] =	sbarrier.arrive $0xFFFF  }
0x71: {  	[sflag:s0] =	ssyncadd.tile.s32 @!p0 $0x1;
	_ =	shalt  }
.Lfunc_end2:
_tile_overlayer_lowered:
.L_overlay_start_2:
0x72: {  	(tag) =	ssettag $0x2  }
0x73: {  	s0 =	rddreg [dreg:$0x0];
	s2 =	stileid.u32  }
0x74: {  	s1 =	rddreg [dreg:$0x1];
	p0 =	sne.s32 s2, $0x0  }
0x75: {  	s3 =	rddreg [dreg:$0x2];
	[bflag:$0x3] =	sbarrier.arrive $0xFFFF;
	s2 =	simm.s32 @!p0 $0x1C02  }
0x76: {  	[timem:s3], [sflag:s2] =	dma.local @!p0 [hbm:s0], s1  }
0x77: {  	s0 =	simm.s32 @!p0 $0x2  }
0x78: {  	_ =	swait.ge @!p0 [sflag:s0], s1  }
0x79: {  	s1 =	ssub.s32 @!p0 $0x0, s1;
	[sflag:s0] =	ssyncset.done @!p0 $0x0  }
0x7a: {  	[sflag:s0] =	ssyncadd.s32 @!p0 s1  }
0x7b: {  	[bflag:$0x3] =	sbarrier.arrive $0xFFFF  }
0x7c: {  	_ =	shalt  }

</sc_bundles>
